<compile_context>
chip_gen: v7x
topology: tpu7x:2x2x1
jax: 0.10.2.dev20260603
libtpu: 0.0.44.dev20260713+nightly
codegen_flags: <defaults>
</compile_context>

<pallas_src>
import functools

import jax
import jax.numpy as jnp
from jax import lax
from jax.experimental import pallas as pl
from jax.experimental.pallas import tpu as pltpu
from jax.experimental.pallas import tpu_sc as plsc

N = 10000
E = 320000
NW = 32

EB = 2560
EG = E // EB
GA = 64
GB = EG - GA
E_A = GA * EB
E_B = GB * EB



@functools.lru_cache(maxsize=None)
def _sc_gather(etot, ch):
    perw = etot // NW
    nch = perw // ch
    mesh = plsc.VectorSubcoreMesh(core_axis_name="c", subcore_axis_name="s")

    @functools.partial(
        pl.kernel, mesh=mesh,
        out_type=jax.ShapeDtypeStruct((etot, 16), jnp.float32),
        compiler_params=pltpu.CompilerParams(use_tc_tiling_on_sc=False),
        scratch_types=[
            pltpu.VMEM((ch,), jnp.int32),
            pltpu.VMEM((ch,), jnp.int32),
            pltpu.VMEM((ch, 16), jnp.float32),
            pltpu.SemaphoreType.DMA,
        ],
    )
    def gather_k(table_hbm, idx_hbm, opos_hbm, out_hbm, idx_v, pos_v, rows_v,
                 sem):
        wid = lax.axis_index("s") * 2 + lax.axis_index("c")
        base = wid * perw

        def body(ci, carry):
            off = base + ci * ch
            pltpu.sync_copy(idx_hbm.at[pl.ds(off, ch)], idx_v)
            pltpu.sync_copy(opos_hbm.at[pl.ds(off, ch)], pos_v)
            pltpu.async_copy(table_hbm.at[idx_v], rows_v, sem).wait()
            pltpu.async_copy(rows_v, out_hbm.at[pos_v], sem).wait()
            return carry

        lax.fori_loop(0, nch, body, 0)

    return gather_k


@functools.lru_cache(maxsize=None)
def _sc_scatter_add(etot, ch):
    perw = etot // NW
    nch = perw // ch
    mesh = plsc.VectorSubcoreMesh(core_axis_name="c", subcore_axis_name="s")

    @functools.partial(
        pl.kernel, mesh=mesh,
        out_type=jax.ShapeDtypeStruct((2, N, 16), jnp.float32),
        compiler_params=pltpu.CompilerParams(use_tc_tiling_on_sc=False),
        scratch_types=[
            pltpu.VMEM((ch,), jnp.int32),
            pltpu.VMEM((ch,), jnp.int32),
            pltpu.VMEM((ch, 16), jnp.float32),
            pltpu.VMEM_SHARED((N, 16), jnp.float32),
            pltpu.SemaphoreType.DMA,
        ],
    )
    def scatter_k(vals_hbm, idx_hbm, vpos_hbm, zeros_hbm, out_hbm, idx_v,
                  pos_v, val_v, acc_sh, sem):
        cid = lax.axis_index("c")
        sid = lax.axis_index("s")

        @pl.when(sid == 0)
        def _init():
            pltpu.sync_copy(zeros_hbm, acc_sh)

        plsc.subcore_barrier()

        base = (sid * 2 + cid) * perw

        def body(ci, carry):
            off = base + ci * ch
            pltpu.sync_copy(idx_hbm.at[pl.ds(off, ch)], idx_v)
            pltpu.sync_copy(vpos_hbm.at[pl.ds(off, ch)], pos_v)
            pltpu.async_copy(vals_hbm.at[pos_v], val_v, sem).wait()
            pltpu.sync_copy(val_v, acc_sh.at[idx_v], add=True)
            return carry

        lax.fori_loop(0, nch, body, 0)
        plsc.subcore_barrier()

        rows = N // 16
        pltpu.sync_copy(acc_sh.at[pl.ds(sid * rows, rows)],
                        out_hbm.at[cid, pl.ds(sid * rows, rows)])

    return scatter_k


def _gather_a(*args):
    return _sc_gather(E_A, 1280)(*args)


def _gather_b(*args):
    return _sc_gather(E_B, 976)(*args)


def _scatter_a(*args):
    return _sc_scatter_add(E_A, 1280)(*args)


def _scatter_b(*args):
    return _sc_scatter_add(E_B, 976)(*args)



def _unpack(p):
    return jnp.concatenate([p[:, 16 * j:16 * (j + 1)] for j in range(8)],
                           axis=0)


def _pack(x):
    q = EB // 8
    return jnp.concatenate([x[q * j:q * (j + 1), :] for j in range(8)],
                           axis=1)


def _edges_math(ea, xj, w1_ref, b1_ref, w2_ref, b2_ref, t_ref, r_ref):
    h = jnp.dot(ea, w1_ref[...], preferred_element_type=jnp.float32)
    h = jnp.maximum(h + b1_ref[...], 0.0)
    wm = jnp.dot(h, w2_ref[...], preferred_element_type=jnp.float32)
    wm = wm + b2_ref[...]
    xt = jnp.dot(xj, t_ref[...], preferred_element_type=jnp.float32)
    return jnp.dot(xt * wm, r_ref[...], preferred_element_type=jnp.float32)


def _edges1_body(ea_ref, xj_ref, w1_ref, b1_ref, w2_ref, b2_ref, t_ref,
                 r_ref, out_ref, eap_ref):
    ea = ea_ref[...].reshape(EB, 16)
    xj = _unpack(xj_ref[...])
    msg = _edges_math(ea, xj, w1_ref, b1_ref, w2_ref, b2_ref, t_ref, r_ref)
    out_ref[...] = _pack(msg)
    eap_ref[...] = _pack(ea)


def _edges2_body(ea_ref, xj_ref, w1_ref, b1_ref, w2_ref, b2_ref, t_ref,
                 r_ref, out_ref):
    ea = _unpack(ea_ref[...])
    xj = _unpack(xj_ref[...])
    msg = _edges_math(ea, xj, w1_ref, b1_ref, w2_ref, b2_ref, t_ref, r_ref)
    out_ref[...] = _pack(msg)


def _weight_specs(h1, o1):
    return [
        pl.BlockSpec((16, h1), lambda i: (0, 0)),
        pl.BlockSpec((1, h1), lambda i: (0, 0)),
        pl.BlockSpec((h1, o1), lambda i: (0, 0)),
        pl.BlockSpec((1, o1), lambda i: (0, 0)),
        pl.BlockSpec((16, o1), lambda i: (0, 0)),
        pl.BlockSpec((o1, 16), lambda i: (0, 0)),
    ]


def _tc_edges1(ea_full, xj_p, w1, b1, w2, b2, t, r, blk0, ng):
    eh = ng * EB
    return pl.pallas_call(
        _edges1_body,
        grid=(ng,),
        in_specs=[
            pl.BlockSpec((EB // 8, 8, 16), lambda i: (i + blk0, 0, 0)),
            pl.BlockSpec((EB // 8, 128), lambda i: (i, 0)),
        ] + _weight_specs(w1.shape[1], w2.shape[1]),
        out_specs=[pl.BlockSpec((EB // 8, 128), lambda i: (i, 0)),
                   pl.BlockSpec((EB // 8, 128), lambda i: (i, 0))],
        out_shape=[jax.ShapeDtypeStruct((eh // 8, 128), jnp.float32),
                   jax.ShapeDtypeStruct((eh // 8, 128), jnp.float32)],
    )(ea_full, xj_p, w1, b1, w2, b2, t, r)


def _tc_edges2(ea_p, xj_p, w1, b1, w2, b2, t, r, ng):
    eh = ng * EB
    return pl.pallas_call(
        _edges2_body,
        grid=(ng,),
        in_specs=[
            pl.BlockSpec((EB // 8, 128), lambda i: (i, 0)),
            pl.BlockSpec((EB // 8, 128), lambda i: (i, 0)),
        ] + _weight_specs(w1.shape[1], w2.shape[1]),
        out_specs=pl.BlockSpec((EB // 8, 128), lambda i: (i, 0)),
        out_shape=jax.ShapeDtypeStruct((eh // 8, 128), jnp.float32),
    )(ea_p, xj_p, w1, b1, w2, b2, t, r)


def _comb1_body(pa_ref, pb_ref, x_ref, root_ref, bias_ref, out_ref):
    agg = pa_ref[0] + pa_ref[1] + pb_ref[0] + pb_ref[1]
    rt = jnp.dot(x_ref[...], root_ref[...], preferred_element_type=jnp.float32)
    out_ref[...] = jnp.maximum(agg + rt + bias_ref[...], 0.0)


def _tc_combine1(pa, pb, x, root, bias):
    return pl.pallas_call(
        _comb1_body,
        out_shape=jax.ShapeDtypeStruct((N, 16), jnp.float32),
    )(pa, pb, x, root, bias)


def _comb2_body(pa_ref, pb_ref, x_ref, root_ref, bias_ref, out_ref):
    agg = pa_ref[0] + pa_ref[1] + pb_ref[0] + pb_ref[1]
    rt = jnp.dot(x_ref[...], root_ref[...], preferred_element_type=jnp.float32)
    y = agg[:, :8] + rt + bias_ref[...]
    m = jnp.max(y, axis=1, keepdims=True)
    lse = jnp.log(jnp.sum(jnp.exp(y - m), axis=1, keepdims=True)) + m
    out_ref[...] = y - lse


def _tc_combine2(pa, pb, x, root, bias):
    return pl.pallas_call(
        _comb2_body,
        out_shape=jax.ShapeDtypeStruct((N, 8), jnp.float32),
    )(pa, pb, x, root, bias)


def _qperm(nblk):
    q = jnp.arange(nblk * EB, dtype=jnp.int32).reshape(nblk, EB // 8, 8)
    return q.transpose(0, 2, 1).reshape(nblk * EB)



def kernel(x_in, edge_index, edge_atts, w11, b11, w12, b12, root1, bias1,
           w21, b21, w22, b22, root2, bias2):
    src = edge_index[0]
    dst = edge_index[1]
    src_a, src_b = src[:E_A], src[E_A:]
    dst_a, dst_b = dst[:E_A], dst[E_A:]
    qa = _qperm(GA)
    qb = _qperm(GB)

    f32 = jnp.float32
    eye16 = jnp.eye(16, dtype=f32)
    t1 = jnp.repeat(eye16, 16, axis=1)
    r1 = jnp.tile(eye16, (16, 1))
    t2 = jnp.repeat(eye16, 8, axis=1)
    r2 = jnp.pad(jnp.tile(jnp.eye(8, dtype=f32), (16, 1)), ((0, 0), (0, 8)))

    zeros = jnp.zeros((N, 16), f32)
    ea_p = edge_atts.reshape(E // 8, 8, 16)
    b11r, b12r = b11[None, :], b12[None, :]
    b21r, b22r = b21[None, :], b22[None, :]

    xj1a = _gather_a(x_in, src_a, qa)
    xj1b = _gather_b(x_in, src_b, qb)
    msg1a, ear_a = _tc_edges1(ea_p, xj1a.reshape(E_A // 8, 128), w11, b11r,
                              w12, b12r, t1, r1, 0, GA)
    p1a = _scatter_a(msg1a.reshape(E_A, 16), dst_a, qa, zeros)
    msg1b, ear_b = _tc_edges1(ea_p, xj1b.reshape(E_B // 8, 128), w11, b11r,
                              w12, b12r, t1, r1, GA, GB)
    p1b = _scatter_b(msg1b.reshape(E_B, 16), dst_b, qb, zeros)
    x1 = _tc_combine1(p1a, p1b, x_in, root1, bias1[None, :])

    xj2a = _gather_a(x1, src_a, qa)
    xj2b = _gather_b(x1, src_b, qb)
    msg2a = _tc_edges2(ear_a, xj2a.reshape(E_A // 8, 128), w21, b21r,
                       w22, b22r, t2, r2, GA)
    p2a = _scatter_a(msg2a.reshape(E_A, 16), dst_a, qa, zeros)
    msg2b = _tc_edges2(ear_b, xj2b.reshape(E_B // 8, 128), w21, b21r,
                       w22, b22r, t2, r2, GB)
    p2b = _scatter_b(msg2b.reshape(E_B, 16), dst_b, qb, zeros)
    return _tc_combine2(p2a, p2b, x1, root2, bias2[None, :])

# --- scband reference (transcript-rebuilt; emitter-appended) ---
"""Pipeline reference for scband-simple-mpgnn-49349174231248 (READ-ONLY COPY).

The authoritative reference and input builder live on the scoring server;
editing this copy changes nothing except your own understanding.
"""

import jax, jax.numpy as jnp
import numpy as np

N = 10000
E = 320000
F = 16   # n_node_features
DE = 16  # n_edge_features
C = 8    # n_out_classes
H1 = 136 # (16 + 16*16)//2
O1 = 256 # 16*16
H2 = 72  # (16 + 16*8)//2
O2 = 128 # 16*8


def setup_inputs(seed: int = 0) -> dict:
    key = jax.random.key(seed)
    ks = jax.random.split(key, 16)
    x_in = jax.random.normal(ks[0], (N, F), dtype=jnp.float32)
    edge_index = jax.random.randint(ks[1], (2, E), 0, N, dtype=jnp.int32)
    edge_atts = jax.random.normal(ks[2], (E, DE), dtype=jnp.float32)
    def lin(k, fan_in, fan_out):
        return jax.random.normal(k, (fan_in, fan_out), dtype=jnp.float32) / np.sqrt(fan_in)
    return {
        'x_in': x_in,
        'edge_index': edge_index,
        'edge_atts': edge_atts,
        'w11': lin(ks[3], DE, H1), 'b11': jnp.zeros((H1,), jnp.float32),
        'w12': lin(ks[4], H1, O1), 'b12': jnp.zeros((O1,), jnp.float32),
        'root1': lin(ks[5], F, 16), 'bias1': jnp.zeros((16,), jnp.float32),
        'w21': lin(ks[6], DE, H2), 'b21': jnp.zeros((H2,), jnp.float32),
        'w22': lin(ks[7], H2, O2), 'b22': jnp.zeros((O2,), jnp.float32),
        'root2': lin(ks[8], 16, C), 'bias2': jnp.zeros((C,), jnp.float32),
    }


def _nnconv(x, edge_atts, src, dst, w_a, b_a, w_b, b_b, root, bias, in_ch, out_ch):
    # edge MLP -> per-edge weight matrices [E, in_ch, out_ch]
    h = jnp.maximum(edge_atts @ w_a + b_a, 0.0)
    Wm = (h @ w_b + b_b).reshape(-1, in_ch, out_ch)
    # gather source node features, per-edge matvec (message)
    xj = jnp.take(x, src, axis=0)
    msg = jnp.einsum('ei,eio->eo', xj, Wm)
    # scatter-add aggregate at destination nodes
    agg = jax.ops.segment_sum(msg, dst, num_segments=N)
    # root weight + bias (as in PyG NNConv)
    return agg + x @ root + bias


def reference(x_in, edge_index, edge_atts, w11, b11, w12, b12, root1, bias1,
              w21, b21, w22, b22, root2, bias2):
    src = edge_index[0]
    dst = edge_index[1]
    x1 = _nnconv(x_in, edge_atts, src, dst, w11, b11, w12, b12, root1, bias1, F, 16)
    x1 = jnp.maximum(x1, 0.0)  # ReLU; Dropout is identity in eval mode
    x2 = _nnconv(x1, edge_atts, src, dst, w21, b21, w22, b22, root2, bias2, 16, C)
    return jax.nn.log_softmax(x2, axis=1)

if __name__ == "__main__":
    import jax
    _d = setup_inputs()
    print(jax.jit(kernel)(*tuple(_d.values())))

</pallas_src>

<mosaic_0001>
#map = affine_map<(d0, d1) -> (0, 0)>
#map1 = affine_map<(d0, d1) -> (0)>
#map2 = affine_map<(d0, d1) -> (0, 0, 0)>
module attributes {stable_mosaic.version = 14 : i64} {
  func.func @scatter_k(%arg0: i32, %arg1: i32, %arg2: memref<156160x16xf32, #tpu.memory_space<hbm>>, %arg3: memref<156160xi32, #tpu.memory_space<hbm>>, %arg4: memref<156160xi32, #tpu.memory_space<hbm>>, %arg5: memref<10000x16xf32, #tpu.memory_space<hbm>>, %arg6: memref<2x10000x16xf32, #tpu.memory_space<hbm>>, %arg7: memref<976xi32, #tpu.memory_space<vmem>>, %arg8: memref<976xi32, #tpu.memory_space<vmem>>, %arg9: memref<976x16xf32, #tpu.memory_space<vmem>>, %arg10: memref<10000x16xf32, #tpu.memory_space<vmem_shared>>, %arg11: memref<!tpu.dma_semaphore, #tpu.memory_space<semaphore_mem>>) attributes {dimension_semantics = [#tpu.dimension_semantics<core_parallel>, #tpu.dimension_semantics<subcore_parallel>], iteration_bounds = array<i64: 2, 16>, scalar_prefetch = 0 : i64, scratch_operands = 5 : i64, tpu.core_type = #tpu.core_type<sc_vector_subcore>, window_params = [{transform_indices = #map}, {transform_indices = #map1}, {transform_indices = #map1}, {transform_indices = #map}, {transform_indices = #map2}]} {
    %eq3A = arith.constant 0 : i32
    %eq3A_0 = arith.cmpi eq, %arg1, %eq3A : i32
    %convert_element_type3A = arith.extui %eq3A_0 : i1 to i32
    %cond3A = arith.constant 0 : i32
    %cond3A_1 = arith.cmpi ne, %convert_element_type3A, %cond3A : i32
    scf.if %cond3A_1 {
      "tpu.region"() ({
        %run_scoped3A = tpu.sem_alloc : memref<!tpu.dma_semaphore, #tpu.memory_space<semaphore_mem>>
        tpu.enqueue_dma source(%arg5 : memref<10000x16xf32, #tpu.memory_space<hbm>>) target(%arg10 : memref<10000x16xf32, #tpu.memory_space<vmem_shared>>) target_semaphore(%run_scoped3A : memref<!tpu.dma_semaphore, #tpu.memory_space<semaphore_mem>>)
        tpu.wait_dma2 semaphore(%run_scoped3A : memref<!tpu.dma_semaphore, #tpu.memory_space<semaphore_mem>>) src(%arg5 : memref<10000x16xf32, #tpu.memory_space<hbm>>) dst(%arg10 : memref<10000x16xf32, #tpu.memory_space<vmem_shared>>)
        tpu.yield
      }) : () -> ()
    } else {
    }
    %barrier3A = arith.constant 0 : index
    tpu.barrier barrier_id(%barrier3A)
    %mul3A = arith.constant 2 : i32
    %mul3A_2 = arith.muli %arg1, %mul3A : i32
    %add3A = arith.addi %mul3A_2, %arg0 : i32
    %mul3A_3 = arith.constant 4880 : i32
    %mul3A_4 = arith.muli %add3A, %mul3A_3 : i32
    %scan3A = arith.constant 0 : i32
    %scan3A_5 = arith.constant 0 : i32
    %scan3A_6 = arith.constant 5 : i32
    %scan3A_7 = arith.addi %scan3A_5, %scan3A_6 : i32
    %scan3A_8 = arith.constant 1 : i32
    scf.for %scan3A_15 = %scan3A_5 to %scan3A_7 step %scan3A_8  : i32 {
      %mul3A_16 = arith.constant 976 : i32
      %mul3A_17 = arith.muli %scan3A_15, %mul3A_16 : i32
      %add3A_18 = arith.addi %mul3A_4, %mul3A_17 : i32
      "tpu.region"() ({
        %run_scoped3A = tpu.sem_alloc : memref<!tpu.dma_semaphore, #tpu.memory_space<semaphore_mem>>
        %dma_start3A_23 = tpu.memref_slice %arg3[%add3A_18] : memref<156160xi32, #tpu.memory_space<hbm>> -> memref<976xi32, #tpu.memory_space<hbm>>
        %dma_start3A_24 = tpu.memref_slice %arg3[%add3A_18] : memref<156160xi32, #tpu.memory_space<hbm>> -> memref<976xi32, #tpu.memory_space<hbm>>
        tpu.enqueue_dma source(%dma_start3A_24 : memref<976xi32, #tpu.memory_space<hbm>>) target(%arg7 : memref<976xi32, #tpu.memory_space<vmem>>) target_semaphore(%run_scoped3A : memref<!tpu.dma_semaphore, #tpu.memory_space<semaphore_mem>>)
        %dma_wait3A_25 = tpu.memref_slice %arg3[%add3A_18] : memref<156160xi32, #tpu.memory_space<hbm>> -> memref<976xi32, #tpu.memory_space<hbm>>
        %dma_wait3A_26 = tpu.memref_slice %arg3[%add3A_18] : memref<156160xi32, #tpu.memory_space<hbm>> -> memref<976xi32, #tpu.memory_space<hbm>>
        tpu.wait_dma2 semaphore(%run_scoped3A : memref<!tpu.dma_semaphore, #tpu.memory_space<semaphore_mem>>) src(%dma_wait3A_26 : memref<976xi32, #tpu.memory_space<hbm>>) dst(%arg7 : memref<976xi32, #tpu.memory_space<vmem>>)
        tpu.yield
      }) : () -> ()
      "tpu.region"() ({
        %run_scoped3A = tpu.sem_alloc : memref<!tpu.dma_semaphore, #tpu.memory_space<semaphore_mem>>
        %dma_start3A_23 = tpu.memref_slice %arg4[%add3A_18] : memref<156160xi32, #tpu.memory_space<hbm>> -> memref<976xi32, #tpu.memory_space<hbm>>
        %dma_start3A_24 = tpu.memref_slice %arg4[%add3A_18] : memref<156160xi32, #tpu.memory_space<hbm>> -> memref<976xi32, #tpu.memory_space<hbm>>
        tpu.enqueue_dma source(%dma_start3A_24 : memref<976xi32, #tpu.memory_space<hbm>>) target(%arg8 : memref<976xi32, #tpu.memory_space<vmem>>) target_semaphore(%run_scoped3A : memref<!tpu.dma_semaphore, #tpu.memory_space<semaphore_mem>>)
        %dma_wait3A_25 = tpu.memref_slice %arg4[%add3A_18] : memref<156160xi32, #tpu.memory_space<hbm>> -> memref<976xi32, #tpu.memory_space<hbm>>
        %dma_wait3A_26 = tpu.memref_slice %arg4[%add3A_18] : memref<156160xi32, #tpu.memory_space<hbm>> -> memref<976xi32, #tpu.memory_space<hbm>>
        tpu.wait_dma2 semaphore(%run_scoped3A : memref<!tpu.dma_semaphore, #tpu.memory_space<semaphore_mem>>) src(%dma_wait3A_26 : memref<976xi32, #tpu.memory_space<hbm>>) dst(%arg8 : memref<976xi32, #tpu.memory_space<vmem>>)
        tpu.yield
      }) : () -> ()
      %dma_start3A = arith.constant 0 : i32
      %dma_start3A_19 = arith.constant 0 : i32
      %dma_start3A_20 = tpu.memref_slice %arg2[%dma_start3A, %dma_start3A_19] : memref<156160x16xf32, #tpu.memory_space<hbm>> -> memref<156160x16xf32, #tpu.memory_space<hbm>>
      tpu.enqueue_indirect_dma source(%dma_start3A_20 : memref<156160x16xf32, #tpu.memory_space<hbm>>) target(%arg9 : memref<976x16xf32, #tpu.memory_space<vmem>>) offsets(%arg8 : memref<976xi32, #tpu.memory_space<vmem>>) semaphore(%arg11 : memref<!tpu.dma_semaphore, #tpu.memory_space<semaphore_mem>>)
      %dma_wait3A = arith.constant 0 : i32
      %dma_wait3A_21 = arith.constant 0 : i32
      %dma_wait3A_22 = tpu.memref_slice %arg2[%dma_wait3A, %dma_wait3A_21] : memref<156160x16xf32, #tpu.memory_space<hbm>> -> memref<156160x16xf32, #tpu.memory_space<hbm>>
      tpu.wait_indirect_dma semaphore(%arg11 : memref<!tpu.dma_semaphore, #tpu.memory_space<semaphore_mem>>) src(%dma_wait3A_22 : memref<156160x16xf32, #tpu.memory_space<hbm>>) dst(%arg9 : memref<976x16xf32, #tpu.memory_space<vmem>>)
      "tpu.region"() ({
        %run_scoped3A = tpu.sem_alloc : memref<!tpu.dma_semaphore, #tpu.memory_space<semaphore_mem>>
        %dma_start3A_23 = arith.constant 0 : i32
        %dma_start3A_24 = arith.constant 0 : i32
        %dma_start3A_25 = tpu.memref_slice %arg10[%dma_start3A_23, %dma_start3A_24] : memref<10000x16xf32, #tpu.memory_space<vmem_shared>> -> memref<10000x16xf32, #tpu.memory_space<vmem_shared>>
        tpu.enqueue_indirect_dma source(%arg9 : memref<976x16xf32, #tpu.memory_space<vmem>>) target(%dma_start3A_25 : memref<10000x16xf32, #tpu.memory_space<vmem_shared>>) offsets(%arg7 : memref<976xi32, #tpu.memory_space<vmem>>) semaphore(%run_scoped3A : memref<!tpu.dma_semaphore, #tpu.memory_space<semaphore_mem>>) {add = true}
        %dma_wait3A_26 = arith.constant 0 : i32
        %dma_wait3A_27 = arith.constant 0 : i32
        %dma_wait3A_28 = tpu.memref_slice %arg10[%dma_wait3A_26, %dma_wait3A_27] : memref<10000x16xf32, #tpu.memory_space<vmem_shared>> -> memref<10000x16xf32, #tpu.memory_space<vmem_shared>>
        tpu.wait_indirect_dma semaphore(%run_scoped3A : memref<!tpu.dma_semaphore, #tpu.memory_space<semaphore_mem>>) src(%arg9 : memref<976x16xf32, #tpu.memory_space<vmem>>) dst(%dma_wait3A_28 : memref<10000x16xf32, #tpu.memory_space<vmem_shared>>)
        tpu.yield
      }) : () -> ()
    }
    %scan3A_9 = arith.constant 5 : i32
    %barrier3A_10 = arith.constant 0 : index
    tpu.barrier barrier_id(%barrier3A_10)
    %mul3A_11 = arith.constant 625 : i32
    %mul3A_12 = arith.muli %arg1, %mul3A_11 : i32
    %mul3A_13 = arith.constant 625 : i32
    %mul3A_14 = arith.muli %arg1, %mul3A_13 : i32
    "tpu.region"() ({
      %run_scoped3A = tpu.sem_alloc : memref<!tpu.dma_semaphore, #tpu.memory_space<semaphore_mem>>
      %dma_start3A = arith.constant 0 : i32
      %dma_start3A_15 = tpu.memref_slice %arg6[%arg0, %mul3A_14, %dma_start3A] : memref<2x10000x16xf32, #tpu.memory_space<hbm>> -> memref<1x625x16xf32, #tpu.memory_space<hbm>>
      %dma_start3A_16 = tpu.memref_squeeze %dma_start3A_15 : memref<1x625x16xf32, #tpu.memory_space<hbm>> -> memref<625x16xf32, #tpu.memory_space<hbm>>
      %dma_start3A_17 = arith.constant 0 : i32
      %dma_start3A_18 = tpu.memref_slice %arg10[%mul3A_12, %dma_start3A_17] : memref<10000x16xf32, #tpu.memory_space<vmem_shared>> -> memref<625x16xf32, #tpu.memory_space<vmem_shared>>
      tpu.enqueue_dma source(%dma_start3A_18 : memref<625x16xf32, #tpu.memory_space<vmem_shared>>) target(%dma_start3A_16 : memref<625x16xf32, #tpu.memory_space<hbm>>) target_semaphore(%run_scoped3A : memref<!tpu.dma_semaphore, #tpu.memory_space<semaphore_mem>>)
      %dma_wait3A = arith.constant 0 : i32
      %dma_wait3A_19 = tpu.memref_slice %arg6[%arg0, %mul3A_14, %dma_wait3A] : memref<2x10000x16xf32, #tpu.memory_space<hbm>> -> memref<1x625x16xf32, #tpu.memory_space<hbm>>
      %dma_wait3A_20 = tpu.memref_squeeze %dma_wait3A_19 : memref<1x625x16xf32, #tpu.memory_space<hbm>> -> memref<625x16xf32, #tpu.memory_space<hbm>>
      %dma_wait3A_21 = arith.constant 0 : i32
      %dma_wait3A_22 = tpu.memref_slice %arg10[%mul3A_12, %dma_wait3A_21] : memref<10000x16xf32, #tpu.memory_space<vmem_shared>> -> memref<625x16xf32, #tpu.memory_space<vmem_shared>>
      tpu.wait_dma2 semaphore(%run_scoped3A : memref<!tpu.dma_semaphore, #tpu.memory_space<semaphore_mem>>) src(%dma_wait3A_22 : memref<625x16xf32, #tpu.memory_space<vmem_shared>>) dst(%dma_wait3A_20 : memref<625x16xf32, #tpu.memory_space<hbm>>)
      tpu.yield
    }) : () -> ()
    return
  }
}

#map = affine_map<(d0, d1) -> (0, 0)>
#map1 = affine_map<(d0, d1) -> (0)>
module attributes {stable_mosaic.version = 14 : i64} {
  func.func @gather_k(%arg0: i32, %arg1: i32, %arg2: memref<10000x16xf32, #tpu.memory_space<hbm>>, %arg3: memref<163840xi32, #tpu.memory_space<hbm>>, %arg4: memref<163840xi32, #tpu.memory_space<hbm>>, %arg5: memref<163840x16xf32, #tpu.memory_space<hbm>>, %arg6: memref<1280xi32, #tpu.memory_space<vmem>>, %arg7: memref<1280xi32, #tpu.memory_space<vmem>>, %arg8: memref<1280x16xf32, #tpu.memory_space<vmem>>, %arg9: memref<!tpu.dma_semaphore, #tpu.memory_space<semaphore_mem>>) attributes {dimension_semantics = [#tpu.dimension_semantics<core_parallel>, #tpu.dimension_semantics<subcore_parallel>], iteration_bounds = array<i64: 2, 16>, scalar_prefetch = 0 : i64, scratch_operands = 4 : i64, tpu.core_type = #tpu.core_type<sc_vector_subcore>, window_params = [{transform_indices = #map}, {transform_indices = #map1}, {transform_indices = #map1}, {transform_indices = #map}]} {
    %mul3A = arith.constant 2 : i32
    %mul3A_0 = arith.muli %arg1, %mul3A : i32
    %add3A = arith.addi %mul3A_0, %arg0 : i32
    %mul3A_1 = arith.constant 5120 : i32
    %mul3A_2 = arith.muli %add3A, %mul3A_1 : i32
    %scan3A = arith.constant 0 : i32
    %scan3A_3 = arith.constant 0 : i32
    %scan3A_4 = arith.constant 4 : i32
    %scan3A_5 = arith.addi %scan3A_3, %scan3A_4 : i32
    %scan3A_6 = arith.constant 1 : i32
    scf.for %scan3A_8 = %scan3A_3 to %scan3A_5 step %scan3A_6  : i32 {
      %mul3A_9 = arith.constant 1280 : i32
      %mul3A_10 = arith.muli %scan3A_8, %mul3A_9 : i32
      %add3A_11 = arith.addi %mul3A_2, %mul3A_10 : i32
      "tpu.region"() ({
        %run_scoped3A = tpu.sem_alloc : memref<!tpu.dma_semaphore, #tpu.memory_space<semaphore_mem>>
        %dma_start3A_22 = tpu.memref_slice %arg3[%add3A_11] : memref<163840xi32, #tpu.memory_space<hbm>> -> memref<1280xi32, #tpu.memory_space<hbm>>
        %dma_start3A_23 = tpu.memref_slice %arg3[%add3A_11] : memref<163840xi32, #tpu.memory_space<hbm>> -> memref<1280xi32, #tpu.memory_space<hbm>>
        tpu.enqueue_dma source(%dma_start3A_23 : memref<1280xi32, #tpu.memory_space<hbm>>) target(%arg6 : memref<1280xi32, #tpu.memory_space<vmem>>) target_semaphore(%run_scoped3A : memref<!tpu.dma_semaphore, #tpu.memory_space<semaphore_mem>>)
        %dma_wait3A_24 = tpu.memref_slice %arg3[%add3A_11] : memref<163840xi32, #tpu.memory_space<hbm>> -> memref<1280xi32, #tpu.memory_space<hbm>>
        %dma_wait3A_25 = tpu.memref_slice %arg3[%add3A_11] : memref<163840xi32, #tpu.memory_space<hbm>> -> memref<1280xi32, #tpu.memory_space<hbm>>
        tpu.wait_dma2 semaphore(%run_scoped3A : memref<!tpu.dma_semaphore, #tpu.memory_space<semaphore_mem>>) src(%dma_wait3A_25 : memref<1280xi32, #tpu.memory_space<hbm>>) dst(%arg6 : memref<1280xi32, #tpu.memory_space<vmem>>)
        tpu.yield
      }) : () -> ()
      "tpu.region"() ({
        %run_scoped3A = tpu.sem_alloc : memref<!tpu.dma_semaphore, #tpu.memory_space<semaphore_mem>>
        %dma_start3A_22 = tpu.memref_slice %arg4[%add3A_11] : memref<163840xi32, #tpu.memory_space<hbm>> -> memref<1280xi32, #tpu.memory_space<hbm>>
        %dma_start3A_23 = tpu.memref_slice %arg4[%add3A_11] : memref<163840xi32, #tpu.memory_space<hbm>> -> memref<1280xi32, #tpu.memory_space<hbm>>
        tpu.enqueue_dma source(%dma_start3A_23 : memref<1280xi32, #tpu.memory_space<hbm>>) target(%arg7 : memref<1280xi32, #tpu.memory_space<vmem>>) target_semaphore(%run_scoped3A : memref<!tpu.dma_semaphore, #tpu.memory_space<semaphore_mem>>)
        %dma_wait3A_24 = tpu.memref_slice %arg4[%add3A_11] : memref<163840xi32, #tpu.memory_space<hbm>> -> memref<1280xi32, #tpu.memory_space<hbm>>
        %dma_wait3A_25 = tpu.memref_slice %arg4[%add3A_11] : memref<163840xi32, #tpu.memory_space<hbm>> -> memref<1280xi32, #tpu.memory_space<hbm>>
        tpu.wait_dma2 semaphore(%run_scoped3A : memref<!tpu.dma_semaphore, #tpu.memory_space<semaphore_mem>>) src(%dma_wait3A_25 : memref<1280xi32, #tpu.memory_space<hbm>>) dst(%arg7 : memref<1280xi32, #tpu.memory_space<vmem>>)
        tpu.yield
      }) : () -> ()
      %dma_start3A = arith.constant 0 : i32
      %dma_start3A_12 = arith.constant 0 : i32
      %dma_start3A_13 = tpu.memref_slice %arg2[%dma_start3A, %dma_start3A_12] : memref<10000x16xf32, #tpu.memory_space<hbm>> -> memref<10000x16xf32, #tpu.memory_space<hbm>>
      tpu.enqueue_indirect_dma source(%dma_start3A_13 : memref<10000x16xf32, #tpu.memory_space<hbm>>) target(%arg8 : memref<1280x16xf32, #tpu.memory_space<vmem>>) offsets(%arg6 : memref<1280xi32, #tpu.memory_space<vmem>>) semaphore(%arg9 : memref<!tpu.dma_semaphore, #tpu.memory_space<semaphore_mem>>)
      %dma_wait3A = arith.constant 0 : i32
      %dma_wait3A_14 = arith.constant 0 : i32
      %dma_wait3A_15 = tpu.memref_slice %arg2[%dma_wait3A, %dma_wait3A_14] : memref<10000x16xf32, #tpu.memory_space<hbm>> -> memref<10000x16xf32, #tpu.memory_space<hbm>>
      tpu.wait_indirect_dma semaphore(%arg9 : memref<!tpu.dma_semaphore, #tpu.memory_space<semaphore_mem>>) src(%dma_wait3A_15 : memref<10000x16xf32, #tpu.memory_space<hbm>>) dst(%arg8 : memref<1280x16xf32, #tpu.memory_space<vmem>>)
      %dma_start3A_16 = arith.constant 0 : i32
      %dma_start3A_17 = arith.constant 0 : i32
      %dma_start3A_18 = tpu.memref_slice %arg5[%dma_start3A_16, %dma_start3A_17] : memref<163840x16xf32, #tpu.memory_space<hbm>> -> memref<163840x16xf32, #tpu.memory_space<hbm>>
      tpu.enqueue_indirect_dma source(%arg8 : memref<1280x16xf32, #tpu.memory_space<vmem>>) target(%dma_start3A_18 : memref<163840x16xf32, #tpu.memory_space<hbm>>) offsets(%arg7 : memref<1280xi32, #tpu.memory_space<vmem>>) semaphore(%arg9 : memref<!tpu.dma_semaphore, #tpu.memory_space<semaphore_mem>>)
      %dma_wait3A_19 = arith.constant 0 : i32
      %dma_wait3A_20 = arith.constant 0 : i32
      %dma_wait3A_21 = tpu.memref_slice %arg5[%dma_wait3A_19, %dma_wait3A_20] : memref<163840x16xf32, #tpu.memory_space<hbm>> -> memref<163840x16xf32, #tpu.memory_space<hbm>>
      tpu.wait_indirect_dma semaphore(%arg9 : memref<!tpu.dma_semaphore, #tpu.memory_space<semaphore_mem>>) src(%arg8 : memref<1280x16xf32, #tpu.memory_space<vmem>>) dst(%dma_wait3A_21 : memref<163840x16xf32, #tpu.memory_space<hbm>>)
    }
    %scan3A_7 = arith.constant 4 : i32
    return
  }
}

#map = affine_map<(d0, d1) -> (0, 0)>
#map1 = affine_map<(d0, d1) -> (0)>
#map2 = affine_map<(d0, d1) -> (0, 0, 0)>
module attributes {stable_mosaic.version = 14 : i64} {
  func.func @scatter_k(%arg0: i32, %arg1: i32, %arg2: memref<163840x16xf32, #tpu.memory_space<hbm>>, %arg3: memref<163840xi32, #tpu.memory_space<hbm>>, %arg4: memref<163840xi32, #tpu.memory_space<hbm>>, %arg5: memref<10000x16xf32, #tpu.memory_space<hbm>>, %arg6: memref<2x10000x16xf32, #tpu.memory_space<hbm>>, %arg7: memref<1280xi32, #tpu.memory_space<vmem>>, %arg8: memref<1280xi32, #tpu.memory_space<vmem>>, %arg9: memref<1280x16xf32, #tpu.memory_space<vmem>>, %arg10: memref<10000x16xf32, #tpu.memory_space<vmem_shared>>, %arg11: memref<!tpu.dma_semaphore, #tpu.memory_space<semaphore_mem>>) attributes {dimension_semantics = [#tpu.dimension_semantics<core_parallel>, #tpu.dimension_semantics<subcore_parallel>], iteration_bounds = array<i64: 2, 16>, scalar_prefetch = 0 : i64, scratch_operands = 5 : i64, tpu.core_type = #tpu.core_type<sc_vector_subcore>, window_params = [{transform_indices = #map}, {transform_indices = #map1}, {transform_indices = #map1}, {transform_indices = #map}, {transform_indices = #map2}]} {
    %eq3A = arith.constant 0 : i32
    %eq3A_0 = arith.cmpi eq, %arg1, %eq3A : i32
    %convert_element_type3A = arith.extui %eq3A_0 : i1 to i32
    %cond3A = arith.constant 0 : i32
    %cond3A_1 = arith.cmpi ne, %convert_element_type3A, %cond3A : i32
    scf.if %cond3A_1 {
      "tpu.region"() ({
        %run_scoped3A = tpu.sem_alloc : memref<!tpu.dma_semaphore, #tpu.memory_space<semaphore_mem>>
        tpu.enqueue_dma source(%arg5 : memref<10000x16xf32, #tpu.memory_space<hbm>>) target(%arg10 : memref<10000x16xf32, #tpu.memory_space<vmem_shared>>) target_semaphore(%run_scoped3A : memref<!tpu.dma_semaphore, #tpu.memory_space<semaphore_mem>>)
        tpu.wait_dma2 semaphore(%run_scoped3A : memref<!tpu.dma_semaphore, #tpu.memory_space<semaphore_mem>>) src(%arg5 : memref<10000x16xf32, #tpu.memory_space<hbm>>) dst(%arg10 : memref<10000x16xf32, #tpu.memory_space<vmem_shared>>)
        tpu.yield
      }) : () -> ()
    } else {
    }
    %barrier3A = arith.constant 0 : index
    tpu.barrier barrier_id(%barrier3A)
    %mul3A = arith.constant 2 : i32
    %mul3A_2 = arith.muli %arg1, %mul3A : i32
    %add3A = arith.addi %mul3A_2, %arg0 : i32
    %mul3A_3 = arith.constant 5120 : i32
    %mul3A_4 = arith.muli %add3A, %mul3A_3 : i32
    %scan3A = arith.constant 0 : i32
    %scan3A_5 = arith.constant 0 : i32
    %scan3A_6 = arith.constant 4 : i32
    %scan3A_7 = arith.addi %scan3A_5, %scan3A_6 : i32
    %scan3A_8 = arith.constant 1 : i32
    scf.for %scan3A_15 = %scan3A_5 to %scan3A_7 step %scan3A_8  : i32 {
      %mul3A_16 = arith.constant 1280 : i32
      %mul3A_17 = arith.muli %scan3A_15, %mul3A_16 : i32
      %add3A_18 = arith.addi %mul3A_4, %mul3A_17 : i32
      "tpu.region"() ({
        %run_scoped3A = tpu.sem_alloc : memref<!tpu.dma_semaphore, #tpu.memory_space<semaphore_mem>>
        %dma_start3A_23 = tpu.memref_slice %arg3[%add3A_18] : memref<163840xi32, #tpu.memory_space<hbm>> -> memref<1280xi32, #tpu.memory_space<hbm>>
        %dma_start3A_24 = tpu.memref_slice %arg3[%add3A_18] : memref<163840xi32, #tpu.memory_space<hbm>> -> memref<1280xi32, #tpu.memory_space<hbm>>
        tpu.enqueue_dma source(%dma_start3A_24 : memref<1280xi32, #tpu.memory_space<hbm>>) target(%arg7 : memref<1280xi32, #tpu.memory_space<vmem>>) target_semaphore(%run_scoped3A : memref<!tpu.dma_semaphore, #tpu.memory_space<semaphore_mem>>)
        %dma_wait3A_25 = tpu.memref_slice %arg3[%add3A_18] : memref<163840xi32, #tpu.memory_space<hbm>> -> memref<1280xi32, #tpu.memory_space<hbm>>
        %dma_wait3A_26 = tpu.memref_slice %arg3[%add3A_18] : memref<163840xi32, #tpu.memory_space<hbm>> -> memref<1280xi32, #tpu.memory_space<hbm>>
        tpu.wait_dma2 semaphore(%run_scoped3A : memref<!tpu.dma_semaphore, #tpu.memory_space<semaphore_mem>>) src(%dma_wait3A_26 : memref<1280xi32, #tpu.memory_space<hbm>>) dst(%arg7 : memref<1280xi32, #tpu.memory_space<vmem>>)
        tpu.yield
      }) : () -> ()
      "tpu.region"() ({
        %run_scoped3A = tpu.sem_alloc : memref<!tpu.dma_semaphore, #tpu.memory_space<semaphore_mem>>
        %dma_start3A_23 = tpu.memref_slice %arg4[%add3A_18] : memref<163840xi32, #tpu.memory_space<hbm>> -> memref<1280xi32, #tpu.memory_space<hbm>>
        %dma_start3A_24 = tpu.memref_slice %arg4[%add3A_18] : memref<163840xi32, #tpu.memory_space<hbm>> -> memref<1280xi32, #tpu.memory_space<hbm>>
        tpu.enqueue_dma source(%dma_start3A_24 : memref<1280xi32, #tpu.memory_space<hbm>>) target(%arg8 : memref<1280xi32, #tpu.memory_space<vmem>>) target_semaphore(%run_scoped3A : memref<!tpu.dma_semaphore, #tpu.memory_space<semaphore_mem>>)
        %dma_wait3A_25 = tpu.memref_slice %arg4[%add3A_18] : memref<163840xi32, #tpu.memory_space<hbm>> -> memref<1280xi32, #tpu.memory_space<hbm>>
        %dma_wait3A_26 = tpu.memref_slice %arg4[%add3A_18] : memref<163840xi32, #tpu.memory_space<hbm>> -> memref<1280xi32, #tpu.memory_space<hbm>>
        tpu.wait_dma2 semaphore(%run_scoped3A : memref<!tpu.dma_semaphore, #tpu.memory_space<semaphore_mem>>) src(%dma_wait3A_26 : memref<1280xi32, #tpu.memory_space<hbm>>) dst(%arg8 : memref<1280xi32, #tpu.memory_space<vmem>>)
        tpu.yield
      }) : () -> ()
      %dma_start3A = arith.constant 0 : i32
      %dma_start3A_19 = arith.constant 0 : i32
      %dma_start3A_20 = tpu.memref_slice %arg2[%dma_start3A, %dma_start3A_19] : memref<163840x16xf32, #tpu.memory_space<hbm>> -> memref<163840x16xf32, #tpu.memory_space<hbm>>
      tpu.enqueue_indirect_dma source(%dma_start3A_20 : memref<163840x16xf32, #tpu.memory_space<hbm>>) target(%arg9 : memref<1280x16xf32, #tpu.memory_space<vmem>>) offsets(%arg8 : memref<1280xi32, #tpu.memory_space<vmem>>) semaphore(%arg11 : memref<!tpu.dma_semaphore, #tpu.memory_space<semaphore_mem>>)
      %dma_wait3A = arith.constant 0 : i32
      %dma_wait3A_21 = arith.constant 0 : i32
      %dma_wait3A_22 = tpu.memref_slice %arg2[%dma_wait3A, %dma_wait3A_21] : memref<163840x16xf32, #tpu.memory_space<hbm>> -> memref<163840x16xf32, #tpu.memory_space<hbm>>
      tpu.wait_indirect_dma semaphore(%arg11 : memref<!tpu.dma_semaphore, #tpu.memory_space<semaphore_mem>>) src(%dma_wait3A_22 : memref<163840x16xf32, #tpu.memory_space<hbm>>) dst(%arg9 : memref<1280x16xf32, #tpu.memory_space<vmem>>)
      "tpu.region"() ({
        %run_scoped3A = tpu.sem_alloc : memref<!tpu.dma_semaphore, #tpu.memory_space<semaphore_mem>>
        %dma_start3A_23 = arith.constant 0 : i32
        %dma_start3A_24 = arith.constant 0 : i32
        %dma_start3A_25 = tpu.memref_slice %arg10[%dma_start3A_23, %dma_start3A_24] : memref<10000x16xf32, #tpu.memory_space<vmem_shared>> -> memref<10000x16xf32, #tpu.memory_space<vmem_shared>>
        tpu.enqueue_indirect_dma source(%arg9 : memref<1280x16xf32, #tpu.memory_space<vmem>>) target(%dma_start3A_25 : memref<10000x16xf32, #tpu.memory_space<vmem_shared>>) offsets(%arg7 : memref<1280xi32, #tpu.memory_space<vmem>>) semaphore(%run_scoped3A : memref<!tpu.dma_semaphore, #tpu.memory_space<semaphore_mem>>) {add = true}
        %dma_wait3A_26 = arith.constant 0 : i32
        %dma_wait3A_27 = arith.constant 0 : i32
        %dma_wait3A_28 = tpu.memref_slice %arg10[%dma_wait3A_26, %dma_wait3A_27] : memref<10000x16xf32, #tpu.memory_space<vmem_shared>> -> memref<10000x16xf32, #tpu.memory_space<vmem_shared>>
        tpu.wait_indirect_dma semaphore(%run_scoped3A : memref<!tpu.dma_semaphore, #tpu.memory_space<semaphore_mem>>) src(%arg9 : memref<1280x16xf32, #tpu.memory_space<vmem>>) dst(%dma_wait3A_28 : memref<10000x16xf32, #tpu.memory_space<vmem_shared>>)
        tpu.yield
      }) : () -> ()
    }
    %scan3A_9 = arith.constant 4 : i32
    %barrier3A_10 = arith.constant 0 : index
    tpu.barrier barrier_id(%barrier3A_10)
    %mul3A_11 = arith.constant 625 : i32
    %mul3A_12 = arith.muli %arg1, %mul3A_11 : i32
    %mul3A_13 = arith.constant 625 : i32
    %mul3A_14 = arith.muli %arg1, %mul3A_13 : i32
    "tpu.region"() ({
      %run_scoped3A = tpu.sem_alloc : memref<!tpu.dma_semaphore, #tpu.memory_space<semaphore_mem>>
      %dma_start3A = arith.constant 0 : i32
      %dma_start3A_15 = tpu.memref_slice %arg6[%arg0, %mul3A_14, %dma_start3A] : memref<2x10000x16xf32, #tpu.memory_space<hbm>> -> memref<1x625x16xf32, #tpu.memory_space<hbm>>
      %dma_start3A_16 = tpu.memref_squeeze %dma_start3A_15 : memref<1x625x16xf32, #tpu.memory_space<hbm>> -> memref<625x16xf32, #tpu.memory_space<hbm>>
      %dma_start3A_17 = arith.constant 0 : i32
      %dma_start3A_18 = tpu.memref_slice %arg10[%mul3A_12, %dma_start3A_17] : memref<10000x16xf32, #tpu.memory_space<vmem_shared>> -> memref<625x16xf32, #tpu.memory_space<vmem_shared>>
      tpu.enqueue_dma source(%dma_start3A_18 : memref<625x16xf32, #tpu.memory_space<vmem_shared>>) target(%dma_start3A_16 : memref<625x16xf32, #tpu.memory_space<hbm>>) target_semaphore(%run_scoped3A : memref<!tpu.dma_semaphore, #tpu.memory_space<semaphore_mem>>)
      %dma_wait3A = arith.constant 0 : i32
      %dma_wait3A_19 = tpu.memref_slice %arg6[%arg0, %mul3A_14, %dma_wait3A] : memref<2x10000x16xf32, #tpu.memory_space<hbm>> -> memref<1x625x16xf32, #tpu.memory_space<hbm>>
      %dma_wait3A_20 = tpu.memref_squeeze %dma_wait3A_19 : memref<1x625x16xf32, #tpu.memory_space<hbm>> -> memref<625x16xf32, #tpu.memory_space<hbm>>
      %dma_wait3A_21 = arith.constant 0 : i32
      %dma_wait3A_22 = tpu.memref_slice %arg10[%mul3A_12, %dma_wait3A_21] : memref<10000x16xf32, #tpu.memory_space<vmem_shared>> -> memref<625x16xf32, #tpu.memory_space<vmem_shared>>
      tpu.wait_dma2 semaphore(%run_scoped3A : memref<!tpu.dma_semaphore, #tpu.memory_space<semaphore_mem>>) src(%dma_wait3A_22 : memref<625x16xf32, #tpu.memory_space<vmem_shared>>) dst(%dma_wait3A_20 : memref<625x16xf32, #tpu.memory_space<hbm>>)
      tpu.yield
    }) : () -> ()
    return
  }
}

#map = affine_map<(d0, d1) -> (0, 0)>
#map1 = affine_map<(d0, d1) -> (0)>
module attributes {stable_mosaic.version = 14 : i64} {
  func.func @gather_k(%arg0: i32, %arg1: i32, %arg2: memref<10000x16xf32, #tpu.memory_space<hbm>>, %arg3: memref<156160xi32, #tpu.memory_space<hbm>>, %arg4: memref<156160xi32, #tpu.memory_space<hbm>>, %arg5: memref<156160x16xf32, #tpu.memory_space<hbm>>, %arg6: memref<976xi32, #tpu.memory_space<vmem>>, %arg7: memref<976xi32, #tpu.memory_space<vmem>>, %arg8: memref<976x16xf32, #tpu.memory_space<vmem>>, %arg9: memref<!tpu.dma_semaphore, #tpu.memory_space<semaphore_mem>>) attributes {dimension_semantics = [#tpu.dimension_semantics<core_parallel>, #tpu.dimension_semantics<subcore_parallel>], iteration_bounds = array<i64: 2, 16>, scalar_prefetch = 0 : i64, scratch_operands = 4 : i64, tpu.core_type = #tpu.core_type<sc_vector_subcore>, window_params = [{transform_indices = #map}, {transform_indices = #map1}, {transform_indices = #map1}, {transform_indices = #map}]} {
    %mul3A = arith.constant 2 : i32
    %mul3A_0 = arith.muli %arg1, %mul3A : i32
    %add3A = arith.addi %mul3A_0, %arg0 : i32
    %mul3A_1 = arith.constant 4880 : i32
    %mul3A_2 = arith.muli %add3A, %mul3A_1 : i32
    %scan3A = arith.constant 0 : i32
    %scan3A_3 = arith.constant 0 : i32
    %scan3A_4 = arith.constant 5 : i32
    %scan3A_5 = arith.addi %scan3A_3, %scan3A_4 : i32
    %scan3A_6 = arith.constant 1 : i32
    scf.for %scan3A_8 = %scan3A_3 to %scan3A_5 step %scan3A_6  : i32 {
      %mul3A_9 = arith.constant 976 : i32
      %mul3A_10 = arith.muli %scan3A_8, %mul3A_9 : i32
      %add3A_11 = arith.addi %mul3A_2, %mul3A_10 : i32
      "tpu.region"() ({
        %run_scoped3A = tpu.sem_alloc : memref<!tpu.dma_semaphore, #tpu.memory_space<semaphore_mem>>
        %dma_start3A_22 = tpu.memref_slice %arg3[%add3A_11] : memref<156160xi32, #tpu.memory_space<hbm>> -> memref<976xi32, #tpu.memory_space<hbm>>
        %dma_start3A_23 = tpu.memref_slice %arg3[%add3A_11] : memref<156160xi32, #tpu.memory_space<hbm>> -> memref<976xi32, #tpu.memory_space<hbm>>
        tpu.enqueue_dma source(%dma_start3A_23 : memref<976xi32, #tpu.memory_space<hbm>>) target(%arg6 : memref<976xi32, #tpu.memory_space<vmem>>) target_semaphore(%run_scoped3A : memref<!tpu.dma_semaphore, #tpu.memory_space<semaphore_mem>>)
        %dma_wait3A_24 = tpu.memref_slice %arg3[%add3A_11] : memref<156160xi32, #tpu.memory_space<hbm>> -> memref<976xi32, #tpu.memory_space<hbm>>
        %dma_wait3A_25 = tpu.memref_slice %arg3[%add3A_11] : memref<156160xi32, #tpu.memory_space<hbm>> -> memref<976xi32, #tpu.memory_space<hbm>>
        tpu.wait_dma2 semaphore(%run_scoped3A : memref<!tpu.dma_semaphore, #tpu.memory_space<semaphore_mem>>) src(%dma_wait3A_25 : memref<976xi32, #tpu.memory_space<hbm>>) dst(%arg6 : memref<976xi32, #tpu.memory_space<vmem>>)
        tpu.yield
      }) : () -> ()
      "tpu.region"() ({
        %run_scoped3A = tpu.sem_alloc : memref<!tpu.dma_semaphore, #tpu.memory_space<semaphore_mem>>
        %dma_start3A_22 = tpu.memref_slice %arg4[%add3A_11] : memref<156160xi32, #tpu.memory_space<hbm>> -> memref<976xi32, #tpu.memory_space<hbm>>
        %dma_start3A_23 = tpu.memref_slice %arg4[%add3A_11] : memref<156160xi32, #tpu.memory_space<hbm>> -> memref<976xi32, #tpu.memory_space<hbm>>
        tpu.enqueue_dma source(%dma_start3A_23 : memref<976xi32, #tpu.memory_space<hbm>>) target(%arg7 : memref<976xi32, #tpu.memory_space<vmem>>) target_semaphore(%run_scoped3A : memref<!tpu.dma_semaphore, #tpu.memory_space<semaphore_mem>>)
        %dma_wait3A_24 = tpu.memref_slice %arg4[%add3A_11] : memref<156160xi32, #tpu.memory_space<hbm>> -> memref<976xi32, #tpu.memory_space<hbm>>
        %dma_wait3A_25 = tpu.memref_slice %arg4[%add3A_11] : memref<156160xi32, #tpu.memory_space<hbm>> -> memref<976xi32, #tpu.memory_space<hbm>>
        tpu.wait_dma2 semaphore(%run_scoped3A : memref<!tpu.dma_semaphore, #tpu.memory_space<semaphore_mem>>) src(%dma_wait3A_25 : memref<976xi32, #tpu.memory_space<hbm>>) dst(%arg7 : memref<976xi32, #tpu.memory_space<vmem>>)
        tpu.yield
      }) : () -> ()
      %dma_start3A = arith.constant 0 : i32
      %dma_start3A_12 = arith.constant 0 : i32
      %dma_start3A_13 = tpu.memref_slice %arg2[%dma_start3A, %dma_start3A_12] : memref<10000x16xf32, #tpu.memory_space<hbm>> -> memref<10000x16xf32, #tpu.memory_space<hbm>>
      tpu.enqueue_indirect_dma source(%dma_start3A_13 : memref<10000x16xf32, #tpu.memory_space<hbm>>) target(%arg8 : memref<976x16xf32, #tpu.memory_space<vmem>>) offsets(%arg6 : memref<976xi32, #tpu.memory_space<vmem>>) semaphore(%arg9 : memref<!tpu.dma_semaphore, #tpu.memory_space<semaphore_mem>>)
      %dma_wait3A = arith.constant 0 : i32
      %dma_wait3A_14 = arith.constant 0 : i32
      %dma_wait3A_15 = tpu.memref_slice %arg2[%dma_wait3A, %dma_wait3A_14] : memref<10000x16xf32, #tpu.memory_space<hbm>> -> memref<10000x16xf32, #tpu.memory_space<hbm>>
      tpu.wait_indirect_dma semaphore(%arg9 : memref<!tpu.dma_semaphore, #tpu.memory_space<semaphore_mem>>) src(%dma_wait3A_15 : memref<10000x16xf32, #tpu.memory_space<hbm>>) dst(%arg8 : memref<976x16xf32, #tpu.memory_space<vmem>>)
      %dma_start3A_16 = arith.constant 0 : i32
      %dma_start3A_17 = arith.constant 0 : i32
      %dma_start3A_18 = tpu.memref_slice %arg5[%dma_start3A_16, %dma_start3A_17] : memref<156160x16xf32, #tpu.memory_space<hbm>> -> memref<156160x16xf32, #tpu.memory_space<hbm>>
      tpu.enqueue_indirect_dma source(%arg8 : memref<976x16xf32, #tpu.memory_space<vmem>>) target(%dma_start3A_18 : memref<156160x16xf32, #tpu.memory_space<hbm>>) offsets(%arg7 : memref<976xi32, #tpu.memory_space<vmem>>) semaphore(%arg9 : memref<!tpu.dma_semaphore, #tpu.memory_space<semaphore_mem>>)
      %dma_wait3A_19 = arith.constant 0 : i32
      %dma_wait3A_20 = arith.constant 0 : i32
      %dma_wait3A_21 = tpu.memref_slice %arg5[%dma_wait3A_19, %dma_wait3A_20] : memref<156160x16xf32, #tpu.memory_space<hbm>> -> memref<156160x16xf32, #tpu.memory_space<hbm>>
      tpu.wait_indirect_dma semaphore(%arg9 : memref<!tpu.dma_semaphore, #tpu.memory_space<semaphore_mem>>) src(%arg8 : memref<976x16xf32, #tpu.memory_space<vmem>>) dst(%dma_wait3A_21 : memref<156160x16xf32, #tpu.memory_space<hbm>>)
    }
    %scan3A_7 = arith.constant 5 : i32
    return
  }
}

#map = affine_map<(d0, d1) -> (0, 0)>
#map1 = affine_map<(d0, d1) -> (0)>
module attributes {stable_mosaic.version = 14 : i64} {
  func.func @gather_k(%arg0: i32, %arg1: i32, %arg2: memref<10000x16xf32, #tpu.memory_space<hbm>>, %arg3: memref<163840xi32, #tpu.memory_space<hbm>>, %arg4: memref<163840xi32, #tpu.memory_space<hbm>>, %arg5: memref<163840x16xf32, #tpu.memory_space<hbm>>, %arg6: memref<1280xi32, #tpu.memory_space<vmem>>, %arg7: memref<1280xi32, #tpu.memory_space<vmem>>, %arg8: memref<1280x16xf32, #tpu.memory_space<vmem>>, %arg9: memref<!tpu.dma_semaphore, #tpu.memory_space<semaphore_mem>>) attributes {dimension_semantics = [#tpu.dimension_semantics<core_parallel>, #tpu.dimension_semantics<subcore_parallel>], iteration_bounds = array<i64: 2, 16>, scalar_prefetch = 0 : i64, scratch_operands = 4 : i64, tpu.core_type = #tpu.core_type<sc_vector_subcore>, window_params = [{transform_indices = #map}, {transform_indices = #map1}, {transform_indices = #map1}, {transform_indices = #map}]} {
    %mul3A = arith.constant 2 : i32
    %mul3A_0 = arith.muli %arg1, %mul3A : i32
    %add3A = arith.addi %mul3A_0, %arg0 : i32
    %mul3A_1 = arith.constant 5120 : i32
    %mul3A_2 = arith.muli %add3A, %mul3A_1 : i32
    %scan3A = arith.constant 0 : i32
    %scan3A_3 = arith.constant 0 : i32
    %scan3A_4 = arith.constant 4 : i32
    %scan3A_5 = arith.addi %scan3A_3, %scan3A_4 : i32
    %scan3A_6 = arith.constant 1 : i32
    scf.for %scan3A_8 = %scan3A_3 to %scan3A_5 step %scan3A_6  : i32 {
      %mul3A_9 = arith.constant 1280 : i32
      %mul3A_10 = arith.muli %scan3A_8, %mul3A_9 : i32
      %add3A_11 = arith.addi %mul3A_2, %mul3A_10 : i32
      "tpu.region"() ({
        %run_scoped3A = tpu.sem_alloc : memref<!tpu.dma_semaphore, #tpu.memory_space<semaphore_mem>>
        %dma_start3A_22 = tpu.memref_slice %arg3[%add3A_11] : memref<163840xi32, #tpu.memory_space<hbm>> -> memref<1280xi32, #tpu.memory_space<hbm>>
        %dma_start3A_23 = tpu.memref_slice %arg3[%add3A_11] : memref<163840xi32, #tpu.memory_space<hbm>> -> memref<1280xi32, #tpu.memory_space<hbm>>
        tpu.enqueue_dma source(%dma_start3A_23 : memref<1280xi32, #tpu.memory_space<hbm>>) target(%arg6 : memref<1280xi32, #tpu.memory_space<vmem>>) target_semaphore(%run_scoped3A : memref<!tpu.dma_semaphore, #tpu.memory_space<semaphore_mem>>)
        %dma_wait3A_24 = tpu.memref_slice %arg3[%add3A_11] : memref<163840xi32, #tpu.memory_space<hbm>> -> memref<1280xi32, #tpu.memory_space<hbm>>
        %dma_wait3A_25 = tpu.memref_slice %arg3[%add3A_11] : memref<163840xi32, #tpu.memory_space<hbm>> -> memref<1280xi32, #tpu.memory_space<hbm>>
        tpu.wait_dma2 semaphore(%run_scoped3A : memref<!tpu.dma_semaphore, #tpu.memory_space<semaphore_mem>>) src(%dma_wait3A_25 : memref<1280xi32, #tpu.memory_space<hbm>>) dst(%arg6 : memref<1280xi32, #tpu.memory_space<vmem>>)
        tpu.yield
      }) : () -> ()
      "tpu.region"() ({
        %run_scoped3A = tpu.sem_alloc : memref<!tpu.dma_semaphore, #tpu.memory_space<semaphore_mem>>
        %dma_start3A_22 = tpu.memref_slice %arg4[%add3A_11] : memref<163840xi32, #tpu.memory_space<hbm>> -> memref<1280xi32, #tpu.memory_space<hbm>>
        %dma_start3A_23 = tpu.memref_slice %arg4[%add3A_11] : memref<163840xi32, #tpu.memory_space<hbm>> -> memref<1280xi32, #tpu.memory_space<hbm>>
        tpu.enqueue_dma source(%dma_start3A_23 : memref<1280xi32, #tpu.memory_space<hbm>>) target(%arg7 : memref<1280xi32, #tpu.memory_space<vmem>>) target_semaphore(%run_scoped3A : memref<!tpu.dma_semaphore, #tpu.memory_space<semaphore_mem>>)
        %dma_wait3A_24 = tpu.memref_slice %arg4[%add3A_11] : memref<163840xi32, #tpu.memory_space<hbm>> -> memref<1280xi32, #tpu.memory_space<hbm>>
        %dma_wait3A_25 = tpu.memref_slice %arg4[%add3A_11] : memref<163840xi32, #tpu.memory_space<hbm>> -> memref<1280xi32, #tpu.memory_space<hbm>>
        tpu.wait_dma2 semaphore(%run_scoped3A : memref<!tpu.dma_semaphore, #tpu.memory_space<semaphore_mem>>) src(%dma_wait3A_25 : memref<1280xi32, #tpu.memory_space<hbm>>) dst(%arg7 : memref<1280xi32, #tpu.memory_space<vmem>>)
        tpu.yield
      }) : () -> ()
      %dma_start3A = arith.constant 0 : i32
      %dma_start3A_12 = arith.constant 0 : i32
      %dma_start3A_13 = tpu.memref_slice %arg2[%dma_start3A, %dma_start3A_12] : memref<10000x16xf32, #tpu.memory_space<hbm>> -> memref<10000x16xf32, #tpu.memory_space<hbm>>
      tpu.enqueue_indirect_dma source(%dma_start3A_13 : memref<10000x16xf32, #tpu.memory_space<hbm>>) target(%arg8 : memref<1280x16xf32, #tpu.memory_space<vmem>>) offsets(%arg6 : memref<1280xi32, #tpu.memory_space<vmem>>) semaphore(%arg9 : memref<!tpu.dma_semaphore, #tpu.memory_space<semaphore_mem>>)
      %dma_wait3A = arith.constant 0 : i32
      %dma_wait3A_14 = arith.constant 0 : i32
      %dma_wait3A_15 = tpu.memref_slice %arg2[%dma_wait3A, %dma_wait3A_14] : memref<10000x16xf32, #tpu.memory_space<hbm>> -> memref<10000x16xf32, #tpu.memory_space<hbm>>
      tpu.wait_indirect_dma semaphore(%arg9 : memref<!tpu.dma_semaphore, #tpu.memory_space<semaphore_mem>>) src(%dma_wait3A_15 : memref<10000x16xf32, #tpu.memory_space<hbm>>) dst(%arg8 : memref<1280x16xf32, #tpu.memory_space<vmem>>)
      %dma_start3A_16 = arith.constant 0 : i32
      %dma_start3A_17 = arith.constant 0 : i32
      %dma_start3A_18 = tpu.memref_slice %arg5[%dma_start3A_16, %dma_start3A_17] : memref<163840x16xf32, #tpu.memory_space<hbm>> -> memref<163840x16xf32, #tpu.memory_space<hbm>>
      tpu.enqueue_indirect_dma source(%arg8 : memref<1280x16xf32, #tpu.memory_space<vmem>>) target(%dma_start3A_18 : memref<163840x16xf32, #tpu.memory_space<hbm>>) offsets(%arg7 : memref<1280xi32, #tpu.memory_space<vmem>>) semaphore(%arg9 : memref<!tpu.dma_semaphore, #tpu.memory_space<semaphore_mem>>)
      %dma_wait3A_19 = arith.constant 0 : i32
      %dma_wait3A_20 = arith.constant 0 : i32
      %dma_wait3A_21 = tpu.memref_slice %arg5[%dma_wait3A_19, %dma_wait3A_20] : memref<163840x16xf32, #tpu.memory_space<hbm>> -> memref<163840x16xf32, #tpu.memory_space<hbm>>
      tpu.wait_indirect_dma semaphore(%arg9 : memref<!tpu.dma_semaphore, #tpu.memory_space<semaphore_mem>>) src(%arg8 : memref<1280x16xf32, #tpu.memory_space<vmem>>) dst(%dma_wait3A_21 : memref<163840x16xf32, #tpu.memory_space<hbm>>)
    }
    %scan3A_7 = arith.constant 4 : i32
    return
  }
}

#map = affine_map<(d0, d1) -> (0, 0)>
#map1 = affine_map<(d0, d1) -> (0)>
module attributes {stable_mosaic.version = 14 : i64} {
  func.func @gather_k(%arg0: i32, %arg1: i32, %arg2: memref<10000x16xf32, #tpu.memory_space<hbm>>, %arg3: memref<156160xi32, #tpu.memory_space<hbm>>, %arg4: memref<156160xi32, #tpu.memory_space<hbm>>, %arg5: memref<156160x16xf32, #tpu.memory_space<hbm>>, %arg6: memref<976xi32, #tpu.memory_space<vmem>>, %arg7: memref<976xi32, #tpu.memory_space<vmem>>, %arg8: memref<976x16xf32, #tpu.memory_space<vmem>>, %arg9: memref<!tpu.dma_semaphore, #tpu.memory_space<semaphore_mem>>) attributes {dimension_semantics = [#tpu.dimension_semantics<core_parallel>, #tpu.dimension_semantics<subcore_parallel>], iteration_bounds = array<i64: 2, 16>, scalar_prefetch = 0 : i64, scratch_operands = 4 : i64, tpu.core_type = #tpu.core_type<sc_vector_subcore>, window_params = [{transform_indices = #map}, {transform_indices = #map1}, {transform_indices = #map1}, {transform_indices = #map}]} {
    %mul3A = arith.constant 2 : i32
    %mul3A_0 = arith.muli %arg1, %mul3A : i32
    %add3A = arith.addi %mul3A_0, %arg0 : i32
    %mul3A_1 = arith.constant 4880 : i32
    %mul3A_2 = arith.muli %add3A, %mul3A_1 : i32
    %scan3A = arith.constant 0 : i32
    %scan3A_3 = arith.constant 0 : i32
    %scan3A_4 = arith.constant 5 : i32
    %scan3A_5 = arith.addi %scan3A_3, %scan3A_4 : i32
    %scan3A_6 = arith.constant 1 : i32
    scf.for %scan3A_8 = %scan3A_3 to %scan3A_5 step %scan3A_6  : i32 {
      %mul3A_9 = arith.constant 976 : i32
      %mul3A_10 = arith.muli %scan3A_8, %mul3A_9 : i32
      %add3A_11 = arith.addi %mul3A_2, %mul3A_10 : i32
      "tpu.region"() ({
        %run_scoped3A = tpu.sem_alloc : memref<!tpu.dma_semaphore, #tpu.memory_space<semaphore_mem>>
        %dma_start3A_22 = tpu.memref_slice %arg3[%add3A_11] : memref<156160xi32, #tpu.memory_space<hbm>> -> memref<976xi32, #tpu.memory_space<hbm>>
        %dma_start3A_23 = tpu.memref_slice %arg3[%add3A_11] : memref<156160xi32, #tpu.memory_space<hbm>> -> memref<976xi32, #tpu.memory_space<hbm>>
        tpu.enqueue_dma source(%dma_start3A_23 : memref<976xi32, #tpu.memory_space<hbm>>) target(%arg6 : memref<976xi32, #tpu.memory_space<vmem>>) target_semaphore(%run_scoped3A : memref<!tpu.dma_semaphore, #tpu.memory_space<semaphore_mem>>)
        %dma_wait3A_24 = tpu.memref_slice %arg3[%add3A_11] : memref<156160xi32, #tpu.memory_space<hbm>> -> memref<976xi32, #tpu.memory_space<hbm>>
        %dma_wait3A_25 = tpu.memref_slice %arg3[%add3A_11] : memref<156160xi32, #tpu.memory_space<hbm>> -> memref<976xi32, #tpu.memory_space<hbm>>
        tpu.wait_dma2 semaphore(%run_scoped3A : memref<!tpu.dma_semaphore, #tpu.memory_space<semaphore_mem>>) src(%dma_wait3A_25 : memref<976xi32, #tpu.memory_space<hbm>>) dst(%arg6 : memref<976xi32, #tpu.memory_space<vmem>>)
        tpu.yield
      }) : () -> ()
      "tpu.region"() ({
        %run_scoped3A = tpu.sem_alloc : memref<!tpu.dma_semaphore, #tpu.memory_space<semaphore_mem>>
        %dma_start3A_22 = tpu.memref_slice %arg4[%add3A_11] : memref<156160xi32, #tpu.memory_space<hbm>> -> memref<976xi32, #tpu.memory_space<hbm>>
        %dma_start3A_23 = tpu.memref_slice %arg4[%add3A_11] : memref<156160xi32, #tpu.memory_space<hbm>> -> memref<976xi32, #tpu.memory_space<hbm>>
        tpu.enqueue_dma source(%dma_start3A_23 : memref<976xi32, #tpu.memory_space<hbm>>) target(%arg7 : memref<976xi32, #tpu.memory_space<vmem>>) target_semaphore(%run_scoped3A : memref<!tpu.dma_semaphore, #tpu.memory_space<semaphore_mem>>)
        %dma_wait3A_24 = tpu.memref_slice %arg4[%add3A_11] : memref<156160xi32, #tpu.memory_space<hbm>> -> memref<976xi32, #tpu.memory_space<hbm>>
        %dma_wait3A_25 = tpu.memref_slice %arg4[%add3A_11] : memref<156160xi32, #tpu.memory_space<hbm>> -> memref<976xi32, #tpu.memory_space<hbm>>
        tpu.wait_dma2 semaphore(%run_scoped3A : memref<!tpu.dma_semaphore, #tpu.memory_space<semaphore_mem>>) src(%dma_wait3A_25 : memref<976xi32, #tpu.memory_space<hbm>>) dst(%arg7 : memref<976xi32, #tpu.memory_space<vmem>>)
        tpu.yield
      }) : () -> ()
      %dma_start3A = arith.constant 0 : i32
      %dma_start3A_12 = arith.constant 0 : i32
      %dma_start3A_13 = tpu.memref_slice %arg2[%dma_start3A, %dma_start3A_12] : memref<10000x16xf32, #tpu.memory_space<hbm>> -> memref<10000x16xf32, #tpu.memory_space<hbm>>
      tpu.enqueue_indirect_dma source(%dma_start3A_13 : memref<10000x16xf32, #tpu.memory_space<hbm>>) target(%arg8 : memref<976x16xf32, #tpu.memory_space<vmem>>) offsets(%arg6 : memref<976xi32, #tpu.memory_space<vmem>>) semaphore(%arg9 : memref<!tpu.dma_semaphore, #tpu.memory_space<semaphore_mem>>)
      %dma_wait3A = arith.constant 0 : i32
      %dma_wait3A_14 = arith.constant 0 : i32
      %dma_wait3A_15 = tpu.memref_slice %arg2[%dma_wait3A, %dma_wait3A_14] : memref<10000x16xf32, #tpu.memory_space<hbm>> -> memref<10000x16xf32, #tpu.memory_space<hbm>>
      tpu.wait_indirect_dma semaphore(%arg9 : memref<!tpu.dma_semaphore, #tpu.memory_space<semaphore_mem>>) src(%dma_wait3A_15 : memref<10000x16xf32, #tpu.memory_space<hbm>>) dst(%arg8 : memref<976x16xf32, #tpu.memory_space<vmem>>)
      %dma_start3A_16 = arith.constant 0 : i32
      %dma_start3A_17 = arith.constant 0 : i32
      %dma_start3A_18 = tpu.memref_slice %arg5[%dma_start3A_16, %dma_start3A_17] : memref<156160x16xf32, #tpu.memory_space<hbm>> -> memref<156160x16xf32, #tpu.memory_space<hbm>>
      tpu.enqueue_indirect_dma source(%arg8 : memref<976x16xf32, #tpu.memory_space<vmem>>) target(%dma_start3A_18 : memref<156160x16xf32, #tpu.memory_space<hbm>>) offsets(%arg7 : memref<976xi32, #tpu.memory_space<vmem>>) semaphore(%arg9 : memref<!tpu.dma_semaphore, #tpu.memory_space<semaphore_mem>>)
      %dma_wait3A_19 = arith.constant 0 : i32
      %dma_wait3A_20 = arith.constant 0 : i32
      %dma_wait3A_21 = tpu.memref_slice %arg5[%dma_wait3A_19, %dma_wait3A_20] : memref<156160x16xf32, #tpu.memory_space<hbm>> -> memref<156160x16xf32, #tpu.memory_space<hbm>>
      tpu.wait_indirect_dma semaphore(%arg9 : memref<!tpu.dma_semaphore, #tpu.memory_space<semaphore_mem>>) src(%arg8 : memref<976x16xf32, #tpu.memory_space<vmem>>) dst(%dma_wait3A_21 : memref<156160x16xf32, #tpu.memory_space<hbm>>)
    }
    %scan3A_7 = arith.constant 5 : i32
    return
  }
}

#map = affine_map<(d0, d1) -> (0, 0)>
#map1 = affine_map<(d0, d1) -> (0)>
#map2 = affine_map<(d0, d1) -> (0, 0, 0)>
module attributes {stable_mosaic.version = 14 : i64} {
  func.func @scatter_k(%arg0: i32, %arg1: i32, %arg2: memref<163840x16xf32, #tpu.memory_space<hbm>>, %arg3: memref<163840xi32, #tpu.memory_space<hbm>>, %arg4: memref<163840xi32, #tpu.memory_space<hbm>>, %arg5: memref<10000x16xf32, #tpu.memory_space<hbm>>, %arg6: memref<2x10000x16xf32, #tpu.memory_space<hbm>>, %arg7: memref<1280xi32, #tpu.memory_space<vmem>>, %arg8: memref<1280xi32, #tpu.memory_space<vmem>>, %arg9: memref<1280x16xf32, #tpu.memory_space<vmem>>, %arg10: memref<10000x16xf32, #tpu.memory_space<vmem_shared>>, %arg11: memref<!tpu.dma_semaphore, #tpu.memory_space<semaphore_mem>>) attributes {dimension_semantics = [#tpu.dimension_semantics<core_parallel>, #tpu.dimension_semantics<subcore_parallel>], iteration_bounds = array<i64: 2, 16>, scalar_prefetch = 0 : i64, scratch_operands = 5 : i64, tpu.core_type = #tpu.core_type<sc_vector_subcore>, window_params = [{transform_indices = #map}, {transform_indices = #map1}, {transform_indices = #map1}, {transform_indices = #map}, {transform_indices = #map2}]} {
    %eq3A = arith.constant 0 : i32
    %eq3A_0 = arith.cmpi eq, %arg1, %eq3A : i32
    %convert_element_type3A = arith.extui %eq3A_0 : i1 to i32
    %cond3A = arith.constant 0 : i32
    %cond3A_1 = arith.cmpi ne, %convert_element_type3A, %cond3A : i32
    scf.if %cond3A_1 {
      "tpu.region"() ({
        %run_scoped3A = tpu.sem_alloc : memref<!tpu.dma_semaphore, #tpu.memory_space<semaphore_mem>>
        tpu.enqueue_dma source(%arg5 : memref<10000x16xf32, #tpu.memory_space<hbm>>) target(%arg10 : memref<10000x16xf32, #tpu.memory_space<vmem_shared>>) target_semaphore(%run_scoped3A : memref<!tpu.dma_semaphore, #tpu.memory_space<semaphore_mem>>)
        tpu.wait_dma2 semaphore(%run_scoped3A : memref<!tpu.dma_semaphore, #tpu.memory_space<semaphore_mem>>) src(%arg5 : memref<10000x16xf32, #tpu.memory_space<hbm>>) dst(%arg10 : memref<10000x16xf32, #tpu.memory_space<vmem_shared>>)
        tpu.yield
      }) : () -> ()
    } else {
    }
    %barrier3A = arith.constant 0 : index
    tpu.barrier barrier_id(%barrier3A)
    %mul3A = arith.constant 2 : i32
    %mul3A_2 = arith.muli %arg1, %mul3A : i32
    %add3A = arith.addi %mul3A_2, %arg0 : i32
    %mul3A_3 = arith.constant 5120 : i32
    %mul3A_4 = arith.muli %add3A, %mul3A_3 : i32
    %scan3A = arith.constant 0 : i32
    %scan3A_5 = arith.constant 0 : i32
    %scan3A_6 = arith.constant 4 : i32
    %scan3A_7 = arith.addi %scan3A_5, %scan3A_6 : i32
    %scan3A_8 = arith.constant 1 : i32
    scf.for %scan3A_15 = %scan3A_5 to %scan3A_7 step %scan3A_8  : i32 {
      %mul3A_16 = arith.constant 1280 : i32
      %mul3A_17 = arith.muli %scan3A_15, %mul3A_16 : i32
      %add3A_18 = arith.addi %mul3A_4, %mul3A_17 : i32
      "tpu.region"() ({
        %run_scoped3A = tpu.sem_alloc : memref<!tpu.dma_semaphore, #tpu.memory_space<semaphore_mem>>
        %dma_start3A_23 = tpu.memref_slice %arg3[%add3A_18] : memref<163840xi32, #tpu.memory_space<hbm>> -> memref<1280xi32, #tpu.memory_space<hbm>>
        %dma_start3A_24 = tpu.memref_slice %arg3[%add3A_18] : memref<163840xi32, #tpu.memory_space<hbm>> -> memref<1280xi32, #tpu.memory_space<hbm>>
        tpu.enqueue_dma source(%dma_start3A_24 : memref<1280xi32, #tpu.memory_space<hbm>>) target(%arg7 : memref<1280xi32, #tpu.memory_space<vmem>>) target_semaphore(%run_scoped3A : memref<!tpu.dma_semaphore, #tpu.memory_space<semaphore_mem>>)
        %dma_wait3A_25 = tpu.memref_slice %arg3[%add3A_18] : memref<163840xi32, #tpu.memory_space<hbm>> -> memref<1280xi32, #tpu.memory_space<hbm>>
        %dma_wait3A_26 = tpu.memref_slice %arg3[%add3A_18] : memref<163840xi32, #tpu.memory_space<hbm>> -> memref<1280xi32, #tpu.memory_space<hbm>>
        tpu.wait_dma2 semaphore(%run_scoped3A : memref<!tpu.dma_semaphore, #tpu.memory_space<semaphore_mem>>) src(%dma_wait3A_26 : memref<1280xi32, #tpu.memory_space<hbm>>) dst(%arg7 : memref<1280xi32, #tpu.memory_space<vmem>>)
        tpu.yield
      }) : () -> ()
      "tpu.region"() ({
        %run_scoped3A = tpu.sem_alloc : memref<!tpu.dma_semaphore, #tpu.memory_space<semaphore_mem>>
        %dma_start3A_23 = tpu.memref_slice %arg4[%add3A_18] : memref<163840xi32, #tpu.memory_space<hbm>> -> memref<1280xi32, #tpu.memory_space<hbm>>
        %dma_start3A_24 = tpu.memref_slice %arg4[%add3A_18] : memref<163840xi32, #tpu.memory_space<hbm>> -> memref<1280xi32, #tpu.memory_space<hbm>>
        tpu.enqueue_dma source(%dma_start3A_24 : memref<1280xi32, #tpu.memory_space<hbm>>) target(%arg8 : memref<1280xi32, #tpu.memory_space<vmem>>) target_semaphore(%run_scoped3A : memref<!tpu.dma_semaphore, #tpu.memory_space<semaphore_mem>>)
        %dma_wait3A_25 = tpu.memref_slice %arg4[%add3A_18] : memref<163840xi32, #tpu.memory_space<hbm>> -> memref<1280xi32, #tpu.memory_space<hbm>>
        %dma_wait3A_26 = tpu.memref_slice %arg4[%add3A_18] : memref<163840xi32, #tpu.memory_space<hbm>> -> memref<1280xi32, #tpu.memory_space<hbm>>
        tpu.wait_dma2 semaphore(%run_scoped3A : memref<!tpu.dma_semaphore, #tpu.memory_space<semaphore_mem>>) src(%dma_wait3A_26 : memref<1280xi32, #tpu.memory_space<hbm>>) dst(%arg8 : memref<1280xi32, #tpu.memory_space<vmem>>)
        tpu.yield
      }) : () -> ()
      %dma_start3A = arith.constant 0 : i32
      %dma_start3A_19 = arith.constant 0 : i32
      %dma_start3A_20 = tpu.memref_slice %arg2[%dma_start3A, %dma_start3A_19] : memref<163840x16xf32, #tpu.memory_space<hbm>> -> memref<163840x16xf32, #tpu.memory_space<hbm>>
      tpu.enqueue_indirect_dma source(%dma_start3A_20 : memref<163840x16xf32, #tpu.memory_space<hbm>>) target(%arg9 : memref<1280x16xf32, #tpu.memory_space<vmem>>) offsets(%arg8 : memref<1280xi32, #tpu.memory_space<vmem>>) semaphore(%arg11 : memref<!tpu.dma_semaphore, #tpu.memory_space<semaphore_mem>>)
      %dma_wait3A = arith.constant 0 : i32
      %dma_wait3A_21 = arith.constant 0 : i32
      %dma_wait3A_22 = tpu.memref_slice %arg2[%dma_wait3A, %dma_wait3A_21] : memref<163840x16xf32, #tpu.memory_space<hbm>> -> memref<163840x16xf32, #tpu.memory_space<hbm>>
      tpu.wait_indirect_dma semaphore(%arg11 : memref<!tpu.dma_semaphore, #tpu.memory_space<semaphore_mem>>) src(%dma_wait3A_22 : memref<163840x16xf32, #tpu.memory_space<hbm>>) dst(%arg9 : memref<1280x16xf32, #tpu.memory_space<vmem>>)
      "tpu.region"() ({
        %run_scoped3A = tpu.sem_alloc : memref<!tpu.dma_semaphore, #tpu.memory_space<semaphore_mem>>
        %dma_start3A_23 = arith.constant 0 : i32
        %dma_start3A_24 = arith.constant 0 : i32
        %dma_start3A_25 = tpu.memref_slice %arg10[%dma_start3A_23, %dma_start3A_24] : memref<10000x16xf32, #tpu.memory_space<vmem_shared>> -> memref<10000x16xf32, #tpu.memory_space<vmem_shared>>
        tpu.enqueue_indirect_dma source(%arg9 : memref<1280x16xf32, #tpu.memory_space<vmem>>) target(%dma_start3A_25 : memref<10000x16xf32, #tpu.memory_space<vmem_shared>>) offsets(%arg7 : memref<1280xi32, #tpu.memory_space<vmem>>) semaphore(%run_scoped3A : memref<!tpu.dma_semaphore, #tpu.memory_space<semaphore_mem>>) {add = true}
        %dma_wait3A_26 = arith.constant 0 : i32
        %dma_wait3A_27 = arith.constant 0 : i32
        %dma_wait3A_28 = tpu.memref_slice %arg10[%dma_wait3A_26, %dma_wait3A_27] : memref<10000x16xf32, #tpu.memory_space<vmem_shared>> -> memref<10000x16xf32, #tpu.memory_space<vmem_shared>>
        tpu.wait_indirect_dma semaphore(%run_scoped3A : memref<!tpu.dma_semaphore, #tpu.memory_space<semaphore_mem>>) src(%arg9 : memref<1280x16xf32, #tpu.memory_space<vmem>>) dst(%dma_wait3A_28 : memref<10000x16xf32, #tpu.memory_space<vmem_shared>>)
        tpu.yield
      }) : () -> ()
    }
    %scan3A_9 = arith.constant 4 : i32
    %barrier3A_10 = arith.constant 0 : index
    tpu.barrier barrier_id(%barrier3A_10)
    %mul3A_11 = arith.constant 625 : i32
    %mul3A_12 = arith.muli %arg1, %mul3A_11 : i32
    %mul3A_13 = arith.constant 625 : i32
    %mul3A_14 = arith.muli %arg1, %mul3A_13 : i32
    "tpu.region"() ({
      %run_scoped3A = tpu.sem_alloc : memref<!tpu.dma_semaphore, #tpu.memory_space<semaphore_mem>>
      %dma_start3A = arith.constant 0 : i32
      %dma_start3A_15 = tpu.memref_slice %arg6[%arg0, %mul3A_14, %dma_start3A] : memref<2x10000x16xf32, #tpu.memory_space<hbm>> -> memref<1x625x16xf32, #tpu.memory_space<hbm>>
      %dma_start3A_16 = tpu.memref_squeeze %dma_start3A_15 : memref<1x625x16xf32, #tpu.memory_space<hbm>> -> memref<625x16xf32, #tpu.memory_space<hbm>>
      %dma_start3A_17 = arith.constant 0 : i32
      %dma_start3A_18 = tpu.memref_slice %arg10[%mul3A_12, %dma_start3A_17] : memref<10000x16xf32, #tpu.memory_space<vmem_shared>> -> memref<625x16xf32, #tpu.memory_space<vmem_shared>>
      tpu.enqueue_dma source(%dma_start3A_18 : memref<625x16xf32, #tpu.memory_space<vmem_shared>>) target(%dma_start3A_16 : memref<625x16xf32, #tpu.memory_space<hbm>>) target_semaphore(%run_scoped3A : memref<!tpu.dma_semaphore, #tpu.memory_space<semaphore_mem>>)
      %dma_wait3A = arith.constant 0 : i32
      %dma_wait3A_19 = tpu.memref_slice %arg6[%arg0, %mul3A_14, %dma_wait3A] : memref<2x10000x16xf32, #tpu.memory_space<hbm>> -> memref<1x625x16xf32, #tpu.memory_space<hbm>>
      %dma_wait3A_20 = tpu.memref_squeeze %dma_wait3A_19 : memref<1x625x16xf32, #tpu.memory_space<hbm>> -> memref<625x16xf32, #tpu.memory_space<hbm>>
      %dma_wait3A_21 = arith.constant 0 : i32
      %dma_wait3A_22 = tpu.memref_slice %arg10[%mul3A_12, %dma_wait3A_21] : memref<10000x16xf32, #tpu.memory_space<vmem_shared>> -> memref<625x16xf32, #tpu.memory_space<vmem_shared>>
      tpu.wait_dma2 semaphore(%run_scoped3A : memref<!tpu.dma_semaphore, #tpu.memory_space<semaphore_mem>>) src(%dma_wait3A_22 : memref<625x16xf32, #tpu.memory_space<vmem_shared>>) dst(%dma_wait3A_20 : memref<625x16xf32, #tpu.memory_space<hbm>>)
      tpu.yield
    }) : () -> ()
    return
  }
}

#map = affine_map<(d0, d1) -> (0, 0)>
#map1 = affine_map<(d0, d1) -> (0)>
#map2 = affine_map<(d0, d1) -> (0, 0, 0)>
module attributes {stable_mosaic.version = 14 : i64} {
  func.func @scatter_k(%arg0: i32, %arg1: i32, %arg2: memref<156160x16xf32, #tpu.memory_space<hbm>>, %arg3: memref<156160xi32, #tpu.memory_space<hbm>>, %arg4: memref<156160xi32, #tpu.memory_space<hbm>>, %arg5: memref<10000x16xf32, #tpu.memory_space<hbm>>, %arg6: memref<2x10000x16xf32, #tpu.memory_space<hbm>>, %arg7: memref<976xi32, #tpu.memory_space<vmem>>, %arg8: memref<976xi32, #tpu.memory_space<vmem>>, %arg9: memref<976x16xf32, #tpu.memory_space<vmem>>, %arg10: memref<10000x16xf32, #tpu.memory_space<vmem_shared>>, %arg11: memref<!tpu.dma_semaphore, #tpu.memory_space<semaphore_mem>>) attributes {dimension_semantics = [#tpu.dimension_semantics<core_parallel>, #tpu.dimension_semantics<subcore_parallel>], iteration_bounds = array<i64: 2, 16>, scalar_prefetch = 0 : i64, scratch_operands = 5 : i64, tpu.core_type = #tpu.core_type<sc_vector_subcore>, window_params = [{transform_indices = #map}, {transform_indices = #map1}, {transform_indices = #map1}, {transform_indices = #map}, {transform_indices = #map2}]} {
    %eq3A = arith.constant 0 : i32
    %eq3A_0 = arith.cmpi eq, %arg1, %eq3A : i32
    %convert_element_type3A = arith.extui %eq3A_0 : i1 to i32
    %cond3A = arith.constant 0 : i32
    %cond3A_1 = arith.cmpi ne, %convert_element_type3A, %cond3A : i32
    scf.if %cond3A_1 {
      "tpu.region"() ({
        %run_scoped3A = tpu.sem_alloc : memref<!tpu.dma_semaphore, #tpu.memory_space<semaphore_mem>>
        tpu.enqueue_dma source(%arg5 : memref<10000x16xf32, #tpu.memory_space<hbm>>) target(%arg10 : memref<10000x16xf32, #tpu.memory_space<vmem_shared>>) target_semaphore(%run_scoped3A : memref<!tpu.dma_semaphore, #tpu.memory_space<semaphore_mem>>)
        tpu.wait_dma2 semaphore(%run_scoped3A : memref<!tpu.dma_semaphore, #tpu.memory_space<semaphore_mem>>) src(%arg5 : memref<10000x16xf32, #tpu.memory_space<hbm>>) dst(%arg10 : memref<10000x16xf32, #tpu.memory_space<vmem_shared>>)
        tpu.yield
      }) : () -> ()
    } else {
    }
    %barrier3A = arith.constant 0 : index
    tpu.barrier barrier_id(%barrier3A)
    %mul3A = arith.constant 2 : i32
    %mul3A_2 = arith.muli %arg1, %mul3A : i32
    %add3A = arith.addi %mul3A_2, %arg0 : i32
    %mul3A_3 = arith.constant 4880 : i32
    %mul3A_4 = arith.muli %add3A, %mul3A_3 : i32
    %scan3A = arith.constant 0 : i32
    %scan3A_5 = arith.constant 0 : i32
    %scan3A_6 = arith.constant 5 : i32
    %scan3A_7 = arith.addi %scan3A_5, %scan3A_6 : i32
    %scan3A_8 = arith.constant 1 : i32
    scf.for %scan3A_15 = %scan3A_5 to %scan3A_7 step %scan3A_8  : i32 {
      %mul3A_16 = arith.constant 976 : i32
      %mul3A_17 = arith.muli %scan3A_15, %mul3A_16 : i32
      %add3A_18 = arith.addi %mul3A_4, %mul3A_17 : i32
      "tpu.region"() ({
        %run_scoped3A = tpu.sem_alloc : memref<!tpu.dma_semaphore, #tpu.memory_space<semaphore_mem>>
        %dma_start3A_23 = tpu.memref_slice %arg3[%add3A_18] : memref<156160xi32, #tpu.memory_space<hbm>> -> memref<976xi32, #tpu.memory_space<hbm>>
        %dma_start3A_24 = tpu.memref_slice %arg3[%add3A_18] : memref<156160xi32, #tpu.memory_space<hbm>> -> memref<976xi32, #tpu.memory_space<hbm>>
        tpu.enqueue_dma source(%dma_start3A_24 : memref<976xi32, #tpu.memory_space<hbm>>) target(%arg7 : memref<976xi32, #tpu.memory_space<vmem>>) target_semaphore(%run_scoped3A : memref<!tpu.dma_semaphore, #tpu.memory_space<semaphore_mem>>)
        %dma_wait3A_25 = tpu.memref_slice %arg3[%add3A_18] : memref<156160xi32, #tpu.memory_space<hbm>> -> memref<976xi32, #tpu.memory_space<hbm>>
        %dma_wait3A_26 = tpu.memref_slice %arg3[%add3A_18] : memref<156160xi32, #tpu.memory_space<hbm>> -> memref<976xi32, #tpu.memory_space<hbm>>
        tpu.wait_dma2 semaphore(%run_scoped3A : memref<!tpu.dma_semaphore, #tpu.memory_space<semaphore_mem>>) src(%dma_wait3A_26 : memref<976xi32, #tpu.memory_space<hbm>>) dst(%arg7 : memref<976xi32, #tpu.memory_space<vmem>>)
        tpu.yield
      }) : () -> ()
      "tpu.region"() ({
        %run_scoped3A = tpu.sem_alloc : memref<!tpu.dma_semaphore, #tpu.memory_space<semaphore_mem>>
        %dma_start3A_23 = tpu.memref_slice %arg4[%add3A_18] : memref<156160xi32, #tpu.memory_space<hbm>> -> memref<976xi32, #tpu.memory_space<hbm>>
        %dma_start3A_24 = tpu.memref_slice %arg4[%add3A_18] : memref<156160xi32, #tpu.memory_space<hbm>> -> memref<976xi32, #tpu.memory_space<hbm>>
        tpu.enqueue_dma source(%dma_start3A_24 : memref<976xi32, #tpu.memory_space<hbm>>) target(%arg8 : memref<976xi32, #tpu.memory_space<vmem>>) target_semaphore(%run_scoped3A : memref<!tpu.dma_semaphore, #tpu.memory_space<semaphore_mem>>)
        %dma_wait3A_25 = tpu.memref_slice %arg4[%add3A_18] : memref<156160xi32, #tpu.memory_space<hbm>> -> memref<976xi32, #tpu.memory_space<hbm>>
        %dma_wait3A_26 = tpu.memref_slice %arg4[%add3A_18] : memref<156160xi32, #tpu.memory_space<hbm>> -> memref<976xi32, #tpu.memory_space<hbm>>
        tpu.wait_dma2 semaphore(%run_scoped3A : memref<!tpu.dma_semaphore, #tpu.memory_space<semaphore_mem>>) src(%dma_wait3A_26 : memref<976xi32, #tpu.memory_space<hbm>>) dst(%arg8 : memref<976xi32, #tpu.memory_space<vmem>>)
        tpu.yield
      }) : () -> ()
      %dma_start3A = arith.constant 0 : i32
      %dma_start3A_19 = arith.constant 0 : i32
      %dma_start3A_20 = tpu.memref_slice %arg2[%dma_start3A, %dma_start3A_19] : memref<156160x16xf32, #tpu.memory_space<hbm>> -> memref<156160x16xf32, #tpu.memory_space<hbm>>
      tpu.enqueue_indirect_dma source(%dma_start3A_20 : memref<156160x16xf32, #tpu.memory_space<hbm>>) target(%arg9 : memref<976x16xf32, #tpu.memory_space<vmem>>) offsets(%arg8 : memref<976xi32, #tpu.memory_space<vmem>>) semaphore(%arg11 : memref<!tpu.dma_semaphore, #tpu.memory_space<semaphore_mem>>)
      %dma_wait3A = arith.constant 0 : i32
      %dma_wait3A_21 = arith.constant 0 : i32
      %dma_wait3A_22 = tpu.memref_slice %arg2[%dma_wait3A, %dma_wait3A_21] : memref<156160x16xf32, #tpu.memory_space<hbm>> -> memref<156160x16xf32, #tpu.memory_space<hbm>>
      tpu.wait_indirect_dma semaphore(%arg11 : memref<!tpu.dma_semaphore, #tpu.memory_space<semaphore_mem>>) src(%dma_wait3A_22 : memref<156160x16xf32, #tpu.memory_space<hbm>>) dst(%arg9 : memref<976x16xf32, #tpu.memory_space<vmem>>)
      "tpu.region"() ({
        %run_scoped3A = tpu.sem_alloc : memref<!tpu.dma_semaphore, #tpu.memory_space<semaphore_mem>>
        %dma_start3A_23 = arith.constant 0 : i32
        %dma_start3A_24 = arith.constant 0 : i32
        %dma_start3A_25 = tpu.memref_slice %arg10[%dma_start3A_23, %dma_start3A_24] : memref<10000x16xf32, #tpu.memory_space<vmem_shared>> -> memref<10000x16xf32, #tpu.memory_space<vmem_shared>>
        tpu.enqueue_indirect_dma source(%arg9 : memref<976x16xf32, #tpu.memory_space<vmem>>) target(%dma_start3A_25 : memref<10000x16xf32, #tpu.memory_space<vmem_shared>>) offsets(%arg7 : memref<976xi32, #tpu.memory_space<vmem>>) semaphore(%run_scoped3A : memref<!tpu.dma_semaphore, #tpu.memory_space<semaphore_mem>>) {add = true}
        %dma_wait3A_26 = arith.constant 0 : i32
        %dma_wait3A_27 = arith.constant 0 : i32
        %dma_wait3A_28 = tpu.memref_slice %arg10[%dma_wait3A_26, %dma_wait3A_27] : memref<10000x16xf32, #tpu.memory_space<vmem_shared>> -> memref<10000x16xf32, #tpu.memory_space<vmem_shared>>
        tpu.wait_indirect_dma semaphore(%run_scoped3A : memref<!tpu.dma_semaphore, #tpu.memory_space<semaphore_mem>>) src(%arg9 : memref<976x16xf32, #tpu.memory_space<vmem>>) dst(%dma_wait3A_28 : memref<10000x16xf32, #tpu.memory_space<vmem_shared>>)
        tpu.yield
      }) : () -> ()
    }
    %scan3A_9 = arith.constant 5 : i32
    %barrier3A_10 = arith.constant 0 : index
    tpu.barrier barrier_id(%barrier3A_10)
    %mul3A_11 = arith.constant 625 : i32
    %mul3A_12 = arith.muli %arg1, %mul3A_11 : i32
    %mul3A_13 = arith.constant 625 : i32
    %mul3A_14 = arith.muli %arg1, %mul3A_13 : i32
    "tpu.region"() ({
      %run_scoped3A = tpu.sem_alloc : memref<!tpu.dma_semaphore, #tpu.memory_space<semaphore_mem>>
      %dma_start3A = arith.constant 0 : i32
      %dma_start3A_15 = tpu.memref_slice %arg6[%arg0, %mul3A_14, %dma_start3A] : memref<2x10000x16xf32, #tpu.memory_space<hbm>> -> memref<1x625x16xf32, #tpu.memory_space<hbm>>
      %dma_start3A_16 = tpu.memref_squeeze %dma_start3A_15 : memref<1x625x16xf32, #tpu.memory_space<hbm>> -> memref<625x16xf32, #tpu.memory_space<hbm>>
      %dma_start3A_17 = arith.constant 0 : i32
      %dma_start3A_18 = tpu.memref_slice %arg10[%mul3A_12, %dma_start3A_17] : memref<10000x16xf32, #tpu.memory_space<vmem_shared>> -> memref<625x16xf32, #tpu.memory_space<vmem_shared>>
      tpu.enqueue_dma source(%dma_start3A_18 : memref<625x16xf32, #tpu.memory_space<vmem_shared>>) target(%dma_start3A_16 : memref<625x16xf32, #tpu.memory_space<hbm>>) target_semaphore(%run_scoped3A : memref<!tpu.dma_semaphore, #tpu.memory_space<semaphore_mem>>)
      %dma_wait3A = arith.constant 0 : i32
      %dma_wait3A_19 = tpu.memref_slice %arg6[%arg0, %mul3A_14, %dma_wait3A] : memref<2x10000x16xf32, #tpu.memory_space<hbm>> -> memref<1x625x16xf32, #tpu.memory_space<hbm>>
      %dma_wait3A_20 = tpu.memref_squeeze %dma_wait3A_19 : memref<1x625x16xf32, #tpu.memory_space<hbm>> -> memref<625x16xf32, #tpu.memory_space<hbm>>
      %dma_wait3A_21 = arith.constant 0 : i32
      %dma_wait3A_22 = tpu.memref_slice %arg10[%mul3A_12, %dma_wait3A_21] : memref<10000x16xf32, #tpu.memory_space<vmem_shared>> -> memref<625x16xf32, #tpu.memory_space<vmem_shared>>
      tpu.wait_dma2 semaphore(%run_scoped3A : memref<!tpu.dma_semaphore, #tpu.memory_space<semaphore_mem>>) src(%dma_wait3A_22 : memref<625x16xf32, #tpu.memory_space<vmem_shared>>) dst(%dma_wait3A_20 : memref<625x16xf32, #tpu.memory_space<hbm>>)
      tpu.yield
    }) : () -> ()
    return
  }
}

module attributes {stable_mosaic.version = 14 : i64} {
  func.func @_edges1_body(%arg0: i32, %arg1: memref<320x8x16xf32, #tpu.memory_space<vmem>>, %arg2: memref<320x128xf32, #tpu.memory_space<vmem>>, %arg3: memref<16x136xf32, #tpu.memory_space<vmem>>, %arg4: memref<1x136xf32, #tpu.memory_space<vmem>>, %arg5: memref<136x256xf32, #tpu.memory_space<vmem>>, %arg6: memref<1x256xf32, #tpu.memory_space<vmem>>, %arg7: memref<16x256xf32, #tpu.memory_space<vmem>>, %arg8: memref<256x16xf32, #tpu.memory_space<vmem>>, %arg9: memref<320x128xf32, #tpu.memory_space<vmem>>, %arg10: memref<320x128xf32, #tpu.memory_space<vmem>>) attributes {dimension_semantics = [#tpu.dimension_semantics<arbitrary>], iteration_bounds = array<i64: 64>, scalar_prefetch = 0 : i64, scratch_operands = 0 : i64, tpu.core_type = #tpu.core_type<tc>, window_params = [{transform_indices = @transform_0, window_bounds = array<i64: 320, 8, 16>}, {transform_indices = @transform_1, window_bounds = array<i64: 320, 128>}, {pipeline_mode = #tpu.pipeline_mode<synchronous>, transform_indices = @transform_2, window_bounds = array<i64: 16, 136>}, {pipeline_mode = #tpu.pipeline_mode<synchronous>, transform_indices = @transform_3, window_bounds = array<i64: 1, 136>}, {pipeline_mode = #tpu.pipeline_mode<synchronous>, transform_indices = @transform_4, window_bounds = array<i64: 136, 256>}, {pipeline_mode = #tpu.pipeline_mode<synchronous>, transform_indices = @transform_5, window_bounds = array<i64: 1, 256>}, {pipeline_mode = #tpu.pipeline_mode<synchronous>, transform_indices = @transform_6, window_bounds = array<i64: 16, 256>}, {pipeline_mode = #tpu.pipeline_mode<synchronous>, transform_indices = @transform_7, window_bounds = array<i64: 256, 16>}, {transform_indices = @transform_8, window_bounds = array<i64: 320, 128>}, {transform_indices = @transform_9, window_bounds = array<i64: 320, 128>}]} {
    %get3A = arith.constant 0 : index
    %get3A_0 = arith.constant 0 : index
    %get3A_1 = arith.constant 0 : index
    %get3A_2 = vector.load %arg1[%get3A, %get3A_0, %get3A_1] : memref<320x8x16xf32, #tpu.memory_space<vmem>>, vector<320x8x16xf32>
    %reshape3A = vector.shape_cast %get3A_2 : vector<320x8x16xf32> to vector<2560x16xf32>
    %get3A_3 = arith.constant 0 : index
    %get3A_4 = arith.constant 0 : index
    %get3A_5 = vector.load %arg2[%get3A_3, %get3A_4] : memref<320x128xf32, #tpu.memory_space<vmem>>, vector<320x128xf32>
    %slice3A = vector.extract_strided_slice %get3A_5 {offsets = [0, 0], sizes = [320, 16], strides = [1, 1]} : vector<320x128xf32> to vector<320x16xf32>
    %slice3A_6 = vector.extract_strided_slice %get3A_5 {offsets = [0, 16], sizes = [320, 16], strides = [1, 1]} : vector<320x128xf32> to vector<320x16xf32>
    %slice3A_7 = vector.extract_strided_slice %get3A_5 {offsets = [0, 32], sizes = [320, 16], strides = [1, 1]} : vector<320x128xf32> to vector<320x16xf32>
    %slice3A_8 = vector.extract_strided_slice %get3A_5 {offsets = [0, 48], sizes = [320, 16], strides = [1, 1]} : vector<320x128xf32> to vector<320x16xf32>
    %slice3A_9 = vector.extract_strided_slice %get3A_5 {offsets = [0, 64], sizes = [320, 16], strides = [1, 1]} : vector<320x128xf32> to vector<320x16xf32>
    %slice3A_10 = vector.extract_strided_slice %get3A_5 {offsets = [0, 80], sizes = [320, 16], strides = [1, 1]} : vector<320x128xf32> to vector<320x16xf32>
    %slice3A_11 = vector.extract_strided_slice %get3A_5 {offsets = [0, 96], sizes = [320, 16], strides = [1, 1]} : vector<320x128xf32> to vector<320x16xf32>
    %slice3A_12 = vector.extract_strided_slice %get3A_5 {offsets = [0, 112], sizes = [320, 16], strides = [1, 1]} : vector<320x128xf32> to vector<320x16xf32>
    %concatenate3A = tpu.concatenate %slice3A, %slice3A_6, %slice3A_7, %slice3A_8, %slice3A_9, %slice3A_10, %slice3A_11, %slice3A_12 in 0 : vector<320x16xf32>, vector<320x16xf32>, vector<320x16xf32>, vector<320x16xf32>, vector<320x16xf32>, vector<320x16xf32>, vector<320x16xf32>, vector<320x16xf32> -> vector<2560x16xf32>
    %get3A_13 = arith.constant 0 : index
    %get3A_14 = arith.constant 0 : index
    %get3A_15 = vector.load %arg3[%get3A_13, %get3A_14] : memref<16x136xf32, #tpu.memory_space<vmem>>, vector<16x136xf32>
    %dot_general3A = arith.constant dense<0.000000e+00> : vector<2560x136xf32>
    %dot_general3A_16 = tpu.matmul %reshape3A, %get3A_15, %dot_general3A {dimension_numbers = #tpu.dot_dimension_numbers<[1], [0], [0], [1], [0, 0, 1, 1], [], []>, transpose_lhs_hint = false} : vector<2560x16xf32>, vector<16x136xf32>, vector<2560x136xf32> -> vector<2560x136xf32>
    %get3A_17 = arith.constant 0 : index
    %get3A_18 = arith.constant 0 : index
    %get3A_19 = vector.load %arg4[%get3A_17, %get3A_18] : memref<1x136xf32, #tpu.memory_space<vmem>>, vector<1x136xf32>
    %add3A = vector.broadcast %get3A_19 : vector<1x136xf32> to vector<2560x136xf32>
    %add3A_20 = arith.addf %dot_general3A_16, %add3A : vector<2560x136xf32>
    %max3A = arith.constant 0.000000e+00 : f32
    %max3A_21 = vector.broadcast %max3A : f32 to vector<2560x136xf32>
    %max3A_22 = arith.maximumf %add3A_20, %max3A_21 : vector<2560x136xf32>
    %get3A_23 = arith.constant 0 : index
    %get3A_24 = arith.constant 0 : index
    %get3A_25 = vector.load %arg5[%get3A_23, %get3A_24] : memref<136x256xf32, #tpu.memory_space<vmem>>, vector<136x256xf32>
    %dot_general3A_26 = arith.constant dense<0.000000e+00> : vector<2560x256xf32>
    %dot_general3A_27 = tpu.matmul %max3A_22, %get3A_25, %dot_general3A_26 {dimension_numbers = #tpu.dot_dimension_numbers<[1], [0], [0], [1], [0, 0, 1, 1], [], []>, transpose_lhs_hint = false} : vector<2560x136xf32>, vector<136x256xf32>, vector<2560x256xf32> -> vector<2560x256xf32>
    %get3A_28 = arith.constant 0 : index
    %get3A_29 = arith.constant 0 : index
    %get3A_30 = vector.load %arg6[%get3A_28, %get3A_29] : memref<1x256xf32, #tpu.memory_space<vmem>>, vector<1x256xf32>
    %add3A_31 = vector.broadcast %get3A_30 : vector<1x256xf32> to vector<2560x256xf32>
    %add3A_32 = arith.addf %dot_general3A_27, %add3A_31 : vector<2560x256xf32>
    %get3A_33 = arith.constant 0 : index
    %get3A_34 = arith.constant 0 : index
    %get3A_35 = vector.load %arg7[%get3A_33, %get3A_34] : memref<16x256xf32, #tpu.memory_space<vmem>>, vector<16x256xf32>
    %dot_general3A_36 = arith.constant dense<0.000000e+00> : vector<2560x256xf32>
    %dot_general3A_37 = tpu.matmul %concatenate3A, %get3A_35, %dot_general3A_36 {dimension_numbers = #tpu.dot_dimension_numbers<[1], [0], [0], [1], [0, 0, 1, 1], [], []>, transpose_lhs_hint = false} : vector<2560x16xf32>, vector<16x256xf32>, vector<2560x256xf32> -> vector<2560x256xf32>
    %mul3A = arith.mulf %dot_general3A_37, %add3A_32 : vector<2560x256xf32>
    %get3A_38 = arith.constant 0 : index
    %get3A_39 = arith.constant 0 : index
    %get3A_40 = vector.load %arg8[%get3A_38, %get3A_39] : memref<256x16xf32, #tpu.memory_space<vmem>>, vector<256x16xf32>
    %dot_general3A_41 = arith.constant dense<0.000000e+00> : vector<2560x16xf32>
    %dot_general3A_42 = tpu.matmul %mul3A, %get3A_40, %dot_general3A_41 {dimension_numbers = #tpu.dot_dimension_numbers<[1], [0], [0], [1], [0, 0, 1, 1], [], []>, transpose_lhs_hint = false} : vector<2560x256xf32>, vector<256x16xf32>, vector<2560x16xf32> -> vector<2560x16xf32>
    %slice3A_43 = vector.extract_strided_slice %dot_general3A_42 {offsets = [0, 0], sizes = [320, 16], strides = [1, 1]} : vector<2560x16xf32> to vector<320x16xf32>
    %slice3A_44 = vector.extract_strided_slice %dot_general3A_42 {offsets = [320, 0], sizes = [320, 16], strides = [1, 1]} : vector<2560x16xf32> to vector<320x16xf32>
    %slice3A_45 = vector.extract_strided_slice %dot_general3A_42 {offsets = [640, 0], sizes = [320, 16], strides = [1, 1]} : vector<2560x16xf32> to vector<320x16xf32>
    %slice3A_46 = vector.extract_strided_slice %dot_general3A_42 {offsets = [960, 0], sizes = [320, 16], strides = [1, 1]} : vector<2560x16xf32> to vector<320x16xf32>
    %slice3A_47 = vector.extract_strided_slice %dot_general3A_42 {offsets = [1280, 0], sizes = [320, 16], strides = [1, 1]} : vector<2560x16xf32> to vector<320x16xf32>
    %slice3A_48 = vector.extract_strided_slice %dot_general3A_42 {offsets = [1600, 0], sizes = [320, 16], strides = [1, 1]} : vector<2560x16xf32> to vector<320x16xf32>
    %slice3A_49 = vector.extract_strided_slice %dot_general3A_42 {offsets = [1920, 0], sizes = [320, 16], strides = [1, 1]} : vector<2560x16xf32> to vector<320x16xf32>
    %slice3A_50 = vector.extract_strided_slice %dot_general3A_42 {offsets = [2240, 0], sizes = [320, 16], strides = [1, 1]} : vector<2560x16xf32> to vector<320x16xf32>
    %concatenate3A_51 = tpu.concatenate %slice3A_43, %slice3A_44, %slice3A_45, %slice3A_46, %slice3A_47, %slice3A_48, %slice3A_49, %slice3A_50 in 1 : vector<320x16xf32>, vector<320x16xf32>, vector<320x16xf32>, vector<320x16xf32>, vector<320x16xf32>, vector<320x16xf32>, vector<320x16xf32>, vector<320x16xf32> -> vector<320x128xf32>
    %swap3A = arith.constant 0 : index
    %swap3A_52 = arith.constant 0 : index
    %swap3A_53 = vector.load %arg9[%swap3A, %swap3A_52] : memref<320x128xf32, #tpu.memory_space<vmem>>, vector<320x128xf32>
    tpu.vector_store %arg9[%swap3A, %swap3A_52], %concatenate3A_51 {strides = array<i32>} : memref<320x128xf32, #tpu.memory_space<vmem>>, vector<320x128xf32>,
    %slice3A_54 = vector.extract_strided_slice %reshape3A {offsets = [0, 0], sizes = [320, 16], strides = [1, 1]} : vector<2560x16xf32> to vector<320x16xf32>
    %slice3A_55 = vector.extract_strided_slice %reshape3A {offsets = [320, 0], sizes = [320, 16], strides = [1, 1]} : vector<2560x16xf32> to vector<320x16xf32>
    %slice3A_56 = vector.extract_strided_slice %reshape3A {offsets = [640, 0], sizes = [320, 16], strides = [1, 1]} : vector<2560x16xf32> to vector<320x16xf32>
    %slice3A_57 = vector.extract_strided_slice %reshape3A {offsets = [960, 0], sizes = [320, 16], strides = [1, 1]} : vector<2560x16xf32> to vector<320x16xf32>
    %slice3A_58 = vector.extract_strided_slice %reshape3A {offsets = [1280, 0], sizes = [320, 16], strides = [1, 1]} : vector<2560x16xf32> to vector<320x16xf32>
    %slice3A_59 = vector.extract_strided_slice %reshape3A {offsets = [1600, 0], sizes = [320, 16], strides = [1, 1]} : vector<2560x16xf32> to vector<320x16xf32>
    %slice3A_60 = vector.extract_strided_slice %reshape3A {offsets = [1920, 0], sizes = [320, 16], strides = [1, 1]} : vector<2560x16xf32> to vector<320x16xf32>
    %slice3A_61 = vector.extract_strided_slice %reshape3A {offsets = [2240, 0], sizes = [320, 16], strides = [1, 1]} : vector<2560x16xf32> to vector<320x16xf32>
    %concatenate3A_62 = tpu.concatenate %slice3A_54, %slice3A_55, %slice3A_56, %slice3A_57, %slice3A_58, %slice3A_59, %slice3A_60, %slice3A_61 in 1 : vector<320x16xf32>, vector<320x16xf32>, vector<320x16xf32>, vector<320x16xf32>, vector<320x16xf32>, vector<320x16xf32>, vector<320x16xf32>, vector<320x16xf32> -> vector<320x128xf32>
    %swap3A_63 = arith.constant 0 : index
    %swap3A_64 = arith.constant 0 : index
    %swap3A_65 = vector.load %arg10[%swap3A_63, %swap3A_64] : memref<320x128xf32, #tpu.memory_space<vmem>>, vector<320x128xf32>
    tpu.vector_store %arg10[%swap3A_63, %swap3A_64], %concatenate3A_62 {strides = array<i32>} : memref<320x128xf32, #tpu.memory_space<vmem>>, vector<320x128xf32>,
    return
  }
  func.func @transform_0(%arg0: i32) -> (i32, i32, i32) {
    %add3A = arith.constant 0 : i32
    %add3A_0 = arith.addi %arg0, %add3A : i32
    %c0_i32 = arith.constant 0 : i32
    %c0_i32_1 = arith.constant 0 : i32
    %c0_i32_2 = arith.constant 0 : i32
    return %add3A_0, %c0_i32, %c0_i32_1 : i32, i32, i32
  }
  func.func @transform_1(%arg0: i32) -> (i32, i32) {
    %c0_i32 = arith.constant 0 : i32
    %c0_i32_0 = arith.constant 0 : i32
    return %arg0, %c0_i32 : i32, i32
  }
  func.func @transform_2(%arg0: i32) -> (i32, i32) {
    %c0_i32 = arith.constant 0 : i32
    %c0_i32_0 = arith.constant 0 : i32
    %c0_i32_1 = arith.constant 0 : i32
    return %c0_i32, %c0_i32_0 : i32, i32
  }
  func.func @transform_3(%arg0: i32) -> (i32, i32) {
    %c0_i32 = arith.constant 0 : i32
    %c0_i32_0 = arith.constant 0 : i32
    %c0_i32_1 = arith.constant 0 : i32
    return %c0_i32, %c0_i32_0 : i32, i32
  }
  func.func @transform_4(%arg0: i32) -> (i32, i32) {
    %c0_i32 = arith.constant 0 : i32
    %c0_i32_0 = arith.constant 0 : i32
    %c0_i32_1 = arith.constant 0 : i32
    return %c0_i32, %c0_i32_0 : i32, i32
  }
  func.func @transform_5(%arg0: i32) -> (i32, i32) {
    %c0_i32 = arith.constant 0 : i32
    %c0_i32_0 = arith.constant 0 : i32
    %c0_i32_1 = arith.constant 0 : i32
    return %c0_i32, %c0_i32_0 : i32, i32
  }
  func.func @transform_6(%arg0: i32) -> (i32, i32) {
    %c0_i32 = arith.constant 0 : i32
    %c0_i32_0 = arith.constant 0 : i32
    %c0_i32_1 = arith.constant 0 : i32
    return %c0_i32, %c0_i32_0 : i32, i32
  }
  func.func @transform_7(%arg0: i32) -> (i32, i32) {
    %c0_i32 = arith.constant 0 : i32
    %c0_i32_0 = arith.constant 0 : i32
    %c0_i32_1 = arith.constant 0 : i32
    return %c0_i32, %c0_i32_0 : i32, i32
  }
  func.func @transform_8(%arg0: i32) -> (i32, i32) {
    %c0_i32 = arith.constant 0 : i32
    %c0_i32_0 = arith.constant 0 : i32
    return %arg0, %c0_i32 : i32, i32
  }
  func.func @transform_9(%arg0: i32) -> (i32, i32) {
    %c0_i32 = arith.constant 0 : i32
    %c0_i32_0 = arith.constant 0 : i32
    return %arg0, %c0_i32 : i32, i32
  }
}

module attributes {stable_mosaic.version = 14 : i64} {
  func.func @_edges1_body(%arg0: i32, %arg1: memref<320x8x16xf32, #tpu.memory_space<vmem>>, %arg2: memref<320x128xf32, #tpu.memory_space<vmem>>, %arg3: memref<16x136xf32, #tpu.memory_space<vmem>>, %arg4: memref<1x136xf32, #tpu.memory_space<vmem>>, %arg5: memref<136x256xf32, #tpu.memory_space<vmem>>, %arg6: memref<1x256xf32, #tpu.memory_space<vmem>>, %arg7: memref<16x256xf32, #tpu.memory_space<vmem>>, %arg8: memref<256x16xf32, #tpu.memory_space<vmem>>, %arg9: memref<320x128xf32, #tpu.memory_space<vmem>>, %arg10: memref<320x128xf32, #tpu.memory_space<vmem>>) attributes {dimension_semantics = [#tpu.dimension_semantics<arbitrary>], iteration_bounds = array<i64: 61>, scalar_prefetch = 0 : i64, scratch_operands = 0 : i64, tpu.core_type = #tpu.core_type<tc>, window_params = [{transform_indices = @transform_0, window_bounds = array<i64: 320, 8, 16>}, {transform_indices = @transform_1, window_bounds = array<i64: 320, 128>}, {pipeline_mode = #tpu.pipeline_mode<synchronous>, transform_indices = @transform_2, window_bounds = array<i64: 16, 136>}, {pipeline_mode = #tpu.pipeline_mode<synchronous>, transform_indices = @transform_3, window_bounds = array<i64: 1, 136>}, {pipeline_mode = #tpu.pipeline_mode<synchronous>, transform_indices = @transform_4, window_bounds = array<i64: 136, 256>}, {pipeline_mode = #tpu.pipeline_mode<synchronous>, transform_indices = @transform_5, window_bounds = array<i64: 1, 256>}, {pipeline_mode = #tpu.pipeline_mode<synchronous>, transform_indices = @transform_6, window_bounds = array<i64: 16, 256>}, {pipeline_mode = #tpu.pipeline_mode<synchronous>, transform_indices = @transform_7, window_bounds = array<i64: 256, 16>}, {transform_indices = @transform_8, window_bounds = array<i64: 320, 128>}, {transform_indices = @transform_9, window_bounds = array<i64: 320, 128>}]} {
    %get3A = arith.constant 0 : index
    %get3A_0 = arith.constant 0 : index
    %get3A_1 = arith.constant 0 : index
    %get3A_2 = vector.load %arg1[%get3A, %get3A_0, %get3A_1] : memref<320x8x16xf32, #tpu.memory_space<vmem>>, vector<320x8x16xf32>
    %reshape3A = vector.shape_cast %get3A_2 : vector<320x8x16xf32> to vector<2560x16xf32>
    %get3A_3 = arith.constant 0 : index
    %get3A_4 = arith.constant 0 : index
    %get3A_5 = vector.load %arg2[%get3A_3, %get3A_4] : memref<320x128xf32, #tpu.memory_space<vmem>>, vector<320x128xf32>
    %slice3A = vector.extract_strided_slice %get3A_5 {offsets = [0, 0], sizes = [320, 16], strides = [1, 1]} : vector<320x128xf32> to vector<320x16xf32>
    %slice3A_6 = vector.extract_strided_slice %get3A_5 {offsets = [0, 16], sizes = [320, 16], strides = [1, 1]} : vector<320x128xf32> to vector<320x16xf32>
    %slice3A_7 = vector.extract_strided_slice %get3A_5 {offsets = [0, 32], sizes = [320, 16], strides = [1, 1]} : vector<320x128xf32> to vector<320x16xf32>
    %slice3A_8 = vector.extract_strided_slice %get3A_5 {offsets = [0, 48], sizes = [320, 16], strides = [1, 1]} : vector<320x128xf32> to vector<320x16xf32>
    %slice3A_9 = vector.extract_strided_slice %get3A_5 {offsets = [0, 64], sizes = [320, 16], strides = [1, 1]} : vector<320x128xf32> to vector<320x16xf32>
    %slice3A_10 = vector.extract_strided_slice %get3A_5 {offsets = [0, 80], sizes = [320, 16], strides = [1, 1]} : vector<320x128xf32> to vector<320x16xf32>
    %slice3A_11 = vector.extract_strided_slice %get3A_5 {offsets = [0, 96], sizes = [320, 16], strides = [1, 1]} : vector<320x128xf32> to vector<320x16xf32>
    %slice3A_12 = vector.extract_strided_slice %get3A_5 {offsets = [0, 112], sizes = [320, 16], strides = [1, 1]} : vector<320x128xf32> to vector<320x16xf32>
    %concatenate3A = tpu.concatenate %slice3A, %slice3A_6, %slice3A_7, %slice3A_8, %slice3A_9, %slice3A_10, %slice3A_11, %slice3A_12 in 0 : vector<320x16xf32>, vector<320x16xf32>, vector<320x16xf32>, vector<320x16xf32>, vector<320x16xf32>, vector<320x16xf32>, vector<320x16xf32>, vector<320x16xf32> -> vector<2560x16xf32>
    %get3A_13 = arith.constant 0 : index
    %get3A_14 = arith.constant 0 : index
    %get3A_15 = vector.load %arg3[%get3A_13, %get3A_14] : memref<16x136xf32, #tpu.memory_space<vmem>>, vector<16x136xf32>
    %dot_general3A = arith.constant dense<0.000000e+00> : vector<2560x136xf32>
    %dot_general3A_16 = tpu.matmul %reshape3A, %get3A_15, %dot_general3A {dimension_numbers = #tpu.dot_dimension_numbers<[1], [0], [0], [1], [0, 0, 1, 1], [], []>, transpose_lhs_hint = false} : vector<2560x16xf32>, vector<16x136xf32>, vector<2560x136xf32> -> vector<2560x136xf32>
    %get3A_17 = arith.constant 0 : index
    %get3A_18 = arith.constant 0 : index
    %get3A_19 = vector.load %arg4[%get3A_17, %get3A_18] : memref<1x136xf32, #tpu.memory_space<vmem>>, vector<1x136xf32>
    %add3A = vector.broadcast %get3A_19 : vector<1x136xf32> to vector<2560x136xf32>
    %add3A_20 = arith.addf %dot_general3A_16, %add3A : vector<2560x136xf32>
    %max3A = arith.constant 0.000000e+00 : f32
    %max3A_21 = vector.broadcast %max3A : f32 to vector<2560x136xf32>
    %max3A_22 = arith.maximumf %add3A_20, %max3A_21 : vector<2560x136xf32>
    %get3A_23 = arith.constant 0 : index
    %get3A_24 = arith.constant 0 : index
    %get3A_25 = vector.load %arg5[%get3A_23, %get3A_24] : memref<136x256xf32, #tpu.memory_space<vmem>>, vector<136x256xf32>
    %dot_general3A_26 = arith.constant dense<0.000000e+00> : vector<2560x256xf32>
    %dot_general3A_27 = tpu.matmul %max3A_22, %get3A_25, %dot_general3A_26 {dimension_numbers = #tpu.dot_dimension_numbers<[1], [0], [0], [1], [0, 0, 1, 1], [], []>, transpose_lhs_hint = false} : vector<2560x136xf32>, vector<136x256xf32>, vector<2560x256xf32> -> vector<2560x256xf32>
    %get3A_28 = arith.constant 0 : index
    %get3A_29 = arith.constant 0 : index
    %get3A_30 = vector.load %arg6[%get3A_28, %get3A_29] : memref<1x256xf32, #tpu.memory_space<vmem>>, vector<1x256xf32>
    %add3A_31 = vector.broadcast %get3A_30 : vector<1x256xf32> to vector<2560x256xf32>
    %add3A_32 = arith.addf %dot_general3A_27, %add3A_31 : vector<2560x256xf32>
    %get3A_33 = arith.constant 0 : index
    %get3A_34 = arith.constant 0 : index
    %get3A_35 = vector.load %arg7[%get3A_33, %get3A_34] : memref<16x256xf32, #tpu.memory_space<vmem>>, vector<16x256xf32>
    %dot_general3A_36 = arith.constant dense<0.000000e+00> : vector<2560x256xf32>
    %dot_general3A_37 = tpu.matmul %concatenate3A, %get3A_35, %dot_general3A_36 {dimension_numbers = #tpu.dot_dimension_numbers<[1], [0], [0], [1], [0, 0, 1, 1], [], []>, transpose_lhs_hint = false} : vector<2560x16xf32>, vector<16x256xf32>, vector<2560x256xf32> -> vector<2560x256xf32>
    %mul3A = arith.mulf %dot_general3A_37, %add3A_32 : vector<2560x256xf32>
    %get3A_38 = arith.constant 0 : index
    %get3A_39 = arith.constant 0 : index
    %get3A_40 = vector.load %arg8[%get3A_38, %get3A_39] : memref<256x16xf32, #tpu.memory_space<vmem>>, vector<256x16xf32>
    %dot_general3A_41 = arith.constant dense<0.000000e+00> : vector<2560x16xf32>
    %dot_general3A_42 = tpu.matmul %mul3A, %get3A_40, %dot_general3A_41 {dimension_numbers = #tpu.dot_dimension_numbers<[1], [0], [0], [1], [0, 0, 1, 1], [], []>, transpose_lhs_hint = false} : vector<2560x256xf32>, vector<256x16xf32>, vector<2560x16xf32> -> vector<2560x16xf32>
    %slice3A_43 = vector.extract_strided_slice %dot_general3A_42 {offsets = [0, 0], sizes = [320, 16], strides = [1, 1]} : vector<2560x16xf32> to vector<320x16xf32>
    %slice3A_44 = vector.extract_strided_slice %dot_general3A_42 {offsets = [320, 0], sizes = [320, 16], strides = [1, 1]} : vector<2560x16xf32> to vector<320x16xf32>
    %slice3A_45 = vector.extract_strided_slice %dot_general3A_42 {offsets = [640, 0], sizes = [320, 16], strides = [1, 1]} : vector<2560x16xf32> to vector<320x16xf32>
    %slice3A_46 = vector.extract_strided_slice %dot_general3A_42 {offsets = [960, 0], sizes = [320, 16], strides = [1, 1]} : vector<2560x16xf32> to vector<320x16xf32>
    %slice3A_47 = vector.extract_strided_slice %dot_general3A_42 {offsets = [1280, 0], sizes = [320, 16], strides = [1, 1]} : vector<2560x16xf32> to vector<320x16xf32>
    %slice3A_48 = vector.extract_strided_slice %dot_general3A_42 {offsets = [1600, 0], sizes = [320, 16], strides = [1, 1]} : vector<2560x16xf32> to vector<320x16xf32>
    %slice3A_49 = vector.extract_strided_slice %dot_general3A_42 {offsets = [1920, 0], sizes = [320, 16], strides = [1, 1]} : vector<2560x16xf32> to vector<320x16xf32>
    %slice3A_50 = vector.extract_strided_slice %dot_general3A_42 {offsets = [2240, 0], sizes = [320, 16], strides = [1, 1]} : vector<2560x16xf32> to vector<320x16xf32>
    %concatenate3A_51 = tpu.concatenate %slice3A_43, %slice3A_44, %slice3A_45, %slice3A_46, %slice3A_47, %slice3A_48, %slice3A_49, %slice3A_50 in 1 : vector<320x16xf32>, vector<320x16xf32>, vector<320x16xf32>, vector<320x16xf32>, vector<320x16xf32>, vector<320x16xf32>, vector<320x16xf32>, vector<320x16xf32> -> vector<320x128xf32>
    %swap3A = arith.constant 0 : index
    %swap3A_52 = arith.constant 0 : index
    %swap3A_53 = vector.load %arg9[%swap3A, %swap3A_52] : memref<320x128xf32, #tpu.memory_space<vmem>>, vector<320x128xf32>
    tpu.vector_store %arg9[%swap3A, %swap3A_52], %concatenate3A_51 {strides = array<i32>} : memref<320x128xf32, #tpu.memory_space<vmem>>, vector<320x128xf32>,
    %slice3A_54 = vector.extract_strided_slice %reshape3A {offsets = [0, 0], sizes = [320, 16], strides = [1, 1]} : vector<2560x16xf32> to vector<320x16xf32>
    %slice3A_55 = vector.extract_strided_slice %reshape3A {offsets = [320, 0], sizes = [320, 16], strides = [1, 1]} : vector<2560x16xf32> to vector<320x16xf32>
    %slice3A_56 = vector.extract_strided_slice %reshape3A {offsets = [640, 0], sizes = [320, 16], strides = [1, 1]} : vector<2560x16xf32> to vector<320x16xf32>
    %slice3A_57 = vector.extract_strided_slice %reshape3A {offsets = [960, 0], sizes = [320, 16], strides = [1, 1]} : vector<2560x16xf32> to vector<320x16xf32>
    %slice3A_58 = vector.extract_strided_slice %reshape3A {offsets = [1280, 0], sizes = [320, 16], strides = [1, 1]} : vector<2560x16xf32> to vector<320x16xf32>
    %slice3A_59 = vector.extract_strided_slice %reshape3A {offsets = [1600, 0], sizes = [320, 16], strides = [1, 1]} : vector<2560x16xf32> to vector<320x16xf32>
    %slice3A_60 = vector.extract_strided_slice %reshape3A {offsets = [1920, 0], sizes = [320, 16], strides = [1, 1]} : vector<2560x16xf32> to vector<320x16xf32>
    %slice3A_61 = vector.extract_strided_slice %reshape3A {offsets = [2240, 0], sizes = [320, 16], strides = [1, 1]} : vector<2560x16xf32> to vector<320x16xf32>
    %concatenate3A_62 = tpu.concatenate %slice3A_54, %slice3A_55, %slice3A_56, %slice3A_57, %slice3A_58, %slice3A_59, %slice3A_60, %slice3A_61 in 1 : vector<320x16xf32>, vector<320x16xf32>, vector<320x16xf32>, vector<320x16xf32>, vector<320x16xf32>, vector<320x16xf32>, vector<320x16xf32>, vector<320x16xf32> -> vector<320x128xf32>
    %swap3A_63 = arith.constant 0 : index
    %swap3A_64 = arith.constant 0 : index
    %swap3A_65 = vector.load %arg10[%swap3A_63, %swap3A_64] : memref<320x128xf32, #tpu.memory_space<vmem>>, vector<320x128xf32>
    tpu.vector_store %arg10[%swap3A_63, %swap3A_64], %concatenate3A_62 {strides = array<i32>} : memref<320x128xf32, #tpu.memory_space<vmem>>, vector<320x128xf32>,
    return
  }
  func.func @transform_0(%arg0: i32) -> (i32, i32, i32) {
    %add3A = arith.constant 64 : i32
    %add3A_0 = arith.addi %arg0, %add3A : i32
    %c0_i32 = arith.constant 0 : i32
    %c0_i32_1 = arith.constant 0 : i32
    %c0_i32_2 = arith.constant 0 : i32
    return %add3A_0, %c0_i32, %c0_i32_1 : i32, i32, i32
  }
  func.func @transform_1(%arg0: i32) -> (i32, i32) {
    %c0_i32 = arith.constant 0 : i32
    %c0_i32_0 = arith.constant 0 : i32
    return %arg0, %c0_i32 : i32, i32
  }
  func.func @transform_2(%arg0: i32) -> (i32, i32) {
    %c0_i32 = arith.constant 0 : i32
    %c0_i32_0 = arith.constant 0 : i32
    %c0_i32_1 = arith.constant 0 : i32
    return %c0_i32, %c0_i32_0 : i32, i32
  }
  func.func @transform_3(%arg0: i32) -> (i32, i32) {
    %c0_i32 = arith.constant 0 : i32
    %c0_i32_0 = arith.constant 0 : i32
    %c0_i32_1 = arith.constant 0 : i32
    return %c0_i32, %c0_i32_0 : i32, i32
  }
  func.func @transform_4(%arg0: i32) -> (i32, i32) {
    %c0_i32 = arith.constant 0 : i32
    %c0_i32_0 = arith.constant 0 : i32
    %c0_i32_1 = arith.constant 0 : i32
    return %c0_i32, %c0_i32_0 : i32, i32
  }
  func.func @transform_5(%arg0: i32) -> (i32, i32) {
    %c0_i32 = arith.constant 0 : i32
    %c0_i32_0 = arith.constant 0 : i32
    %c0_i32_1 = arith.constant 0 : i32
    return %c0_i32, %c0_i32_0 : i32, i32
  }
  func.func @transform_6(%arg0: i32) -> (i32, i32) {
    %c0_i32 = arith.constant 0 : i32
    %c0_i32_0 = arith.constant 0 : i32
    %c0_i32_1 = arith.constant 0 : i32
    return %c0_i32, %c0_i32_0 : i32, i32
  }
  func.func @transform_7(%arg0: i32) -> (i32, i32) {
    %c0_i32 = arith.constant 0 : i32
    %c0_i32_0 = arith.constant 0 : i32
    %c0_i32_1 = arith.constant 0 : i32
    return %c0_i32, %c0_i32_0 : i32, i32
  }
  func.func @transform_8(%arg0: i32) -> (i32, i32) {
    %c0_i32 = arith.constant 0 : i32
    %c0_i32_0 = arith.constant 0 : i32
    return %arg0, %c0_i32 : i32, i32
  }
  func.func @transform_9(%arg0: i32) -> (i32, i32) {
    %c0_i32 = arith.constant 0 : i32
    %c0_i32_0 = arith.constant 0 : i32
    return %arg0, %c0_i32 : i32, i32
  }
}

module attributes {stable_mosaic.version = 14 : i64} {
  func.func @_comb1_body(%arg0: memref<2x10000x16xf32, #tpu.memory_space<vmem>>, %arg1: memref<2x10000x16xf32, #tpu.memory_space<vmem>>, %arg2: memref<10000x16xf32, #tpu.memory_space<vmem>>, %arg3: memref<16x16xf32, #tpu.memory_space<vmem>>, %arg4: memref<1x16xf32, #tpu.memory_space<vmem>>, %arg5: memref<10000x16xf32, #tpu.memory_space<vmem>>) attributes {dimension_semantics = [], scalar_prefetch = 0 : i64, scratch_operands = 0 : i64, tpu.core_type = #tpu.core_type<tc>} {
    %get3A = arith.constant 0 : index
    %get3A_0 = arith.constant 0 : index
    %get3A_1 = arith.constant 0 : index
    %get3A_2 = vector.load %arg0[%get3A, %get3A_0, %get3A_1] : memref<2x10000x16xf32, #tpu.memory_space<vmem>>, vector<1x10000x16xf32>
    %get3A_3 = vector.shape_cast %get3A_2 : vector<1x10000x16xf32> to vector<10000x16xf32>
    %get3A_4 = arith.constant 1 : index
    %get3A_5 = arith.constant 0 : index
    %get3A_6 = arith.constant 0 : index
    %get3A_7 = vector.load %arg0[%get3A_4, %get3A_5, %get3A_6] : memref<2x10000x16xf32, #tpu.memory_space<vmem>>, vector<1x10000x16xf32>
    %get3A_8 = vector.shape_cast %get3A_7 : vector<1x10000x16xf32> to vector<10000x16xf32>
    %add3A = arith.addf %get3A_3, %get3A_8 : vector<10000x16xf32>
    %get3A_9 = arith.constant 0 : index
    %get3A_10 = arith.constant 0 : index
    %get3A_11 = arith.constant 0 : index
    %get3A_12 = vector.load %arg1[%get3A_9, %get3A_10, %get3A_11] : memref<2x10000x16xf32, #tpu.memory_space<vmem>>, vector<1x10000x16xf32>
    %get3A_13 = vector.shape_cast %get3A_12 : vector<1x10000x16xf32> to vector<10000x16xf32>
    %add3A_14 = arith.addf %add3A, %get3A_13 : vector<10000x16xf32>
    %get3A_15 = arith.constant 1 : index
    %get3A_16 = arith.constant 0 : index
    %get3A_17 = arith.constant 0 : index
    %get3A_18 = vector.load %arg1[%get3A_15, %get3A_16, %get3A_17] : memref<2x10000x16xf32, #tpu.memory_space<vmem>>, vector<1x10000x16xf32>
    %get3A_19 = vector.shape_cast %get3A_18 : vector<1x10000x16xf32> to vector<10000x16xf32>
    %add3A_20 = arith.addf %add3A_14, %get3A_19 : vector<10000x16xf32>
    %get3A_21 = arith.constant 0 : index
    %get3A_22 = arith.constant 0 : index
    %get3A_23 = vector.load %arg2[%get3A_21, %get3A_22] : memref<10000x16xf32, #tpu.memory_space<vmem>>, vector<10000x16xf32>
    %get3A_24 = arith.constant 0 : index
    %get3A_25 = arith.constant 0 : index
    %get3A_26 = vector.load %arg3[%get3A_24, %get3A_25] : memref<16x16xf32, #tpu.memory_space<vmem>>, vector<16x16xf32>
    %dot_general3A = arith.constant dense<0.000000e+00> : vector<10000x16xf32>
    %dot_general3A_27 = tpu.matmul %get3A_23, %get3A_26, %dot_general3A {dimension_numbers = #tpu.dot_dimension_numbers<[1], [0], [0], [1], [0, 0, 1, 1], [], []>, transpose_lhs_hint = false} : vector<10000x16xf32>, vector<16x16xf32>, vector<10000x16xf32> -> vector<10000x16xf32>
    %add3A_28 = arith.addf %add3A_20, %dot_general3A_27 : vector<10000x16xf32>
    %get3A_29 = arith.constant 0 : index
    %get3A_30 = arith.constant 0 : index
    %get3A_31 = vector.load %arg4[%get3A_29, %get3A_30] : memref<1x16xf32, #tpu.memory_space<vmem>>, vector<1x16xf32>
    %add3A_32 = vector.broadcast %get3A_31 : vector<1x16xf32> to vector<10000x16xf32>
    %add3A_33 = arith.addf %add3A_28, %add3A_32 : vector<10000x16xf32>
    %max3A = arith.constant 0.000000e+00 : f32
    %max3A_34 = vector.broadcast %max3A : f32 to vector<10000x16xf32>
    %max3A_35 = arith.maximumf %add3A_33, %max3A_34 : vector<10000x16xf32>
    %swap3A = arith.constant 0 : index
    %swap3A_36 = arith.constant 0 : index
    %swap3A_37 = vector.load %arg5[%swap3A, %swap3A_36] : memref<10000x16xf32, #tpu.memory_space<vmem>>, vector<10000x16xf32>
    tpu.vector_store %arg5[%swap3A, %swap3A_36], %max3A_35 {strides = array<i32>} : memref<10000x16xf32, #tpu.memory_space<vmem>>, vector<10000x16xf32>,
    return
  }
}

module attributes {stable_mosaic.version = 14 : i64} {
  func.func @_edges2_body(%arg0: i32, %arg1: memref<320x128xf32, #tpu.memory_space<vmem>>, %arg2: memref<320x128xf32, #tpu.memory_space<vmem>>, %arg3: memref<16x72xf32, #tpu.memory_space<vmem>>, %arg4: memref<1x72xf32, #tpu.memory_space<vmem>>, %arg5: memref<72x128xf32, #tpu.memory_space<vmem>>, %arg6: memref<1x128xf32, #tpu.memory_space<vmem>>, %arg7: memref<16x128xf32, #tpu.memory_space<vmem>>, %arg8: memref<128x16xf32, #tpu.memory_space<vmem>>, %arg9: memref<320x128xf32, #tpu.memory_space<vmem>>) attributes {dimension_semantics = [#tpu.dimension_semantics<arbitrary>], iteration_bounds = array<i64: 64>, scalar_prefetch = 0 : i64, scratch_operands = 0 : i64, tpu.core_type = #tpu.core_type<tc>, window_params = [{transform_indices = @transform_0, window_bounds = array<i64: 320, 128>}, {transform_indices = @transform_1, window_bounds = array<i64: 320, 128>}, {pipeline_mode = #tpu.pipeline_mode<synchronous>, transform_indices = @transform_2, window_bounds = array<i64: 16, 72>}, {pipeline_mode = #tpu.pipeline_mode<synchronous>, transform_indices = @transform_3, window_bounds = array<i64: 1, 72>}, {pipeline_mode = #tpu.pipeline_mode<synchronous>, transform_indices = @transform_4, window_bounds = array<i64: 72, 128>}, {pipeline_mode = #tpu.pipeline_mode<synchronous>, transform_indices = @transform_5, window_bounds = array<i64: 1, 128>}, {pipeline_mode = #tpu.pipeline_mode<synchronous>, transform_indices = @transform_6, window_bounds = array<i64: 16, 128>}, {pipeline_mode = #tpu.pipeline_mode<synchronous>, transform_indices = @transform_7, window_bounds = array<i64: 128, 16>}, {transform_indices = @transform_8, window_bounds = array<i64: 320, 128>}]} {
    %get3A = arith.constant 0 : index
    %get3A_0 = arith.constant 0 : index
    %get3A_1 = vector.load %arg1[%get3A, %get3A_0] : memref<320x128xf32, #tpu.memory_space<vmem>>, vector<320x128xf32>
    %slice3A = vector.extract_strided_slice %get3A_1 {offsets = [0, 0], sizes = [320, 16], strides = [1, 1]} : vector<320x128xf32> to vector<320x16xf32>
    %slice3A_2 = vector.extract_strided_slice %get3A_1 {offsets = [0, 16], sizes = [320, 16], strides = [1, 1]} : vector<320x128xf32> to vector<320x16xf32>
    %slice3A_3 = vector.extract_strided_slice %get3A_1 {offsets = [0, 32], sizes = [320, 16], strides = [1, 1]} : vector<320x128xf32> to vector<320x16xf32>
    %slice3A_4 = vector.extract_strided_slice %get3A_1 {offsets = [0, 48], sizes = [320, 16], strides = [1, 1]} : vector<320x128xf32> to vector<320x16xf32>
    %slice3A_5 = vector.extract_strided_slice %get3A_1 {offsets = [0, 64], sizes = [320, 16], strides = [1, 1]} : vector<320x128xf32> to vector<320x16xf32>
    %slice3A_6 = vector.extract_strided_slice %get3A_1 {offsets = [0, 80], sizes = [320, 16], strides = [1, 1]} : vector<320x128xf32> to vector<320x16xf32>
    %slice3A_7 = vector.extract_strided_slice %get3A_1 {offsets = [0, 96], sizes = [320, 16], strides = [1, 1]} : vector<320x128xf32> to vector<320x16xf32>
    %slice3A_8 = vector.extract_strided_slice %get3A_1 {offsets = [0, 112], sizes = [320, 16], strides = [1, 1]} : vector<320x128xf32> to vector<320x16xf32>
    %concatenate3A = tpu.concatenate %slice3A, %slice3A_2, %slice3A_3, %slice3A_4, %slice3A_5, %slice3A_6, %slice3A_7, %slice3A_8 in 0 : vector<320x16xf32>, vector<320x16xf32>, vector<320x16xf32>, vector<320x16xf32>, vector<320x16xf32>, vector<320x16xf32>, vector<320x16xf32>, vector<320x16xf32> -> vector<2560x16xf32>
    %get3A_9 = arith.constant 0 : index
    %get3A_10 = arith.constant 0 : index
    %get3A_11 = vector.load %arg2[%get3A_9, %get3A_10] : memref<320x128xf32, #tpu.memory_space<vmem>>, vector<320x128xf32>
    %slice3A_12 = vector.extract_strided_slice %get3A_11 {offsets = [0, 0], sizes = [320, 16], strides = [1, 1]} : vector<320x128xf32> to vector<320x16xf32>
    %slice3A_13 = vector.extract_strided_slice %get3A_11 {offsets = [0, 16], sizes = [320, 16], strides = [1, 1]} : vector<320x128xf32> to vector<320x16xf32>
    %slice3A_14 = vector.extract_strided_slice %get3A_11 {offsets = [0, 32], sizes = [320, 16], strides = [1, 1]} : vector<320x128xf32> to vector<320x16xf32>
    %slice3A_15 = vector.extract_strided_slice %get3A_11 {offsets = [0, 48], sizes = [320, 16], strides = [1, 1]} : vector<320x128xf32> to vector<320x16xf32>
    %slice3A_16 = vector.extract_strided_slice %get3A_11 {offsets = [0, 64], sizes = [320, 16], strides = [1, 1]} : vector<320x128xf32> to vector<320x16xf32>
    %slice3A_17 = vector.extract_strided_slice %get3A_11 {offsets = [0, 80], sizes = [320, 16], strides = [1, 1]} : vector<320x128xf32> to vector<320x16xf32>
    %slice3A_18 = vector.extract_strided_slice %get3A_11 {offsets = [0, 96], sizes = [320, 16], strides = [1, 1]} : vector<320x128xf32> to vector<320x16xf32>
    %slice3A_19 = vector.extract_strided_slice %get3A_11 {offsets = [0, 112], sizes = [320, 16], strides = [1, 1]} : vector<320x128xf32> to vector<320x16xf32>
    %concatenate3A_20 = tpu.concatenate %slice3A_12, %slice3A_13, %slice3A_14, %slice3A_15, %slice3A_16, %slice3A_17, %slice3A_18, %slice3A_19 in 0 : vector<320x16xf32>, vector<320x16xf32>, vector<320x16xf32>, vector<320x16xf32>, vector<320x16xf32>, vector<320x16xf32>, vector<320x16xf32>, vector<320x16xf32> -> vector<2560x16xf32>
    %get3A_21 = arith.constant 0 : index
    %get3A_22 = arith.constant 0 : index
    %get3A_23 = vector.load %arg3[%get3A_21, %get3A_22] : memref<16x72xf32, #tpu.memory_space<vmem>>, vector<16x72xf32>
    %dot_general3A = arith.constant dense<0.000000e+00> : vector<2560x72xf32>
    %dot_general3A_24 = tpu.matmul %concatenate3A, %get3A_23, %dot_general3A {dimension_numbers = #tpu.dot_dimension_numbers<[1], [0], [0], [1], [0, 0, 1, 1], [], []>, transpose_lhs_hint = false} : vector<2560x16xf32>, vector<16x72xf32>, vector<2560x72xf32> -> vector<2560x72xf32>
    %get3A_25 = arith.constant 0 : index
    %get3A_26 = arith.constant 0 : index
    %get3A_27 = vector.load %arg4[%get3A_25, %get3A_26] : memref<1x72xf32, #tpu.memory_space<vmem>>, vector<1x72xf32>
    %add3A = vector.broadcast %get3A_27 : vector<1x72xf32> to vector<2560x72xf32>
    %add3A_28 = arith.addf %dot_general3A_24, %add3A : vector<2560x72xf32>
    %max3A = arith.constant 0.000000e+00 : f32
    %max3A_29 = vector.broadcast %max3A : f32 to vector<2560x72xf32>
    %max3A_30 = arith.maximumf %add3A_28, %max3A_29 : vector<2560x72xf32>
    %get3A_31 = arith.constant 0 : index
    %get3A_32 = arith.constant 0 : index
    %get3A_33 = vector.load %arg5[%get3A_31, %get3A_32] : memref<72x128xf32, #tpu.memory_space<vmem>>, vector<72x128xf32>
    %dot_general3A_34 = arith.constant dense<0.000000e+00> : vector<2560x128xf32>
    %dot_general3A_35 = tpu.matmul %max3A_30, %get3A_33, %dot_general3A_34 {dimension_numbers = #tpu.dot_dimension_numbers<[1], [0], [0], [1], [0, 0, 1, 1], [], []>, transpose_lhs_hint = false} : vector<2560x72xf32>, vector<72x128xf32>, vector<2560x128xf32> -> vector<2560x128xf32>
    %get3A_36 = arith.constant 0 : index
    %get3A_37 = arith.constant 0 : index
    %get3A_38 = vector.load %arg6[%get3A_36, %get3A_37] : memref<1x128xf32, #tpu.memory_space<vmem>>, vector<1x128xf32>
    %add3A_39 = vector.broadcast %get3A_38 : vector<1x128xf32> to vector<2560x128xf32>
    %add3A_40 = arith.addf %dot_general3A_35, %add3A_39 : vector<2560x128xf32>
    %get3A_41 = arith.constant 0 : index
    %get3A_42 = arith.constant 0 : index
    %get3A_43 = vector.load %arg7[%get3A_41, %get3A_42] : memref<16x128xf32, #tpu.memory_space<vmem>>, vector<16x128xf32>
    %dot_general3A_44 = arith.constant dense<0.000000e+00> : vector<2560x128xf32>
    %dot_general3A_45 = tpu.matmul %concatenate3A_20, %get3A_43, %dot_general3A_44 {dimension_numbers = #tpu.dot_dimension_numbers<[1], [0], [0], [1], [0, 0, 1, 1], [], []>, transpose_lhs_hint = false} : vector<2560x16xf32>, vector<16x128xf32>, vector<2560x128xf32> -> vector<2560x128xf32>
    %mul3A = arith.mulf %dot_general3A_45, %add3A_40 : vector<2560x128xf32>
    %get3A_46 = arith.constant 0 : index
    %get3A_47 = arith.constant 0 : index
    %get3A_48 = vector.load %arg8[%get3A_46, %get3A_47] : memref<128x16xf32, #tpu.memory_space<vmem>>, vector<128x16xf32>
    %dot_general3A_49 = arith.constant dense<0.000000e+00> : vector<2560x16xf32>
    %dot_general3A_50 = tpu.matmul %mul3A, %get3A_48, %dot_general3A_49 {dimension_numbers = #tpu.dot_dimension_numbers<[1], [0], [0], [1], [0, 0, 1, 1], [], []>, transpose_lhs_hint = false} : vector<2560x128xf32>, vector<128x16xf32>, vector<2560x16xf32> -> vector<2560x16xf32>
    %slice3A_51 = vector.extract_strided_slice %dot_general3A_50 {offsets = [0, 0], sizes = [320, 16], strides = [1, 1]} : vector<2560x16xf32> to vector<320x16xf32>
    %slice3A_52 = vector.extract_strided_slice %dot_general3A_50 {offsets = [320, 0], sizes = [320, 16], strides = [1, 1]} : vector<2560x16xf32> to vector<320x16xf32>
    %slice3A_53 = vector.extract_strided_slice %dot_general3A_50 {offsets = [640, 0], sizes = [320, 16], strides = [1, 1]} : vector<2560x16xf32> to vector<320x16xf32>
    %slice3A_54 = vector.extract_strided_slice %dot_general3A_50 {offsets = [960, 0], sizes = [320, 16], strides = [1, 1]} : vector<2560x16xf32> to vector<320x16xf32>
    %slice3A_55 = vector.extract_strided_slice %dot_general3A_50 {offsets = [1280, 0], sizes = [320, 16], strides = [1, 1]} : vector<2560x16xf32> to vector<320x16xf32>
    %slice3A_56 = vector.extract_strided_slice %dot_general3A_50 {offsets = [1600, 0], sizes = [320, 16], strides = [1, 1]} : vector<2560x16xf32> to vector<320x16xf32>
    %slice3A_57 = vector.extract_strided_slice %dot_general3A_50 {offsets = [1920, 0], sizes = [320, 16], strides = [1, 1]} : vector<2560x16xf32> to vector<320x16xf32>
    %slice3A_58 = vector.extract_strided_slice %dot_general3A_50 {offsets = [2240, 0], sizes = [320, 16], strides = [1, 1]} : vector<2560x16xf32> to vector<320x16xf32>
    %concatenate3A_59 = tpu.concatenate %slice3A_51, %slice3A_52, %slice3A_53, %slice3A_54, %slice3A_55, %slice3A_56, %slice3A_57, %slice3A_58 in 1 : vector<320x16xf32>, vector<320x16xf32>, vector<320x16xf32>, vector<320x16xf32>, vector<320x16xf32>, vector<320x16xf32>, vector<320x16xf32>, vector<320x16xf32> -> vector<320x128xf32>
    %swap3A = arith.constant 0 : index
    %swap3A_60 = arith.constant 0 : index
    %swap3A_61 = vector.load %arg9[%swap3A, %swap3A_60] : memref<320x128xf32, #tpu.memory_space<vmem>>, vector<320x128xf32>
    tpu.vector_store %arg9[%swap3A, %swap3A_60], %concatenate3A_59 {strides = array<i32>} : memref<320x128xf32, #tpu.memory_space<vmem>>, vector<320x128xf32>,
    return
  }
  func.func @transform_0(%arg0: i32) -> (i32, i32) {
    %c0_i32 = arith.constant 0 : i32
    %c0_i32_0 = arith.constant 0 : i32
    return %arg0, %c0_i32 : i32, i32
  }
  func.func @transform_1(%arg0: i32) -> (i32, i32) {
    %c0_i32 = arith.constant 0 : i32
    %c0_i32_0 = arith.constant 0 : i32
    return %arg0, %c0_i32 : i32, i32
  }
  func.func @transform_2(%arg0: i32) -> (i32, i32) {
    %c0_i32 = arith.constant 0 : i32
    %c0_i32_0 = arith.constant 0 : i32
    %c0_i32_1 = arith.constant 0 : i32
    return %c0_i32, %c0_i32_0 : i32, i32
  }
  func.func @transform_3(%arg0: i32) -> (i32, i32) {
    %c0_i32 = arith.constant 0 : i32
    %c0_i32_0 = arith.constant 0 : i32
    %c0_i32_1 = arith.constant 0 : i32
    return %c0_i32, %c0_i32_0 : i32, i32
  }
  func.func @transform_4(%arg0: i32) -> (i32, i32) {
    %c0_i32 = arith.constant 0 : i32
    %c0_i32_0 = arith.constant 0 : i32
    %c0_i32_1 = arith.constant 0 : i32
    return %c0_i32, %c0_i32_0 : i32, i32
  }
  func.func @transform_5(%arg0: i32) -> (i32, i32) {
    %c0_i32 = arith.constant 0 : i32
    %c0_i32_0 = arith.constant 0 : i32
    %c0_i32_1 = arith.constant 0 : i32
    return %c0_i32, %c0_i32_0 : i32, i32
  }
  func.func @transform_6(%arg0: i32) -> (i32, i32) {
    %c0_i32 = arith.constant 0 : i32
    %c0_i32_0 = arith.constant 0 : i32
    %c0_i32_1 = arith.constant 0 : i32
    return %c0_i32, %c0_i32_0 : i32, i32
  }
  func.func @transform_7(%arg0: i32) -> (i32, i32) {
    %c0_i32 = arith.constant 0 : i32
    %c0_i32_0 = arith.constant 0 : i32
    %c0_i32_1 = arith.constant 0 : i32
    return %c0_i32, %c0_i32_0 : i32, i32
  }
  func.func @transform_8(%arg0: i32) -> (i32, i32) {
    %c0_i32 = arith.constant 0 : i32
    %c0_i32_0 = arith.constant 0 : i32
    return %arg0, %c0_i32 : i32, i32
  }
}

module attributes {stable_mosaic.version = 14 : i64} {
  func.func @_edges2_body(%arg0: i32, %arg1: memref<320x128xf32, #tpu.memory_space<vmem>>, %arg2: memref<320x128xf32, #tpu.memory_space<vmem>>, %arg3: memref<16x72xf32, #tpu.memory_space<vmem>>, %arg4: memref<1x72xf32, #tpu.memory_space<vmem>>, %arg5: memref<72x128xf32, #tpu.memory_space<vmem>>, %arg6: memref<1x128xf32, #tpu.memory_space<vmem>>, %arg7: memref<16x128xf32, #tpu.memory_space<vmem>>, %arg8: memref<128x16xf32, #tpu.memory_space<vmem>>, %arg9: memref<320x128xf32, #tpu.memory_space<vmem>>) attributes {dimension_semantics = [#tpu.dimension_semantics<arbitrary>], iteration_bounds = array<i64: 61>, scalar_prefetch = 0 : i64, scratch_operands = 0 : i64, tpu.core_type = #tpu.core_type<tc>, window_params = [{transform_indices = @transform_0, window_bounds = array<i64: 320, 128>}, {transform_indices = @transform_1, window_bounds = array<i64: 320, 128>}, {pipeline_mode = #tpu.pipeline_mode<synchronous>, transform_indices = @transform_2, window_bounds = array<i64: 16, 72>}, {pipeline_mode = #tpu.pipeline_mode<synchronous>, transform_indices = @transform_3, window_bounds = array<i64: 1, 72>}, {pipeline_mode = #tpu.pipeline_mode<synchronous>, transform_indices = @transform_4, window_bounds = array<i64: 72, 128>}, {pipeline_mode = #tpu.pipeline_mode<synchronous>, transform_indices = @transform_5, window_bounds = array<i64: 1, 128>}, {pipeline_mode = #tpu.pipeline_mode<synchronous>, transform_indices = @transform_6, window_bounds = array<i64: 16, 128>}, {pipeline_mode = #tpu.pipeline_mode<synchronous>, transform_indices = @transform_7, window_bounds = array<i64: 128, 16>}, {transform_indices = @transform_8, window_bounds = array<i64: 320, 128>}]} {
    %get3A = arith.constant 0 : index
    %get3A_0 = arith.constant 0 : index
    %get3A_1 = vector.load %arg1[%get3A, %get3A_0] : memref<320x128xf32, #tpu.memory_space<vmem>>, vector<320x128xf32>
    %slice3A = vector.extract_strided_slice %get3A_1 {offsets = [0, 0], sizes = [320, 16], strides = [1, 1]} : vector<320x128xf32> to vector<320x16xf32>
    %slice3A_2 = vector.extract_strided_slice %get3A_1 {offsets = [0, 16], sizes = [320, 16], strides = [1, 1]} : vector<320x128xf32> to vector<320x16xf32>
    %slice3A_3 = vector.extract_strided_slice %get3A_1 {offsets = [0, 32], sizes = [320, 16], strides = [1, 1]} : vector<320x128xf32> to vector<320x16xf32>
    %slice3A_4 = vector.extract_strided_slice %get3A_1 {offsets = [0, 48], sizes = [320, 16], strides = [1, 1]} : vector<320x128xf32> to vector<320x16xf32>
    %slice3A_5 = vector.extract_strided_slice %get3A_1 {offsets = [0, 64], sizes = [320, 16], strides = [1, 1]} : vector<320x128xf32> to vector<320x16xf32>
    %slice3A_6 = vector.extract_strided_slice %get3A_1 {offsets = [0, 80], sizes = [320, 16], strides = [1, 1]} : vector<320x128xf32> to vector<320x16xf32>
    %slice3A_7 = vector.extract_strided_slice %get3A_1 {offsets = [0, 96], sizes = [320, 16], strides = [1, 1]} : vector<320x128xf32> to vector<320x16xf32>
    %slice3A_8 = vector.extract_strided_slice %get3A_1 {offsets = [0, 112], sizes = [320, 16], strides = [1, 1]} : vector<320x128xf32> to vector<320x16xf32>
    %concatenate3A = tpu.concatenate %slice3A, %slice3A_2, %slice3A_3, %slice3A_4, %slice3A_5, %slice3A_6, %slice3A_7, %slice3A_8 in 0 : vector<320x16xf32>, vector<320x16xf32>, vector<320x16xf32>, vector<320x16xf32>, vector<320x16xf32>, vector<320x16xf32>, vector<320x16xf32>, vector<320x16xf32> -> vector<2560x16xf32>
    %get3A_9 = arith.constant 0 : index
    %get3A_10 = arith.constant 0 : index
    %get3A_11 = vector.load %arg2[%get3A_9, %get3A_10] : memref<320x128xf32, #tpu.memory_space<vmem>>, vector<320x128xf32>
    %slice3A_12 = vector.extract_strided_slice %get3A_11 {offsets = [0, 0], sizes = [320, 16], strides = [1, 1]} : vector<320x128xf32> to vector<320x16xf32>
    %slice3A_13 = vector.extract_strided_slice %get3A_11 {offsets = [0, 16], sizes = [320, 16], strides = [1, 1]} : vector<320x128xf32> to vector<320x16xf32>
    %slice3A_14 = vector.extract_strided_slice %get3A_11 {offsets = [0, 32], sizes = [320, 16], strides = [1, 1]} : vector<320x128xf32> to vector<320x16xf32>
    %slice3A_15 = vector.extract_strided_slice %get3A_11 {offsets = [0, 48], sizes = [320, 16], strides = [1, 1]} : vector<320x128xf32> to vector<320x16xf32>
    %slice3A_16 = vector.extract_strided_slice %get3A_11 {offsets = [0, 64], sizes = [320, 16], strides = [1, 1]} : vector<320x128xf32> to vector<320x16xf32>
    %slice3A_17 = vector.extract_strided_slice %get3A_11 {offsets = [0, 80], sizes = [320, 16], strides = [1, 1]} : vector<320x128xf32> to vector<320x16xf32>
    %slice3A_18 = vector.extract_strided_slice %get3A_11 {offsets = [0, 96], sizes = [320, 16], strides = [1, 1]} : vector<320x128xf32> to vector<320x16xf32>
    %slice3A_19 = vector.extract_strided_slice %get3A_11 {offsets = [0, 112], sizes = [320, 16], strides = [1, 1]} : vector<320x128xf32> to vector<320x16xf32>
    %concatenate3A_20 = tpu.concatenate %slice3A_12, %slice3A_13, %slice3A_14, %slice3A_15, %slice3A_16, %slice3A_17, %slice3A_18, %slice3A_19 in 0 : vector<320x16xf32>, vector<320x16xf32>, vector<320x16xf32>, vector<320x16xf32>, vector<320x16xf32>, vector<320x16xf32>, vector<320x16xf32>, vector<320x16xf32> -> vector<2560x16xf32>
    %get3A_21 = arith.constant 0 : index
    %get3A_22 = arith.constant 0 : index
    %get3A_23 = vector.load %arg3[%get3A_21, %get3A_22] : memref<16x72xf32, #tpu.memory_space<vmem>>, vector<16x72xf32>
    %dot_general3A = arith.constant dense<0.000000e+00> : vector<2560x72xf32>
    %dot_general3A_24 = tpu.matmul %concatenate3A, %get3A_23, %dot_general3A {dimension_numbers = #tpu.dot_dimension_numbers<[1], [0], [0], [1], [0, 0, 1, 1], [], []>, transpose_lhs_hint = false} : vector<2560x16xf32>, vector<16x72xf32>, vector<2560x72xf32> -> vector<2560x72xf32>
    %get3A_25 = arith.constant 0 : index
    %get3A_26 = arith.constant 0 : index
    %get3A_27 = vector.load %arg4[%get3A_25, %get3A_26] : memref<1x72xf32, #tpu.memory_space<vmem>>, vector<1x72xf32>
    %add3A = vector.broadcast %get3A_27 : vector<1x72xf32> to vector<2560x72xf32>
    %add3A_28 = arith.addf %dot_general3A_24, %add3A : vector<2560x72xf32>
    %max3A = arith.constant 0.000000e+00 : f32
    %max3A_29 = vector.broadcast %max3A : f32 to vector<2560x72xf32>
    %max3A_30 = arith.maximumf %add3A_28, %max3A_29 : vector<2560x72xf32>
    %get3A_31 = arith.constant 0 : index
    %get3A_32 = arith.constant 0 : index
    %get3A_33 = vector.load %arg5[%get3A_31, %get3A_32] : memref<72x128xf32, #tpu.memory_space<vmem>>, vector<72x128xf32>
    %dot_general3A_34 = arith.constant dense<0.000000e+00> : vector<2560x128xf32>
    %dot_general3A_35 = tpu.matmul %max3A_30, %get3A_33, %dot_general3A_34 {dimension_numbers = #tpu.dot_dimension_numbers<[1], [0], [0], [1], [0, 0, 1, 1], [], []>, transpose_lhs_hint = false} : vector<2560x72xf32>, vector<72x128xf32>, vector<2560x128xf32> -> vector<2560x128xf32>
    %get3A_36 = arith.constant 0 : index
    %get3A_37 = arith.constant 0 : index
    %get3A_38 = vector.load %arg6[%get3A_36, %get3A_37] : memref<1x128xf32, #tpu.memory_space<vmem>>, vector<1x128xf32>
    %add3A_39 = vector.broadcast %get3A_38 : vector<1x128xf32> to vector<2560x128xf32>
    %add3A_40 = arith.addf %dot_general3A_35, %add3A_39 : vector<2560x128xf32>
    %get3A_41 = arith.constant 0 : index
    %get3A_42 = arith.constant 0 : index
    %get3A_43 = vector.load %arg7[%get3A_41, %get3A_42] : memref<16x128xf32, #tpu.memory_space<vmem>>, vector<16x128xf32>
    %dot_general3A_44 = arith.constant dense<0.000000e+00> : vector<2560x128xf32>
    %dot_general3A_45 = tpu.matmul %concatenate3A_20, %get3A_43, %dot_general3A_44 {dimension_numbers = #tpu.dot_dimension_numbers<[1], [0], [0], [1], [0, 0, 1, 1], [], []>, transpose_lhs_hint = false} : vector<2560x16xf32>, vector<16x128xf32>, vector<2560x128xf32> -> vector<2560x128xf32>
    %mul3A = arith.mulf %dot_general3A_45, %add3A_40 : vector<2560x128xf32>
    %get3A_46 = arith.constant 0 : index
    %get3A_47 = arith.constant 0 : index
    %get3A_48 = vector.load %arg8[%get3A_46, %get3A_47] : memref<128x16xf32, #tpu.memory_space<vmem>>, vector<128x16xf32>
    %dot_general3A_49 = arith.constant dense<0.000000e+00> : vector<2560x16xf32>
    %dot_general3A_50 = tpu.matmul %mul3A, %get3A_48, %dot_general3A_49 {dimension_numbers = #tpu.dot_dimension_numbers<[1], [0], [0], [1], [0, 0, 1, 1], [], []>, transpose_lhs_hint = false} : vector<2560x128xf32>, vector<128x16xf32>, vector<2560x16xf32> -> vector<2560x16xf32>
    %slice3A_51 = vector.extract_strided_slice %dot_general3A_50 {offsets = [0, 0], sizes = [320, 16], strides = [1, 1]} : vector<2560x16xf32> to vector<320x16xf32>
    %slice3A_52 = vector.extract_strided_slice %dot_general3A_50 {offsets = [320, 0], sizes = [320, 16], strides = [1, 1]} : vector<2560x16xf32> to vector<320x16xf32>
    %slice3A_53 = vector.extract_strided_slice %dot_general3A_50 {offsets = [640, 0], sizes = [320, 16], strides = [1, 1]} : vector<2560x16xf32> to vector<320x16xf32>
    %slice3A_54 = vector.extract_strided_slice %dot_general3A_50 {offsets = [960, 0], sizes = [320, 16], strides = [1, 1]} : vector<2560x16xf32> to vector<320x16xf32>
    %slice3A_55 = vector.extract_strided_slice %dot_general3A_50 {offsets = [1280, 0], sizes = [320, 16], strides = [1, 1]} : vector<2560x16xf32> to vector<320x16xf32>
    %slice3A_56 = vector.extract_strided_slice %dot_general3A_50 {offsets = [1600, 0], sizes = [320, 16], strides = [1, 1]} : vector<2560x16xf32> to vector<320x16xf32>
    %slice3A_57 = vector.extract_strided_slice %dot_general3A_50 {offsets = [1920, 0], sizes = [320, 16], strides = [1, 1]} : vector<2560x16xf32> to vector<320x16xf32>
    %slice3A_58 = vector.extract_strided_slice %dot_general3A_50 {offsets = [2240, 0], sizes = [320, 16], strides = [1, 1]} : vector<2560x16xf32> to vector<320x16xf32>
    %concatenate3A_59 = tpu.concatenate %slice3A_51, %slice3A_52, %slice3A_53, %slice3A_54, %slice3A_55, %slice3A_56, %slice3A_57, %slice3A_58 in 1 : vector<320x16xf32>, vector<320x16xf32>, vector<320x16xf32>, vector<320x16xf32>, vector<320x16xf32>, vector<320x16xf32>, vector<320x16xf32>, vector<320x16xf32> -> vector<320x128xf32>
    %swap3A = arith.constant 0 : index
    %swap3A_60 = arith.constant 0 : index
    %swap3A_61 = vector.load %arg9[%swap3A, %swap3A_60] : memref<320x128xf32, #tpu.memory_space<vmem>>, vector<320x128xf32>
    tpu.vector_store %arg9[%swap3A, %swap3A_60], %concatenate3A_59 {strides = array<i32>} : memref<320x128xf32, #tpu.memory_space<vmem>>, vector<320x128xf32>,
    return
  }
  func.func @transform_0(%arg0: i32) -> (i32, i32) {
    %c0_i32 = arith.constant 0 : i32
    %c0_i32_0 = arith.constant 0 : i32
    return %arg0, %c0_i32 : i32, i32
  }
  func.func @transform_1(%arg0: i32) -> (i32, i32) {
    %c0_i32 = arith.constant 0 : i32
    %c0_i32_0 = arith.constant 0 : i32
    return %arg0, %c0_i32 : i32, i32
  }
  func.func @transform_2(%arg0: i32) -> (i32, i32) {
    %c0_i32 = arith.constant 0 : i32
    %c0_i32_0 = arith.constant 0 : i32
    %c0_i32_1 = arith.constant 0 : i32
    return %c0_i32, %c0_i32_0 : i32, i32
  }
  func.func @transform_3(%arg0: i32) -> (i32, i32) {
    %c0_i32 = arith.constant 0 : i32
    %c0_i32_0 = arith.constant 0 : i32
    %c0_i32_1 = arith.constant 0 : i32
    return %c0_i32, %c0_i32_0 : i32, i32
  }
  func.func @transform_4(%arg0: i32) -> (i32, i32) {
    %c0_i32 = arith.constant 0 : i32
    %c0_i32_0 = arith.constant 0 : i32
    %c0_i32_1 = arith.constant 0 : i32
    return %c0_i32, %c0_i32_0 : i32, i32
  }
  func.func @transform_5(%arg0: i32) -> (i32, i32) {
    %c0_i32 = arith.constant 0 : i32
    %c0_i32_0 = arith.constant 0 : i32
    %c0_i32_1 = arith.constant 0 : i32
    return %c0_i32, %c0_i32_0 : i32, i32
  }
  func.func @transform_6(%arg0: i32) -> (i32, i32) {
    %c0_i32 = arith.constant 0 : i32
    %c0_i32_0 = arith.constant 0 : i32
    %c0_i32_1 = arith.constant 0 : i32
    return %c0_i32, %c0_i32_0 : i32, i32
  }
  func.func @transform_7(%arg0: i32) -> (i32, i32) {
    %c0_i32 = arith.constant 0 : i32
    %c0_i32_0 = arith.constant 0 : i32
    %c0_i32_1 = arith.constant 0 : i32
    return %c0_i32, %c0_i32_0 : i32, i32
  }
  func.func @transform_8(%arg0: i32) -> (i32, i32) {
    %c0_i32 = arith.constant 0 : i32
    %c0_i32_0 = arith.constant 0 : i32
    return %arg0, %c0_i32 : i32, i32
  }
}

module attributes {stable_mosaic.version = 14 : i64} {
  func.func @_comb2_body(%arg0: memref<2x10000x16xf32, #tpu.memory_space<vmem>>, %arg1: memref<2x10000x16xf32, #tpu.memory_space<vmem>>, %arg2: memref<10000x16xf32, #tpu.memory_space<vmem>>, %arg3: memref<16x8xf32, #tpu.memory_space<vmem>>, %arg4: memref<1x8xf32, #tpu.memory_space<vmem>>, %arg5: memref<10000x8xf32, #tpu.memory_space<vmem>>) attributes {dimension_semantics = [], scalar_prefetch = 0 : i64, scratch_operands = 0 : i64, tpu.core_type = #tpu.core_type<tc>} {
    %get3A = arith.constant 0 : index
    %get3A_0 = arith.constant 0 : index
    %get3A_1 = arith.constant 0 : index
    %get3A_2 = vector.load %arg0[%get3A, %get3A_0, %get3A_1] : memref<2x10000x16xf32, #tpu.memory_space<vmem>>, vector<1x10000x16xf32>
    %get3A_3 = vector.shape_cast %get3A_2 : vector<1x10000x16xf32> to vector<10000x16xf32>
    %get3A_4 = arith.constant 1 : index
    %get3A_5 = arith.constant 0 : index
    %get3A_6 = arith.constant 0 : index
    %get3A_7 = vector.load %arg0[%get3A_4, %get3A_5, %get3A_6] : memref<2x10000x16xf32, #tpu.memory_space<vmem>>, vector<1x10000x16xf32>
    %get3A_8 = vector.shape_cast %get3A_7 : vector<1x10000x16xf32> to vector<10000x16xf32>
    %add3A = arith.addf %get3A_3, %get3A_8 : vector<10000x16xf32>
    %get3A_9 = arith.constant 0 : index
    %get3A_10 = arith.constant 0 : index
    %get3A_11 = arith.constant 0 : index
    %get3A_12 = vector.load %arg1[%get3A_9, %get3A_10, %get3A_11] : memref<2x10000x16xf32, #tpu.memory_space<vmem>>, vector<1x10000x16xf32>
    %get3A_13 = vector.shape_cast %get3A_12 : vector<1x10000x16xf32> to vector<10000x16xf32>
    %add3A_14 = arith.addf %add3A, %get3A_13 : vector<10000x16xf32>
    %get3A_15 = arith.constant 1 : index
    %get3A_16 = arith.constant 0 : index
    %get3A_17 = arith.constant 0 : index
    %get3A_18 = vector.load %arg1[%get3A_15, %get3A_16, %get3A_17] : memref<2x10000x16xf32, #tpu.memory_space<vmem>>, vector<1x10000x16xf32>
    %get3A_19 = vector.shape_cast %get3A_18 : vector<1x10000x16xf32> to vector<10000x16xf32>
    %add3A_20 = arith.addf %add3A_14, %get3A_19 : vector<10000x16xf32>
    %get3A_21 = arith.constant 0 : index
    %get3A_22 = arith.constant 0 : index
    %get3A_23 = vector.load %arg2[%get3A_21, %get3A_22] : memref<10000x16xf32, #tpu.memory_space<vmem>>, vector<10000x16xf32>
    %get3A_24 = arith.constant 0 : index
    %get3A_25 = arith.constant 0 : index
    %get3A_26 = vector.load %arg3[%get3A_24, %get3A_25] : memref<16x8xf32, #tpu.memory_space<vmem>>, vector<16x8xf32>
    %dot_general3A = arith.constant dense<0.000000e+00> : vector<10000x8xf32>
    %dot_general3A_27 = tpu.matmul %get3A_23, %get3A_26, %dot_general3A {dimension_numbers = #tpu.dot_dimension_numbers<[1], [0], [0], [1], [0, 0, 1, 1], [], []>, transpose_lhs_hint = false} : vector<10000x16xf32>, vector<16x8xf32>, vector<10000x8xf32> -> vector<10000x8xf32>
    %slice3A = vector.extract_strided_slice %add3A_20 {offsets = [0, 0], sizes = [10000, 8], strides = [1, 1]} : vector<10000x16xf32> to vector<10000x8xf32>
    %add3A_28 = arith.addf %slice3A, %dot_general3A_27 : vector<10000x8xf32>
    %get3A_29 = arith.constant 0 : index
    %get3A_30 = arith.constant 0 : index
    %get3A_31 = vector.load %arg4[%get3A_29, %get3A_30] : memref<1x8xf32, #tpu.memory_space<vmem>>, vector<1x8xf32>
    %add3A_32 = vector.broadcast %get3A_31 : vector<1x8xf32> to vector<10000x8xf32>
    %add3A_33 = arith.addf %add3A_28, %add3A_32 : vector<10000x8xf32>
    %reduce_max3A = arith.constant dense<0xFF800000> : vector<10000xf32>
    %reduce_max3A_34 = vector.multi_reduction <maximumf>, %add3A_33, %reduce_max3A [1] : vector<10000x8xf32> to vector<10000xf32>
    %broadcast_in_dim3A = vector.shape_cast %reduce_max3A_34 : vector<10000xf32> to vector<10000x1xf32>
    %sub3A = vector.broadcast %broadcast_in_dim3A : vector<10000x1xf32> to vector<10000x8xf32>
    %sub3A_35 = arith.subf %add3A_33, %sub3A : vector<10000x8xf32>
    %exp3A = math.exp %sub3A_35 : vector<10000x8xf32>
    %reduce_sum3A = arith.constant dense<0.000000e+00> : vector<10000xf32>
    %reduce_sum3A_36 = vector.multi_reduction <add>, %exp3A, %reduce_sum3A [1] : vector<10000x8xf32> to vector<10000xf32>
    %broadcast_in_dim3A_37 = vector.shape_cast %reduce_sum3A_36 : vector<10000xf32> to vector<10000x1xf32>
    %log3A = math.log %broadcast_in_dim3A_37 : vector<10000x1xf32>
    %add3A_38 = arith.addf %log3A, %broadcast_in_dim3A : vector<10000x1xf32>
    %sub3A_39 = vector.broadcast %add3A_38 : vector<10000x1xf32> to vector<10000x8xf32>
    %sub3A_40 = arith.subf %add3A_33, %sub3A_39 : vector<10000x8xf32>
    %swap3A = arith.constant 0 : index
    %swap3A_41 = arith.constant 0 : index
    %swap3A_42 = vector.load %arg5[%swap3A, %swap3A_41] : memref<10000x8xf32, #tpu.memory_space<vmem>>, vector<10000x8xf32>
    tpu.vector_store %arg5[%swap3A, %swap3A_41], %sub3A_40 {strides = array<i32>} : memref<10000x8xf32, #tpu.memory_space<vmem>>, vector<10000x8xf32>,
    return
  }
}

</mosaic_0001>

<sc_bundles>
// kernel: kernel.16.cloned.1.call-start
scs
__scs_entry_jumppad:
0x0: {  	(pc) =	sbr.rel $0x88, $3  }
0x1: {  	(tag) =	ssettag $0x0;
	lr =	simm.s32 $0x1  }
0x2: {  	[smem:$0x3F92] =	sst lr;
	_ =	strace $0xD0000000  }
0x3: {  	_ = 	snop  }
0x4: {  	_ = 	snop  }
0x5: {  	_ = 	snop  }
0x6: {  	_ = 	snop  }
0x7: {  	_ = 	snop  }
__scs_overlays_trampoline_lowered:
0x8: {  	[smem:$0x3FA1] =	sst s0  }
0x9: {  	[smem:$0x3FA2] =	sst s1  }
0xa: {  	[smem:$0x3FA3] =	sst s2  }
0xb: {  	[smem:$0x3FA4] =	sst s3  }
0xc: {  	[smem:$0x3FA5] =	sst s4  }
0xd: {  	[smem:$0x3FA6] =	sst s5  }
0xe: {  	[smem:$0x3FA7] =	sst s6  }
0xf: {  	[smem:$0x3FA8] =	sst s7  }
0x10: {  	[smem:$0x3FA9] =	sst s8  }
0x11: {  	[smem:$0x3FAA] =	sst s9;
	s0 =	simm.s32 @!p0 $0x0  }
0x12: {  	s1 =	sld [smem:$0x3F90];
	s0 =	simm.s32 @p0 $0x1  }
0x13: {  	[smem:$0x3FAB] =	sst s0;
	s0 =	simm.s32 @!p1 $0x0  }
0x14: {  	s2 =	sld [smem:$0x3F8F];
	s0 =	simm.s32 @p1 $0x1  }
0x15: {  	[smem:$0x3FAC] =	sst s0;
	s0 =	simm.s32 @!p2 $0x0  }
0x16: {  	s3 =	sld [smem:$0x3FDB];
	s0 =	simm.s32 @p2 $0x1  }
0x17: {  	s4 =	simm.s32 $0x1BF5;
	[smem:$0x3FAE] =	sst s0  }
0x18: {  	s0 =	sld [smem:$0x3F91];
	_ =	swait.ge [sflag:s4], $0x0  }
0x19: {  	s7 =	sld [smem:$0x3F92]  }
0x1a: {  	s8 =	sadd.s32 $0xFFFFE003, lr  }
0x1b: {  	s9 =	sadd.s32 $0xFFFFFEF7, lr;
	s5 =	simm.s32 $0xFFFFFFFF;
	p2 =	slt.u32 s8, $0xFFFFF086  }
0x1c: {  	p1 =	slt.u32 s9, $0xF7A;
	s5 =	simm.s32 @!p2 $0x0  }
0x1d: {  	s5 =	simm.s32 @p1 $0x1;
	p0 =	seq.s32 s7, s2  }
0x1e: {  	s7 =	smul.u32 @!p0 $0xF7A, s2;
	p2 =	seq.s32 @!p0 s5, $0x0  }
0x1f: {  	s9 =	smul.u32 $0xF7A, s1;
	s8 =	simm.s32 @!p0 $0x1BF5;
	p2 =	por !p2, p0  }
0x20: {  	[sflag:s8] =	ssyncset.s32 @!p0 $0xFFFFF086;
	s6 =	sadd.s32 @!p0 s3, s7;
	s7 =	simm.s32 @!p0 $0x108  }
0x21: {  	s3 =	sadd.s32 s3, s9;
	s6 =	sadd.s32 @!p0 $0x88, s6;
	s7 =	simm.s32 @p2 $0x1082  }
0x22: {  	[simem:s7], [sflag:s8] =	dma.local @!p0 [hbm:s6], $0xF7A  }
0x23: {  	s9 =	sor.u32 $0xD0000000, s2;
	s6 =	simm.s32 $0x108;
	_ =	swait.ge @!p0 [sflag:s8], $0x0  }
0x24: {  	s3 =	sadd.s32 $0x88, s3;
	s6 =	simm.s32 @!p1 $0x1082;
	[sflag:s4] =	ssyncset.s32 $0xFFFFF086  }
0x25: {  	[simem:s6], [sflag:s4] =	dma.local [hbm:s3], $0xF7A  }
0x26: {  	[smem:$0x3F92] =	sst s1;
	(tag) =	ssettag s2;
	_ =	strace s9  }
0x27: {  	s1 =	sld [smem:$0x3FA2]  }
0x28: {  	s2 =	sld [smem:$0x3FA3]  }
0x29: {  	s4 =	sld [smem:$0x3FA5]  }
0x2a: {  	p0 =	seq.s32 s5, $0x0;
	s5 =	sld [smem:$0x3FA6]  }
0x2b: {  	s6 =	sld [smem:$0x3FA7]  }
0x2c: {  	s7 =	sld [smem:$0x3FA8]  }
0x2d: {  	s3 =	simm.s32 $0x108;
	s8 =	sld [smem:$0x3FA9]  }
0x2e: {  	s3 =	simm.s32 @!p0 $0x1082;
	s9 =	sld [smem:$0x3FAA]  }
0x2f: {  	lr =	sadd.s32 s0, s3;
	s0 =	sld [smem:$0x3FA1]  }
0x30: {  	s3 =	sld [smem:$0x3FA4]  }
0x31: {  	[smem:$0x3FAD] =	sst s10  }
0x32: {  	s10 =	sld [smem:$0x3FAB];
	_ =	sdelay $0x3  }
0x33: {  	p0 =	seq.s32 s10, $0x1;
	s10 =	sld [smem:$0x3FAD];
	_ =	sdelay $0x3  }
0x34: {  	[smem:$0x3FAD] =	sst s10  }
0x35: {  	s10 =	sld [smem:$0x3FAC];
	_ =	sdelay $0x3  }
0x36: {  	p1 =	seq.s32 s10, $0x1;
	s10 =	sld [smem:$0x3FAD];
	_ =	sdelay $0x3  }
0x37: {  	[smem:$0x3FAD] =	sst s10  }
0x38: {  	s10 =	sld [smem:$0x3FAE]  }
0x39: {  	_ = 	snop;
	(pc) =	sbr.ind lr, $3  }
0x3a: {  	_ = 	snop  }
0x3b: {  	_ = 	snop  }
0x3c: {  	p2 =	seq.s32 s10, $0x1;
	s10 =	sld [smem:$0x3FAD]  }
0x3d: {  	_ =	shalt  }
0x3e: {  	_ =	shalt  }
0x3f: {  	_ =	shalt  }
0x40: {  	_ =	shalt  }
0x41: {  	_ =	shalt  }
0x42: {  	_ =	shalt  }
0x43: {  	_ =	shalt  }
0x44: {  	_ =	shalt  }
0x45: {  	_ =	shalt  }
0x46: {  	_ =	shalt  }
0x47: {  	_ =	shalt  }
0x48: {  	_ =	shalt  }
0x49: {  	_ =	shalt  }
0x4a: {  	_ =	shalt  }
0x4b: {  	_ =	shalt  }
0x4c: {  	_ =	shalt  }
0x4d: {  	_ =	shalt  }
0x4e: {  	_ =	shalt  }
0x4f: {  	_ =	shalt  }
0x50: {  	_ =	shalt  }
0x51: {  	_ =	shalt  }
0x52: {  	_ =	shalt  }
0x53: {  	_ =	shalt  }
0x54: {  	_ =	shalt  }
0x55: {  	_ =	shalt  }
0x56: {  	_ =	shalt  }
0x57: {  	_ =	shalt  }
0x58: {  	_ =	shalt  }
0x59: {  	_ =	shalt  }
0x5a: {  	_ =	shalt  }
0x5b: {  	_ =	shalt  }
0x5c: {  	_ =	shalt  }
0x5d: {  	_ =	shalt  }
0x5e: {  	_ =	shalt  }
0x5f: {  	_ =	shalt  }
0x60: {  	_ =	shalt  }
0x61: {  	_ =	shalt  }
0x62: {  	_ =	shalt  }
0x63: {  	_ =	shalt  }
0x64: {  	_ =	shalt  }
0x65: {  	_ =	shalt  }
0x66: {  	_ =	shalt  }
0x67: {  	_ =	shalt  }
0x68: {  	_ =	shalt  }
0x69: {  	_ =	shalt  }
0x6a: {  	_ =	shalt  }
0x6b: {  	_ =	shalt  }
0x6c: {  	_ =	shalt  }
0x6d: {  	_ =	shalt  }
0x6e: {  	_ =	shalt  }
0x6f: {  	_ =	shalt  }
0x70: {  	_ =	shalt  }
0x71: {  	_ =	shalt  }
0x72: {  	_ =	shalt  }
0x73: {  	_ =	shalt  }
0x74: {  	_ =	shalt  }
0x75: {  	_ =	shalt  }
0x76: {  	_ =	shalt  }
0x77: {  	_ =	shalt  }
0x78: {  	_ =	shalt  }
0x79: {  	_ =	shalt  }
0x7a: {  	_ =	shalt  }
0x7b: {  	_ =	shalt  }
0x7c: {  	_ =	shalt  }
0x7d: {  	_ =	shalt  }
0x7e: {  	_ =	shalt  }
0x7f: {  	_ =	shalt  }
0x80: {  	_ =	shalt  }
0x81: {  	_ =	shalt  }
0x82: {  	_ =	shalt  }
0x83: {  	_ =	shalt  }
0x84: {  	_ =	shalt  }
0x85: {  	_ =	shalt  }
0x86: {  	_ =	shalt  }
0x87: {  	_ =	shalt  }
.Lfunc_end0:
.L_simem_size_0:
called_computation_lowered:
.L_overlay_start_0:
0x88: {  	s2 =	sld [smem:$0x3FD9]  }
0x89: {  	s3 =	sld [smem:$0x3FFE];
	_ =	sdelay $0x1  }
0x8a: {  	s1 =	srdreg.scid  }
0x8b: {  	s0 =	sand.u32 $0x1, s1  }
0x8c: {  	s16 =	sshll.u32 s0, $0xA;
	s2 =	sadd.s32 s3, s2  }
0x8d: {  	s2 =	sadd.s32 s2, s16  }
0x8e: {  	[smem:$0x3FB9] =	sst s2  }
0x8f: {  	_ = 	snop  }
0x90: {  	(tm) =	ssettm $0x1  }
0x91: {  	s17 =	sld [smem:$0x3FFB];
	_ =	sdelay $0x3  }
0x92: {  	_ =	strace s17  }
0x93: {  	s2 =	sld [smem:$0x3FFC];
	_ =	sdelay $0x3  }
0x94: {  	_ =	strace s2  }
0x95: {  	s2 =	sld [smem:$0x3FFD];
	_ =	sdelay $0x3  }
0x96: {  	_ =	strace s2  }
0x97: {  	_ =	strace $0x8FFFFFFF  }
0x98: {  	s18 =	sld [smem:$0x3FDB];
	_ =	sdelay $0x1  }
0x99: {  	s19 =	simm.s32 $_scs_section_size  }
0x9a: {  	s4 =	simm.s32 $_size__tile_overlayer_lowered;
	s5 =	simm.s32 $_tile_overlayer_lowered  }
0x9b: {  	s22 =	simm.s32 $0x1BFF;
	s21 =	sshll.u32 s5, $0x1;
	s2 =	sadd.s32 s19, s18  }
0x9c: {  	s6 =	simm.s32 $0x0;
	s20 =	sshll.u32 s4, $0x1;
	s4 =	sadd.s32 s21, s2  }
0x9d: {  	[timem:s6], [sflag:s22] =	dma.local [hbm:s4], s20  }
0x9e: {  	_ =	swait.ge [sflag:s22], s20  }
0x9f: {  	s3 =	ssub.s32 $0x0, s20;
	[sflag:s22] =	ssyncset.done $0x0  }
0xa0: {  	[sflag:s22] =	ssyncadd.s32 s3;
	_ =	sdelay $0x1  }
0xa1: {  	s23 =	simm.s32 $0x1B8B  }
0xa2: {  	_ =	swait.ge [sflag:s23], $0x1  }
0xa3: {  	[sflag:s23] =	ssyncset.done $0x0  }
0xa4: {  	s25 =	simm.s32 $0x1B8E;
	s24 =	sld [smem:$0x3FFE];
	[sflag:s23] =	ssyncadd.s32 $0xFFFFFFFF  }
0xa5: {  	s26 =	simm.s32 $execute0_lowered;
	[smem:$0x3FD2] =	sst s25  }
0xa6: {  	s4 =	sshll.u32 s26, $0x1;
	_ =	strace $0x80000046;
	[dreg:$0x1] =	wrdreg $0xFFFFFFFF  }
0xa7: {  	s28 =	simm.s32 $_size_execute0_lowered;
	s2 =	sadd.s32 s2, s4;
	[dreg:$0x0] =	wrdreg $0x0  }
0xa8: {  	s4 =	sshll.u32 s28, $0x1;
	[dreg:$0x2] =	wrdreg s2  }
0xa9: {  	[dreg:$0x3] =	wrdreg s4  }
0xaa: {  	[dreg:$0x4] =	wrdreg $0xC0  }
0xab: {  	_ =	task [dreg:s6], $0x5FFFF  }
0xac: {  	[dreg:$0x1] =	wrdreg $0xFFFFFFFF  }
0xad: {  	[dreg:$0x0] =	wrdreg $0x60  }
0xae: {  	[dreg:$0x2] =	wrdreg s24  }
0xaf: {  	[dreg:$0x3] =	wrdreg $0xA  }
0xb0: {  	_ =	task.clear_ibuf [dreg:s6], $0x4FFFF;
	_ =	strace $0x90000046  }
0xb1: {  	s29 =	simm.s32 $0xA;
	_ =	strace $0x80000048  }
0xb2: {  	_ =	swait.ge [sflag:s29], $0x1  }
0xb3: {  	[sflag:s29] =	ssyncadd.s32 $0xFFFFFFFF  }
0xb4: {  	_ =	strace $0x90000048  }
0xb5: {  	_ =	sfence  }
0xb6: {  	s30 =	sld [smem:$0x0];
	_ =	sdelay $0x2  }
0xb7: {  	s31 =	sshll.u32 s1, $0xD;
	s1 =	sshrl.u32 s1, $0x2  }
0xb8: {  	s3 =	sand.u32 $0x4000, s31;
	s1 =	sadd.s32 s1, s30  }
0xb9: {  	s0 =	sor.u32 s3, s0;
	s1 =	sshll.u32 s1, $0x11  }
0xba: {  	s0 =	sor.u32 s1, s0  }
0xbb: {  	s0 =	sadd.s32 $0x8F2B, s0  }
0xbc: {  	[sflag:s0] =	ssyncadd.remote.s32 $0x1  }
0xbd: {  	_ =	sfence.sel $0xFFFF  }
0xbe: {  	[dreg:$0x0] =	wrdreg $0xFFFFFFFF;
	(pc) =	sbr.abs _section_cstart, $3  }
0xbf: {  	[dreg:$0x1] =	wrdreg $0xFFFFFFFF  }
0xc0: {  	_ =	task.clear_ibuf [dreg:s6], $0x2FFFF;
	_ =	strace $0x9FFFFFFF  }
0xc1: {  	(tm) =	ssettm $0x7FFFFFFF  }
tec
execute0_lowered:
.L_overlay_start_1:
0x0: {  	(tag) =	ssettag $0x1  }
0x1: {  	s1 =	srdreg.scid;
	s0 =	stileid.u32  }
0x2: {  	s17 =	sand.u32 $0x1, s1;
	s30 =	sshll.u32 s0, $0x1  }
0x3: {  	s1 =	sor.u32 s17, s30  }
0x4: {  	s3 =	smul.u32 $0x1400, s1  }
0x5: {  	s10 =	rddreg [dreg:$0x0];
	s2 =	simm.s32 $0x0;
	s4 =	simm.s32 $0x2  }
0x6: {  	[smem:$0x7FF] =	sst s2;
	s15 =	sadd.s32 $0x33600, s10;
	s18 =	sshrl.u32 s3, $0x3  }
0x7: {  	s1 =	rddreg [dreg:$0x1];
	_ =	strace $0x80000047;
	s3 =	sadd.s32 s15, s18  }
0x8: {  	[tilespmem:s2], [sflag:$0x2] =	stream.linear.gather [hbm4b:s3+s2], $0x500, $0x38;
	[tilespmem:$0x5A00] =	vst v63  }
0x9: {  	_ =	swait.ge [sflag:s4], $0x500  }
0xa: {  	s16 =	sadd.s32 $0x3D600, s10;
	[sflag:s4] =	ssyncset.done $0x0  }
0xb: {  	s6 =	simm.s32 $0x500;
	s5 =	sadd.s32 s16, s18;
	[sflag:s4] =	ssyncadd.s32 $0xFFFFFB00  }
0xc: {  	[tilespmem:s6], [sflag:$0x2] =	stream.linear.gather [hbm4b:s5+s2], $0x500, $0x38;
	[tilespmem:$0x5A00] =	vst v63  }
0xd: {  	_ =	swait.ge [sflag:s4], $0x500  }
0xe: {  	s9 =	simm.s32 $0xA00;
	[sflag:s4] =	ssyncset.done $0x0  }
0xf: {  	s8 =	simm.s32 $0x1;
	s7 =	sadd.s32 $0x2E600, s10;
	[sflag:s4] =	ssyncadd.s32 $0xFFFFFB00  }
0x10: {  	[tilespmem:s9], [sflag:$0x1] =	stream.indirect.gather [hbm4b:s7+s6], $0x10, s2, s6, $0xb8;
	[tilespmem:$0x5A00] =	vst v63  }
0x11: {  	_ =	swait.ge [sflag:s8], $0x5000  }
0x12: {  	[sflag:s8] =	ssyncset.done $0x0  }
0x13: {  	s10 =	sadd.s32 $0x42600, s10;
	[sflag:s8] =	ssyncadd.s32 $0xFFFFB000  }
0x14: {  	[hbm4b:s10+s6] =	stream.indirect.scatter [tilespmem:s9], [sflag:$0x1], $0x10, s6, s6, $0xb8;
	[tilespmem:$0x5A00] =	vst v63  }
0x15: {  	_ =	swait.ge [sflag:s8], $0x5000  }
0x16: {  	s12 =	sadd.s32 $0xA0, s18;
	[sflag:s8] =	ssyncset.done $0x0  }
0x17: {  	s11 =	sadd.s32 s15, s12;
	[sflag:s8] =	ssyncadd.s32 $0xFFFFB000  }
0x18: {  	[tilespmem:s2], [sflag:$0x2] =	stream.linear.gather [hbm4b:s11+s2], $0x500, $0x38;
	[tilespmem:$0x5A00] =	vst v63  }
0x19: {  	_ =	swait.ge [sflag:s4], $0x500  }
0x1a: {  	[sflag:s4] =	ssyncset.done $0x0  }
0x1b: {  	s12 =	sadd.s32 s16, s12;
	[sflag:s4] =	ssyncadd.s32 $0xFFFFFB00  }
0x1c: {  	[tilespmem:s6], [sflag:$0x2] =	stream.linear.gather [hbm4b:s12+s2], $0x500, $0x38;
	[tilespmem:$0x5A00] =	vst v63  }
0x1d: {  	_ =	swait.ge [sflag:s4], $0x500  }
0x1e: {  	[sflag:s4] =	ssyncset.done $0x0  }
0x1f: {  	[sflag:s4] =	ssyncadd.s32 $0xFFFFFB00  }
0x20: {  	[tilespmem:s9], [sflag:$0x1] =	stream.indirect.gather [hbm4b:s7+s6], $0x10, s2, s6, $0xb8;
	[tilespmem:$0x5A00] =	vst v63  }
0x21: {  	_ =	swait.ge [sflag:s8], $0x5000  }
0x22: {  	[sflag:s8] =	ssyncset.done $0x0  }
0x23: {  	[sflag:s8] =	ssyncadd.s32 $0xFFFFB000  }
0x24: {  	[hbm4b:s10+s6] =	stream.indirect.scatter [tilespmem:s9], [sflag:$0x1], $0x10, s6, s6, $0xb8;
	[tilespmem:$0x5A00] =	vst v63  }
0x25: {  	_ =	swait.ge [sflag:s8], $0x5000  }
0x26: {  	s14 =	sadd.s32 $0x140, s18;
	[sflag:s8] =	ssyncset.done $0x0  }
0x27: {  	s13 =	sadd.s32 s15, s14;
	[sflag:s8] =	ssyncadd.s32 $0xFFFFB000  }
0x28: {  	[tilespmem:s2], [sflag:$0x2] =	stream.linear.gather [hbm4b:s13+s2], $0x500, $0x38;
	[tilespmem:$0x5A00] =	vst v63  }
0x29: {  	_ =	swait.ge [sflag:s4], $0x500  }
0x2a: {  	[sflag:s4] =	ssyncset.done $0x0  }
0x2b: {  	s14 =	sadd.s32 s16, s14;
	[sflag:s4] =	ssyncadd.s32 $0xFFFFFB00  }
0x2c: {  	[tilespmem:s6], [sflag:$0x2] =	stream.linear.gather [hbm4b:s14+s2], $0x500, $0x38;
	[tilespmem:$0x5A00] =	vst v63  }
0x2d: {  	_ =	swait.ge [sflag:s4], $0x500  }
0x2e: {  	[sflag:s4] =	ssyncset.done $0x0  }
0x2f: {  	[sflag:s4] =	ssyncadd.s32 $0xFFFFFB00  }
0x30: {  	[tilespmem:s9], [sflag:$0x1] =	stream.indirect.gather [hbm4b:s7+s6], $0x10, s2, s6, $0xb8;
	[tilespmem:$0x5A00] =	vst v63  }
0x31: {  	_ =	swait.ge [sflag:s8], $0x5000  }
0x32: {  	[sflag:s8] =	ssyncset.done $0x0  }
0x33: {  	[sflag:s8] =	ssyncadd.s32 $0xFFFFB000  }
0x34: {  	[hbm4b:s10+s6] =	stream.indirect.scatter [tilespmem:s9], [sflag:$0x1], $0x10, s6, s6, $0xb8;
	[tilespmem:$0x5A00] =	vst v63  }
0x35: {  	_ =	swait.ge [sflag:s8], $0x5000  }
0x36: {  	s18 =	sadd.s32 $0x1E0, s18;
	[sflag:s8] =	ssyncset.done $0x0  }
0x37: {  	s15 =	sadd.s32 s15, s18;
	[sflag:s8] =	ssyncadd.s32 $0xFFFFB000  }
0x38: {  	[tilespmem:s2], [sflag:$0x2] =	stream.linear.gather [hbm4b:s15+s2], $0x500, $0x38;
	[tilespmem:$0x5A00] =	vst v63  }
0x39: {  	_ =	swait.ge [sflag:s4], $0x500  }
0x3a: {  	[sflag:s4] =	ssyncset.done $0x0  }
0x3b: {  	s17 =	ssub.s32 $0x2, s17;
	s16 =	sadd.s32 s16, s18;
	[sflag:s4] =	ssyncadd.s32 $0xFFFFFB00  }
0x3c: {  	[tilespmem:s6], [sflag:$0x2] =	stream.linear.gather [hbm4b:s16+s2], $0x500, $0x38;
	[tilespmem:$0x5A00] =	vst v63  }
0x3d: {  	s31 =	sshrl.u32 s17, $0x1;
	_ =	swait.ge [sflag:s4], $0x500  }
0x3e: {  	s17 =	ssub.s32 s17, s31;
	[sflag:s4] =	ssyncset.done $0x0  }
0x3f: {  	s17 =	smax.u32 s17, $0x1;
	[sflag:s4] =	ssyncadd.s32 $0xFFFFFB00  }
0x40: {  	[tilespmem:s9], [sflag:$0x1] =	stream.indirect.gather [hbm4b:s7+s6], $0x10, s2, s6, $0xb8;
	[tilespmem:$0x5A00] =	vst v63  }
0x41: {  	p0 =	sne.s32 s17, $0x1;
	_ =	swait.ge [sflag:s8], $0x5000  }
.Ltmp0:
0x42: {  	[sflag:s8] =	ssyncset.done $0x0;
	(pc) =	sbr.rel @!p0 .LBB2_2-.Ltmp0, $4  }
0x43: {  	[sflag:s8] =	ssyncadd.s32 $0xFFFFB000  }
0x44: {  	[hbm4b:s10+s6] =	stream.indirect.scatter [tilespmem:s9], [sflag:$0x1], $0x10, s6, s6, $0xb8;
	[tilespmem:$0x5A00] =	vst v63  }
0x45: {  	_ =	swait.ge [sflag:s8], $0x5000  }
0x46: {  	s17 =	sadd.s32 $0xFFFFFFFF, s17;
	[sflag:s8] =	ssyncset.done $0x0  }
.LBB2_1:
0x47: {  	p0 =	sne.s32 s17, $0x1;
	s17 =	sadd.s32 $0xFFFFFFFF, s17;
	[sflag:s8] =	ssyncadd.s32 $0xFFFFB000  }
0x48: {  	[tilespmem:s2], [sflag:$0x2] =	stream.linear.gather [hbm4b:s3+s2], $0x500, $0x38;
	[tilespmem:$0x5A00] =	vst v63  }
0x49: {  	_ =	swait.ge [sflag:s4], $0x500  }
0x4a: {  	[sflag:s4] =	ssyncset.done $0x0  }
0x4b: {  	[sflag:s4] =	ssyncadd.s32 $0xFFFFFB00  }
0x4c: {  	[tilespmem:s6], [sflag:$0x2] =	stream.linear.gather [hbm4b:s5+s2], $0x500, $0x38;
	[tilespmem:$0x5A00] =	vst v63  }
0x4d: {  	_ =	swait.ge [sflag:s4], $0x500  }
0x4e: {  	[sflag:s4] =	ssyncset.done $0x0  }
0x4f: {  	[sflag:s4] =	ssyncadd.s32 $0xFFFFFB00  }
0x50: {  	[tilespmem:s9], [sflag:$0x1] =	stream.indirect.gather [hbm4b:s7+s6], $0x10, s2, s6, $0xb8;
	[tilespmem:$0x5A00] =	vst v63  }
0x51: {  	_ =	swait.ge [sflag:s8], $0x5000  }
0x52: {  	[sflag:s8] =	ssyncset.done $0x0  }
0x53: {  	[sflag:s8] =	ssyncadd.s32 $0xFFFFB000  }
0x54: {  	[hbm4b:s10+s6] =	stream.indirect.scatter [tilespmem:s9], [sflag:$0x1], $0x10, s6, s6, $0xb8;
	[tilespmem:$0x5A00] =	vst v63  }
0x55: {  	_ =	swait.ge [sflag:s8], $0x5000  }
0x56: {  	[sflag:s8] =	ssyncset.done $0x0  }
0x57: {  	[sflag:s8] =	ssyncadd.s32 $0xFFFFB000  }
0x58: {  	[tilespmem:s2], [sflag:$0x2] =	stream.linear.gather [hbm4b:s11+s2], $0x500, $0x38;
	[tilespmem:$0x5A00] =	vst v63  }
0x59: {  	_ =	swait.ge [sflag:s4], $0x500  }
0x5a: {  	[sflag:s4] =	ssyncset.done $0x0  }
0x5b: {  	[sflag:s4] =	ssyncadd.s32 $0xFFFFFB00  }
0x5c: {  	[tilespmem:s6], [sflag:$0x2] =	stream.linear.gather [hbm4b:s12+s2], $0x500, $0x38;
	[tilespmem:$0x5A00] =	vst v63  }
0x5d: {  	_ =	swait.ge [sflag:s4], $0x500  }
0x5e: {  	[sflag:s4] =	ssyncset.done $0x0  }
0x5f: {  	[sflag:s4] =	ssyncadd.s32 $0xFFFFFB00  }
0x60: {  	[tilespmem:s9], [sflag:$0x1] =	stream.indirect.gather [hbm4b:s7+s6], $0x10, s2, s6, $0xb8;
	[tilespmem:$0x5A00] =	vst v63  }
0x61: {  	_ =	swait.ge [sflag:s8], $0x5000  }
0x62: {  	[sflag:s8] =	ssyncset.done $0x0  }
0x63: {  	[sflag:s8] =	ssyncadd.s32 $0xFFFFB000  }
0x64: {  	[hbm4b:s10+s6] =	stream.indirect.scatter [tilespmem:s9], [sflag:$0x1], $0x10, s6, s6, $0xb8;
	[tilespmem:$0x5A00] =	vst v63  }
0x65: {  	_ =	swait.ge [sflag:s8], $0x5000  }
0x66: {  	[sflag:s8] =	ssyncset.done $0x0  }
0x67: {  	[sflag:s8] =	ssyncadd.s32 $0xFFFFB000  }
0x68: {  	[tilespmem:s2], [sflag:$0x2] =	stream.linear.gather [hbm4b:s13+s2], $0x500, $0x38;
	[tilespmem:$0x5A00] =	vst v63  }
0x69: {  	_ =	swait.ge [sflag:s4], $0x500  }
0x6a: {  	[sflag:s4] =	ssyncset.done $0x0  }
0x6b: {  	[sflag:s4] =	ssyncadd.s32 $0xFFFFFB00  }
0x6c: {  	[tilespmem:s6], [sflag:$0x2] =	stream.linear.gather [hbm4b:s14+s2], $0x500, $0x38;
	[tilespmem:$0x5A00] =	vst v63  }
0x6d: {  	_ =	swait.ge [sflag:s4], $0x500  }
0x6e: {  	[sflag:s4] =	ssyncset.done $0x0  }
0x6f: {  	[sflag:s4] =	ssyncadd.s32 $0xFFFFFB00  }
0x70: {  	[tilespmem:s9], [sflag:$0x1] =	stream.indirect.gather [hbm4b:s7+s6], $0x10, s2, s6, $0xb8;
	[tilespmem:$0x5A00] =	vst v63  }
0x71: {  	_ =	swait.ge [sflag:s8], $0x5000  }
0x72: {  	[sflag:s8] =	ssyncset.done $0x0  }
0x73: {  	[sflag:s8] =	ssyncadd.s32 $0xFFFFB000  }
0x74: {  	[hbm4b:s10+s6] =	stream.indirect.scatter [tilespmem:s9], [sflag:$0x1], $0x10, s6, s6, $0xb8;
	[tilespmem:$0x5A00] =	vst v63  }
0x75: {  	_ =	swait.ge [sflag:s8], $0x5000  }
0x76: {  	[sflag:s8] =	ssyncset.done $0x0  }
0x77: {  	[sflag:s8] =	ssyncadd.s32 $0xFFFFB000  }
0x78: {  	[tilespmem:s2], [sflag:$0x2] =	stream.linear.gather [hbm4b:s15+s2], $0x500, $0x38;
	[tilespmem:$0x5A00] =	vst v63  }
0x79: {  	_ =	swait.ge [sflag:s4], $0x500  }
0x7a: {  	[sflag:s4] =	ssyncset.done $0x0  }
0x7b: {  	[sflag:s4] =	ssyncadd.s32 $0xFFFFFB00  }
0x7c: {  	[tilespmem:s6], [sflag:$0x2] =	stream.linear.gather [hbm4b:s16+s2], $0x500, $0x38;
	[tilespmem:$0x5A00] =	vst v63  }
0x7d: {  	_ =	swait.ge [sflag:s4], $0x500  }
0x7e: {  	[sflag:s4] =	ssyncset.done $0x0  }
0x7f: {  	[sflag:s4] =	ssyncadd.s32 $0xFFFFFB00  }
0x80: {  	[tilespmem:s9], [sflag:$0x1] =	stream.indirect.gather [hbm4b:s7+s6], $0x10, s2, s6, $0xb8;
	[tilespmem:$0x5A00] =	vst v63  }
0x81: {  	_ =	swait.ge [sflag:s8], $0x5000  }
.Ltmp1:
0x82: {  	[sflag:s8] =	ssyncset.done $0x0;
	(pc) =	sbr.rel @p0 .LBB2_1-.Ltmp1, $4  }
0x83: {  	[sflag:s8] =	ssyncadd.s32 $0xFFFFB000  }
0x84: {  	[hbm4b:s10+s6] =	stream.indirect.scatter [tilespmem:s9], [sflag:$0x1], $0x10, s6, s6, $0xb8;
	[tilespmem:$0x5A00] =	vst v63  }
0x85: {  	_ =	swait.ge [sflag:s8], $0x5000  }
0x86: {  	[sflag:s8] =	ssyncset.done $0x0  }
.LBB2_2:
0x87: {  	[sflag:s8] =	ssyncadd.s32 $0xFFFFB000  }
0x88: {  	_ =	sfence.sel $0x180000  }
0x89: {  	[bflag:$0x0] =	sbarrier.arrive $0xFFFF  }
0x8a: {  	p0 =	sne.s32 s0, $0x0;
	_ =	strace $0x90000047  }
0x8b: {  	s0 =	sadd.s32 @!p0 $0x100000, s1;
	[bflag:$0x2] =	sbarrier.arrive $0xFFFF  }
0x8c: {  	[sflag:s0] =	ssyncadd.tile.s32 @!p0 $0x1;
	_ =	shalt  }
.Lfunc_end2:
_tile_overlayer_lowered:
.L_overlay_start_2:
0x8d: {  	(tag) =	ssettag $0x2  }
0x8e: {  	s0 =	rddreg [dreg:$0x0];
	s2 =	stileid.u32  }
0x8f: {  	s1 =	rddreg [dreg:$0x1];
	p0 =	sne.s32 s2, $0x0  }
0x90: {  	s3 =	rddreg [dreg:$0x2];
	[bflag:$0x3] =	sbarrier.arrive $0xFFFF;
	s2 =	simm.s32 @!p0 $0x1C02  }
0x91: {  	[timem:s3], [sflag:s2] =	dma.local @!p0 [hbm:s0], s1  }
0x92: {  	s0 =	simm.s32 @!p0 $0x2  }
0x93: {  	_ =	swait.ge @!p0 [sflag:s0], s1  }
0x94: {  	s1 =	ssub.s32 @!p0 $0x0, s1;
	[sflag:s0] =	ssyncset.done @!p0 $0x0  }
0x95: {  	[sflag:s0] =	ssyncadd.s32 @!p0 s1  }
0x96: {  	[bflag:$0x3] =	sbarrier.arrive $0xFFFF  }
0x97: {  	_ =	shalt  }

// kernel: kernel.19.cloned.1.call-start
scs
__scs_entry_jumppad:
0x0: {  	(pc) =	sbr.rel $0x88, $3  }
0x1: {  	(tag) =	ssettag $0x0;
	lr =	simm.s32 $0x1  }
0x2: {  	[smem:$0x3F92] =	sst lr;
	_ =	strace $0xD0000000  }
0x3: {  	_ = 	snop  }
0x4: {  	_ = 	snop  }
0x5: {  	_ = 	snop  }
0x6: {  	_ = 	snop  }
0x7: {  	_ = 	snop  }
__scs_overlays_trampoline_lowered:
0x8: {  	[smem:$0x3FA1] =	sst s0  }
0x9: {  	[smem:$0x3FA2] =	sst s1  }
0xa: {  	[smem:$0x3FA3] =	sst s2  }
0xb: {  	[smem:$0x3FA4] =	sst s3  }
0xc: {  	[smem:$0x3FA5] =	sst s4  }
0xd: {  	[smem:$0x3FA6] =	sst s5  }
0xe: {  	[smem:$0x3FA7] =	sst s6  }
0xf: {  	[smem:$0x3FA8] =	sst s7  }
0x10: {  	[smem:$0x3FA9] =	sst s8  }
0x11: {  	[smem:$0x3FAA] =	sst s9;
	s0 =	simm.s32 @!p0 $0x0  }
0x12: {  	s1 =	sld [smem:$0x3F90];
	s0 =	simm.s32 @p0 $0x1  }
0x13: {  	[smem:$0x3FAB] =	sst s0;
	s0 =	simm.s32 @!p1 $0x0  }
0x14: {  	s2 =	sld [smem:$0x3F8F];
	s0 =	simm.s32 @p1 $0x1  }
0x15: {  	[smem:$0x3FAC] =	sst s0;
	s0 =	simm.s32 @!p2 $0x0  }
0x16: {  	s3 =	sld [smem:$0x3FDB];
	s0 =	simm.s32 @p2 $0x1  }
0x17: {  	s4 =	simm.s32 $0x1BF5;
	[smem:$0x3FAE] =	sst s0  }
0x18: {  	s0 =	sld [smem:$0x3F91];
	_ =	swait.ge [sflag:s4], $0x0  }
0x19: {  	s7 =	sld [smem:$0x3F92]  }
0x1a: {  	s8 =	sadd.s32 $0xFFFFE003, lr  }
0x1b: {  	s9 =	sadd.s32 $0xFFFFFEF7, lr;
	s5 =	simm.s32 $0xFFFFFFFF;
	p2 =	slt.u32 s8, $0xFFFFF086  }
0x1c: {  	p1 =	slt.u32 s9, $0xF7A;
	s5 =	simm.s32 @!p2 $0x0  }
0x1d: {  	s5 =	simm.s32 @p1 $0x1;
	p0 =	seq.s32 s7, s2  }
0x1e: {  	s7 =	smul.u32 @!p0 $0xF7A, s2;
	p2 =	seq.s32 @!p0 s5, $0x0  }
0x1f: {  	s9 =	smul.u32 $0xF7A, s1;
	s8 =	simm.s32 @!p0 $0x1BF5;
	p2 =	por !p2, p0  }
0x20: {  	[sflag:s8] =	ssyncset.s32 @!p0 $0xFFFFF086;
	s6 =	sadd.s32 @!p0 s3, s7;
	s7 =	simm.s32 @!p0 $0x108  }
0x21: {  	s3 =	sadd.s32 s3, s9;
	s6 =	sadd.s32 @!p0 $0x88, s6;
	s7 =	simm.s32 @p2 $0x1082  }
0x22: {  	[simem:s7], [sflag:s8] =	dma.local @!p0 [hbm:s6], $0xF7A  }
0x23: {  	s9 =	sor.u32 $0xD0000000, s2;
	s6 =	simm.s32 $0x108;
	_ =	swait.ge @!p0 [sflag:s8], $0x0  }
0x24: {  	s3 =	sadd.s32 $0x88, s3;
	s6 =	simm.s32 @!p1 $0x1082;
	[sflag:s4] =	ssyncset.s32 $0xFFFFF086  }
0x25: {  	[simem:s6], [sflag:s4] =	dma.local [hbm:s3], $0xF7A  }
0x26: {  	[smem:$0x3F92] =	sst s1;
	(tag) =	ssettag s2;
	_ =	strace s9  }
0x27: {  	s1 =	sld [smem:$0x3FA2]  }
0x28: {  	s2 =	sld [smem:$0x3FA3]  }
0x29: {  	s4 =	sld [smem:$0x3FA5]  }
0x2a: {  	p0 =	seq.s32 s5, $0x0;
	s5 =	sld [smem:$0x3FA6]  }
0x2b: {  	s6 =	sld [smem:$0x3FA7]  }
0x2c: {  	s7 =	sld [smem:$0x3FA8]  }
0x2d: {  	s3 =	simm.s32 $0x108;
	s8 =	sld [smem:$0x3FA9]  }
0x2e: {  	s3 =	simm.s32 @!p0 $0x1082;
	s9 =	sld [smem:$0x3FAA]  }
0x2f: {  	lr =	sadd.s32 s0, s3;
	s0 =	sld [smem:$0x3FA1]  }
0x30: {  	s3 =	sld [smem:$0x3FA4]  }
0x31: {  	[smem:$0x3FAD] =	sst s10  }
0x32: {  	s10 =	sld [smem:$0x3FAB];
	_ =	sdelay $0x3  }
0x33: {  	p0 =	seq.s32 s10, $0x1;
	s10 =	sld [smem:$0x3FAD];
	_ =	sdelay $0x3  }
0x34: {  	[smem:$0x3FAD] =	sst s10  }
0x35: {  	s10 =	sld [smem:$0x3FAC];
	_ =	sdelay $0x3  }
0x36: {  	p1 =	seq.s32 s10, $0x1;
	s10 =	sld [smem:$0x3FAD];
	_ =	sdelay $0x3  }
0x37: {  	[smem:$0x3FAD] =	sst s10  }
0x38: {  	s10 =	sld [smem:$0x3FAE]  }
0x39: {  	_ = 	snop;
	(pc) =	sbr.ind lr, $3  }
0x3a: {  	_ = 	snop  }
0x3b: {  	_ = 	snop  }
0x3c: {  	p2 =	seq.s32 s10, $0x1;
	s10 =	sld [smem:$0x3FAD]  }
0x3d: {  	_ =	shalt  }
0x3e: {  	_ =	shalt  }
0x3f: {  	_ =	shalt  }
0x40: {  	_ =	shalt  }
0x41: {  	_ =	shalt  }
0x42: {  	_ =	shalt  }
0x43: {  	_ =	shalt  }
0x44: {  	_ =	shalt  }
0x45: {  	_ =	shalt  }
0x46: {  	_ =	shalt  }
0x47: {  	_ =	shalt  }
0x48: {  	_ =	shalt  }
0x49: {  	_ =	shalt  }
0x4a: {  	_ =	shalt  }
0x4b: {  	_ =	shalt  }
0x4c: {  	_ =	shalt  }
0x4d: {  	_ =	shalt  }
0x4e: {  	_ =	shalt  }
0x4f: {  	_ =	shalt  }
0x50: {  	_ =	shalt  }
0x51: {  	_ =	shalt  }
0x52: {  	_ =	shalt  }
0x53: {  	_ =	shalt  }
0x54: {  	_ =	shalt  }
0x55: {  	_ =	shalt  }
0x56: {  	_ =	shalt  }
0x57: {  	_ =	shalt  }
0x58: {  	_ =	shalt  }
0x59: {  	_ =	shalt  }
0x5a: {  	_ =	shalt  }
0x5b: {  	_ =	shalt  }
0x5c: {  	_ =	shalt  }
0x5d: {  	_ =	shalt  }
0x5e: {  	_ =	shalt  }
0x5f: {  	_ =	shalt  }
0x60: {  	_ =	shalt  }
0x61: {  	_ =	shalt  }
0x62: {  	_ =	shalt  }
0x63: {  	_ =	shalt  }
0x64: {  	_ =	shalt  }
0x65: {  	_ =	shalt  }
0x66: {  	_ =	shalt  }
0x67: {  	_ =	shalt  }
0x68: {  	_ =	shalt  }
0x69: {  	_ =	shalt  }
0x6a: {  	_ =	shalt  }
0x6b: {  	_ =	shalt  }
0x6c: {  	_ =	shalt  }
0x6d: {  	_ =	shalt  }
0x6e: {  	_ =	shalt  }
0x6f: {  	_ =	shalt  }
0x70: {  	_ =	shalt  }
0x71: {  	_ =	shalt  }
0x72: {  	_ =	shalt  }
0x73: {  	_ =	shalt  }
0x74: {  	_ =	shalt  }
0x75: {  	_ =	shalt  }
0x76: {  	_ =	shalt  }
0x77: {  	_ =	shalt  }
0x78: {  	_ =	shalt  }
0x79: {  	_ =	shalt  }
0x7a: {  	_ =	shalt  }
0x7b: {  	_ =	shalt  }
0x7c: {  	_ =	shalt  }
0x7d: {  	_ =	shalt  }
0x7e: {  	_ =	shalt  }
0x7f: {  	_ =	shalt  }
0x80: {  	_ =	shalt  }
0x81: {  	_ =	shalt  }
0x82: {  	_ =	shalt  }
0x83: {  	_ =	shalt  }
0x84: {  	_ =	shalt  }
0x85: {  	_ =	shalt  }
0x86: {  	_ =	shalt  }
0x87: {  	_ =	shalt  }
.Lfunc_end0:
.L_simem_size_0:
called_computation.1_lowered:
.L_overlay_start_0:
0x88: {  	s2 =	sld [smem:$0x3FD9]  }
0x89: {  	s3 =	sld [smem:$0x3FFE];
	_ =	sdelay $0x1  }
0x8a: {  	s1 =	srdreg.scid  }
0x8b: {  	s0 =	sand.u32 $0x1, s1  }
0x8c: {  	s17 =	sshll.u32 s0, $0xA;
	s2 =	sadd.s32 s3, s2  }
0x8d: {  	s2 =	sadd.s32 s2, s17  }
0x8e: {  	[smem:$0x3FB9] =	sst s2  }
0x8f: {  	_ = 	snop  }
0x90: {  	(tm) =	ssettm $0x1  }
0x91: {  	s18 =	sld [smem:$0x3FFB];
	_ =	sdelay $0x3  }
0x92: {  	_ =	strace s18  }
0x93: {  	s2 =	sld [smem:$0x3FFC];
	_ =	sdelay $0x3  }
0x94: {  	_ =	strace s2  }
0x95: {  	s2 =	sld [smem:$0x3FFD];
	_ =	sdelay $0x3  }
0x96: {  	_ =	strace s2  }
0x97: {  	_ =	strace $0x8FFFFFFF  }
0x98: {  	s19 =	sld [smem:$0x3FDB];
	_ =	sdelay $0x1  }
0x99: {  	s20 =	simm.s32 $_scs_section_size  }
0x9a: {  	s4 =	simm.s32 $_size__tile_overlayer_lowered;
	s5 =	simm.s32 $_tile_overlayer_lowered  }
0x9b: {  	s6 =	simm.s32 $0x1BFF;
	s21 =	sshll.u32 s5, $0x1;
	s3 =	sadd.s32 s20, s19  }
0x9c: {  	s22 =	simm.s32 $0x0;
	s4 =	sshll.u32 s4, $0x1;
	s5 =	sadd.s32 s21, s3  }
0x9d: {  	[timem:s22], [sflag:s6] =	dma.local [hbm:s5], s4  }
0x9e: {  	_ =	swait.ge [sflag:s6], s4  }
0x9f: {  	s4 =	ssub.s32 $0x0, s4;
	[sflag:s6] =	ssyncset.done $0x0  }
0xa0: {  	[sflag:s6] =	ssyncadd.s32 s4;
	_ =	sdelay $0x1  }
0xa1: {  	s23 =	simm.s32 $0x1B8B  }
0xa2: {  	_ =	swait.ge [sflag:s23], $0x1  }
0xa3: {  	[sflag:s23] =	ssyncset.done $0x0  }
0xa4: {  	[sflag:s23] =	ssyncadd.s32 $0xFFFFFFFF  }
0xa5: {  	s4 =	sld [smem:$0x0]  }
0xa6: {  	s5 =	sand.u32 $0xFFFFFFFE, s1  }
0xa7: {  	p0 =	sne.s32 s1, s5  }
0xa8: {  	s5 =	sshll.u32 @p0 s5, $0xE  }
0xa9: {  	s5 =	sadd.s32 @p0 $0x11B8D, s5;
	s6 =	sshll.u32 @p0 s4, $0x11  }
0xaa: {  	s5 =	sor.u32 @p0 s6, s5  }
0xab: {  	[sflag:s5] =	ssyncadd.remote.s32 @p0 $0x1;
	_ =	sdelay $0x1  }
0xac: {  	s5 =	simm.s32 @p0 $0x1B8D  }
0xad: {  	_ =	swait.eq @p0 [sflag:s5], $0x1  }
0xae: {  	[sflag:s5] =	ssyncadd.s32 @p0 $0xFFFFFFFF  }
0xaf: {  	s6 =	sshll.u32 @!p0 s1, $0xE  }
0xb0: {  	s6 =	sor.u32 @!p0 $0x4000, s6;
	s5 =	simm.s32 @!p0 $0x1B8D  }
0xb1: {  	s4 =	sshll.u32 @!p0 s4, $0x11;
	s6 =	sadd.s32 @!p0 $0x11B8D, s6;
	_ =	swait.eq @!p0 [sflag:s5], $0x1  }
0xb2: {  	s4 =	sor.u32 @!p0 s4, s6;
	[sflag:s5] =	ssyncadd.s32 @!p0 $0xFFFFFFFF  }
0xb3: {  	s25 =	simm.s32 $0x1B8E;
	s24 =	sld [smem:$0x3FFE];
	[sflag:s4] =	ssyncadd.remote.s32 @!p0 $0x1  }
0xb4: {  	s26 =	simm.s32 $execute0_lowered;
	[smem:$0x3FD2] =	sst s25  }
0xb5: {  	s5 =	sshll.u32 s26, $0x1;
	_ =	strace $0x80000049;
	[dreg:$0x1] =	wrdreg $0xFFFFFFFF  }
0xb6: {  	s28 =	simm.s32 $_size_execute0_lowered;
	s3 =	sadd.s32 s3, s5;
	[dreg:$0x0] =	wrdreg $0x0  }
0xb7: {  	s5 =	sshll.u32 s28, $0x1;
	[dreg:$0x2] =	wrdreg s3  }
0xb8: {  	[dreg:$0x3] =	wrdreg s5  }
0xb9: {  	[dreg:$0x4] =	wrdreg $0xC0  }
0xba: {  	_ =	task [dreg:s22], $0x5FFFF  }
0xbb: {  	[dreg:$0x1] =	wrdreg $0xFFFFFFFF  }
0xbc: {  	[dreg:$0x0] =	wrdreg $0x60  }
0xbd: {  	[dreg:$0x2] =	wrdreg s24  }
0xbe: {  	[dreg:$0x3] =	wrdreg $0x9  }
0xbf: {  	_ =	task.clear_ibuf [dreg:s22], $0x4FFFF;
	_ =	strace $0x90000049  }
0xc0: {  	s29 =	simm.s32 $0x9;
	_ =	strace $0x8000004B  }
0xc1: {  	_ =	swait.ge [sflag:s29], $0x1  }
0xc2: {  	[sflag:s29] =	ssyncadd.s32 $0xFFFFFFFF  }
0xc3: {  	_ =	strace $0x9000004B  }
0xc4: {  	_ =	sfence  }
0xc5: {  	s30 =	sld [smem:$0x0];
	_ =	sdelay $0x2  }
0xc6: {  	s31 =	sshll.u32 s1, $0xD;
	s1 =	sshrl.u32 s1, $0x2  }
0xc7: {  	s4 =	sand.u32 $0x4000, s31;
	s1 =	sadd.s32 s1, s30  }
0xc8: {  	s0 =	sor.u32 s4, s0;
	s1 =	sshll.u32 s1, $0x11  }
0xc9: {  	s0 =	sor.u32 s1, s0  }
0xca: {  	s0 =	sadd.s32 $0x8F2B, s0  }
0xcb: {  	[sflag:s0] =	ssyncadd.remote.s32 $0x1  }
0xcc: {  	_ =	sfence.sel $0xFFFF  }
0xcd: {  	[dreg:$0x0] =	wrdreg $0xFFFFFFFF;
	(pc) =	sbr.abs _section_cstart, $3  }
0xce: {  	[dreg:$0x1] =	wrdreg $0xFFFFFFFF  }
0xcf: {  	_ =	task.clear_ibuf [dreg:s22], $0x2FFFF;
	_ =	strace $0x9FFFFFFF  }
0xd0: {  	(tm) =	ssettm $0x7FFFFFFF  }
0xd1: {  	_ =	shalt  }
tec
execute0_lowered:
.L_overlay_start_1:
0x0: {  	(tag) =	ssettag $0x1  }
0x1: {  	s1 =	srdreg.scid;
	s0 =	stileid.u32  }
0x2: {  	s19 =	sand.u32 $0x1, s1;
	s30 =	sshll.u32 s0, $0x1  }
0x3: {  	s1 =	sor.u32 s19, s30  }
0x4: {  	s3 =	smul.u32 $0x1310, s1  }
0x5: {  	s10 =	rddreg [dreg:$0x0];
	s2 =	simm.s32 $0x0;
	s4 =	simm.s32 $0x2  }
0x6: {  	[smem:$0x7FF] =	sst s2;
	s17 =	sadd.s32 $0x92600, s10;
	s20 =	sshrl.u32 s3, $0x3  }
0x7: {  	s1 =	rddreg [dreg:$0x1];
	_ =	strace $0x8000004A;
	s3 =	sadd.s32 s17, s20  }
0x8: {  	[tilespmem:s2], [sflag:$0x2] =	stream.linear.gather [hbm4b:s3+s2], $0x3D0, $0x38;
	[tilespmem:$0x44A0] =	vst v63  }
0x9: {  	_ =	swait.ge [sflag:s4], $0x3D0  }
0xa: {  	s18 =	sadd.s32 $0x97400, s10;
	[sflag:s4] =	ssyncset.done $0x0  }
0xb: {  	s6 =	simm.s32 $0x3D0;
	s5 =	sadd.s32 s18, s20;
	[sflag:s4] =	ssyncadd.s32 $0xFFFFFC30  }
0xc: {  	[tilespmem:s6], [sflag:$0x2] =	stream.linear.gather [hbm4b:s5+s2], $0x3D0, $0x38;
	[tilespmem:$0x44A0] =	vst v63  }
0xd: {  	_ =	swait.ge [sflag:s4], $0x3D0  }
0xe: {  	s9 =	simm.s32 $0x7A0;
	[sflag:s4] =	ssyncset.done $0x0  }
0xf: {  	s8 =	simm.s32 $0x1;
	s7 =	sadd.s32 $0x2E600, s10;
	[sflag:s4] =	ssyncadd.s32 $0xFFFFFC30  }
0x10: {  	[tilespmem:s9], [sflag:$0x1] =	stream.indirect.gather [hbm4b:s7+s6], $0x10, s2, s6, $0xb8;
	[tilespmem:$0x44A0] =	vst v63  }
0x11: {  	_ =	swait.ge [sflag:s8], $0x3D00  }
0x12: {  	[sflag:s8] =	ssyncset.done $0x0  }
0x13: {  	s10 =	sadd.s32 $0x9C200, s10;
	[sflag:s8] =	ssyncadd.s32 $0xFFFFC300  }
0x14: {  	[hbm4b:s10+s6] =	stream.indirect.scatter [tilespmem:s9], [sflag:$0x1], $0x10, s6, s6, $0xb8;
	[tilespmem:$0x44A0] =	vst v63  }
0x15: {  	_ =	swait.ge [sflag:s8], $0x3D00  }
0x16: {  	s12 =	sadd.s32 $0x7A, s20;
	[sflag:s8] =	ssyncset.done $0x0  }
0x17: {  	s11 =	sadd.s32 s17, s12;
	[sflag:s8] =	ssyncadd.s32 $0xFFFFC300  }
0x18: {  	[tilespmem:s2], [sflag:$0x2] =	stream.linear.gather [hbm4b:s11+s2], $0x3D0, $0x38;
	[tilespmem:$0x44A0] =	vst v63  }
0x19: {  	_ =	swait.ge [sflag:s4], $0x3D0  }
0x1a: {  	[sflag:s4] =	ssyncset.done $0x0  }
0x1b: {  	s12 =	sadd.s32 s18, s12;
	[sflag:s4] =	ssyncadd.s32 $0xFFFFFC30  }
0x1c: {  	[tilespmem:s6], [sflag:$0x2] =	stream.linear.gather [hbm4b:s12+s2], $0x3D0, $0x38;
	[tilespmem:$0x44A0] =	vst v63  }
0x1d: {  	_ =	swait.ge [sflag:s4], $0x3D0  }
0x1e: {  	[sflag:s4] =	ssyncset.done $0x0  }
0x1f: {  	[sflag:s4] =	ssyncadd.s32 $0xFFFFFC30  }
0x20: {  	[tilespmem:s9], [sflag:$0x1] =	stream.indirect.gather [hbm4b:s7+s6], $0x10, s2, s6, $0xb8;
	[tilespmem:$0x44A0] =	vst v63  }
0x21: {  	_ =	swait.ge [sflag:s8], $0x3D00  }
0x22: {  	[sflag:s8] =	ssyncset.done $0x0  }
0x23: {  	[sflag:s8] =	ssyncadd.s32 $0xFFFFC300  }
0x24: {  	[hbm4b:s10+s6] =	stream.indirect.scatter [tilespmem:s9], [sflag:$0x1], $0x10, s6, s6, $0xb8;
	[tilespmem:$0x44A0] =	vst v63  }
0x25: {  	_ =	swait.ge [sflag:s8], $0x3D00  }
0x26: {  	s14 =	sadd.s32 $0xF4, s20;
	[sflag:s8] =	ssyncset.done $0x0  }
0x27: {  	s13 =	sadd.s32 s17, s14;
	[sflag:s8] =	ssyncadd.s32 $0xFFFFC300  }
0x28: {  	[tilespmem:s2], [sflag:$0x2] =	stream.linear.gather [hbm4b:s13+s2], $0x3D0, $0x38;
	[tilespmem:$0x44A0] =	vst v63  }
0x29: {  	_ =	swait.ge [sflag:s4], $0x3D0  }
0x2a: {  	[sflag:s4] =	ssyncset.done $0x0  }
0x2b: {  	s14 =	sadd.s32 s18, s14;
	[sflag:s4] =	ssyncadd.s32 $0xFFFFFC30  }
0x2c: {  	[tilespmem:s6], [sflag:$0x2] =	stream.linear.gather [hbm4b:s14+s2], $0x3D0, $0x38;
	[tilespmem:$0x44A0] =	vst v63  }
0x2d: {  	_ =	swait.ge [sflag:s4], $0x3D0  }
0x2e: {  	[sflag:s4] =	ssyncset.done $0x0  }
0x2f: {  	[sflag:s4] =	ssyncadd.s32 $0xFFFFFC30  }
0x30: {  	[tilespmem:s9], [sflag:$0x1] =	stream.indirect.gather [hbm4b:s7+s6], $0x10, s2, s6, $0xb8;
	[tilespmem:$0x44A0] =	vst v63  }
0x31: {  	_ =	swait.ge [sflag:s8], $0x3D00  }
0x32: {  	[sflag:s8] =	ssyncset.done $0x0  }
0x33: {  	[sflag:s8] =	ssyncadd.s32 $0xFFFFC300  }
0x34: {  	[hbm4b:s10+s6] =	stream.indirect.scatter [tilespmem:s9], [sflag:$0x1], $0x10, s6, s6, $0xb8;
	[tilespmem:$0x44A0] =	vst v63  }
0x35: {  	_ =	swait.ge [sflag:s8], $0x3D00  }
0x36: {  	s16 =	sadd.s32 $0x16E, s20;
	[sflag:s8] =	ssyncset.done $0x0  }
0x37: {  	s15 =	sadd.s32 s17, s16;
	[sflag:s8] =	ssyncadd.s32 $0xFFFFC300  }
0x38: {  	[tilespmem:s2], [sflag:$0x2] =	stream.linear.gather [hbm4b:s15+s2], $0x3D0, $0x38;
	[tilespmem:$0x44A0] =	vst v63  }
0x39: {  	_ =	swait.ge [sflag:s4], $0x3D0  }
0x3a: {  	[sflag:s4] =	ssyncset.done $0x0  }
0x3b: {  	s16 =	sadd.s32 s18, s16;
	[sflag:s4] =	ssyncadd.s32 $0xFFFFFC30  }
0x3c: {  	[tilespmem:s6], [sflag:$0x2] =	stream.linear.gather [hbm4b:s16+s2], $0x3D0, $0x38;
	[tilespmem:$0x44A0] =	vst v63  }
0x3d: {  	_ =	swait.ge [sflag:s4], $0x3D0  }
0x3e: {  	[sflag:s4] =	ssyncset.done $0x0  }
0x3f: {  	[sflag:s4] =	ssyncadd.s32 $0xFFFFFC30  }
0x40: {  	[tilespmem:s9], [sflag:$0x1] =	stream.indirect.gather [hbm4b:s7+s6], $0x10, s2, s6, $0xb8;
	[tilespmem:$0x44A0] =	vst v63  }
0x41: {  	_ =	swait.ge [sflag:s8], $0x3D00  }
0x42: {  	[sflag:s8] =	ssyncset.done $0x0  }
0x43: {  	[sflag:s8] =	ssyncadd.s32 $0xFFFFC300  }
0x44: {  	[hbm4b:s10+s6] =	stream.indirect.scatter [tilespmem:s9], [sflag:$0x1], $0x10, s6, s6, $0xb8;
	[tilespmem:$0x44A0] =	vst v63  }
0x45: {  	_ =	swait.ge [sflag:s8], $0x3D00  }
0x46: {  	s20 =	sadd.s32 $0x1E8, s20;
	[sflag:s8] =	ssyncset.done $0x0  }
0x47: {  	s17 =	sadd.s32 s17, s20;
	[sflag:s8] =	ssyncadd.s32 $0xFFFFC300  }
0x48: {  	[tilespmem:s2], [sflag:$0x2] =	stream.linear.gather [hbm4b:s17+s2], $0x3D0, $0x38;
	[tilespmem:$0x44A0] =	vst v63  }
0x49: {  	_ =	swait.ge [sflag:s4], $0x3D0  }
0x4a: {  	[sflag:s4] =	ssyncset.done $0x0  }
0x4b: {  	s19 =	ssub.s32 $0x2, s19;
	s18 =	sadd.s32 s18, s20;
	[sflag:s4] =	ssyncadd.s32 $0xFFFFFC30  }
0x4c: {  	[tilespmem:s6], [sflag:$0x2] =	stream.linear.gather [hbm4b:s18+s2], $0x3D0, $0x38;
	[tilespmem:$0x44A0] =	vst v63  }
0x4d: {  	s31 =	sshrl.u32 s19, $0x1;
	_ =	swait.ge [sflag:s4], $0x3D0  }
0x4e: {  	s19 =	ssub.s32 s19, s31;
	[sflag:s4] =	ssyncset.done $0x0  }
0x4f: {  	s19 =	smax.u32 s19, $0x1;
	[sflag:s4] =	ssyncadd.s32 $0xFFFFFC30  }
0x50: {  	[tilespmem:s9], [sflag:$0x1] =	stream.indirect.gather [hbm4b:s7+s6], $0x10, s2, s6, $0xb8;
	[tilespmem:$0x44A0] =	vst v63  }
0x51: {  	p0 =	sne.s32 s19, $0x1;
	_ =	swait.ge [sflag:s8], $0x3D00  }
.Ltmp0:
0x52: {  	[sflag:s8] =	ssyncset.done $0x0;
	(pc) =	sbr.rel @!p0 .LBB2_2-.Ltmp0, $4  }
0x53: {  	[sflag:s8] =	ssyncadd.s32 $0xFFFFC300  }
0x54: {  	[hbm4b:s10+s6] =	stream.indirect.scatter [tilespmem:s9], [sflag:$0x1], $0x10, s6, s6, $0xb8;
	[tilespmem:$0x44A0] =	vst v63  }
0x55: {  	_ =	swait.ge [sflag:s8], $0x3D00  }
0x56: {  	s19 =	sadd.s32 $0xFFFFFFFF, s19;
	[sflag:s8] =	ssyncset.done $0x0  }
.LBB2_1:
0x57: {  	p0 =	sne.s32 s19, $0x1;
	s19 =	sadd.s32 $0xFFFFFFFF, s19;
	[sflag:s8] =	ssyncadd.s32 $0xFFFFC300  }
0x58: {  	[tilespmem:s2], [sflag:$0x2] =	stream.linear.gather [hbm4b:s3+s2], $0x3D0, $0x38;
	[tilespmem:$0x44A0] =	vst v63  }
0x59: {  	_ =	swait.ge [sflag:s4], $0x3D0  }
0x5a: {  	[sflag:s4] =	ssyncset.done $0x0  }
0x5b: {  	[sflag:s4] =	ssyncadd.s32 $0xFFFFFC30  }
0x5c: {  	[tilespmem:s6], [sflag:$0x2] =	stream.linear.gather [hbm4b:s5+s2], $0x3D0, $0x38;
	[tilespmem:$0x44A0] =	vst v63  }
0x5d: {  	_ =	swait.ge [sflag:s4], $0x3D0  }
0x5e: {  	[sflag:s4] =	ssyncset.done $0x0  }
0x5f: {  	[sflag:s4] =	ssyncadd.s32 $0xFFFFFC30  }
0x60: {  	[tilespmem:s9], [sflag:$0x1] =	stream.indirect.gather [hbm4b:s7+s6], $0x10, s2, s6, $0xb8;
	[tilespmem:$0x44A0] =	vst v63  }
0x61: {  	_ =	swait.ge [sflag:s8], $0x3D00  }
0x62: {  	[sflag:s8] =	ssyncset.done $0x0  }
0x63: {  	[sflag:s8] =	ssyncadd.s32 $0xFFFFC300  }
0x64: {  	[hbm4b:s10+s6] =	stream.indirect.scatter [tilespmem:s9], [sflag:$0x1], $0x10, s6, s6, $0xb8;
	[tilespmem:$0x44A0] =	vst v63  }
0x65: {  	_ =	swait.ge [sflag:s8], $0x3D00  }
0x66: {  	[sflag:s8] =	ssyncset.done $0x0  }
0x67: {  	[sflag:s8] =	ssyncadd.s32 $0xFFFFC300  }
0x68: {  	[tilespmem:s2], [sflag:$0x2] =	stream.linear.gather [hbm4b:s11+s2], $0x3D0, $0x38;
	[tilespmem:$0x44A0] =	vst v63  }
0x69: {  	_ =	swait.ge [sflag:s4], $0x3D0  }
0x6a: {  	[sflag:s4] =	ssyncset.done $0x0  }
0x6b: {  	[sflag:s4] =	ssyncadd.s32 $0xFFFFFC30  }
0x6c: {  	[tilespmem:s6], [sflag:$0x2] =	stream.linear.gather [hbm4b:s12+s2], $0x3D0, $0x38;
	[tilespmem:$0x44A0] =	vst v63  }
0x6d: {  	_ =	swait.ge [sflag:s4], $0x3D0  }
0x6e: {  	[sflag:s4] =	ssyncset.done $0x0  }
0x6f: {  	[sflag:s4] =	ssyncadd.s32 $0xFFFFFC30  }
0x70: {  	[tilespmem:s9], [sflag:$0x1] =	stream.indirect.gather [hbm4b:s7+s6], $0x10, s2, s6, $0xb8;
	[tilespmem:$0x44A0] =	vst v63  }
0x71: {  	_ =	swait.ge [sflag:s8], $0x3D00  }
0x72: {  	[sflag:s8] =	ssyncset.done $0x0  }
0x73: {  	[sflag:s8] =	ssyncadd.s32 $0xFFFFC300  }
0x74: {  	[hbm4b:s10+s6] =	stream.indirect.scatter [tilespmem:s9], [sflag:$0x1], $0x10, s6, s6, $0xb8;
	[tilespmem:$0x44A0] =	vst v63  }
0x75: {  	_ =	swait.ge [sflag:s8], $0x3D00  }
0x76: {  	[sflag:s8] =	ssyncset.done $0x0  }
0x77: {  	[sflag:s8] =	ssyncadd.s32 $0xFFFFC300  }
0x78: {  	[tilespmem:s2], [sflag:$0x2] =	stream.linear.gather [hbm4b:s13+s2], $0x3D0, $0x38;
	[tilespmem:$0x44A0] =	vst v63  }
0x79: {  	_ =	swait.ge [sflag:s4], $0x3D0  }
0x7a: {  	[sflag:s4] =	ssyncset.done $0x0  }
0x7b: {  	[sflag:s4] =	ssyncadd.s32 $0xFFFFFC30  }
0x7c: {  	[tilespmem:s6], [sflag:$0x2] =	stream.linear.gather [hbm4b:s14+s2], $0x3D0, $0x38;
	[tilespmem:$0x44A0] =	vst v63  }
0x7d: {  	_ =	swait.ge [sflag:s4], $0x3D0  }
0x7e: {  	[sflag:s4] =	ssyncset.done $0x0  }
0x7f: {  	[sflag:s4] =	ssyncadd.s32 $0xFFFFFC30  }
0x80: {  	[tilespmem:s9], [sflag:$0x1] =	stream.indirect.gather [hbm4b:s7+s6], $0x10, s2, s6, $0xb8;
	[tilespmem:$0x44A0] =	vst v63  }
0x81: {  	_ =	swait.ge [sflag:s8], $0x3D00  }
0x82: {  	[sflag:s8] =	ssyncset.done $0x0  }
0x83: {  	[sflag:s8] =	ssyncadd.s32 $0xFFFFC300  }
0x84: {  	[hbm4b:s10+s6] =	stream.indirect.scatter [tilespmem:s9], [sflag:$0x1], $0x10, s6, s6, $0xb8;
	[tilespmem:$0x44A0] =	vst v63  }
0x85: {  	_ =	swait.ge [sflag:s8], $0x3D00  }
0x86: {  	[sflag:s8] =	ssyncset.done $0x0  }
0x87: {  	[sflag:s8] =	ssyncadd.s32 $0xFFFFC300  }
0x88: {  	[tilespmem:s2], [sflag:$0x2] =	stream.linear.gather [hbm4b:s15+s2], $0x3D0, $0x38;
	[tilespmem:$0x44A0] =	vst v63  }
0x89: {  	_ =	swait.ge [sflag:s4], $0x3D0  }
0x8a: {  	[sflag:s4] =	ssyncset.done $0x0  }
0x8b: {  	[sflag:s4] =	ssyncadd.s32 $0xFFFFFC30  }
0x8c: {  	[tilespmem:s6], [sflag:$0x2] =	stream.linear.gather [hbm4b:s16+s2], $0x3D0, $0x38;
	[tilespmem:$0x44A0] =	vst v63  }
0x8d: {  	_ =	swait.ge [sflag:s4], $0x3D0  }
0x8e: {  	[sflag:s4] =	ssyncset.done $0x0  }
0x8f: {  	[sflag:s4] =	ssyncadd.s32 $0xFFFFFC30  }
0x90: {  	[tilespmem:s9], [sflag:$0x1] =	stream.indirect.gather [hbm4b:s7+s6], $0x10, s2, s6, $0xb8;
	[tilespmem:$0x44A0] =	vst v63  }
0x91: {  	_ =	swait.ge [sflag:s8], $0x3D00  }
0x92: {  	[sflag:s8] =	ssyncset.done $0x0  }
0x93: {  	[sflag:s8] =	ssyncadd.s32 $0xFFFFC300  }
0x94: {  	[hbm4b:s10+s6] =	stream.indirect.scatter [tilespmem:s9], [sflag:$0x1], $0x10, s6, s6, $0xb8;
	[tilespmem:$0x44A0] =	vst v63  }
0x95: {  	_ =	swait.ge [sflag:s8], $0x3D00  }
0x96: {  	[sflag:s8] =	ssyncset.done $0x0  }
0x97: {  	[sflag:s8] =	ssyncadd.s32 $0xFFFFC300  }
0x98: {  	[tilespmem:s2], [sflag:$0x2] =	stream.linear.gather [hbm4b:s17+s2], $0x3D0, $0x38;
	[tilespmem:$0x44A0] =	vst v63  }
0x99: {  	_ =	swait.ge [sflag:s4], $0x3D0  }
0x9a: {  	[sflag:s4] =	ssyncset.done $0x0  }
0x9b: {  	[sflag:s4] =	ssyncadd.s32 $0xFFFFFC30  }
0x9c: {  	[tilespmem:s6], [sflag:$0x2] =	stream.linear.gather [hbm4b:s18+s2], $0x3D0, $0x38;
	[tilespmem:$0x44A0] =	vst v63  }
0x9d: {  	_ =	swait.ge [sflag:s4], $0x3D0  }
0x9e: {  	[sflag:s4] =	ssyncset.done $0x0  }
0x9f: {  	[sflag:s4] =	ssyncadd.s32 $0xFFFFFC30  }
0xa0: {  	[tilespmem:s9], [sflag:$0x1] =	stream.indirect.gather [hbm4b:s7+s6], $0x10, s2, s6, $0xb8;
	[tilespmem:$0x44A0] =	vst v63  }
0xa1: {  	_ =	swait.ge [sflag:s8], $0x3D00  }
.Ltmp1:
0xa2: {  	[sflag:s8] =	ssyncset.done $0x0;
	(pc) =	sbr.rel @p0 .LBB2_1-.Ltmp1, $4  }
0xa3: {  	[sflag:s8] =	ssyncadd.s32 $0xFFFFC300  }
0xa4: {  	[hbm4b:s10+s6] =	stream.indirect.scatter [tilespmem:s9], [sflag:$0x1], $0x10, s6, s6, $0xb8;
	[tilespmem:$0x44A0] =	vst v63  }
0xa5: {  	_ =	swait.ge [sflag:s8], $0x3D00  }
0xa6: {  	[sflag:s8] =	ssyncset.done $0x0  }
.LBB2_2:
0xa7: {  	[sflag:s8] =	ssyncadd.s32 $0xFFFFC300  }
0xa8: {  	_ =	sfence.sel $0x180000  }
0xa9: {  	[bflag:$0x0] =	sbarrier.arrive $0xFFFF  }
0xaa: {  	p0 =	sne.s32 s0, $0x0;
	_ =	strace $0x9000004A  }
0xab: {  	s0 =	sadd.s32 @!p0 $0x100000, s1;
	[bflag:$0x2] =	sbarrier.arrive $0xFFFF  }
0xac: {  	[sflag:s0] =	ssyncadd.tile.s32 @!p0 $0x1;
	_ =	shalt  }
.Lfunc_end2:
_tile_overlayer_lowered:
.L_overlay_start_2:
0xad: {  	(tag) =	ssettag $0x2  }
0xae: {  	s0 =	rddreg [dreg:$0x0];
	s2 =	stileid.u32  }
0xaf: {  	s1 =	rddreg [dreg:$0x1];
	p0 =	sne.s32 s2, $0x0  }
0xb0: {  	s3 =	rddreg [dreg:$0x2];
	[bflag:$0x3] =	sbarrier.arrive $0xFFFF;
	s2 =	simm.s32 @!p0 $0x1C02  }
0xb1: {  	[timem:s3], [sflag:s2] =	dma.local @!p0 [hbm:s0], s1  }
0xb2: {  	s0 =	simm.s32 @!p0 $0x2  }
0xb3: {  	_ =	swait.ge @!p0 [sflag:s0], s1  }
0xb4: {  	s1 =	ssub.s32 @!p0 $0x0, s1;
	[sflag:s0] =	ssyncset.done @!p0 $0x0  }
0xb5: {  	[sflag:s0] =	ssyncadd.s32 @!p0 s1  }
0xb6: {  	[bflag:$0x3] =	sbarrier.arrive $0xFFFF  }
0xb7: {  	_ =	shalt  }

// kernel: kernel.22.cloned.1.call-start
scs
__scs_entry_jumppad:
0x0: {  	(pc) =	sbr.rel $0x88, $3  }
0x1: {  	(tag) =	ssettag $0x0;
	lr =	simm.s32 $0x1  }
0x2: {  	[smem:$0x3F92] =	sst lr;
	_ =	strace $0xD0000000  }
0x3: {  	_ = 	snop  }
0x4: {  	_ = 	snop  }
0x5: {  	_ = 	snop  }
0x6: {  	_ = 	snop  }
0x7: {  	_ = 	snop  }
__scs_overlays_trampoline_lowered:
0x8: {  	[smem:$0x3FA1] =	sst s0  }
0x9: {  	[smem:$0x3FA2] =	sst s1  }
0xa: {  	[smem:$0x3FA3] =	sst s2  }
0xb: {  	[smem:$0x3FA4] =	sst s3  }
0xc: {  	[smem:$0x3FA5] =	sst s4  }
0xd: {  	[smem:$0x3FA6] =	sst s5  }
0xe: {  	[smem:$0x3FA7] =	sst s6  }
0xf: {  	[smem:$0x3FA8] =	sst s7  }
0x10: {  	[smem:$0x3FA9] =	sst s8  }
0x11: {  	[smem:$0x3FAA] =	sst s9;
	s0 =	simm.s32 @!p0 $0x0  }
0x12: {  	s1 =	sld [smem:$0x3F90];
	s0 =	simm.s32 @p0 $0x1  }
0x13: {  	[smem:$0x3FAB] =	sst s0;
	s0 =	simm.s32 @!p1 $0x0  }
0x14: {  	s2 =	sld [smem:$0x3F8F];
	s0 =	simm.s32 @p1 $0x1  }
0x15: {  	[smem:$0x3FAC] =	sst s0;
	s0 =	simm.s32 @!p2 $0x0  }
0x16: {  	s3 =	sld [smem:$0x3FDB];
	s0 =	simm.s32 @p2 $0x1  }
0x17: {  	s4 =	simm.s32 $0x1BF5;
	[smem:$0x3FAE] =	sst s0  }
0x18: {  	s0 =	sld [smem:$0x3F91];
	_ =	swait.ge [sflag:s4], $0x0  }
0x19: {  	s7 =	sld [smem:$0x3F92]  }
0x1a: {  	s8 =	sadd.s32 $0xFFFFE003, lr  }
0x1b: {  	s9 =	sadd.s32 $0xFFFFFEF7, lr;
	s5 =	simm.s32 $0xFFFFFFFF;
	p2 =	slt.u32 s8, $0xFFFFF086  }
0x1c: {  	p1 =	slt.u32 s9, $0xF7A;
	s5 =	simm.s32 @!p2 $0x0  }
0x1d: {  	s5 =	simm.s32 @p1 $0x1;
	p0 =	seq.s32 s7, s2  }
0x1e: {  	s7 =	smul.u32 @!p0 $0xF7A, s2;
	p2 =	seq.s32 @!p0 s5, $0x0  }
0x1f: {  	s9 =	smul.u32 $0xF7A, s1;
	s8 =	simm.s32 @!p0 $0x1BF5;
	p2 =	por !p2, p0  }
0x20: {  	[sflag:s8] =	ssyncset.s32 @!p0 $0xFFFFF086;
	s6 =	sadd.s32 @!p0 s3, s7;
	s7 =	simm.s32 @!p0 $0x108  }
0x21: {  	s3 =	sadd.s32 s3, s9;
	s6 =	sadd.s32 @!p0 $0x88, s6;
	s7 =	simm.s32 @p2 $0x1082  }
0x22: {  	[simem:s7], [sflag:s8] =	dma.local @!p0 [hbm:s6], $0xF7A  }
0x23: {  	s9 =	sor.u32 $0xD0000000, s2;
	s6 =	simm.s32 $0x108;
	_ =	swait.ge @!p0 [sflag:s8], $0x0  }
0x24: {  	s3 =	sadd.s32 $0x88, s3;
	s6 =	simm.s32 @!p1 $0x1082;
	[sflag:s4] =	ssyncset.s32 $0xFFFFF086  }
0x25: {  	[simem:s6], [sflag:s4] =	dma.local [hbm:s3], $0xF7A  }
0x26: {  	[smem:$0x3F92] =	sst s1;
	(tag) =	ssettag s2;
	_ =	strace s9  }
0x27: {  	s1 =	sld [smem:$0x3FA2]  }
0x28: {  	s2 =	sld [smem:$0x3FA3]  }
0x29: {  	s4 =	sld [smem:$0x3FA5]  }
0x2a: {  	p0 =	seq.s32 s5, $0x0;
	s5 =	sld [smem:$0x3FA6]  }
0x2b: {  	s6 =	sld [smem:$0x3FA7]  }
0x2c: {  	s7 =	sld [smem:$0x3FA8]  }
0x2d: {  	s3 =	simm.s32 $0x108;
	s8 =	sld [smem:$0x3FA9]  }
0x2e: {  	s3 =	simm.s32 @!p0 $0x1082;
	s9 =	sld [smem:$0x3FAA]  }
0x2f: {  	lr =	sadd.s32 s0, s3;
	s0 =	sld [smem:$0x3FA1]  }
0x30: {  	s3 =	sld [smem:$0x3FA4]  }
0x31: {  	[smem:$0x3FAD] =	sst s10  }
0x32: {  	s10 =	sld [smem:$0x3FAB];
	_ =	sdelay $0x3  }
0x33: {  	p0 =	seq.s32 s10, $0x1;
	s10 =	sld [smem:$0x3FAD];
	_ =	sdelay $0x3  }
0x34: {  	[smem:$0x3FAD] =	sst s10  }
0x35: {  	s10 =	sld [smem:$0x3FAC];
	_ =	sdelay $0x3  }
0x36: {  	p1 =	seq.s32 s10, $0x1;
	s10 =	sld [smem:$0x3FAD];
	_ =	sdelay $0x3  }
0x37: {  	[smem:$0x3FAD] =	sst s10  }
0x38: {  	s10 =	sld [smem:$0x3FAE]  }
0x39: {  	_ = 	snop;
	(pc) =	sbr.ind lr, $3  }
0x3a: {  	_ = 	snop  }
0x3b: {  	_ = 	snop  }
0x3c: {  	p2 =	seq.s32 s10, $0x1;
	s10 =	sld [smem:$0x3FAD]  }
0x3d: {  	_ =	shalt  }
0x3e: {  	_ =	shalt  }
0x3f: {  	_ =	shalt  }
0x40: {  	_ =	shalt  }
0x41: {  	_ =	shalt  }
0x42: {  	_ =	shalt  }
0x43: {  	_ =	shalt  }
0x44: {  	_ =	shalt  }
0x45: {  	_ =	shalt  }
0x46: {  	_ =	shalt  }
0x47: {  	_ =	shalt  }
0x48: {  	_ =	shalt  }
0x49: {  	_ =	shalt  }
0x4a: {  	_ =	shalt  }
0x4b: {  	_ =	shalt  }
0x4c: {  	_ =	shalt  }
0x4d: {  	_ =	shalt  }
0x4e: {  	_ =	shalt  }
0x4f: {  	_ =	shalt  }
0x50: {  	_ =	shalt  }
0x51: {  	_ =	shalt  }
0x52: {  	_ =	shalt  }
0x53: {  	_ =	shalt  }
0x54: {  	_ =	shalt  }
0x55: {  	_ =	shalt  }
0x56: {  	_ =	shalt  }
0x57: {  	_ =	shalt  }
0x58: {  	_ =	shalt  }
0x59: {  	_ =	shalt  }
0x5a: {  	_ =	shalt  }
0x5b: {  	_ =	shalt  }
0x5c: {  	_ =	shalt  }
0x5d: {  	_ =	shalt  }
0x5e: {  	_ =	shalt  }
0x5f: {  	_ =	shalt  }
0x60: {  	_ =	shalt  }
0x61: {  	_ =	shalt  }
0x62: {  	_ =	shalt  }
0x63: {  	_ =	shalt  }
0x64: {  	_ =	shalt  }
0x65: {  	_ =	shalt  }
0x66: {  	_ =	shalt  }
0x67: {  	_ =	shalt  }
0x68: {  	_ =	shalt  }
0x69: {  	_ =	shalt  }
0x6a: {  	_ =	shalt  }
0x6b: {  	_ =	shalt  }
0x6c: {  	_ =	shalt  }
0x6d: {  	_ =	shalt  }
0x6e: {  	_ =	shalt  }
0x6f: {  	_ =	shalt  }
0x70: {  	_ =	shalt  }
0x71: {  	_ =	shalt  }
0x72: {  	_ =	shalt  }
0x73: {  	_ =	shalt  }
0x74: {  	_ =	shalt  }
0x75: {  	_ =	shalt  }
0x76: {  	_ =	shalt  }
0x77: {  	_ =	shalt  }
0x78: {  	_ =	shalt  }
0x79: {  	_ =	shalt  }
0x7a: {  	_ =	shalt  }
0x7b: {  	_ =	shalt  }
0x7c: {  	_ =	shalt  }
0x7d: {  	_ =	shalt  }
0x7e: {  	_ =	shalt  }
0x7f: {  	_ =	shalt  }
0x80: {  	_ =	shalt  }
0x81: {  	_ =	shalt  }
0x82: {  	_ =	shalt  }
0x83: {  	_ =	shalt  }
0x84: {  	_ =	shalt  }
0x85: {  	_ =	shalt  }
0x86: {  	_ =	shalt  }
0x87: {  	_ =	shalt  }
.Lfunc_end0:
.L_simem_size_0:
called_computation.2_lowered:
.L_overlay_start_0:
0x88: {  	s2 =	sld [smem:$0x3FD9]  }
0x89: {  	s3 =	sld [smem:$0x3FFE];
	_ =	sdelay $0x1  }
0x8a: {  	s1 =	srdreg.scid  }
0x8b: {  	s0 =	sand.u32 $0x1, s1  }
0x8c: {  	s17 =	sshll.u32 s0, $0xA;
	s2 =	sadd.s32 s3, s2  }
0x8d: {  	s2 =	sadd.s32 s2, s17  }
0x8e: {  	[smem:$0x3FB9] =	sst s2  }
0x8f: {  	_ = 	snop  }
0x90: {  	(tm) =	ssettm $0x1  }
0x91: {  	s18 =	sld [smem:$0x3FFB];
	_ =	sdelay $0x3  }
0x92: {  	_ =	strace s18  }
0x93: {  	s2 =	sld [smem:$0x3FFC];
	_ =	sdelay $0x3  }
0x94: {  	_ =	strace s2  }
0x95: {  	s2 =	sld [smem:$0x3FFD];
	_ =	sdelay $0x3  }
0x96: {  	_ =	strace s2  }
0x97: {  	_ =	strace $0x8FFFFFFF  }
0x98: {  	s19 =	sld [smem:$0x3FDB];
	_ =	sdelay $0x1  }
0x99: {  	s20 =	simm.s32 $_scs_section_size  }
0x9a: {  	s4 =	simm.s32 $_size__tile_overlayer_lowered;
	s5 =	simm.s32 $_tile_overlayer_lowered  }
0x9b: {  	s6 =	simm.s32 $0x1BFF;
	s21 =	sshll.u32 s5, $0x1;
	s3 =	sadd.s32 s20, s19  }
0x9c: {  	s22 =	simm.s32 $0x0;
	s4 =	sshll.u32 s4, $0x1;
	s5 =	sadd.s32 s21, s3  }
0x9d: {  	[timem:s22], [sflag:s6] =	dma.local [hbm:s5], s4  }
0x9e: {  	_ =	swait.ge [sflag:s6], s4  }
0x9f: {  	s4 =	ssub.s32 $0x0, s4;
	[sflag:s6] =	ssyncset.done $0x0  }
0xa0: {  	[sflag:s6] =	ssyncadd.s32 s4;
	_ =	sdelay $0x1  }
0xa1: {  	s23 =	simm.s32 $0x1B8B  }
0xa2: {  	_ =	swait.ge [sflag:s23], $0x1  }
0xa3: {  	[sflag:s23] =	ssyncset.done $0x0  }
0xa4: {  	[sflag:s23] =	ssyncadd.s32 $0xFFFFFFFF  }
0xa5: {  	s4 =	sld [smem:$0x0]  }
0xa6: {  	s5 =	sand.u32 $0xFFFFFFFE, s1  }
0xa7: {  	p0 =	sne.s32 s1, s5  }
0xa8: {  	s5 =	sshll.u32 @p0 s5, $0xE  }
0xa9: {  	s5 =	sadd.s32 @p0 $0x11B8D, s5;
	s6 =	sshll.u32 @p0 s4, $0x11  }
0xaa: {  	s5 =	sor.u32 @p0 s6, s5  }
0xab: {  	[sflag:s5] =	ssyncadd.remote.s32 @p0 $0x1;
	_ =	sdelay $0x1  }
0xac: {  	s5 =	simm.s32 @p0 $0x1B8D  }
0xad: {  	_ =	swait.eq @p0 [sflag:s5], $0x1  }
0xae: {  	[sflag:s5] =	ssyncadd.s32 @p0 $0xFFFFFFFF  }
0xaf: {  	s6 =	sshll.u32 @!p0 s1, $0xE  }
0xb0: {  	s6 =	sor.u32 @!p0 $0x4000, s6;
	s5 =	simm.s32 @!p0 $0x1B8D  }
0xb1: {  	s4 =	sshll.u32 @!p0 s4, $0x11;
	s6 =	sadd.s32 @!p0 $0x11B8D, s6;
	_ =	swait.eq @!p0 [sflag:s5], $0x1  }
0xb2: {  	s4 =	sor.u32 @!p0 s4, s6;
	[sflag:s5] =	ssyncadd.s32 @!p0 $0xFFFFFFFF  }
0xb3: {  	s25 =	simm.s32 $0x1B8E;
	s24 =	sld [smem:$0x3FFE];
	[sflag:s4] =	ssyncadd.remote.s32 @!p0 $0x1  }
0xb4: {  	s26 =	simm.s32 $execute0_lowered;
	[smem:$0x3FD2] =	sst s25  }
0xb5: {  	s5 =	sshll.u32 s26, $0x1;
	_ =	strace $0x8000004C;
	[dreg:$0x1] =	wrdreg $0xFFFFFFFF  }
0xb6: {  	s28 =	simm.s32 $_size_execute0_lowered;
	s3 =	sadd.s32 s3, s5;
	[dreg:$0x0] =	wrdreg $0x0  }
0xb7: {  	s5 =	sshll.u32 s28, $0x1;
	[dreg:$0x2] =	wrdreg s3  }
0xb8: {  	[dreg:$0x3] =	wrdreg s5  }
0xb9: {  	[dreg:$0x4] =	wrdreg $0xC0  }
0xba: {  	_ =	task [dreg:s22], $0x5FFFF  }
0xbb: {  	[dreg:$0x1] =	wrdreg $0xFFFFFFFF  }
0xbc: {  	[dreg:$0x0] =	wrdreg $0x60  }
0xbd: {  	[dreg:$0x2] =	wrdreg s24  }
0xbe: {  	[dreg:$0x3] =	wrdreg $0x5A000  }
0xbf: {  	[dreg:$0x4] =	wrdreg $0xA  }
0xc0: {  	_ =	task.clear_ibuf [dreg:s22], $0x5FFFF;
	_ =	strace $0x9000004C  }
0xc1: {  	s29 =	simm.s32 $0xA;
	_ =	strace $0x8000004E  }
0xc2: {  	_ =	swait.ge [sflag:s29], $0x1  }
0xc3: {  	[sflag:s29] =	ssyncadd.s32 $0xFFFFFFFF  }
0xc4: {  	_ =	strace $0x9000004E  }
0xc5: {  	_ =	sfence  }
0xc6: {  	s30 =	sld [smem:$0x0];
	_ =	sdelay $0x2  }
0xc7: {  	s31 =	sshll.u32 s1, $0xD;
	s1 =	sshrl.u32 s1, $0x2  }
0xc8: {  	s4 =	sand.u32 $0x4000, s31;
	s1 =	sadd.s32 s1, s30  }
0xc9: {  	s0 =	sor.u32 s4, s0;
	s1 =	sshll.u32 s1, $0x11  }
0xca: {  	s0 =	sor.u32 s1, s0  }
0xcb: {  	s0 =	sadd.s32 $0x8F2B, s0  }
0xcc: {  	[sflag:s0] =	ssyncadd.remote.s32 $0x1  }
0xcd: {  	_ =	sfence.sel $0xFFFF  }
0xce: {  	[dreg:$0x0] =	wrdreg $0xFFFFFFFF;
	(pc) =	sbr.abs _section_cstart, $3  }
0xcf: {  	[dreg:$0x1] =	wrdreg $0xFFFFFFFF  }
0xd0: {  	_ =	task.clear_ibuf [dreg:s22], $0x2FFFF;
	_ =	strace $0x9FFFFFFF  }
0xd1: {  	(tm) =	ssettm $0x7FFFFFFF  }
tec
execute0_lowered:
.L_overlay_start_1:
0x0: {  	(tag) =	ssettag $0x1  }
0x1: {  	s5 =	rddreg [dreg:$0x0]  }
0x2: {  	s1 =	rddreg [dreg:$0x1]  }
0x3: {  	s0 =	rddreg [dreg:$0x2];
	s2 =	simm.s32 $0x0;
	s3 =	srdreg.scid  }
0x4: {  	p1 =	por $0x0, $0x0;
	[smem:$0x7FF] =	sst s2;
	s6 =	sand.u32 $0x1, s3  }
0x5: {  	s3 =	stileid.u32;
	s4 =	sadd.s32 $0x42600, s5;
	s10 =	sadd.s32 $0x38600, s5  }
0x6: {  	s11 =	sadd.s32 $0x3D600, s5;
	s17 =	sadd.s32 $0x61A600, s5;
	s7 =	smul.u32 $0x27100, s6  }
0x7: {  	_ =	strace $0x8000004D;
	s8 =	smul.u32 $0x2710, s3;
	s9 =	sshll.u32 s3, $0x1  }
0x8: {  	p0 =	sne.s32 s3, $0x0;
	s9 =	sor.u32 s6, s9;
	s6 =	ssub.s32 $0x2, s6  }
0x9: {  	s20 =	sshrl.u32 @!p0 s1, $0x3;
	s7 =	sadd.s32 s8, s7;
	s12 =	sshrl.u32 s6, $0x1  }
0xa: {  	s9 =	smul.u32 $0x1400, s9;
	s21 =	sadd.s32 s8, s1;
	s6 =	ssub.s32 s6, s12  }
0xb: {  	s8 =	simm.s32 $0x500;
	s7 =	sshrl.u32 s7, $0x3;
	s28 =	smax.u32 s6, $0x1  }
0xc: {  	s5 =	sadd.s32 s7, s5;
	s26 =	sshrl.u32 s9, $0x3;
	s23 =	sadd.s32 $0xFFFFFFFF, s28  }
0xd: {  	s6 =	simm.s32 $0x2;
	s9 =	simm.s32 $0xA00;
	p2 =	sne.s32 s23, $0x0  }
.Ltmp0:
0xe: {  	s7 =	sshrl.u32 s21, $0x3;
	s5 =	sadd.s32 $0x61F600, s5;
	(pc) =	sbr.rel @!p2 .LBB2_3-.Ltmp0, $4  }
0xf: {  	s19 =	sadd.s32 s10, s26;
	s18 =	sadd.s32 s11, s26;
	s29 =	sadd.s32 $0xA0, s26  }
0x10: {  	s30 =	sadd.s32 $0x140, s26;
	s31 =	sadd.s32 $0x1E0, s26;
	s16 =	sadd.s32 s10, s29  }
0x11: {  	s15 =	sadd.s32 s11, s29;
	s14 =	sadd.s32 s10, s30;
	s13 =	sadd.s32 s11, s30  }
0x12: {  	s12 =	sadd.s32 s10, s31;
	s10 =	sadd.s32 s11, s31;
	s11 =	simm.s32 $0x1  }
0x13: {  	s21 =	simm.s32 @!p0 $0x1C02;
	s22 =	simm.s32 @!p0 $0x2  }
0x14: {  	[spmem:s20], [sflag:s21] =	dma.local @!p0 [hbm:s17], $0x4E20  }
0x15: {  	_ =	swait.ge @!p0 [sflag:s22], $0x4E20  }
0x16: {  	[sflag:s22] =	ssyncset.done @!p0 $0x0  }
0x17: {  	[sflag:s22] =	ssyncadd.s32 @!p0 $0xFFFFB1E0  }
0x18: {  	[bflag:$0x0] =	sbarrier.arrive $0xFFFF  }
0x19: {  	[tilespmem:s2], [sflag:$0x2] =	stream.linear.gather [hbm4b:s19+s2], $0x500, $0x38;
	[tilespmem:$0x8110] =	vst v63  }
0x1a: {  	_ =	swait.ge [sflag:s6], $0x500  }
0x1b: {  	[sflag:s6] =	ssyncset.done $0x0  }
0x1c: {  	[sflag:s6] =	ssyncadd.s32 $0xFFFFFB00  }
0x1d: {  	[tilespmem:s8], [sflag:$0x2] =	stream.linear.gather [hbm4b:s18+s2], $0x500, $0x38;
	[tilespmem:$0x8110] =	vst v63  }
0x1e: {  	_ =	swait.ge [sflag:s6], $0x500  }
0x1f: {  	[sflag:s6] =	ssyncset.done $0x0  }
0x20: {  	[sflag:s6] =	ssyncadd.s32 $0xFFFFFB00  }
0x21: {  	[tilespmem:s9], [sflag:$0x1] =	stream.indirect.gather [hbm4b:s4+s8], $0x10, s8, s8, $0xb8;
	[tilespmem:$0x8110] =	vst v63  }
0x22: {  	_ =	swait.ge [sflag:s11], $0x5000  }
0x23: {  	[sflag:s11] =	ssyncset.done $0x0  }
0x24: {  	[sflag:s11] =	ssyncadd.s32 $0xFFFFB000  }
0x25: {  	[spmem:s1] =	stream.indirect.scatter.add.f32 [tilespmem:s9], [sflag:$0x2], $0x10, s2, s8, $0xb8;
	[tilespmem:$0x8110] =	vst v63  }
0x26: {  	_ =	swait.ge [sflag:s6], $0x5000  }
0x27: {  	[sflag:s6] =	ssyncset.done $0x0  }
0x28: {  	[sflag:s6] =	ssyncadd.s32 $0xFFFFB000  }
0x29: {  	[tilespmem:s2], [sflag:$0x2] =	stream.linear.gather [hbm4b:s16+s2], $0x500, $0x38;
	[tilespmem:$0x8110] =	vst v63  }
0x2a: {  	_ =	swait.ge [sflag:s6], $0x500  }
0x2b: {  	[sflag:s6] =	ssyncset.done $0x0  }
0x2c: {  	[sflag:s6] =	ssyncadd.s32 $0xFFFFFB00  }
0x2d: {  	[tilespmem:s8], [sflag:$0x2] =	stream.linear.gather [hbm4b:s15+s2], $0x500, $0x38;
	[tilespmem:$0x8110] =	vst v63  }
0x2e: {  	_ =	swait.ge [sflag:s6], $0x500  }
0x2f: {  	[sflag:s6] =	ssyncset.done $0x0  }
0x30: {  	[sflag:s6] =	ssyncadd.s32 $0xFFFFFB00  }
0x31: {  	[tilespmem:s9], [sflag:$0x1] =	stream.indirect.gather [hbm4b:s4+s8], $0x10, s8, s8, $0xb8;
	[tilespmem:$0x8110] =	vst v63  }
0x32: {  	_ =	swait.ge [sflag:s11], $0x5000  }
0x33: {  	[sflag:s11] =	ssyncset.done $0x0  }
0x34: {  	[sflag:s11] =	ssyncadd.s32 $0xFFFFB000  }
0x35: {  	[spmem:s1] =	stream.indirect.scatter.add.f32 [tilespmem:s9], [sflag:$0x2], $0x10, s2, s8, $0xb8;
	[tilespmem:$0x8110] =	vst v63  }
0x36: {  	_ =	swait.ge [sflag:s6], $0x5000  }
0x37: {  	[sflag:s6] =	ssyncset.done $0x0  }
0x38: {  	[sflag:s6] =	ssyncadd.s32 $0xFFFFB000  }
0x39: {  	[tilespmem:s2], [sflag:$0x2] =	stream.linear.gather [hbm4b:s14+s2], $0x500, $0x38;
	[tilespmem:$0x8110] =	vst v63  }
0x3a: {  	_ =	swait.ge [sflag:s6], $0x500  }
0x3b: {  	[sflag:s6] =	ssyncset.done $0x0  }
0x3c: {  	[sflag:s6] =	ssyncadd.s32 $0xFFFFFB00  }
0x3d: {  	[tilespmem:s8], [sflag:$0x2] =	stream.linear.gather [hbm4b:s13+s2], $0x500, $0x38;
	[tilespmem:$0x8110] =	vst v63  }
0x3e: {  	_ =	swait.ge [sflag:s6], $0x500  }
0x3f: {  	[sflag:s6] =	ssyncset.done $0x0  }
0x40: {  	[sflag:s6] =	ssyncadd.s32 $0xFFFFFB00  }
0x41: {  	[tilespmem:s9], [sflag:$0x1] =	stream.indirect.gather [hbm4b:s4+s8], $0x10, s8, s8, $0xb8;
	[tilespmem:$0x8110] =	vst v63  }
0x42: {  	_ =	swait.ge [sflag:s11], $0x5000  }
0x43: {  	[sflag:s11] =	ssyncset.done $0x0  }
0x44: {  	[sflag:s11] =	ssyncadd.s32 $0xFFFFB000  }
0x45: {  	[spmem:s1] =	stream.indirect.scatter.add.f32 [tilespmem:s9], [sflag:$0x2], $0x10, s2, s8, $0xb8;
	[tilespmem:$0x8110] =	vst v63  }
0x46: {  	_ =	swait.ge [sflag:s6], $0x5000  }
0x47: {  	[sflag:s6] =	ssyncset.done $0x0  }
0x48: {  	[sflag:s6] =	ssyncadd.s32 $0xFFFFB000  }
0x49: {  	[tilespmem:s2], [sflag:$0x2] =	stream.linear.gather [hbm4b:s12+s2], $0x500, $0x38;
	[tilespmem:$0x8110] =	vst v63  }
0x4a: {  	_ =	swait.ge [sflag:s6], $0x500  }
0x4b: {  	[sflag:s6] =	ssyncset.done $0x0  }
0x4c: {  	[sflag:s6] =	ssyncadd.s32 $0xFFFFFB00  }
0x4d: {  	[tilespmem:s8], [sflag:$0x2] =	stream.linear.gather [hbm4b:s10+s2], $0x500, $0x38;
	[tilespmem:$0x8110] =	vst v63  }
0x4e: {  	_ =	swait.ge [sflag:s6], $0x500  }
0x4f: {  	[sflag:s6] =	ssyncset.done $0x0  }
0x50: {  	[sflag:s6] =	ssyncadd.s32 $0xFFFFFB00  }
0x51: {  	[tilespmem:s9], [sflag:$0x1] =	stream.indirect.gather [hbm4b:s4+s8], $0x10, s8, s8, $0xb8;
	[tilespmem:$0x8110] =	vst v63  }
0x52: {  	_ =	swait.ge [sflag:s11], $0x5000  }
0x53: {  	[sflag:s11] =	ssyncset.done $0x0  }
0x54: {  	[sflag:s11] =	ssyncadd.s32 $0xFFFFB000  }
0x55: {  	[spmem:s1] =	stream.indirect.scatter.add.f32 [tilespmem:s9], [sflag:$0x2], $0x10, s2, s8, $0xb8;
	[tilespmem:$0x8110] =	vst v63  }
0x56: {  	s23 =	sadd.s32 $0xFFFFFFFF, s23;
	_ =	swait.ge [sflag:s6], $0x5000  }
0x57: {  	p2 =	sne.s32 s23, $0x0;
	[sflag:s6] =	ssyncset.done $0x0  }
.Ltmp1:
0x58: {  	s24 =	sshll.u32 s3, $0x6;
	[sflag:s6] =	ssyncadd.s32 $0xFFFFB000;
	(pc) =	sbr.rel @!p2 .LBB2_3-.Ltmp1, $4  }
0x59: {  	s24 =	sor.u32 $0x1C02, s24;
	[bflag:$0x0] =	sbarrier.arrive $0xFFFF  }
0x5a: {  	[hbm:s5], [sflag:s24] =	dma.local [spmem:s7], $0x4E2  }
0x5b: {  	_ =	swait.ge [sflag:s6], $0x4E2  }
0x5c: {  	p1 =	por $0x1, $0x1;
	[sflag:s6] =	ssyncset.done $0x0  }
.LBB2_2:
0x5d: {  	[sflag:s6] =	ssyncadd.s32 $0xFFFFFB1E  }
0x5e: {  	[spmem:s20], [sflag:s21] =	dma.local @!p0 [hbm:s17], $0x4E20  }
0x5f: {  	s23 =	sadd.s32 $0xFFFFFFFF, s23;
	_ =	swait.ge @!p0 [sflag:s22], $0x4E20  }
0x60: {  	p2 =	sne.s32 s23, $0x0;
	[sflag:s22] =	ssyncset.done @!p0 $0x0  }
0x61: {  	[sflag:s22] =	ssyncadd.s32 @!p0 $0xFFFFB1E0  }
0x62: {  	[bflag:$0x0] =	sbarrier.arrive $0xFFFF  }
0x63: {  	[tilespmem:s2], [sflag:$0x2] =	stream.linear.gather [hbm4b:s19+s2], $0x500, $0x38;
	[tilespmem:$0x8110] =	vst v63  }
0x64: {  	_ =	swait.ge [sflag:s6], $0x500  }
0x65: {  	[sflag:s6] =	ssyncset.done $0x0  }
0x66: {  	[sflag:s6] =	ssyncadd.s32 $0xFFFFFB00  }
0x67: {  	[tilespmem:s8], [sflag:$0x2] =	stream.linear.gather [hbm4b:s18+s2], $0x500, $0x38;
	[tilespmem:$0x8110] =	vst v63  }
0x68: {  	_ =	swait.ge [sflag:s6], $0x500  }
0x69: {  	[sflag:s6] =	ssyncset.done $0x0  }
0x6a: {  	[sflag:s6] =	ssyncadd.s32 $0xFFFFFB00  }
0x6b: {  	[tilespmem:s9], [sflag:$0x1] =	stream.indirect.gather [hbm4b:s4+s8], $0x10, s8, s8, $0xb8;
	[tilespmem:$0x8110] =	vst v63  }
0x6c: {  	_ =	swait.ge [sflag:s11], $0x5000  }
0x6d: {  	[sflag:s11] =	ssyncset.done $0x0  }
0x6e: {  	[sflag:s11] =	ssyncadd.s32 $0xFFFFB000  }
0x6f: {  	[spmem:s1] =	stream.indirect.scatter.add.f32 [tilespmem:s9], [sflag:$0x2], $0x10, s2, s8, $0xb8;
	[tilespmem:$0x8110] =	vst v63  }
0x70: {  	_ =	swait.ge [sflag:s6], $0x5000  }
0x71: {  	[sflag:s6] =	ssyncset.done $0x0  }
0x72: {  	[sflag:s6] =	ssyncadd.s32 $0xFFFFB000  }
0x73: {  	[tilespmem:s2], [sflag:$0x2] =	stream.linear.gather [hbm4b:s16+s2], $0x500, $0x38;
	[tilespmem:$0x8110] =	vst v63  }
0x74: {  	_ =	swait.ge [sflag:s6], $0x500  }
0x75: {  	[sflag:s6] =	ssyncset.done $0x0  }
0x76: {  	[sflag:s6] =	ssyncadd.s32 $0xFFFFFB00  }
0x77: {  	[tilespmem:s8], [sflag:$0x2] =	stream.linear.gather [hbm4b:s15+s2], $0x500, $0x38;
	[tilespmem:$0x8110] =	vst v63  }
0x78: {  	_ =	swait.ge [sflag:s6], $0x500  }
0x79: {  	[sflag:s6] =	ssyncset.done $0x0  }
0x7a: {  	[sflag:s6] =	ssyncadd.s32 $0xFFFFFB00  }
0x7b: {  	[tilespmem:s9], [sflag:$0x1] =	stream.indirect.gather [hbm4b:s4+s8], $0x10, s8, s8, $0xb8;
	[tilespmem:$0x8110] =	vst v63  }
0x7c: {  	_ =	swait.ge [sflag:s11], $0x5000  }
0x7d: {  	[sflag:s11] =	ssyncset.done $0x0  }
0x7e: {  	[sflag:s11] =	ssyncadd.s32 $0xFFFFB000  }
0x7f: {  	[spmem:s1] =	stream.indirect.scatter.add.f32 [tilespmem:s9], [sflag:$0x2], $0x10, s2, s8, $0xb8;
	[tilespmem:$0x8110] =	vst v63  }
0x80: {  	_ =	swait.ge [sflag:s6], $0x5000  }
0x81: {  	[sflag:s6] =	ssyncset.done $0x0  }
0x82: {  	[sflag:s6] =	ssyncadd.s32 $0xFFFFB000  }
0x83: {  	[tilespmem:s2], [sflag:$0x2] =	stream.linear.gather [hbm4b:s14+s2], $0x500, $0x38;
	[tilespmem:$0x8110] =	vst v63  }
0x84: {  	_ =	swait.ge [sflag:s6], $0x500  }
0x85: {  	[sflag:s6] =	ssyncset.done $0x0  }
0x86: {  	[sflag:s6] =	ssyncadd.s32 $0xFFFFFB00  }
0x87: {  	[tilespmem:s8], [sflag:$0x2] =	stream.linear.gather [hbm4b:s13+s2], $0x500, $0x38;
	[tilespmem:$0x8110] =	vst v63  }
0x88: {  	_ =	swait.ge [sflag:s6], $0x500  }
0x89: {  	[sflag:s6] =	ssyncset.done $0x0  }
0x8a: {  	[sflag:s6] =	ssyncadd.s32 $0xFFFFFB00  }
0x8b: {  	[tilespmem:s9], [sflag:$0x1] =	stream.indirect.gather [hbm4b:s4+s8], $0x10, s8, s8, $0xb8;
	[tilespmem:$0x8110] =	vst v63  }
0x8c: {  	_ =	swait.ge [sflag:s11], $0x5000  }
0x8d: {  	[sflag:s11] =	ssyncset.done $0x0  }
0x8e: {  	[sflag:s11] =	ssyncadd.s32 $0xFFFFB000  }
0x8f: {  	[spmem:s1] =	stream.indirect.scatter.add.f32 [tilespmem:s9], [sflag:$0x2], $0x10, s2, s8, $0xb8;
	[tilespmem:$0x8110] =	vst v63  }
0x90: {  	_ =	swait.ge [sflag:s6], $0x5000  }
0x91: {  	[sflag:s6] =	ssyncset.done $0x0  }
0x92: {  	[sflag:s6] =	ssyncadd.s32 $0xFFFFB000  }
0x93: {  	[tilespmem:s2], [sflag:$0x2] =	stream.linear.gather [hbm4b:s12+s2], $0x500, $0x38;
	[tilespmem:$0x8110] =	vst v63  }
0x94: {  	_ =	swait.ge [sflag:s6], $0x500  }
0x95: {  	[sflag:s6] =	ssyncset.done $0x0  }
0x96: {  	[sflag:s6] =	ssyncadd.s32 $0xFFFFFB00  }
0x97: {  	[tilespmem:s8], [sflag:$0x2] =	stream.linear.gather [hbm4b:s10+s2], $0x500, $0x38;
	[tilespmem:$0x8110] =	vst v63  }
0x98: {  	_ =	swait.ge [sflag:s6], $0x500  }
0x99: {  	[sflag:s6] =	ssyncset.done $0x0  }
0x9a: {  	[sflag:s6] =	ssyncadd.s32 $0xFFFFFB00  }
0x9b: {  	[tilespmem:s9], [sflag:$0x1] =	stream.indirect.gather [hbm4b:s4+s8], $0x10, s8, s8, $0xb8;
	[tilespmem:$0x8110] =	vst v63  }
0x9c: {  	_ =	swait.ge [sflag:s11], $0x5000  }
0x9d: {  	[sflag:s11] =	ssyncset.done $0x0  }
0x9e: {  	[sflag:s11] =	ssyncadd.s32 $0xFFFFB000  }
0x9f: {  	[spmem:s1] =	stream.indirect.scatter.add.f32 [tilespmem:s9], [sflag:$0x2], $0x10, s2, s8, $0xb8;
	[tilespmem:$0x8110] =	vst v63  }
0xa0: {  	_ =	swait.ge [sflag:s6], $0x5000  }
0xa1: {  	[sflag:s6] =	ssyncset.done $0x0  }
.Ltmp2:
0xa2: {  	[sflag:s6] =	ssyncadd.s32 $0xFFFFB000;
	(pc) =	sbr.rel @p2 .LBB2_2-.Ltmp2, $4  }
0xa3: {  	[bflag:$0x0] =	sbarrier.arrive $0xFFFF  }
0xa4: {  	[hbm:s5], [sflag:s24] =	dma.local [spmem:s7], $0x4E2  }
0xa5: {  	_ =	swait.ge [sflag:s6], $0x4E2  }
0xa6: {  	[sflag:s6] =	ssyncset.done $0x0  }
.LBB2_3:
0xa7: {  	s21 =	simm.s32 @!p0 $0x1C02;
	s22 =	simm.s32 @!p0 $0x2;
	[sflag:s6] =	ssyncadd.s32 @p1 $0xFFFFFB1E  }
0xa8: {  	[spmem:s20], [sflag:s21] =	dma.local @!p0 [hbm:s17], $0x4E20  }
0xa9: {  	_ =	swait.ge @!p0 [sflag:s22], $0x4E20  }
0xaa: {  	[sflag:s22] =	ssyncset.done @!p0 $0x0  }
0xab: {  	[sflag:s22] =	ssyncadd.s32 @!p0 $0xFFFFB1E0  }
0xac: {  	[bflag:$0x0] =	sbarrier.arrive $0xFFFF  }
0xad: {  	[tilespmem:s2], [sflag:$0x2] =	stream.linear.gather [hbm4b:s19+s2], $0x500, $0x38;
	[tilespmem:$0x8110] =	vst v63  }
0xae: {  	_ =	swait.ge [sflag:s6], $0x500  }
0xaf: {  	[sflag:s6] =	ssyncset.done $0x0  }
0xb0: {  	[sflag:s6] =	ssyncadd.s32 $0xFFFFFB00  }
0xb1: {  	[tilespmem:s8], [sflag:$0x2] =	stream.linear.gather [hbm4b:s18+s2], $0x500, $0x38;
	[tilespmem:$0x8110] =	vst v63  }
0xb2: {  	_ =	swait.ge [sflag:s6], $0x500  }
0xb3: {  	[sflag:s6] =	ssyncset.done $0x0  }
0xb4: {  	[sflag:s6] =	ssyncadd.s32 $0xFFFFFB00  }
0xb5: {  	[tilespmem:s9], [sflag:$0x1] =	stream.indirect.gather [hbm4b:s4+s8], $0x10, s8, s8, $0xb8;
	[tilespmem:$0x8110] =	vst v63  }
0xb6: {  	_ =	swait.ge [sflag:s11], $0x5000  }
0xb7: {  	[sflag:s11] =	ssyncset.done $0x0  }
0xb8: {  	[sflag:s11] =	ssyncadd.s32 $0xFFFFB000  }
0xb9: {  	[spmem:s1] =	stream.indirect.scatter.add.f32 [tilespmem:s9], [sflag:$0x2], $0x10, s2, s8, $0xb8;
	[tilespmem:$0x8110] =	vst v63  }
0xba: {  	_ =	swait.ge [sflag:s6], $0x5000  }
0xbb: {  	[sflag:s6] =	ssyncset.done $0x0  }
0xbc: {  	[sflag:s6] =	ssyncadd.s32 $0xFFFFB000  }
0xbd: {  	[tilespmem:s2], [sflag:$0x2] =	stream.linear.gather [hbm4b:s16+s2], $0x500, $0x38;
	[tilespmem:$0x8110] =	vst v63  }
0xbe: {  	_ =	swait.ge [sflag:s6], $0x500  }
0xbf: {  	[sflag:s6] =	ssyncset.done $0x0  }
0xc0: {  	[sflag:s6] =	ssyncadd.s32 $0xFFFFFB00  }
0xc1: {  	[tilespmem:s8], [sflag:$0x2] =	stream.linear.gather [hbm4b:s15+s2], $0x500, $0x38;
	[tilespmem:$0x8110] =	vst v63  }
0xc2: {  	_ =	swait.ge [sflag:s6], $0x500  }
0xc3: {  	[sflag:s6] =	ssyncset.done $0x0  }
0xc4: {  	[sflag:s6] =	ssyncadd.s32 $0xFFFFFB00  }
0xc5: {  	[tilespmem:s9], [sflag:$0x1] =	stream.indirect.gather [hbm4b:s4+s8], $0x10, s8, s8, $0xb8;
	[tilespmem:$0x8110] =	vst v63  }
0xc6: {  	_ =	swait.ge [sflag:s11], $0x5000  }
0xc7: {  	[sflag:s11] =	ssyncset.done $0x0  }
0xc8: {  	[sflag:s11] =	ssyncadd.s32 $0xFFFFB000  }
0xc9: {  	[spmem:s1] =	stream.indirect.scatter.add.f32 [tilespmem:s9], [sflag:$0x2], $0x10, s2, s8, $0xb8;
	[tilespmem:$0x8110] =	vst v63  }
0xca: {  	_ =	swait.ge [sflag:s6], $0x5000  }
0xcb: {  	[sflag:s6] =	ssyncset.done $0x0  }
0xcc: {  	[sflag:s6] =	ssyncadd.s32 $0xFFFFB000  }
0xcd: {  	[tilespmem:s2], [sflag:$0x2] =	stream.linear.gather [hbm4b:s14+s2], $0x500, $0x38;
	[tilespmem:$0x8110] =	vst v63  }
0xce: {  	_ =	swait.ge [sflag:s6], $0x500  }
0xcf: {  	[sflag:s6] =	ssyncset.done $0x0  }
0xd0: {  	[sflag:s6] =	ssyncadd.s32 $0xFFFFFB00  }
0xd1: {  	[tilespmem:s8], [sflag:$0x2] =	stream.linear.gather [hbm4b:s13+s2], $0x500, $0x38;
	[tilespmem:$0x8110] =	vst v63  }
0xd2: {  	_ =	swait.ge [sflag:s6], $0x500  }
0xd3: {  	[sflag:s6] =	ssyncset.done $0x0  }
0xd4: {  	[sflag:s6] =	ssyncadd.s32 $0xFFFFFB00  }
0xd5: {  	[tilespmem:s9], [sflag:$0x1] =	stream.indirect.gather [hbm4b:s4+s8], $0x10, s8, s8, $0xb8;
	[tilespmem:$0x8110] =	vst v63  }
0xd6: {  	_ =	swait.ge [sflag:s11], $0x5000  }
0xd7: {  	[sflag:s11] =	ssyncset.done $0x0  }
0xd8: {  	[sflag:s11] =	ssyncadd.s32 $0xFFFFB000  }
0xd9: {  	[spmem:s1] =	stream.indirect.scatter.add.f32 [tilespmem:s9], [sflag:$0x2], $0x10, s2, s8, $0xb8;
	[tilespmem:$0x8110] =	vst v63  }
0xda: {  	_ =	swait.ge [sflag:s6], $0x5000  }
0xdb: {  	[sflag:s6] =	ssyncset.done $0x0  }
0xdc: {  	[sflag:s6] =	ssyncadd.s32 $0xFFFFB000  }
0xdd: {  	[tilespmem:s2], [sflag:$0x2] =	stream.linear.gather [hbm4b:s12+s2], $0x500, $0x38;
	[tilespmem:$0x8110] =	vst v63  }
0xde: {  	_ =	swait.ge [sflag:s6], $0x500  }
0xdf: {  	[sflag:s6] =	ssyncset.done $0x0  }
0xe0: {  	[sflag:s6] =	ssyncadd.s32 $0xFFFFFB00  }
0xe1: {  	[tilespmem:s8], [sflag:$0x2] =	stream.linear.gather [hbm4b:s10+s2], $0x500, $0x38;
	[tilespmem:$0x8110] =	vst v63  }
0xe2: {  	_ =	swait.ge [sflag:s6], $0x500  }
0xe3: {  	[sflag:s6] =	ssyncset.done $0x0  }
0xe4: {  	[sflag:s6] =	ssyncadd.s32 $0xFFFFFB00  }
0xe5: {  	[tilespmem:s9], [sflag:$0x1] =	stream.indirect.gather [hbm4b:s4+s8], $0x10, s8, s8, $0xb8;
	[tilespmem:$0x8110] =	vst v63  }
0xe6: {  	_ =	swait.ge [sflag:s11], $0x5000  }
0xe7: {  	[sflag:s11] =	ssyncset.done $0x0  }
0xe8: {  	[sflag:s11] =	ssyncadd.s32 $0xFFFFB000  }
0xe9: {  	[spmem:s1] =	stream.indirect.scatter.add.f32 [tilespmem:s9], [sflag:$0x2], $0x10, s2, s8, $0xb8;
	[tilespmem:$0x8110] =	vst v63  }
0xea: {  	_ =	swait.ge [sflag:s6], $0x5000  }
0xeb: {  	[sflag:s6] =	ssyncset.done $0x0  }
0xec: {  	s31 =	sshll.u32 s3, $0x6;
	[sflag:s6] =	ssyncadd.s32 $0xFFFFB000  }
0xed: {  	s1 =	sor.u32 $0x1C02, s31;
	[bflag:$0x0] =	sbarrier.arrive $0xFFFF  }
0xee: {  	[hbm:s5], [sflag:s1] =	dma.local [spmem:s7], $0x4E2  }
0xef: {  	_ =	swait.ge [sflag:s6], $0x4E2  }
0xf0: {  	[sflag:s6] =	ssyncset.done $0x0  }
0xf1: {  	[sflag:s6] =	ssyncadd.s32 $0xFFFFFB1E  }
0xf2: {  	_ =	sfence.sel $0x180000  }
0xf3: {  	[bflag:$0x0] =	sbarrier.arrive $0xFFFF  }
0xf4: {  	_ =	strace $0x9000004D  }
0xf5: {  	s0 =	sadd.s32 @!p0 $0x100000, s0;
	[bflag:$0x2] =	sbarrier.arrive $0xFFFF  }
0xf6: {  	[sflag:s0] =	ssyncadd.tile.s32 @!p0 $0x1;
	_ =	shalt  }
.Lfunc_end2:
_tile_overlayer_lowered:
.L_overlay_start_2:
0xf7: {  	(tag) =	ssettag $0x2  }
0xf8: {  	s0 =	rddreg [dreg:$0x0];
	s2 =	stileid.u32  }
0xf9: {  	s1 =	rddreg [dreg:$0x1];
	p0 =	sne.s32 s2, $0x0  }
0xfa: {  	s3 =	rddreg [dreg:$0x2];
	[bflag:$0x3] =	sbarrier.arrive $0xFFFF;
	s2 =	simm.s32 @!p0 $0x1C02  }
0xfb: {  	[timem:s3], [sflag:s2] =	dma.local @!p0 [hbm:s0], s1  }
0xfc: {  	s0 =	simm.s32 @!p0 $0x2  }
0xfd: {  	_ =	swait.ge @!p0 [sflag:s0], s1  }
0xfe: {  	s1 =	ssub.s32 @!p0 $0x0, s1;
	[sflag:s0] =	ssyncset.done @!p0 $0x0  }
0xff: {  	[sflag:s0] =	ssyncadd.s32 @!p0 s1  }
0x100: {  	[bflag:$0x3] =	sbarrier.arrive $0xFFFF  }
0x101: {  	_ =	shalt  }

// kernel: kernel.25.cloned.1.call-start
scs
__scs_entry_jumppad:
0x0: {  	(pc) =	sbr.rel $0x88, $3  }
0x1: {  	(tag) =	ssettag $0x0;
	lr =	simm.s32 $0x1  }
0x2: {  	[smem:$0x3F92] =	sst lr;
	_ =	strace $0xD0000000  }
0x3: {  	_ = 	snop  }
0x4: {  	_ = 	snop  }
0x5: {  	_ = 	snop  }
0x6: {  	_ = 	snop  }
0x7: {  	_ = 	snop  }
__scs_overlays_trampoline_lowered:
0x8: {  	[smem:$0x3FA1] =	sst s0  }
0x9: {  	[smem:$0x3FA2] =	sst s1  }
0xa: {  	[smem:$0x3FA3] =	sst s2  }
0xb: {  	[smem:$0x3FA4] =	sst s3  }
0xc: {  	[smem:$0x3FA5] =	sst s4  }
0xd: {  	[smem:$0x3FA6] =	sst s5  }
0xe: {  	[smem:$0x3FA7] =	sst s6  }
0xf: {  	[smem:$0x3FA8] =	sst s7  }
0x10: {  	[smem:$0x3FA9] =	sst s8  }
0x11: {  	[smem:$0x3FAA] =	sst s9;
	s0 =	simm.s32 @!p0 $0x0  }
0x12: {  	s1 =	sld [smem:$0x3F90];
	s0 =	simm.s32 @p0 $0x1  }
0x13: {  	[smem:$0x3FAB] =	sst s0;
	s0 =	simm.s32 @!p1 $0x0  }
0x14: {  	s2 =	sld [smem:$0x3F8F];
	s0 =	simm.s32 @p1 $0x1  }
0x15: {  	[smem:$0x3FAC] =	sst s0;
	s0 =	simm.s32 @!p2 $0x0  }
0x16: {  	s3 =	sld [smem:$0x3FDB];
	s0 =	simm.s32 @p2 $0x1  }
0x17: {  	s4 =	simm.s32 $0x1BF5;
	[smem:$0x3FAE] =	sst s0  }
0x18: {  	s0 =	sld [smem:$0x3F91];
	_ =	swait.ge [sflag:s4], $0x0  }
0x19: {  	s7 =	sld [smem:$0x3F92]  }
0x1a: {  	s8 =	sadd.s32 $0xFFFFE003, lr  }
0x1b: {  	s9 =	sadd.s32 $0xFFFFFEF7, lr;
	s5 =	simm.s32 $0xFFFFFFFF;
	p2 =	slt.u32 s8, $0xFFFFF086  }
0x1c: {  	p1 =	slt.u32 s9, $0xF7A;
	s5 =	simm.s32 @!p2 $0x0  }
0x1d: {  	s5 =	simm.s32 @p1 $0x1;
	p0 =	seq.s32 s7, s2  }
0x1e: {  	s7 =	smul.u32 @!p0 $0xF7A, s2;
	p2 =	seq.s32 @!p0 s5, $0x0  }
0x1f: {  	s9 =	smul.u32 $0xF7A, s1;
	s8 =	simm.s32 @!p0 $0x1BF5;
	p2 =	por !p2, p0  }
0x20: {  	[sflag:s8] =	ssyncset.s32 @!p0 $0xFFFFF086;
	s6 =	sadd.s32 @!p0 s3, s7;
	s7 =	simm.s32 @!p0 $0x108  }
0x21: {  	s3 =	sadd.s32 s3, s9;
	s6 =	sadd.s32 @!p0 $0x88, s6;
	s7 =	simm.s32 @p2 $0x1082  }
0x22: {  	[simem:s7], [sflag:s8] =	dma.local @!p0 [hbm:s6], $0xF7A  }
0x23: {  	s9 =	sor.u32 $0xD0000000, s2;
	s6 =	simm.s32 $0x108;
	_ =	swait.ge @!p0 [sflag:s8], $0x0  }
0x24: {  	s3 =	sadd.s32 $0x88, s3;
	s6 =	simm.s32 @!p1 $0x1082;
	[sflag:s4] =	ssyncset.s32 $0xFFFFF086  }
0x25: {  	[simem:s6], [sflag:s4] =	dma.local [hbm:s3], $0xF7A  }
0x26: {  	[smem:$0x3F92] =	sst s1;
	(tag) =	ssettag s2;
	_ =	strace s9  }
0x27: {  	s1 =	sld [smem:$0x3FA2]  }
0x28: {  	s2 =	sld [smem:$0x3FA3]  }
0x29: {  	s4 =	sld [smem:$0x3FA5]  }
0x2a: {  	p0 =	seq.s32 s5, $0x0;
	s5 =	sld [smem:$0x3FA6]  }
0x2b: {  	s6 =	sld [smem:$0x3FA7]  }
0x2c: {  	s7 =	sld [smem:$0x3FA8]  }
0x2d: {  	s3 =	simm.s32 $0x108;
	s8 =	sld [smem:$0x3FA9]  }
0x2e: {  	s3 =	simm.s32 @!p0 $0x1082;
	s9 =	sld [smem:$0x3FAA]  }
0x2f: {  	lr =	sadd.s32 s0, s3;
	s0 =	sld [smem:$0x3FA1]  }
0x30: {  	s3 =	sld [smem:$0x3FA4]  }
0x31: {  	[smem:$0x3FAD] =	sst s10  }
0x32: {  	s10 =	sld [smem:$0x3FAB];
	_ =	sdelay $0x3  }
0x33: {  	p0 =	seq.s32 s10, $0x1;
	s10 =	sld [smem:$0x3FAD];
	_ =	sdelay $0x3  }
0x34: {  	[smem:$0x3FAD] =	sst s10  }
0x35: {  	s10 =	sld [smem:$0x3FAC];
	_ =	sdelay $0x3  }
0x36: {  	p1 =	seq.s32 s10, $0x1;
	s10 =	sld [smem:$0x3FAD];
	_ =	sdelay $0x3  }
0x37: {  	[smem:$0x3FAD] =	sst s10  }
0x38: {  	s10 =	sld [smem:$0x3FAE]  }
0x39: {  	_ = 	snop;
	(pc) =	sbr.ind lr, $3  }
0x3a: {  	_ = 	snop  }
0x3b: {  	_ = 	snop  }
0x3c: {  	p2 =	seq.s32 s10, $0x1;
	s10 =	sld [smem:$0x3FAD]  }
0x3d: {  	_ =	shalt  }
0x3e: {  	_ =	shalt  }
0x3f: {  	_ =	shalt  }
0x40: {  	_ =	shalt  }
0x41: {  	_ =	shalt  }
0x42: {  	_ =	shalt  }
0x43: {  	_ =	shalt  }
0x44: {  	_ =	shalt  }
0x45: {  	_ =	shalt  }
0x46: {  	_ =	shalt  }
0x47: {  	_ =	shalt  }
0x48: {  	_ =	shalt  }
0x49: {  	_ =	shalt  }
0x4a: {  	_ =	shalt  }
0x4b: {  	_ =	shalt  }
0x4c: {  	_ =	shalt  }
0x4d: {  	_ =	shalt  }
0x4e: {  	_ =	shalt  }
0x4f: {  	_ =	shalt  }
0x50: {  	_ =	shalt  }
0x51: {  	_ =	shalt  }
0x52: {  	_ =	shalt  }
0x53: {  	_ =	shalt  }
0x54: {  	_ =	shalt  }
0x55: {  	_ =	shalt  }
0x56: {  	_ =	shalt  }
0x57: {  	_ =	shalt  }
0x58: {  	_ =	shalt  }
0x59: {  	_ =	shalt  }
0x5a: {  	_ =	shalt  }
0x5b: {  	_ =	shalt  }
0x5c: {  	_ =	shalt  }
0x5d: {  	_ =	shalt  }
0x5e: {  	_ =	shalt  }
0x5f: {  	_ =	shalt  }
0x60: {  	_ =	shalt  }
0x61: {  	_ =	shalt  }
0x62: {  	_ =	shalt  }
0x63: {  	_ =	shalt  }
0x64: {  	_ =	shalt  }
0x65: {  	_ =	shalt  }
0x66: {  	_ =	shalt  }
0x67: {  	_ =	shalt  }
0x68: {  	_ =	shalt  }
0x69: {  	_ =	shalt  }
0x6a: {  	_ =	shalt  }
0x6b: {  	_ =	shalt  }
0x6c: {  	_ =	shalt  }
0x6d: {  	_ =	shalt  }
0x6e: {  	_ =	shalt  }
0x6f: {  	_ =	shalt  }
0x70: {  	_ =	shalt  }
0x71: {  	_ =	shalt  }
0x72: {  	_ =	shalt  }
0x73: {  	_ =	shalt  }
0x74: {  	_ =	shalt  }
0x75: {  	_ =	shalt  }
0x76: {  	_ =	shalt  }
0x77: {  	_ =	shalt  }
0x78: {  	_ =	shalt  }
0x79: {  	_ =	shalt  }
0x7a: {  	_ =	shalt  }
0x7b: {  	_ =	shalt  }
0x7c: {  	_ =	shalt  }
0x7d: {  	_ =	shalt  }
0x7e: {  	_ =	shalt  }
0x7f: {  	_ =	shalt  }
0x80: {  	_ =	shalt  }
0x81: {  	_ =	shalt  }
0x82: {  	_ =	shalt  }
0x83: {  	_ =	shalt  }
0x84: {  	_ =	shalt  }
0x85: {  	_ =	shalt  }
0x86: {  	_ =	shalt  }
0x87: {  	_ =	shalt  }
.Lfunc_end0:
.L_simem_size_0:
called_computation.3_lowered:
.L_overlay_start_0:
0x88: {  	s2 =	sld [smem:$0x3FD9]  }
0x89: {  	s3 =	sld [smem:$0x3FFE];
	_ =	sdelay $0x1  }
0x8a: {  	s1 =	srdreg.scid  }
0x8b: {  	s0 =	sand.u32 $0x1, s1  }
0x8c: {  	s17 =	sshll.u32 s0, $0xA;
	s2 =	sadd.s32 s3, s2  }
0x8d: {  	s2 =	sadd.s32 s2, s17  }
0x8e: {  	[smem:$0x3FB9] =	sst s2  }
0x8f: {  	_ = 	snop  }
0x90: {  	(tm) =	ssettm $0x1  }
0x91: {  	s18 =	sld [smem:$0x3FFB];
	_ =	sdelay $0x3  }
0x92: {  	_ =	strace s18  }
0x93: {  	s2 =	sld [smem:$0x3FFC];
	_ =	sdelay $0x3  }
0x94: {  	_ =	strace s2  }
0x95: {  	s2 =	sld [smem:$0x3FFD];
	_ =	sdelay $0x3  }
0x96: {  	_ =	strace s2  }
0x97: {  	_ =	strace $0x8FFFFFFF  }
0x98: {  	s19 =	sld [smem:$0x3FDB];
	_ =	sdelay $0x1  }
0x99: {  	s20 =	simm.s32 $_scs_section_size  }
0x9a: {  	s4 =	simm.s32 $_size__tile_overlayer_lowered;
	s5 =	simm.s32 $_tile_overlayer_lowered  }
0x9b: {  	s6 =	simm.s32 $0x1BFF;
	s21 =	sshll.u32 s5, $0x1;
	s3 =	sadd.s32 s20, s19  }
0x9c: {  	s22 =	simm.s32 $0x0;
	s4 =	sshll.u32 s4, $0x1;
	s5 =	sadd.s32 s21, s3  }
0x9d: {  	[timem:s22], [sflag:s6] =	dma.local [hbm:s5], s4  }
0x9e: {  	_ =	swait.ge [sflag:s6], s4  }
0x9f: {  	s4 =	ssub.s32 $0x0, s4;
	[sflag:s6] =	ssyncset.done $0x0  }
0xa0: {  	[sflag:s6] =	ssyncadd.s32 s4;
	_ =	sdelay $0x1  }
0xa1: {  	s23 =	simm.s32 $0x1B8B  }
0xa2: {  	_ =	swait.ge [sflag:s23], $0x1  }
0xa3: {  	[sflag:s23] =	ssyncset.done $0x0  }
0xa4: {  	[sflag:s23] =	ssyncadd.s32 $0xFFFFFFFF  }
0xa5: {  	s4 =	sld [smem:$0x0]  }
0xa6: {  	s5 =	sand.u32 $0xFFFFFFFE, s1  }
0xa7: {  	p0 =	sne.s32 s1, s5  }
0xa8: {  	s5 =	sshll.u32 @p0 s5, $0xE  }
0xa9: {  	s5 =	sadd.s32 @p0 $0x11B8D, s5;
	s6 =	sshll.u32 @p0 s4, $0x11  }
0xaa: {  	s5 =	sor.u32 @p0 s6, s5  }
0xab: {  	[sflag:s5] =	ssyncadd.remote.s32 @p0 $0x1;
	_ =	sdelay $0x1  }
0xac: {  	s5 =	simm.s32 @p0 $0x1B8D  }
0xad: {  	_ =	swait.eq @p0 [sflag:s5], $0x1  }
0xae: {  	[sflag:s5] =	ssyncadd.s32 @p0 $0xFFFFFFFF  }
0xaf: {  	s6 =	sshll.u32 @!p0 s1, $0xE  }
0xb0: {  	s6 =	sor.u32 @!p0 $0x4000, s6;
	s5 =	simm.s32 @!p0 $0x1B8D  }
0xb1: {  	s4 =	sshll.u32 @!p0 s4, $0x11;
	s6 =	sadd.s32 @!p0 $0x11B8D, s6;
	_ =	swait.eq @!p0 [sflag:s5], $0x1  }
0xb2: {  	s4 =	sor.u32 @!p0 s4, s6;
	[sflag:s5] =	ssyncadd.s32 @!p0 $0xFFFFFFFF  }
0xb3: {  	s25 =	simm.s32 $0x1B8E;
	s24 =	sld [smem:$0x3FFE];
	[sflag:s4] =	ssyncadd.remote.s32 @!p0 $0x1  }
0xb4: {  	s26 =	simm.s32 $execute0_lowered;
	[smem:$0x3FD2] =	sst s25  }
0xb5: {  	s5 =	sshll.u32 s26, $0x1;
	_ =	strace $0x8000004F;
	[dreg:$0x1] =	wrdreg $0xFFFFFFFF  }
0xb6: {  	s28 =	simm.s32 $_size_execute0_lowered;
	s3 =	sadd.s32 s3, s5;
	[dreg:$0x0] =	wrdreg $0x0  }
0xb7: {  	s5 =	sshll.u32 s28, $0x1;
	[dreg:$0x2] =	wrdreg s3  }
0xb8: {  	[dreg:$0x3] =	wrdreg s5  }
0xb9: {  	[dreg:$0x4] =	wrdreg $0xC0  }
0xba: {  	_ =	task [dreg:s22], $0x5FFFF  }
0xbb: {  	[dreg:$0x1] =	wrdreg $0xFFFFFFFF  }
0xbc: {  	[dreg:$0x0] =	wrdreg $0x60  }
0xbd: {  	[dreg:$0x2] =	wrdreg s24  }
0xbe: {  	[dreg:$0x3] =	wrdreg $0x44A00  }
0xbf: {  	[dreg:$0x4] =	wrdreg $0x9  }
0xc0: {  	_ =	task.clear_ibuf [dreg:s22], $0x5FFFF;
	_ =	strace $0x9000004F  }
0xc1: {  	s29 =	simm.s32 $0x9;
	_ =	strace $0x80000051  }
0xc2: {  	_ =	swait.ge [sflag:s29], $0x1  }
0xc3: {  	[sflag:s29] =	ssyncadd.s32 $0xFFFFFFFF  }
0xc4: {  	_ =	strace $0x90000051  }
0xc5: {  	_ =	sfence  }
0xc6: {  	s30 =	sld [smem:$0x0];
	_ =	sdelay $0x2  }
0xc7: {  	s31 =	sshll.u32 s1, $0xD;
	s1 =	sshrl.u32 s1, $0x2  }
0xc8: {  	s4 =	sand.u32 $0x4000, s31;
	s1 =	sadd.s32 s1, s30  }
0xc9: {  	s0 =	sor.u32 s4, s0;
	s1 =	sshll.u32 s1, $0x11  }
0xca: {  	s0 =	sor.u32 s1, s0  }
0xcb: {  	s0 =	sadd.s32 $0x8F2B, s0  }
0xcc: {  	[sflag:s0] =	ssyncadd.remote.s32 $0x1  }
0xcd: {  	_ =	sfence.sel $0xFFFF  }
0xce: {  	[dreg:$0x0] =	wrdreg $0xFFFFFFFF;
	(pc) =	sbr.abs _section_cstart, $3  }
0xcf: {  	[dreg:$0x1] =	wrdreg $0xFFFFFFFF  }
0xd0: {  	_ =	task.clear_ibuf [dreg:s22], $0x2FFFF;
	_ =	strace $0x9FFFFFFF  }
0xd1: {  	(tm) =	ssettm $0x7FFFFFFF  }
tec
execute0_lowered:
.L_overlay_start_1:
0x0: {  	(tag) =	ssettag $0x1  }
0x1: {  	s5 =	rddreg [dreg:$0x0]  }
0x2: {  	s1 =	rddreg [dreg:$0x1]  }
0x3: {  	s0 =	rddreg [dreg:$0x2];
	s2 =	simm.s32 $0x0;
	s3 =	srdreg.scid  }
0x4: {  	p1 =	por $0x0, $0x0;
	[smem:$0x7FF] =	sst s2;
	s6 =	sand.u32 $0x1, s3  }
0x5: {  	s3 =	stileid.u32;
	s4 =	sadd.s32 $0x9C200, s5;
	s10 =	sadd.s32 $0x629400, s5  }
0x6: {  	s11 =	sadd.s32 $0x97400, s5;
	s7 =	smul.u32 $0x27100, s6;
	s9 =	sshll.u32 s3, $0x1  }
0x7: {  	s19 =	sadd.s32 $0x61A600, s5;
	s8 =	smul.u32 $0x2710, s3;
	s9 =	sor.u32 s6, s9  }
0x8: {  	p0 =	sne.s32 s3, $0x0;
	s6 =	ssub.s32 $0x2, s6;
	s9 =	smul.u32 $0x1310, s9  }
0x9: {  	_ =	strace $0x80000050;
	s22 =	sshrl.u32 @!p0 s1, $0x3;
	s12 =	sshrl.u32 s6, $0x1  }
0xa: {  	s7 =	sadd.s32 s8, s7;
	s6 =	ssub.s32 s6, s12;
	s25 =	sshrl.u32 s9, $0x3  }
0xb: {  	s23 =	sadd.s32 s8, s1;
	s26 =	smax.u32 s6, $0x1;
	s21 =	sadd.s32 s10, s25  }
0xc: {  	s20 =	sadd.s32 s11, s25;
	s28 =	sadd.s32 $0x7A, s25;
	s29 =	sadd.s32 $0xF4, s25  }
0xd: {  	s30 =	sadd.s32 $0x16E, s25;
	s31 =	sadd.s32 $0x1E8, s25;
	s25 =	sadd.s32 $0xFFFFFFFF, s26  }
0xe: {  	s8 =	simm.s32 $0x3D0;
	s7 =	sshrl.u32 s7, $0x3;
	p2 =	sne.s32 s25, $0x0  }
.Ltmp0:
0xf: {  	s5 =	sadd.s32 s7, s5;
	s6 =	simm.s32 $0x2;
	(pc) =	sbr.rel @!p2 .LBB2_3-.Ltmp0, $4  }
0x10: {  	s9 =	simm.s32 $0x7A0;
	s7 =	sshrl.u32 s23, $0x3;
	s5 =	sadd.s32 $0x134A00, s5  }
0x11: {  	s18 =	sadd.s32 s10, s28;
	s17 =	sadd.s32 s11, s28;
	s16 =	sadd.s32 s10, s29  }
0x12: {  	s15 =	sadd.s32 s11, s29;
	s14 =	sadd.s32 s10, s30;
	s13 =	sadd.s32 s11, s30  }
0x13: {  	s12 =	sadd.s32 s10, s31;
	s10 =	sadd.s32 s11, s31;
	s11 =	simm.s32 $0x1  }
0x14: {  	s23 =	simm.s32 @!p0 $0x1C02;
	s24 =	simm.s32 @!p0 $0x2  }
0x15: {  	[spmem:s22], [sflag:s23] =	dma.local @!p0 [hbm:s19], $0x4E20  }
0x16: {  	_ =	swait.ge @!p0 [sflag:s24], $0x4E20  }
0x17: {  	[sflag:s24] =	ssyncset.done @!p0 $0x0  }
0x18: {  	[sflag:s24] =	ssyncadd.s32 @!p0 $0xFFFFB1E0  }
0x19: {  	[bflag:$0x0] =	sbarrier.arrive $0xFFFF  }
0x1a: {  	[tilespmem:s2], [sflag:$0x2] =	stream.linear.gather [hbm4b:s21+s2], $0x3D0, $0x38;
	[tilespmem:$0x6BB0] =	vst v63  }
0x1b: {  	_ =	swait.ge [sflag:s6], $0x3D0  }
0x1c: {  	[sflag:s6] =	ssyncset.done $0x0  }
0x1d: {  	[sflag:s6] =	ssyncadd.s32 $0xFFFFFC30  }
0x1e: {  	[tilespmem:s8], [sflag:$0x2] =	stream.linear.gather [hbm4b:s20+s2], $0x3D0, $0x38;
	[tilespmem:$0x6BB0] =	vst v63  }
0x1f: {  	_ =	swait.ge [sflag:s6], $0x3D0  }
0x20: {  	[sflag:s6] =	ssyncset.done $0x0  }
0x21: {  	[sflag:s6] =	ssyncadd.s32 $0xFFFFFC30  }
0x22: {  	[tilespmem:s9], [sflag:$0x1] =	stream.indirect.gather [hbm4b:s4+s8], $0x10, s8, s8, $0xb8;
	[tilespmem:$0x6BB0] =	vst v63  }
0x23: {  	_ =	swait.ge [sflag:s11], $0x3D00  }
0x24: {  	[sflag:s11] =	ssyncset.done $0x0  }
0x25: {  	[sflag:s11] =	ssyncadd.s32 $0xFFFFC300  }
0x26: {  	[spmem:s1] =	stream.indirect.scatter.add.f32 [tilespmem:s9], [sflag:$0x2], $0x10, s2, s8, $0xb8;
	[tilespmem:$0x6BB0] =	vst v63  }
0x27: {  	_ =	swait.ge [sflag:s6], $0x3D00  }
0x28: {  	[sflag:s6] =	ssyncset.done $0x0  }
0x29: {  	[sflag:s6] =	ssyncadd.s32 $0xFFFFC300  }
0x2a: {  	[tilespmem:s2], [sflag:$0x2] =	stream.linear.gather [hbm4b:s18+s2], $0x3D0, $0x38;
	[tilespmem:$0x6BB0] =	vst v63  }
0x2b: {  	_ =	swait.ge [sflag:s6], $0x3D0  }
0x2c: {  	[sflag:s6] =	ssyncset.done $0x0  }
0x2d: {  	[sflag:s6] =	ssyncadd.s32 $0xFFFFFC30  }
0x2e: {  	[tilespmem:s8], [sflag:$0x2] =	stream.linear.gather [hbm4b:s17+s2], $0x3D0, $0x38;
	[tilespmem:$0x6BB0] =	vst v63  }
0x2f: {  	_ =	swait.ge [sflag:s6], $0x3D0  }
0x30: {  	[sflag:s6] =	ssyncset.done $0x0  }
0x31: {  	[sflag:s6] =	ssyncadd.s32 $0xFFFFFC30  }
0x32: {  	[tilespmem:s9], [sflag:$0x1] =	stream.indirect.gather [hbm4b:s4+s8], $0x10, s8, s8, $0xb8;
	[tilespmem:$0x6BB0] =	vst v63  }
0x33: {  	_ =	swait.ge [sflag:s11], $0x3D00  }
0x34: {  	[sflag:s11] =	ssyncset.done $0x0  }
0x35: {  	[sflag:s11] =	ssyncadd.s32 $0xFFFFC300  }
0x36: {  	[spmem:s1] =	stream.indirect.scatter.add.f32 [tilespmem:s9], [sflag:$0x2], $0x10, s2, s8, $0xb8;
	[tilespmem:$0x6BB0] =	vst v63  }
0x37: {  	_ =	swait.ge [sflag:s6], $0x3D00  }
0x38: {  	[sflag:s6] =	ssyncset.done $0x0  }
0x39: {  	[sflag:s6] =	ssyncadd.s32 $0xFFFFC300  }
0x3a: {  	[tilespmem:s2], [sflag:$0x2] =	stream.linear.gather [hbm4b:s16+s2], $0x3D0, $0x38;
	[tilespmem:$0x6BB0] =	vst v63  }
0x3b: {  	_ =	swait.ge [sflag:s6], $0x3D0  }
0x3c: {  	[sflag:s6] =	ssyncset.done $0x0  }
0x3d: {  	[sflag:s6] =	ssyncadd.s32 $0xFFFFFC30  }
0x3e: {  	[tilespmem:s8], [sflag:$0x2] =	stream.linear.gather [hbm4b:s15+s2], $0x3D0, $0x38;
	[tilespmem:$0x6BB0] =	vst v63  }
0x3f: {  	_ =	swait.ge [sflag:s6], $0x3D0  }
0x40: {  	[sflag:s6] =	ssyncset.done $0x0  }
0x41: {  	[sflag:s6] =	ssyncadd.s32 $0xFFFFFC30  }
0x42: {  	[tilespmem:s9], [sflag:$0x1] =	stream.indirect.gather [hbm4b:s4+s8], $0x10, s8, s8, $0xb8;
	[tilespmem:$0x6BB0] =	vst v63  }
0x43: {  	_ =	swait.ge [sflag:s11], $0x3D00  }
0x44: {  	[sflag:s11] =	ssyncset.done $0x0  }
0x45: {  	[sflag:s11] =	ssyncadd.s32 $0xFFFFC300  }
0x46: {  	[spmem:s1] =	stream.indirect.scatter.add.f32 [tilespmem:s9], [sflag:$0x2], $0x10, s2, s8, $0xb8;
	[tilespmem:$0x6BB0] =	vst v63  }
0x47: {  	_ =	swait.ge [sflag:s6], $0x3D00  }
0x48: {  	[sflag:s6] =	ssyncset.done $0x0  }
0x49: {  	[sflag:s6] =	ssyncadd.s32 $0xFFFFC300  }
0x4a: {  	[tilespmem:s2], [sflag:$0x2] =	stream.linear.gather [hbm4b:s14+s2], $0x3D0, $0x38;
	[tilespmem:$0x6BB0] =	vst v63  }
0x4b: {  	_ =	swait.ge [sflag:s6], $0x3D0  }
0x4c: {  	[sflag:s6] =	ssyncset.done $0x0  }
0x4d: {  	[sflag:s6] =	ssyncadd.s32 $0xFFFFFC30  }
0x4e: {  	[tilespmem:s8], [sflag:$0x2] =	stream.linear.gather [hbm4b:s13+s2], $0x3D0, $0x38;
	[tilespmem:$0x6BB0] =	vst v63  }
0x4f: {  	_ =	swait.ge [sflag:s6], $0x3D0  }
0x50: {  	[sflag:s6] =	ssyncset.done $0x0  }
0x51: {  	[sflag:s6] =	ssyncadd.s32 $0xFFFFFC30  }
0x52: {  	[tilespmem:s9], [sflag:$0x1] =	stream.indirect.gather [hbm4b:s4+s8], $0x10, s8, s8, $0xb8;
	[tilespmem:$0x6BB0] =	vst v63  }
0x53: {  	_ =	swait.ge [sflag:s11], $0x3D00  }
0x54: {  	[sflag:s11] =	ssyncset.done $0x0  }
0x55: {  	[sflag:s11] =	ssyncadd.s32 $0xFFFFC300  }
0x56: {  	[spmem:s1] =	stream.indirect.scatter.add.f32 [tilespmem:s9], [sflag:$0x2], $0x10, s2, s8, $0xb8;
	[tilespmem:$0x6BB0] =	vst v63  }
0x57: {  	_ =	swait.ge [sflag:s6], $0x3D00  }
0x58: {  	[sflag:s6] =	ssyncset.done $0x0  }
0x59: {  	[sflag:s6] =	ssyncadd.s32 $0xFFFFC300  }
0x5a: {  	[tilespmem:s2], [sflag:$0x2] =	stream.linear.gather [hbm4b:s12+s2], $0x3D0, $0x38;
	[tilespmem:$0x6BB0] =	vst v63  }
0x5b: {  	_ =	swait.ge [sflag:s6], $0x3D0  }
0x5c: {  	[sflag:s6] =	ssyncset.done $0x0  }
0x5d: {  	[sflag:s6] =	ssyncadd.s32 $0xFFFFFC30  }
0x5e: {  	[tilespmem:s8], [sflag:$0x2] =	stream.linear.gather [hbm4b:s10+s2], $0x3D0, $0x38;
	[tilespmem:$0x6BB0] =	vst v63  }
0x5f: {  	_ =	swait.ge [sflag:s6], $0x3D0  }
0x60: {  	[sflag:s6] =	ssyncset.done $0x0  }
0x61: {  	[sflag:s6] =	ssyncadd.s32 $0xFFFFFC30  }
0x62: {  	[tilespmem:s9], [sflag:$0x1] =	stream.indirect.gather [hbm4b:s4+s8], $0x10, s8, s8, $0xb8;
	[tilespmem:$0x6BB0] =	vst v63  }
0x63: {  	_ =	swait.ge [sflag:s11], $0x3D00  }
0x64: {  	[sflag:s11] =	ssyncset.done $0x0  }
0x65: {  	[sflag:s11] =	ssyncadd.s32 $0xFFFFC300  }
0x66: {  	[spmem:s1] =	stream.indirect.scatter.add.f32 [tilespmem:s9], [sflag:$0x2], $0x10, s2, s8, $0xb8;
	[tilespmem:$0x6BB0] =	vst v63  }
0x67: {  	s25 =	sadd.s32 $0xFFFFFFFF, s25;
	_ =	swait.ge [sflag:s6], $0x3D00  }
0x68: {  	p2 =	sne.s32 s25, $0x0;
	[sflag:s6] =	ssyncset.done $0x0  }
.Ltmp1:
0x69: {  	s26 =	sshll.u32 s3, $0x6;
	[sflag:s6] =	ssyncadd.s32 $0xFFFFC300;
	(pc) =	sbr.rel @!p2 .LBB2_3-.Ltmp1, $4  }
0x6a: {  	s26 =	sor.u32 $0x1C02, s26;
	[bflag:$0x0] =	sbarrier.arrive $0xFFFF  }
0x6b: {  	[hbm:s5], [sflag:s26] =	dma.local [spmem:s7], $0x4E2  }
0x6c: {  	_ =	swait.ge [sflag:s6], $0x4E2  }
0x6d: {  	p1 =	por $0x1, $0x1;
	[sflag:s6] =	ssyncset.done $0x0  }
.LBB2_2:
0x6e: {  	[sflag:s6] =	ssyncadd.s32 $0xFFFFFB1E  }
0x6f: {  	[spmem:s22], [sflag:s23] =	dma.local @!p0 [hbm:s19], $0x4E20  }
0x70: {  	s25 =	sadd.s32 $0xFFFFFFFF, s25;
	_ =	swait.ge @!p0 [sflag:s24], $0x4E20  }
0x71: {  	p2 =	sne.s32 s25, $0x0;
	[sflag:s24] =	ssyncset.done @!p0 $0x0  }
0x72: {  	[sflag:s24] =	ssyncadd.s32 @!p0 $0xFFFFB1E0  }
0x73: {  	[bflag:$0x0] =	sbarrier.arrive $0xFFFF  }
0x74: {  	[tilespmem:s2], [sflag:$0x2] =	stream.linear.gather [hbm4b:s21+s2], $0x3D0, $0x38;
	[tilespmem:$0x6BB0] =	vst v63  }
0x75: {  	_ =	swait.ge [sflag:s6], $0x3D0  }
0x76: {  	[sflag:s6] =	ssyncset.done $0x0  }
0x77: {  	[sflag:s6] =	ssyncadd.s32 $0xFFFFFC30  }
0x78: {  	[tilespmem:s8], [sflag:$0x2] =	stream.linear.gather [hbm4b:s20+s2], $0x3D0, $0x38;
	[tilespmem:$0x6BB0] =	vst v63  }
0x79: {  	_ =	swait.ge [sflag:s6], $0x3D0  }
0x7a: {  	[sflag:s6] =	ssyncset.done $0x0  }
0x7b: {  	[sflag:s6] =	ssyncadd.s32 $0xFFFFFC30  }
0x7c: {  	[tilespmem:s9], [sflag:$0x1] =	stream.indirect.gather [hbm4b:s4+s8], $0x10, s8, s8, $0xb8;
	[tilespmem:$0x6BB0] =	vst v63  }
0x7d: {  	_ =	swait.ge [sflag:s11], $0x3D00  }
0x7e: {  	[sflag:s11] =	ssyncset.done $0x0  }
0x7f: {  	[sflag:s11] =	ssyncadd.s32 $0xFFFFC300  }
0x80: {  	[spmem:s1] =	stream.indirect.scatter.add.f32 [tilespmem:s9], [sflag:$0x2], $0x10, s2, s8, $0xb8;
	[tilespmem:$0x6BB0] =	vst v63  }
0x81: {  	_ =	swait.ge [sflag:s6], $0x3D00  }
0x82: {  	[sflag:s6] =	ssyncset.done $0x0  }
0x83: {  	[sflag:s6] =	ssyncadd.s32 $0xFFFFC300  }
0x84: {  	[tilespmem:s2], [sflag:$0x2] =	stream.linear.gather [hbm4b:s18+s2], $0x3D0, $0x38;
	[tilespmem:$0x6BB0] =	vst v63  }
0x85: {  	_ =	swait.ge [sflag:s6], $0x3D0  }
0x86: {  	[sflag:s6] =	ssyncset.done $0x0  }
0x87: {  	[sflag:s6] =	ssyncadd.s32 $0xFFFFFC30  }
0x88: {  	[tilespmem:s8], [sflag:$0x2] =	stream.linear.gather [hbm4b:s17+s2], $0x3D0, $0x38;
	[tilespmem:$0x6BB0] =	vst v63  }
0x89: {  	_ =	swait.ge [sflag:s6], $0x3D0  }
0x8a: {  	[sflag:s6] =	ssyncset.done $0x0  }
0x8b: {  	[sflag:s6] =	ssyncadd.s32 $0xFFFFFC30  }
0x8c: {  	[tilespmem:s9], [sflag:$0x1] =	stream.indirect.gather [hbm4b:s4+s8], $0x10, s8, s8, $0xb8;
	[tilespmem:$0x6BB0] =	vst v63  }
0x8d: {  	_ =	swait.ge [sflag:s11], $0x3D00  }
0x8e: {  	[sflag:s11] =	ssyncset.done $0x0  }
0x8f: {  	[sflag:s11] =	ssyncadd.s32 $0xFFFFC300  }
0x90: {  	[spmem:s1] =	stream.indirect.scatter.add.f32 [tilespmem:s9], [sflag:$0x2], $0x10, s2, s8, $0xb8;
	[tilespmem:$0x6BB0] =	vst v63  }
0x91: {  	_ =	swait.ge [sflag:s6], $0x3D00  }
0x92: {  	[sflag:s6] =	ssyncset.done $0x0  }
0x93: {  	[sflag:s6] =	ssyncadd.s32 $0xFFFFC300  }
0x94: {  	[tilespmem:s2], [sflag:$0x2] =	stream.linear.gather [hbm4b:s16+s2], $0x3D0, $0x38;
	[tilespmem:$0x6BB0] =	vst v63  }
0x95: {  	_ =	swait.ge [sflag:s6], $0x3D0  }
0x96: {  	[sflag:s6] =	ssyncset.done $0x0  }
0x97: {  	[sflag:s6] =	ssyncadd.s32 $0xFFFFFC30  }
0x98: {  	[tilespmem:s8], [sflag:$0x2] =	stream.linear.gather [hbm4b:s15+s2], $0x3D0, $0x38;
	[tilespmem:$0x6BB0] =	vst v63  }
0x99: {  	_ =	swait.ge [sflag:s6], $0x3D0  }
0x9a: {  	[sflag:s6] =	ssyncset.done $0x0  }
0x9b: {  	[sflag:s6] =	ssyncadd.s32 $0xFFFFFC30  }
0x9c: {  	[tilespmem:s9], [sflag:$0x1] =	stream.indirect.gather [hbm4b:s4+s8], $0x10, s8, s8, $0xb8;
	[tilespmem:$0x6BB0] =	vst v63  }
0x9d: {  	_ =	swait.ge [sflag:s11], $0x3D00  }
0x9e: {  	[sflag:s11] =	ssyncset.done $0x0  }
0x9f: {  	[sflag:s11] =	ssyncadd.s32 $0xFFFFC300  }
0xa0: {  	[spmem:s1] =	stream.indirect.scatter.add.f32 [tilespmem:s9], [sflag:$0x2], $0x10, s2, s8, $0xb8;
	[tilespmem:$0x6BB0] =	vst v63  }
0xa1: {  	_ =	swait.ge [sflag:s6], $0x3D00  }
0xa2: {  	[sflag:s6] =	ssyncset.done $0x0  }
0xa3: {  	[sflag:s6] =	ssyncadd.s32 $0xFFFFC300  }
0xa4: {  	[tilespmem:s2], [sflag:$0x2] =	stream.linear.gather [hbm4b:s14+s2], $0x3D0, $0x38;
	[tilespmem:$0x6BB0] =	vst v63  }
0xa5: {  	_ =	swait.ge [sflag:s6], $0x3D0  }
0xa6: {  	[sflag:s6] =	ssyncset.done $0x0  }
0xa7: {  	[sflag:s6] =	ssyncadd.s32 $0xFFFFFC30  }
0xa8: {  	[tilespmem:s8], [sflag:$0x2] =	stream.linear.gather [hbm4b:s13+s2], $0x3D0, $0x38;
	[tilespmem:$0x6BB0] =	vst v63  }
0xa9: {  	_ =	swait.ge [sflag:s6], $0x3D0  }
0xaa: {  	[sflag:s6] =	ssyncset.done $0x0  }
0xab: {  	[sflag:s6] =	ssyncadd.s32 $0xFFFFFC30  }
0xac: {  	[tilespmem:s9], [sflag:$0x1] =	stream.indirect.gather [hbm4b:s4+s8], $0x10, s8, s8, $0xb8;
	[tilespmem:$0x6BB0] =	vst v63  }
0xad: {  	_ =	swait.ge [sflag:s11], $0x3D00  }
0xae: {  	[sflag:s11] =	ssyncset.done $0x0  }
0xaf: {  	[sflag:s11] =	ssyncadd.s32 $0xFFFFC300  }
0xb0: {  	[spmem:s1] =	stream.indirect.scatter.add.f32 [tilespmem:s9], [sflag:$0x2], $0x10, s2, s8, $0xb8;
	[tilespmem:$0x6BB0] =	vst v63  }
0xb1: {  	_ =	swait.ge [sflag:s6], $0x3D00  }
0xb2: {  	[sflag:s6] =	ssyncset.done $0x0  }
0xb3: {  	[sflag:s6] =	ssyncadd.s32 $0xFFFFC300  }
0xb4: {  	[tilespmem:s2], [sflag:$0x2] =	stream.linear.gather [hbm4b:s12+s2], $0x3D0, $0x38;
	[tilespmem:$0x6BB0] =	vst v63  }
0xb5: {  	_ =	swait.ge [sflag:s6], $0x3D0  }
0xb6: {  	[sflag:s6] =	ssyncset.done $0x0  }
0xb7: {  	[sflag:s6] =	ssyncadd.s32 $0xFFFFFC30  }
0xb8: {  	[tilespmem:s8], [sflag:$0x2] =	stream.linear.gather [hbm4b:s10+s2], $0x3D0, $0x38;
	[tilespmem:$0x6BB0] =	vst v63  }
0xb9: {  	_ =	swait.ge [sflag:s6], $0x3D0  }
0xba: {  	[sflag:s6] =	ssyncset.done $0x0  }
0xbb: {  	[sflag:s6] =	ssyncadd.s32 $0xFFFFFC30  }
0xbc: {  	[tilespmem:s9], [sflag:$0x1] =	stream.indirect.gather [hbm4b:s4+s8], $0x10, s8, s8, $0xb8;
	[tilespmem:$0x6BB0] =	vst v63  }
0xbd: {  	_ =	swait.ge [sflag:s11], $0x3D00  }
0xbe: {  	[sflag:s11] =	ssyncset.done $0x0  }
0xbf: {  	[sflag:s11] =	ssyncadd.s32 $0xFFFFC300  }
0xc0: {  	[spmem:s1] =	stream.indirect.scatter.add.f32 [tilespmem:s9], [sflag:$0x2], $0x10, s2, s8, $0xb8;
	[tilespmem:$0x6BB0] =	vst v63  }
0xc1: {  	_ =	swait.ge [sflag:s6], $0x3D00  }
0xc2: {  	[sflag:s6] =	ssyncset.done $0x0  }
.Ltmp2:
0xc3: {  	[sflag:s6] =	ssyncadd.s32 $0xFFFFC300;
	(pc) =	sbr.rel @p2 .LBB2_2-.Ltmp2, $4  }
0xc4: {  	[bflag:$0x0] =	sbarrier.arrive $0xFFFF  }
0xc5: {  	[hbm:s5], [sflag:s26] =	dma.local [spmem:s7], $0x4E2  }
0xc6: {  	_ =	swait.ge [sflag:s6], $0x4E2  }
0xc7: {  	[sflag:s6] =	ssyncset.done $0x0  }
.LBB2_3:
0xc8: {  	s23 =	simm.s32 @!p0 $0x1C02;
	s24 =	simm.s32 @!p0 $0x2;
	[sflag:s6] =	ssyncadd.s32 @p1 $0xFFFFFB1E  }
0xc9: {  	[spmem:s22], [sflag:s23] =	dma.local @!p0 [hbm:s19], $0x4E20  }
0xca: {  	_ =	swait.ge @!p0 [sflag:s24], $0x4E20  }
0xcb: {  	[sflag:s24] =	ssyncset.done @!p0 $0x0  }
0xcc: {  	[sflag:s24] =	ssyncadd.s32 @!p0 $0xFFFFB1E0  }
0xcd: {  	[bflag:$0x0] =	sbarrier.arrive $0xFFFF  }
0xce: {  	[tilespmem:s2], [sflag:$0x2] =	stream.linear.gather [hbm4b:s21+s2], $0x3D0, $0x38;
	[tilespmem:$0x6BB0] =	vst v63  }
0xcf: {  	_ =	swait.ge [sflag:s6], $0x3D0  }
0xd0: {  	[sflag:s6] =	ssyncset.done $0x0  }
0xd1: {  	[sflag:s6] =	ssyncadd.s32 $0xFFFFFC30  }
0xd2: {  	[tilespmem:s8], [sflag:$0x2] =	stream.linear.gather [hbm4b:s20+s2], $0x3D0, $0x38;
	[tilespmem:$0x6BB0] =	vst v63  }
0xd3: {  	_ =	swait.ge [sflag:s6], $0x3D0  }
0xd4: {  	[sflag:s6] =	ssyncset.done $0x0  }
0xd5: {  	[sflag:s6] =	ssyncadd.s32 $0xFFFFFC30  }
0xd6: {  	[tilespmem:s9], [sflag:$0x1] =	stream.indirect.gather [hbm4b:s4+s8], $0x10, s8, s8, $0xb8;
	[tilespmem:$0x6BB0] =	vst v63  }
0xd7: {  	_ =	swait.ge [sflag:s11], $0x3D00  }
0xd8: {  	[sflag:s11] =	ssyncset.done $0x0  }
0xd9: {  	[sflag:s11] =	ssyncadd.s32 $0xFFFFC300  }
0xda: {  	[spmem:s1] =	stream.indirect.scatter.add.f32 [tilespmem:s9], [sflag:$0x2], $0x10, s2, s8, $0xb8;
	[tilespmem:$0x6BB0] =	vst v63  }
0xdb: {  	_ =	swait.ge [sflag:s6], $0x3D00  }
0xdc: {  	[sflag:s6] =	ssyncset.done $0x0  }
0xdd: {  	[sflag:s6] =	ssyncadd.s32 $0xFFFFC300  }
0xde: {  	[tilespmem:s2], [sflag:$0x2] =	stream.linear.gather [hbm4b:s18+s2], $0x3D0, $0x38;
	[tilespmem:$0x6BB0] =	vst v63  }
0xdf: {  	_ =	swait.ge [sflag:s6], $0x3D0  }
0xe0: {  	[sflag:s6] =	ssyncset.done $0x0  }
0xe1: {  	[sflag:s6] =	ssyncadd.s32 $0xFFFFFC30  }
0xe2: {  	[tilespmem:s8], [sflag:$0x2] =	stream.linear.gather [hbm4b:s17+s2], $0x3D0, $0x38;
	[tilespmem:$0x6BB0] =	vst v63  }
0xe3: {  	_ =	swait.ge [sflag:s6], $0x3D0  }
0xe4: {  	[sflag:s6] =	ssyncset.done $0x0  }
0xe5: {  	[sflag:s6] =	ssyncadd.s32 $0xFFFFFC30  }
0xe6: {  	[tilespmem:s9], [sflag:$0x1] =	stream.indirect.gather [hbm4b:s4+s8], $0x10, s8, s8, $0xb8;
	[tilespmem:$0x6BB0] =	vst v63  }
0xe7: {  	_ =	swait.ge [sflag:s11], $0x3D00  }
0xe8: {  	[sflag:s11] =	ssyncset.done $0x0  }
0xe9: {  	[sflag:s11] =	ssyncadd.s32 $0xFFFFC300  }
0xea: {  	[spmem:s1] =	stream.indirect.scatter.add.f32 [tilespmem:s9], [sflag:$0x2], $0x10, s2, s8, $0xb8;
	[tilespmem:$0x6BB0] =	vst v63  }
0xeb: {  	_ =	swait.ge [sflag:s6], $0x3D00  }
0xec: {  	[sflag:s6] =	ssyncset.done $0x0  }
0xed: {  	[sflag:s6] =	ssyncadd.s32 $0xFFFFC300  }
0xee: {  	[tilespmem:s2], [sflag:$0x2] =	stream.linear.gather [hbm4b:s16+s2], $0x3D0, $0x38;
	[tilespmem:$0x6BB0] =	vst v63  }
0xef: {  	_ =	swait.ge [sflag:s6], $0x3D0  }
0xf0: {  	[sflag:s6] =	ssyncset.done $0x0  }
0xf1: {  	[sflag:s6] =	ssyncadd.s32 $0xFFFFFC30  }
0xf2: {  	[tilespmem:s8], [sflag:$0x2] =	stream.linear.gather [hbm4b:s15+s2], $0x3D0, $0x38;
	[tilespmem:$0x6BB0] =	vst v63  }
0xf3: {  	_ =	swait.ge [sflag:s6], $0x3D0  }
0xf4: {  	[sflag:s6] =	ssyncset.done $0x0  }
0xf5: {  	[sflag:s6] =	ssyncadd.s32 $0xFFFFFC30  }
0xf6: {  	[tilespmem:s9], [sflag:$0x1] =	stream.indirect.gather [hbm4b:s4+s8], $0x10, s8, s8, $0xb8;
	[tilespmem:$0x6BB0] =	vst v63  }
0xf7: {  	_ =	swait.ge [sflag:s11], $0x3D00  }
0xf8: {  	[sflag:s11] =	ssyncset.done $0x0  }
0xf9: {  	[sflag:s11] =	ssyncadd.s32 $0xFFFFC300  }
0xfa: {  	[spmem:s1] =	stream.indirect.scatter.add.f32 [tilespmem:s9], [sflag:$0x2], $0x10, s2, s8, $0xb8;
	[tilespmem:$0x6BB0] =	vst v63  }
0xfb: {  	_ =	swait.ge [sflag:s6], $0x3D00  }
0xfc: {  	[sflag:s6] =	ssyncset.done $0x0  }
0xfd: {  	[sflag:s6] =	ssyncadd.s32 $0xFFFFC300  }
0xfe: {  	[tilespmem:s2], [sflag:$0x2] =	stream.linear.gather [hbm4b:s14+s2], $0x3D0, $0x38;
	[tilespmem:$0x6BB0] =	vst v63  }
0xff: {  	_ =	swait.ge [sflag:s6], $0x3D0  }
0x100: {  	[sflag:s6] =	ssyncset.done $0x0  }
0x101: {  	[sflag:s6] =	ssyncadd.s32 $0xFFFFFC30  }
0x102: {  	[tilespmem:s8], [sflag:$0x2] =	stream.linear.gather [hbm4b:s13+s2], $0x3D0, $0x38;
	[tilespmem:$0x6BB0] =	vst v63  }
0x103: {  	_ =	swait.ge [sflag:s6], $0x3D0  }
0x104: {  	[sflag:s6] =	ssyncset.done $0x0  }
0x105: {  	[sflag:s6] =	ssyncadd.s32 $0xFFFFFC30  }
0x106: {  	[tilespmem:s9], [sflag:$0x1] =	stream.indirect.gather [hbm4b:s4+s8], $0x10, s8, s8, $0xb8;
	[tilespmem:$0x6BB0] =	vst v63  }
0x107: {  	_ =	swait.ge [sflag:s11], $0x3D00  }
0x108: {  	[sflag:s11] =	ssyncset.done $0x0  }
0x109: {  	[sflag:s11] =	ssyncadd.s32 $0xFFFFC300  }
0x10a: {  	[spmem:s1] =	stream.indirect.scatter.add.f32 [tilespmem:s9], [sflag:$0x2], $0x10, s2, s8, $0xb8;
	[tilespmem:$0x6BB0] =	vst v63  }
0x10b: {  	_ =	swait.ge [sflag:s6], $0x3D00  }
0x10c: {  	[sflag:s6] =	ssyncset.done $0x0  }
0x10d: {  	[sflag:s6] =	ssyncadd.s32 $0xFFFFC300  }
0x10e: {  	[tilespmem:s2], [sflag:$0x2] =	stream.linear.gather [hbm4b:s12+s2], $0x3D0, $0x38;
	[tilespmem:$0x6BB0] =	vst v63  }
0x10f: {  	_ =	swait.ge [sflag:s6], $0x3D0  }
0x110: {  	[sflag:s6] =	ssyncset.done $0x0  }
0x111: {  	[sflag:s6] =	ssyncadd.s32 $0xFFFFFC30  }
0x112: {  	[tilespmem:s8], [sflag:$0x2] =	stream.linear.gather [hbm4b:s10+s2], $0x3D0, $0x38;
	[tilespmem:$0x6BB0] =	vst v63  }
0x113: {  	_ =	swait.ge [sflag:s6], $0x3D0  }
0x114: {  	[sflag:s6] =	ssyncset.done $0x0  }
0x115: {  	[sflag:s6] =	ssyncadd.s32 $0xFFFFFC30  }
0x116: {  	[tilespmem:s9], [sflag:$0x1] =	stream.indirect.gather [hbm4b:s4+s8], $0x10, s8, s8, $0xb8;
	[tilespmem:$0x6BB0] =	vst v63  }
0x117: {  	_ =	swait.ge [sflag:s11], $0x3D00  }
0x118: {  	[sflag:s11] =	ssyncset.done $0x0  }
0x119: {  	[sflag:s11] =	ssyncadd.s32 $0xFFFFC300  }
0x11a: {  	[spmem:s1] =	stream.indirect.scatter.add.f32 [tilespmem:s9], [sflag:$0x2], $0x10, s2, s8, $0xb8;
	[tilespmem:$0x6BB0] =	vst v63  }
0x11b: {  	_ =	swait.ge [sflag:s6], $0x3D00  }
0x11c: {  	[sflag:s6] =	ssyncset.done $0x0  }
0x11d: {  	s31 =	sshll.u32 s3, $0x6;
	[sflag:s6] =	ssyncadd.s32 $0xFFFFC300  }
0x11e: {  	s1 =	sor.u32 $0x1C02, s31;
	[bflag:$0x0] =	sbarrier.arrive $0xFFFF  }
0x11f: {  	[hbm:s5], [sflag:s1] =	dma.local [spmem:s7], $0x4E2  }
0x120: {  	_ =	swait.ge [sflag:s6], $0x4E2  }
0x121: {  	[sflag:s6] =	ssyncset.done $0x0  }
0x122: {  	[sflag:s6] =	ssyncadd.s32 $0xFFFFFB1E  }
0x123: {  	_ =	sfence.sel $0x180000  }
0x124: {  	[bflag:$0x0] =	sbarrier.arrive $0xFFFF  }
0x125: {  	_ =	strace $0x90000050  }
0x126: {  	s0 =	sadd.s32 @!p0 $0x100000, s0;
	[bflag:$0x2] =	sbarrier.arrive $0xFFFF  }
0x127: {  	[sflag:s0] =	ssyncadd.tile.s32 @!p0 $0x1;
	_ =	shalt  }
.Lfunc_end2:
_tile_overlayer_lowered:
.L_overlay_start_2:
0x128: {  	(tag) =	ssettag $0x2  }
0x129: {  	s0 =	rddreg [dreg:$0x0];
	s2 =	stileid.u32  }
0x12a: {  	s1 =	rddreg [dreg:$0x1];
	p0 =	sne.s32 s2, $0x0  }
0x12b: {  	s3 =	rddreg [dreg:$0x2];
	[bflag:$0x3] =	sbarrier.arrive $0xFFFF;
	s2 =	simm.s32 @!p0 $0x1C02  }
0x12c: {  	[timem:s3], [sflag:s2] =	dma.local @!p0 [hbm:s0], s1  }
0x12d: {  	s0 =	simm.s32 @!p0 $0x2  }
0x12e: {  	_ =	swait.ge @!p0 [sflag:s0], s1  }
0x12f: {  	s1 =	ssub.s32 @!p0 $0x0, s1;
	[sflag:s0] =	ssyncset.done @!p0 $0x0  }
0x130: {  	[sflag:s0] =	ssyncadd.s32 @!p0 s1  }
0x131: {  	[bflag:$0x3] =	sbarrier.arrive $0xFFFF  }
0x132: {  	_ =	shalt  }

// kernel: kernel.28.cloned.1.call-start
scs
__scs_entry_jumppad:
0x0: {  	(pc) =	sbr.rel $0x88, $3  }
0x1: {  	(tag) =	ssettag $0x0;
	lr =	simm.s32 $0x1  }
0x2: {  	[smem:$0x3F92] =	sst lr;
	_ =	strace $0xD0000000  }
0x3: {  	_ = 	snop  }
0x4: {  	_ = 	snop  }
0x5: {  	_ = 	snop  }
0x6: {  	_ = 	snop  }
0x7: {  	_ = 	snop  }
__scs_overlays_trampoline_lowered:
0x8: {  	[smem:$0x3FA1] =	sst s0  }
0x9: {  	[smem:$0x3FA2] =	sst s1  }
0xa: {  	[smem:$0x3FA3] =	sst s2  }
0xb: {  	[smem:$0x3FA4] =	sst s3  }
0xc: {  	[smem:$0x3FA5] =	sst s4  }
0xd: {  	[smem:$0x3FA6] =	sst s5  }
0xe: {  	[smem:$0x3FA7] =	sst s6  }
0xf: {  	[smem:$0x3FA8] =	sst s7  }
0x10: {  	[smem:$0x3FA9] =	sst s8  }
0x11: {  	[smem:$0x3FAA] =	sst s9;
	s0 =	simm.s32 @!p0 $0x0  }
0x12: {  	s1 =	sld [smem:$0x3F90];
	s0 =	simm.s32 @p0 $0x1  }
0x13: {  	[smem:$0x3FAB] =	sst s0;
	s0 =	simm.s32 @!p1 $0x0  }
0x14: {  	s2 =	sld [smem:$0x3F8F];
	s0 =	simm.s32 @p1 $0x1  }
0x15: {  	[smem:$0x3FAC] =	sst s0;
	s0 =	simm.s32 @!p2 $0x0  }
0x16: {  	s3 =	sld [smem:$0x3FDB];
	s0 =	simm.s32 @p2 $0x1  }
0x17: {  	s4 =	simm.s32 $0x1BF5;
	[smem:$0x3FAE] =	sst s0  }
0x18: {  	s0 =	sld [smem:$0x3F91];
	_ =	swait.ge [sflag:s4], $0x0  }
0x19: {  	s7 =	sld [smem:$0x3F92]  }
0x1a: {  	s8 =	sadd.s32 $0xFFFFE003, lr  }
0x1b: {  	s9 =	sadd.s32 $0xFFFFFEF7, lr;
	s5 =	simm.s32 $0xFFFFFFFF;
	p2 =	slt.u32 s8, $0xFFFFF086  }
0x1c: {  	p1 =	slt.u32 s9, $0xF7A;
	s5 =	simm.s32 @!p2 $0x0  }
0x1d: {  	s5 =	simm.s32 @p1 $0x1;
	p0 =	seq.s32 s7, s2  }
0x1e: {  	s7 =	smul.u32 @!p0 $0xF7A, s2;
	p2 =	seq.s32 @!p0 s5, $0x0  }
0x1f: {  	s9 =	smul.u32 $0xF7A, s1;
	s8 =	simm.s32 @!p0 $0x1BF5;
	p2 =	por !p2, p0  }
0x20: {  	[sflag:s8] =	ssyncset.s32 @!p0 $0xFFFFF086;
	s6 =	sadd.s32 @!p0 s3, s7;
	s7 =	simm.s32 @!p0 $0x108  }
0x21: {  	s3 =	sadd.s32 s3, s9;
	s6 =	sadd.s32 @!p0 $0x88, s6;
	s7 =	simm.s32 @p2 $0x1082  }
0x22: {  	[simem:s7], [sflag:s8] =	dma.local @!p0 [hbm:s6], $0xF7A  }
0x23: {  	s9 =	sor.u32 $0xD0000000, s2;
	s6 =	simm.s32 $0x108;
	_ =	swait.ge @!p0 [sflag:s8], $0x0  }
0x24: {  	s3 =	sadd.s32 $0x88, s3;
	s6 =	simm.s32 @!p1 $0x1082;
	[sflag:s4] =	ssyncset.s32 $0xFFFFF086  }
0x25: {  	[simem:s6], [sflag:s4] =	dma.local [hbm:s3], $0xF7A  }
0x26: {  	[smem:$0x3F92] =	sst s1;
	(tag) =	ssettag s2;
	_ =	strace s9  }
0x27: {  	s1 =	sld [smem:$0x3FA2]  }
0x28: {  	s2 =	sld [smem:$0x3FA3]  }
0x29: {  	s4 =	sld [smem:$0x3FA5]  }
0x2a: {  	p0 =	seq.s32 s5, $0x0;
	s5 =	sld [smem:$0x3FA6]  }
0x2b: {  	s6 =	sld [smem:$0x3FA7]  }
0x2c: {  	s7 =	sld [smem:$0x3FA8]  }
0x2d: {  	s3 =	simm.s32 $0x108;
	s8 =	sld [smem:$0x3FA9]  }
0x2e: {  	s3 =	simm.s32 @!p0 $0x1082;
	s9 =	sld [smem:$0x3FAA]  }
0x2f: {  	lr =	sadd.s32 s0, s3;
	s0 =	sld [smem:$0x3FA1]  }
0x30: {  	s3 =	sld [smem:$0x3FA4]  }
0x31: {  	[smem:$0x3FAD] =	sst s10  }
0x32: {  	s10 =	sld [smem:$0x3FAB];
	_ =	sdelay $0x3  }
0x33: {  	p0 =	seq.s32 s10, $0x1;
	s10 =	sld [smem:$0x3FAD];
	_ =	sdelay $0x3  }
0x34: {  	[smem:$0x3FAD] =	sst s10  }
0x35: {  	s10 =	sld [smem:$0x3FAC];
	_ =	sdelay $0x3  }
0x36: {  	p1 =	seq.s32 s10, $0x1;
	s10 =	sld [smem:$0x3FAD];
	_ =	sdelay $0x3  }
0x37: {  	[smem:$0x3FAD] =	sst s10  }
0x38: {  	s10 =	sld [smem:$0x3FAE]  }
0x39: {  	_ = 	snop;
	(pc) =	sbr.ind lr, $3  }
0x3a: {  	_ = 	snop  }
0x3b: {  	_ = 	snop  }
0x3c: {  	p2 =	seq.s32 s10, $0x1;
	s10 =	sld [smem:$0x3FAD]  }
0x3d: {  	_ =	shalt  }
0x3e: {  	_ =	shalt  }
0x3f: {  	_ =	shalt  }
0x40: {  	_ =	shalt  }
0x41: {  	_ =	shalt  }
0x42: {  	_ =	shalt  }
0x43: {  	_ =	shalt  }
0x44: {  	_ =	shalt  }
0x45: {  	_ =	shalt  }
0x46: {  	_ =	shalt  }
0x47: {  	_ =	shalt  }
0x48: {  	_ =	shalt  }
0x49: {  	_ =	shalt  }
0x4a: {  	_ =	shalt  }
0x4b: {  	_ =	shalt  }
0x4c: {  	_ =	shalt  }
0x4d: {  	_ =	shalt  }
0x4e: {  	_ =	shalt  }
0x4f: {  	_ =	shalt  }
0x50: {  	_ =	shalt  }
0x51: {  	_ =	shalt  }
0x52: {  	_ =	shalt  }
0x53: {  	_ =	shalt  }
0x54: {  	_ =	shalt  }
0x55: {  	_ =	shalt  }
0x56: {  	_ =	shalt  }
0x57: {  	_ =	shalt  }
0x58: {  	_ =	shalt  }
0x59: {  	_ =	shalt  }
0x5a: {  	_ =	shalt  }
0x5b: {  	_ =	shalt  }
0x5c: {  	_ =	shalt  }
0x5d: {  	_ =	shalt  }
0x5e: {  	_ =	shalt  }
0x5f: {  	_ =	shalt  }
0x60: {  	_ =	shalt  }
0x61: {  	_ =	shalt  }
0x62: {  	_ =	shalt  }
0x63: {  	_ =	shalt  }
0x64: {  	_ =	shalt  }
0x65: {  	_ =	shalt  }
0x66: {  	_ =	shalt  }
0x67: {  	_ =	shalt  }
0x68: {  	_ =	shalt  }
0x69: {  	_ =	shalt  }
0x6a: {  	_ =	shalt  }
0x6b: {  	_ =	shalt  }
0x6c: {  	_ =	shalt  }
0x6d: {  	_ =	shalt  }
0x6e: {  	_ =	shalt  }
0x6f: {  	_ =	shalt  }
0x70: {  	_ =	shalt  }
0x71: {  	_ =	shalt  }
0x72: {  	_ =	shalt  }
0x73: {  	_ =	shalt  }
0x74: {  	_ =	shalt  }
0x75: {  	_ =	shalt  }
0x76: {  	_ =	shalt  }
0x77: {  	_ =	shalt  }
0x78: {  	_ =	shalt  }
0x79: {  	_ =	shalt  }
0x7a: {  	_ =	shalt  }
0x7b: {  	_ =	shalt  }
0x7c: {  	_ =	shalt  }
0x7d: {  	_ =	shalt  }
0x7e: {  	_ =	shalt  }
0x7f: {  	_ =	shalt  }
0x80: {  	_ =	shalt  }
0x81: {  	_ =	shalt  }
0x82: {  	_ =	shalt  }
0x83: {  	_ =	shalt  }
0x84: {  	_ =	shalt  }
0x85: {  	_ =	shalt  }
0x86: {  	_ =	shalt  }
0x87: {  	_ =	shalt  }
.Lfunc_end0:
.L_simem_size_0:
called_computation.4_lowered:
.L_overlay_start_0:
0x88: {  	s2 =	sld [smem:$0x3FD9]  }
0x89: {  	s3 =	sld [smem:$0x3FFE];
	_ =	sdelay $0x1  }
0x8a: {  	s1 =	srdreg.scid  }
0x8b: {  	s0 =	sand.u32 $0x1, s1  }
0x8c: {  	s16 =	sshll.u32 s0, $0xA;
	s2 =	sadd.s32 s3, s2  }
0x8d: {  	s2 =	sadd.s32 s2, s16  }
0x8e: {  	[smem:$0x3FB9] =	sst s2  }
0x8f: {  	_ = 	snop  }
0x90: {  	(tm) =	ssettm $0x1  }
0x91: {  	s17 =	sld [smem:$0x3FFB];
	_ =	sdelay $0x3  }
0x92: {  	_ =	strace s17  }
0x93: {  	s2 =	sld [smem:$0x3FFC];
	_ =	sdelay $0x3  }
0x94: {  	_ =	strace s2  }
0x95: {  	s2 =	sld [smem:$0x3FFD];
	_ =	sdelay $0x3  }
0x96: {  	_ =	strace s2  }
0x97: {  	_ =	strace $0x8FFFFFFF  }
0x98: {  	s18 =	sld [smem:$0x3FDB];
	_ =	sdelay $0x1  }
0x99: {  	s19 =	simm.s32 $_scs_section_size  }
0x9a: {  	s4 =	simm.s32 $_size__tile_overlayer_lowered;
	s5 =	simm.s32 $_tile_overlayer_lowered  }
0x9b: {  	s22 =	simm.s32 $0x1BFF;
	s21 =	sshll.u32 s5, $0x1;
	s2 =	sadd.s32 s19, s18  }
0x9c: {  	s6 =	simm.s32 $0x0;
	s20 =	sshll.u32 s4, $0x1;
	s4 =	sadd.s32 s21, s2  }
0x9d: {  	[timem:s6], [sflag:s22] =	dma.local [hbm:s4], s20  }
0x9e: {  	_ =	swait.ge [sflag:s22], s20  }
0x9f: {  	s3 =	ssub.s32 $0x0, s20;
	[sflag:s22] =	ssyncset.done $0x0  }
0xa0: {  	[sflag:s22] =	ssyncadd.s32 s3;
	_ =	sdelay $0x1  }
0xa1: {  	s23 =	simm.s32 $0x1B8B  }
0xa2: {  	_ =	swait.ge [sflag:s23], $0x1  }
0xa3: {  	[sflag:s23] =	ssyncset.done $0x0  }
0xa4: {  	s25 =	simm.s32 $0x1B8E;
	s24 =	sld [smem:$0x3FFE];
	[sflag:s23] =	ssyncadd.s32 $0xFFFFFFFF  }
0xa5: {  	s26 =	simm.s32 $execute0_lowered;
	[smem:$0x3FD2] =	sst s25  }
0xa6: {  	s4 =	sshll.u32 s26, $0x1;
	_ =	strace $0x80000052;
	[dreg:$0x1] =	wrdreg $0xFFFFFFFF  }
0xa7: {  	s28 =	simm.s32 $_size_execute0_lowered;
	s2 =	sadd.s32 s2, s4;
	[dreg:$0x0] =	wrdreg $0x0  }
0xa8: {  	s4 =	sshll.u32 s28, $0x1;
	[dreg:$0x2] =	wrdreg s2  }
0xa9: {  	[dreg:$0x3] =	wrdreg s4  }
0xaa: {  	[dreg:$0x4] =	wrdreg $0xC0  }
0xab: {  	_ =	task [dreg:s6], $0x5FFFF  }
0xac: {  	[dreg:$0x1] =	wrdreg $0xFFFFFFFF  }
0xad: {  	[dreg:$0x0] =	wrdreg $0x60  }
0xae: {  	[dreg:$0x2] =	wrdreg s24  }
0xaf: {  	[dreg:$0x3] =	wrdreg $0xA  }
0xb0: {  	_ =	task.clear_ibuf [dreg:s6], $0x4FFFF;
	_ =	strace $0x90000052  }
0xb1: {  	s29 =	simm.s32 $0xA;
	_ =	strace $0x80000054  }
0xb2: {  	_ =	swait.ge [sflag:s29], $0x1  }
0xb3: {  	[sflag:s29] =	ssyncadd.s32 $0xFFFFFFFF  }
0xb4: {  	_ =	strace $0x90000054  }
0xb5: {  	_ =	sfence  }
0xb6: {  	s30 =	sld [smem:$0x0];
	_ =	sdelay $0x2  }
0xb7: {  	s31 =	sshll.u32 s1, $0xD;
	s1 =	sshrl.u32 s1, $0x2  }
0xb8: {  	s3 =	sand.u32 $0x4000, s31;
	s1 =	sadd.s32 s1, s30  }
0xb9: {  	s0 =	sor.u32 s3, s0;
	s1 =	sshll.u32 s1, $0x11  }
0xba: {  	s0 =	sor.u32 s1, s0  }
0xbb: {  	s0 =	sadd.s32 $0x8F2B, s0  }
0xbc: {  	[sflag:s0] =	ssyncadd.remote.s32 $0x1  }
0xbd: {  	_ =	sfence.sel $0xFFFF  }
0xbe: {  	[dreg:$0x0] =	wrdreg $0xFFFFFFFF;
	(pc) =	sbr.abs _section_cstart, $3  }
0xbf: {  	[dreg:$0x1] =	wrdreg $0xFFFFFFFF  }
0xc0: {  	_ =	task.clear_ibuf [dreg:s6], $0x2FFFF;
	_ =	strace $0x9FFFFFFF  }
0xc1: {  	(tm) =	ssettm $0x7FFFFFFF  }
tec
execute0_lowered:
.L_overlay_start_1:
0x0: {  	(tag) =	ssettag $0x1  }
0x1: {  	s1 =	srdreg.scid;
	s0 =	stileid.u32  }
0x2: {  	s17 =	sand.u32 $0x1, s1;
	s30 =	sshll.u32 s0, $0x1  }
0x3: {  	s1 =	sor.u32 s17, s30  }
0x4: {  	s3 =	smul.u32 $0x1400, s1  }
0x5: {  	s10 =	rddreg [dreg:$0x0];
	s2 =	simm.s32 $0x0;
	s4 =	simm.s32 $0x2  }
0x6: {  	[smem:$0x7FF] =	sst s2;
	s15 =	sadd.s32 $0x33600, s10;
	s18 =	sshrl.u32 s3, $0x3  }
0x7: {  	s1 =	rddreg [dreg:$0x1];
	_ =	strace $0x80000053;
	s3 =	sadd.s32 s15, s18  }
0x8: {  	[tilespmem:s2], [sflag:$0x2] =	stream.linear.gather [hbm4b:s3+s2], $0x500, $0x38;
	[tilespmem:$0x5A00] =	vst v63  }
0x9: {  	_ =	swait.ge [sflag:s4], $0x500  }
0xa: {  	s16 =	sadd.s32 $0x3D600, s10;
	[sflag:s4] =	ssyncset.done $0x0  }
0xb: {  	s6 =	simm.s32 $0x500;
	s5 =	sadd.s32 s16, s18;
	[sflag:s4] =	ssyncadd.s32 $0xFFFFFB00  }
0xc: {  	[tilespmem:s6], [sflag:$0x2] =	stream.linear.gather [hbm4b:s5+s2], $0x500, $0x38;
	[tilespmem:$0x5A00] =	vst v63  }
0xd: {  	_ =	swait.ge [sflag:s4], $0x500  }
0xe: {  	s9 =	simm.s32 $0xA00;
	[sflag:s4] =	ssyncset.done $0x0  }
0xf: {  	s8 =	simm.s32 $0x1;
	s7 =	sadd.s32 $0x61F600, s10;
	[sflag:s4] =	ssyncadd.s32 $0xFFFFFB00  }
0x10: {  	[tilespmem:s9], [sflag:$0x1] =	stream.indirect.gather [hbm4b:s7+s6], $0x10, s2, s6, $0xb8;
	[tilespmem:$0x5A00] =	vst v63  }
0x11: {  	_ =	swait.ge [sflag:s8], $0x5000  }
0x12: {  	[sflag:s8] =	ssyncset.done $0x0  }
0x13: {  	s10 =	sadd.s32 $0x42600, s10;
	[sflag:s8] =	ssyncadd.s32 $0xFFFFB000  }
0x14: {  	[hbm4b:s10+s6] =	stream.indirect.scatter [tilespmem:s9], [sflag:$0x1], $0x10, s6, s6, $0xb8;
	[tilespmem:$0x5A00] =	vst v63  }
0x15: {  	_ =	swait.ge [sflag:s8], $0x5000  }
0x16: {  	s12 =	sadd.s32 $0xA0, s18;
	[sflag:s8] =	ssyncset.done $0x0  }
0x17: {  	s11 =	sadd.s32 s15, s12;
	[sflag:s8] =	ssyncadd.s32 $0xFFFFB000  }
0x18: {  	[tilespmem:s2], [sflag:$0x2] =	stream.linear.gather [hbm4b:s11+s2], $0x500, $0x38;
	[tilespmem:$0x5A00] =	vst v63  }
0x19: {  	_ =	swait.ge [sflag:s4], $0x500  }
0x1a: {  	[sflag:s4] =	ssyncset.done $0x0  }
0x1b: {  	s12 =	sadd.s32 s16, s12;
	[sflag:s4] =	ssyncadd.s32 $0xFFFFFB00  }
0x1c: {  	[tilespmem:s6], [sflag:$0x2] =	stream.linear.gather [hbm4b:s12+s2], $0x500, $0x38;
	[tilespmem:$0x5A00] =	vst v63  }
0x1d: {  	_ =	swait.ge [sflag:s4], $0x500  }
0x1e: {  	[sflag:s4] =	ssyncset.done $0x0  }
0x1f: {  	[sflag:s4] =	ssyncadd.s32 $0xFFFFFB00  }
0x20: {  	[tilespmem:s9], [sflag:$0x1] =	stream.indirect.gather [hbm4b:s7+s6], $0x10, s2, s6, $0xb8;
	[tilespmem:$0x5A00] =	vst v63  }
0x21: {  	_ =	swait.ge [sflag:s8], $0x5000  }
0x22: {  	[sflag:s8] =	ssyncset.done $0x0  }
0x23: {  	[sflag:s8] =	ssyncadd.s32 $0xFFFFB000  }
0x24: {  	[hbm4b:s10+s6] =	stream.indirect.scatter [tilespmem:s9], [sflag:$0x1], $0x10, s6, s6, $0xb8;
	[tilespmem:$0x5A00] =	vst v63  }
0x25: {  	_ =	swait.ge [sflag:s8], $0x5000  }
0x26: {  	s14 =	sadd.s32 $0x140, s18;
	[sflag:s8] =	ssyncset.done $0x0  }
0x27: {  	s13 =	sadd.s32 s15, s14;
	[sflag:s8] =	ssyncadd.s32 $0xFFFFB000  }
0x28: {  	[tilespmem:s2], [sflag:$0x2] =	stream.linear.gather [hbm4b:s13+s2], $0x500, $0x38;
	[tilespmem:$0x5A00] =	vst v63  }
0x29: {  	_ =	swait.ge [sflag:s4], $0x500  }
0x2a: {  	[sflag:s4] =	ssyncset.done $0x0  }
0x2b: {  	s14 =	sadd.s32 s16, s14;
	[sflag:s4] =	ssyncadd.s32 $0xFFFFFB00  }
0x2c: {  	[tilespmem:s6], [sflag:$0x2] =	stream.linear.gather [hbm4b:s14+s2], $0x500, $0x38;
	[tilespmem:$0x5A00] =	vst v63  }
0x2d: {  	_ =	swait.ge [sflag:s4], $0x500  }
0x2e: {  	[sflag:s4] =	ssyncset.done $0x0  }
0x2f: {  	[sflag:s4] =	ssyncadd.s32 $0xFFFFFB00  }
0x30: {  	[tilespmem:s9], [sflag:$0x1] =	stream.indirect.gather [hbm4b:s7+s6], $0x10, s2, s6, $0xb8;
	[tilespmem:$0x5A00] =	vst v63  }
0x31: {  	_ =	swait.ge [sflag:s8], $0x5000  }
0x32: {  	[sflag:s8] =	ssyncset.done $0x0  }
0x33: {  	[sflag:s8] =	ssyncadd.s32 $0xFFFFB000  }
0x34: {  	[hbm4b:s10+s6] =	stream.indirect.scatter [tilespmem:s9], [sflag:$0x1], $0x10, s6, s6, $0xb8;
	[tilespmem:$0x5A00] =	vst v63  }
0x35: {  	_ =	swait.ge [sflag:s8], $0x5000  }
0x36: {  	s18 =	sadd.s32 $0x1E0, s18;
	[sflag:s8] =	ssyncset.done $0x0  }
0x37: {  	s15 =	sadd.s32 s15, s18;
	[sflag:s8] =	ssyncadd.s32 $0xFFFFB000  }
0x38: {  	[tilespmem:s2], [sflag:$0x2] =	stream.linear.gather [hbm4b:s15+s2], $0x500, $0x38;
	[tilespmem:$0x5A00] =	vst v63  }
0x39: {  	_ =	swait.ge [sflag:s4], $0x500  }
0x3a: {  	[sflag:s4] =	ssyncset.done $0x0  }
0x3b: {  	s17 =	ssub.s32 $0x2, s17;
	s16 =	sadd.s32 s16, s18;
	[sflag:s4] =	ssyncadd.s32 $0xFFFFFB00  }
0x3c: {  	[tilespmem:s6], [sflag:$0x2] =	stream.linear.gather [hbm4b:s16+s2], $0x500, $0x38;
	[tilespmem:$0x5A00] =	vst v63  }
0x3d: {  	s31 =	sshrl.u32 s17, $0x1;
	_ =	swait.ge [sflag:s4], $0x500  }
0x3e: {  	s17 =	ssub.s32 s17, s31;
	[sflag:s4] =	ssyncset.done $0x0  }
0x3f: {  	s17 =	smax.u32 s17, $0x1;
	[sflag:s4] =	ssyncadd.s32 $0xFFFFFB00  }
0x40: {  	[tilespmem:s9], [sflag:$0x1] =	stream.indirect.gather [hbm4b:s7+s6], $0x10, s2, s6, $0xb8;
	[tilespmem:$0x5A00] =	vst v63  }
0x41: {  	p0 =	sne.s32 s17, $0x1;
	_ =	swait.ge [sflag:s8], $0x5000  }
.Ltmp0:
0x42: {  	[sflag:s8] =	ssyncset.done $0x0;
	(pc) =	sbr.rel @!p0 .LBB2_2-.Ltmp0, $4  }
0x43: {  	[sflag:s8] =	ssyncadd.s32 $0xFFFFB000  }
0x44: {  	[hbm4b:s10+s6] =	stream.indirect.scatter [tilespmem:s9], [sflag:$0x1], $0x10, s6, s6, $0xb8;
	[tilespmem:$0x5A00] =	vst v63  }
0x45: {  	_ =	swait.ge [sflag:s8], $0x5000  }
0x46: {  	s17 =	sadd.s32 $0xFFFFFFFF, s17;
	[sflag:s8] =	ssyncset.done $0x0  }
.LBB2_1:
0x47: {  	p0 =	sne.s32 s17, $0x1;
	s17 =	sadd.s32 $0xFFFFFFFF, s17;
	[sflag:s8] =	ssyncadd.s32 $0xFFFFB000  }
0x48: {  	[tilespmem:s2], [sflag:$0x2] =	stream.linear.gather [hbm4b:s3+s2], $0x500, $0x38;
	[tilespmem:$0x5A00] =	vst v63  }
0x49: {  	_ =	swait.ge [sflag:s4], $0x500  }
0x4a: {  	[sflag:s4] =	ssyncset.done $0x0  }
0x4b: {  	[sflag:s4] =	ssyncadd.s32 $0xFFFFFB00  }
0x4c: {  	[tilespmem:s6], [sflag:$0x2] =	stream.linear.gather [hbm4b:s5+s2], $0x500, $0x38;
	[tilespmem:$0x5A00] =	vst v63  }
0x4d: {  	_ =	swait.ge [sflag:s4], $0x500  }
0x4e: {  	[sflag:s4] =	ssyncset.done $0x0  }
0x4f: {  	[sflag:s4] =	ssyncadd.s32 $0xFFFFFB00  }
0x50: {  	[tilespmem:s9], [sflag:$0x1] =	stream.indirect.gather [hbm4b:s7+s6], $0x10, s2, s6, $0xb8;
	[tilespmem:$0x5A00] =	vst v63  }
0x51: {  	_ =	swait.ge [sflag:s8], $0x5000  }
0x52: {  	[sflag:s8] =	ssyncset.done $0x0  }
0x53: {  	[sflag:s8] =	ssyncadd.s32 $0xFFFFB000  }
0x54: {  	[hbm4b:s10+s6] =	stream.indirect.scatter [tilespmem:s9], [sflag:$0x1], $0x10, s6, s6, $0xb8;
	[tilespmem:$0x5A00] =	vst v63  }
0x55: {  	_ =	swait.ge [sflag:s8], $0x5000  }
0x56: {  	[sflag:s8] =	ssyncset.done $0x0  }
0x57: {  	[sflag:s8] =	ssyncadd.s32 $0xFFFFB000  }
0x58: {  	[tilespmem:s2], [sflag:$0x2] =	stream.linear.gather [hbm4b:s11+s2], $0x500, $0x38;
	[tilespmem:$0x5A00] =	vst v63  }
0x59: {  	_ =	swait.ge [sflag:s4], $0x500  }
0x5a: {  	[sflag:s4] =	ssyncset.done $0x0  }
0x5b: {  	[sflag:s4] =	ssyncadd.s32 $0xFFFFFB00  }
0x5c: {  	[tilespmem:s6], [sflag:$0x2] =	stream.linear.gather [hbm4b:s12+s2], $0x500, $0x38;
	[tilespmem:$0x5A00] =	vst v63  }
0x5d: {  	_ =	swait.ge [sflag:s4], $0x500  }
0x5e: {  	[sflag:s4] =	ssyncset.done $0x0  }
0x5f: {  	[sflag:s4] =	ssyncadd.s32 $0xFFFFFB00  }
0x60: {  	[tilespmem:s9], [sflag:$0x1] =	stream.indirect.gather [hbm4b:s7+s6], $0x10, s2, s6, $0xb8;
	[tilespmem:$0x5A00] =	vst v63  }
0x61: {  	_ =	swait.ge [sflag:s8], $0x5000  }
0x62: {  	[sflag:s8] =	ssyncset.done $0x0  }
0x63: {  	[sflag:s8] =	ssyncadd.s32 $0xFFFFB000  }
0x64: {  	[hbm4b:s10+s6] =	stream.indirect.scatter [tilespmem:s9], [sflag:$0x1], $0x10, s6, s6, $0xb8;
	[tilespmem:$0x5A00] =	vst v63  }
0x65: {  	_ =	swait.ge [sflag:s8], $0x5000  }
0x66: {  	[sflag:s8] =	ssyncset.done $0x0  }
0x67: {  	[sflag:s8] =	ssyncadd.s32 $0xFFFFB000  }
0x68: {  	[tilespmem:s2], [sflag:$0x2] =	stream.linear.gather [hbm4b:s13+s2], $0x500, $0x38;
	[tilespmem:$0x5A00] =	vst v63  }
0x69: {  	_ =	swait.ge [sflag:s4], $0x500  }
0x6a: {  	[sflag:s4] =	ssyncset.done $0x0  }
0x6b: {  	[sflag:s4] =	ssyncadd.s32 $0xFFFFFB00  }
0x6c: {  	[tilespmem:s6], [sflag:$0x2] =	stream.linear.gather [hbm4b:s14+s2], $0x500, $0x38;
	[tilespmem:$0x5A00] =	vst v63  }
0x6d: {  	_ =	swait.ge [sflag:s4], $0x500  }
0x6e: {  	[sflag:s4] =	ssyncset.done $0x0  }
0x6f: {  	[sflag:s4] =	ssyncadd.s32 $0xFFFFFB00  }
0x70: {  	[tilespmem:s9], [sflag:$0x1] =	stream.indirect.gather [hbm4b:s7+s6], $0x10, s2, s6, $0xb8;
	[tilespmem:$0x5A00] =	vst v63  }
0x71: {  	_ =	swait.ge [sflag:s8], $0x5000  }
0x72: {  	[sflag:s8] =	ssyncset.done $0x0  }
0x73: {  	[sflag:s8] =	ssyncadd.s32 $0xFFFFB000  }
0x74: {  	[hbm4b:s10+s6] =	stream.indirect.scatter [tilespmem:s9], [sflag:$0x1], $0x10, s6, s6, $0xb8;
	[tilespmem:$0x5A00] =	vst v63  }
0x75: {  	_ =	swait.ge [sflag:s8], $0x5000  }
0x76: {  	[sflag:s8] =	ssyncset.done $0x0  }
0x77: {  	[sflag:s8] =	ssyncadd.s32 $0xFFFFB000  }
0x78: {  	[tilespmem:s2], [sflag:$0x2] =	stream.linear.gather [hbm4b:s15+s2], $0x500, $0x38;
	[tilespmem:$0x5A00] =	vst v63  }
0x79: {  	_ =	swait.ge [sflag:s4], $0x500  }
0x7a: {  	[sflag:s4] =	ssyncset.done $0x0  }
0x7b: {  	[sflag:s4] =	ssyncadd.s32 $0xFFFFFB00  }
0x7c: {  	[tilespmem:s6], [sflag:$0x2] =	stream.linear.gather [hbm4b:s16+s2], $0x500, $0x38;
	[tilespmem:$0x5A00] =	vst v63  }
0x7d: {  	_ =	swait.ge [sflag:s4], $0x500  }
0x7e: {  	[sflag:s4] =	ssyncset.done $0x0  }
0x7f: {  	[sflag:s4] =	ssyncadd.s32 $0xFFFFFB00  }
0x80: {  	[tilespmem:s9], [sflag:$0x1] =	stream.indirect.gather [hbm4b:s7+s6], $0x10, s2, s6, $0xb8;
	[tilespmem:$0x5A00] =	vst v63  }
0x81: {  	_ =	swait.ge [sflag:s8], $0x5000  }
.Ltmp1:
0x82: {  	[sflag:s8] =	ssyncset.done $0x0;
	(pc) =	sbr.rel @p0 .LBB2_1-.Ltmp1, $4  }
0x83: {  	[sflag:s8] =	ssyncadd.s32 $0xFFFFB000  }
0x84: {  	[hbm4b:s10+s6] =	stream.indirect.scatter [tilespmem:s9], [sflag:$0x1], $0x10, s6, s6, $0xb8;
	[tilespmem:$0x5A00] =	vst v63  }
0x85: {  	_ =	swait.ge [sflag:s8], $0x5000  }
0x86: {  	[sflag:s8] =	ssyncset.done $0x0  }
.LBB2_2:
0x87: {  	[sflag:s8] =	ssyncadd.s32 $0xFFFFB000  }
0x88: {  	_ =	sfence.sel $0x180000  }
0x89: {  	[bflag:$0x0] =	sbarrier.arrive $0xFFFF  }
0x8a: {  	p0 =	sne.s32 s0, $0x0;
	_ =	strace $0x90000053  }
0x8b: {  	s0 =	sadd.s32 @!p0 $0x100000, s1;
	[bflag:$0x2] =	sbarrier.arrive $0xFFFF  }
0x8c: {  	[sflag:s0] =	ssyncadd.tile.s32 @!p0 $0x1;
	_ =	shalt  }
.Lfunc_end2:
_tile_overlayer_lowered:
.L_overlay_start_2:
0x8d: {  	(tag) =	ssettag $0x2  }
0x8e: {  	s0 =	rddreg [dreg:$0x0];
	s2 =	stileid.u32  }
0x8f: {  	s1 =	rddreg [dreg:$0x1];
	p0 =	sne.s32 s2, $0x0  }
0x90: {  	s3 =	rddreg [dreg:$0x2];
	[bflag:$0x3] =	sbarrier.arrive $0xFFFF;
	s2 =	simm.s32 @!p0 $0x1C02  }
0x91: {  	[timem:s3], [sflag:s2] =	dma.local @!p0 [hbm:s0], s1  }
0x92: {  	s0 =	simm.s32 @!p0 $0x2  }
0x93: {  	_ =	swait.ge @!p0 [sflag:s0], s1  }
0x94: {  	s1 =	ssub.s32 @!p0 $0x0, s1;
	[sflag:s0] =	ssyncset.done @!p0 $0x0  }
0x95: {  	[sflag:s0] =	ssyncadd.s32 @!p0 s1  }
0x96: {  	[bflag:$0x3] =	sbarrier.arrive $0xFFFF  }
0x97: {  	_ =	shalt  }

// kernel: kernel.31.cloned.1.call-start
scs
__scs_entry_jumppad:
0x0: {  	(pc) =	sbr.rel $0x88, $3  }
0x1: {  	(tag) =	ssettag $0x0;
	lr =	simm.s32 $0x1  }
0x2: {  	[smem:$0x3F92] =	sst lr;
	_ =	strace $0xD0000000  }
0x3: {  	_ = 	snop  }
0x4: {  	_ = 	snop  }
0x5: {  	_ = 	snop  }
0x6: {  	_ = 	snop  }
0x7: {  	_ = 	snop  }
__scs_overlays_trampoline_lowered:
0x8: {  	[smem:$0x3FA1] =	sst s0  }
0x9: {  	[smem:$0x3FA2] =	sst s1  }
0xa: {  	[smem:$0x3FA3] =	sst s2  }
0xb: {  	[smem:$0x3FA4] =	sst s3  }
0xc: {  	[smem:$0x3FA5] =	sst s4  }
0xd: {  	[smem:$0x3FA6] =	sst s5  }
0xe: {  	[smem:$0x3FA7] =	sst s6  }
0xf: {  	[smem:$0x3FA8] =	sst s7  }
0x10: {  	[smem:$0x3FA9] =	sst s8  }
0x11: {  	[smem:$0x3FAA] =	sst s9;
	s0 =	simm.s32 @!p0 $0x0  }
0x12: {  	s1 =	sld [smem:$0x3F90];
	s0 =	simm.s32 @p0 $0x1  }
0x13: {  	[smem:$0x3FAB] =	sst s0;
	s0 =	simm.s32 @!p1 $0x0  }
0x14: {  	s2 =	sld [smem:$0x3F8F];
	s0 =	simm.s32 @p1 $0x1  }
0x15: {  	[smem:$0x3FAC] =	sst s0;
	s0 =	simm.s32 @!p2 $0x0  }
0x16: {  	s3 =	sld [smem:$0x3FDB];
	s0 =	simm.s32 @p2 $0x1  }
0x17: {  	s4 =	simm.s32 $0x1BF5;
	[smem:$0x3FAE] =	sst s0  }
0x18: {  	s0 =	sld [smem:$0x3F91];
	_ =	swait.ge [sflag:s4], $0x0  }
0x19: {  	s7 =	sld [smem:$0x3F92]  }
0x1a: {  	s8 =	sadd.s32 $0xFFFFE003, lr  }
0x1b: {  	s9 =	sadd.s32 $0xFFFFFEF7, lr;
	s5 =	simm.s32 $0xFFFFFFFF;
	p2 =	slt.u32 s8, $0xFFFFF086  }
0x1c: {  	p1 =	slt.u32 s9, $0xF7A;
	s5 =	simm.s32 @!p2 $0x0  }
0x1d: {  	s5 =	simm.s32 @p1 $0x1;
	p0 =	seq.s32 s7, s2  }
0x1e: {  	s7 =	smul.u32 @!p0 $0xF7A, s2;
	p2 =	seq.s32 @!p0 s5, $0x0  }
0x1f: {  	s9 =	smul.u32 $0xF7A, s1;
	s8 =	simm.s32 @!p0 $0x1BF5;
	p2 =	por !p2, p0  }
0x20: {  	[sflag:s8] =	ssyncset.s32 @!p0 $0xFFFFF086;
	s6 =	sadd.s32 @!p0 s3, s7;
	s7 =	simm.s32 @!p0 $0x108  }
0x21: {  	s3 =	sadd.s32 s3, s9;
	s6 =	sadd.s32 @!p0 $0x88, s6;
	s7 =	simm.s32 @p2 $0x1082  }
0x22: {  	[simem:s7], [sflag:s8] =	dma.local @!p0 [hbm:s6], $0xF7A  }
0x23: {  	s9 =	sor.u32 $0xD0000000, s2;
	s6 =	simm.s32 $0x108;
	_ =	swait.ge @!p0 [sflag:s8], $0x0  }
0x24: {  	s3 =	sadd.s32 $0x88, s3;
	s6 =	simm.s32 @!p1 $0x1082;
	[sflag:s4] =	ssyncset.s32 $0xFFFFF086  }
0x25: {  	[simem:s6], [sflag:s4] =	dma.local [hbm:s3], $0xF7A  }
0x26: {  	[smem:$0x3F92] =	sst s1;
	(tag) =	ssettag s2;
	_ =	strace s9  }
0x27: {  	s1 =	sld [smem:$0x3FA2]  }
0x28: {  	s2 =	sld [smem:$0x3FA3]  }
0x29: {  	s4 =	sld [smem:$0x3FA5]  }
0x2a: {  	p0 =	seq.s32 s5, $0x0;
	s5 =	sld [smem:$0x3FA6]  }
0x2b: {  	s6 =	sld [smem:$0x3FA7]  }
0x2c: {  	s7 =	sld [smem:$0x3FA8]  }
0x2d: {  	s3 =	simm.s32 $0x108;
	s8 =	sld [smem:$0x3FA9]  }
0x2e: {  	s3 =	simm.s32 @!p0 $0x1082;
	s9 =	sld [smem:$0x3FAA]  }
0x2f: {  	lr =	sadd.s32 s0, s3;
	s0 =	sld [smem:$0x3FA1]  }
0x30: {  	s3 =	sld [smem:$0x3FA4]  }
0x31: {  	[smem:$0x3FAD] =	sst s10  }
0x32: {  	s10 =	sld [smem:$0x3FAB];
	_ =	sdelay $0x3  }
0x33: {  	p0 =	seq.s32 s10, $0x1;
	s10 =	sld [smem:$0x3FAD];
	_ =	sdelay $0x3  }
0x34: {  	[smem:$0x3FAD] =	sst s10  }
0x35: {  	s10 =	sld [smem:$0x3FAC];
	_ =	sdelay $0x3  }
0x36: {  	p1 =	seq.s32 s10, $0x1;
	s10 =	sld [smem:$0x3FAD];
	_ =	sdelay $0x3  }
0x37: {  	[smem:$0x3FAD] =	sst s10  }
0x38: {  	s10 =	sld [smem:$0x3FAE]  }
0x39: {  	_ = 	snop;
	(pc) =	sbr.ind lr, $3  }
0x3a: {  	_ = 	snop  }
0x3b: {  	_ = 	snop  }
0x3c: {  	p2 =	seq.s32 s10, $0x1;
	s10 =	sld [smem:$0x3FAD]  }
0x3d: {  	_ =	shalt  }
0x3e: {  	_ =	shalt  }
0x3f: {  	_ =	shalt  }
0x40: {  	_ =	shalt  }
0x41: {  	_ =	shalt  }
0x42: {  	_ =	shalt  }
0x43: {  	_ =	shalt  }
0x44: {  	_ =	shalt  }
0x45: {  	_ =	shalt  }
0x46: {  	_ =	shalt  }
0x47: {  	_ =	shalt  }
0x48: {  	_ =	shalt  }
0x49: {  	_ =	shalt  }
0x4a: {  	_ =	shalt  }
0x4b: {  	_ =	shalt  }
0x4c: {  	_ =	shalt  }
0x4d: {  	_ =	shalt  }
0x4e: {  	_ =	shalt  }
0x4f: {  	_ =	shalt  }
0x50: {  	_ =	shalt  }
0x51: {  	_ =	shalt  }
0x52: {  	_ =	shalt  }
0x53: {  	_ =	shalt  }
0x54: {  	_ =	shalt  }
0x55: {  	_ =	shalt  }
0x56: {  	_ =	shalt  }
0x57: {  	_ =	shalt  }
0x58: {  	_ =	shalt  }
0x59: {  	_ =	shalt  }
0x5a: {  	_ =	shalt  }
0x5b: {  	_ =	shalt  }
0x5c: {  	_ =	shalt  }
0x5d: {  	_ =	shalt  }
0x5e: {  	_ =	shalt  }
0x5f: {  	_ =	shalt  }
0x60: {  	_ =	shalt  }
0x61: {  	_ =	shalt  }
0x62: {  	_ =	shalt  }
0x63: {  	_ =	shalt  }
0x64: {  	_ =	shalt  }
0x65: {  	_ =	shalt  }
0x66: {  	_ =	shalt  }
0x67: {  	_ =	shalt  }
0x68: {  	_ =	shalt  }
0x69: {  	_ =	shalt  }
0x6a: {  	_ =	shalt  }
0x6b: {  	_ =	shalt  }
0x6c: {  	_ =	shalt  }
0x6d: {  	_ =	shalt  }
0x6e: {  	_ =	shalt  }
0x6f: {  	_ =	shalt  }
0x70: {  	_ =	shalt  }
0x71: {  	_ =	shalt  }
0x72: {  	_ =	shalt  }
0x73: {  	_ =	shalt  }
0x74: {  	_ =	shalt  }
0x75: {  	_ =	shalt  }
0x76: {  	_ =	shalt  }
0x77: {  	_ =	shalt  }
0x78: {  	_ =	shalt  }
0x79: {  	_ =	shalt  }
0x7a: {  	_ =	shalt  }
0x7b: {  	_ =	shalt  }
0x7c: {  	_ =	shalt  }
0x7d: {  	_ =	shalt  }
0x7e: {  	_ =	shalt  }
0x7f: {  	_ =	shalt  }
0x80: {  	_ =	shalt  }
0x81: {  	_ =	shalt  }
0x82: {  	_ =	shalt  }
0x83: {  	_ =	shalt  }
0x84: {  	_ =	shalt  }
0x85: {  	_ =	shalt  }
0x86: {  	_ =	shalt  }
0x87: {  	_ =	shalt  }
.Lfunc_end0:
.L_simem_size_0:
called_computation.5_lowered:
.L_overlay_start_0:
0x88: {  	s2 =	sld [smem:$0x3FD9]  }
0x89: {  	s3 =	sld [smem:$0x3FFE];
	_ =	sdelay $0x1  }
0x8a: {  	s1 =	srdreg.scid  }
0x8b: {  	s0 =	sand.u32 $0x1, s1  }
0x8c: {  	s17 =	sshll.u32 s0, $0xA;
	s2 =	sadd.s32 s3, s2  }
0x8d: {  	s2 =	sadd.s32 s2, s17  }
0x8e: {  	[smem:$0x3FB9] =	sst s2  }
0x8f: {  	_ = 	snop  }
0x90: {  	(tm) =	ssettm $0x1  }
0x91: {  	s18 =	sld [smem:$0x3FFB];
	_ =	sdelay $0x3  }
0x92: {  	_ =	strace s18  }
0x93: {  	s2 =	sld [smem:$0x3FFC];
	_ =	sdelay $0x3  }
0x94: {  	_ =	strace s2  }
0x95: {  	s2 =	sld [smem:$0x3FFD];
	_ =	sdelay $0x3  }
0x96: {  	_ =	strace s2  }
0x97: {  	_ =	strace $0x8FFFFFFF  }
0x98: {  	s19 =	sld [smem:$0x3FDB];
	_ =	sdelay $0x1  }
0x99: {  	s20 =	simm.s32 $_scs_section_size  }
0x9a: {  	s4 =	simm.s32 $_size__tile_overlayer_lowered;
	s5 =	simm.s32 $_tile_overlayer_lowered  }
0x9b: {  	s6 =	simm.s32 $0x1BFF;
	s21 =	sshll.u32 s5, $0x1;
	s3 =	sadd.s32 s20, s19  }
0x9c: {  	s22 =	simm.s32 $0x0;
	s4 =	sshll.u32 s4, $0x1;
	s5 =	sadd.s32 s21, s3  }
0x9d: {  	[timem:s22], [sflag:s6] =	dma.local [hbm:s5], s4  }
0x9e: {  	_ =	swait.ge [sflag:s6], s4  }
0x9f: {  	s4 =	ssub.s32 $0x0, s4;
	[sflag:s6] =	ssyncset.done $0x0  }
0xa0: {  	[sflag:s6] =	ssyncadd.s32 s4;
	_ =	sdelay $0x1  }
0xa1: {  	s23 =	simm.s32 $0x1B8B  }
0xa2: {  	_ =	swait.ge [sflag:s23], $0x1  }
0xa3: {  	[sflag:s23] =	ssyncset.done $0x0  }
0xa4: {  	[sflag:s23] =	ssyncadd.s32 $0xFFFFFFFF  }
0xa5: {  	s4 =	sld [smem:$0x0]  }
0xa6: {  	s5 =	sand.u32 $0xFFFFFFFE, s1  }
0xa7: {  	p0 =	sne.s32 s1, s5  }
0xa8: {  	s5 =	sshll.u32 @p0 s5, $0xE  }
0xa9: {  	s5 =	sadd.s32 @p0 $0x11B8D, s5;
	s6 =	sshll.u32 @p0 s4, $0x11  }
0xaa: {  	s5 =	sor.u32 @p0 s6, s5  }
0xab: {  	[sflag:s5] =	ssyncadd.remote.s32 @p0 $0x1;
	_ =	sdelay $0x1  }
0xac: {  	s5 =	simm.s32 @p0 $0x1B8D  }
0xad: {  	_ =	swait.eq @p0 [sflag:s5], $0x1  }
0xae: {  	[sflag:s5] =	ssyncadd.s32 @p0 $0xFFFFFFFF  }
0xaf: {  	s6 =	sshll.u32 @!p0 s1, $0xE  }
0xb0: {  	s6 =	sor.u32 @!p0 $0x4000, s6;
	s5 =	simm.s32 @!p0 $0x1B8D  }
0xb1: {  	s4 =	sshll.u32 @!p0 s4, $0x11;
	s6 =	sadd.s32 @!p0 $0x11B8D, s6;
	_ =	swait.eq @!p0 [sflag:s5], $0x1  }
0xb2: {  	s4 =	sor.u32 @!p0 s4, s6;
	[sflag:s5] =	ssyncadd.s32 @!p0 $0xFFFFFFFF  }
0xb3: {  	s25 =	simm.s32 $0x1B8E;
	s24 =	sld [smem:$0x3FFE];
	[sflag:s4] =	ssyncadd.remote.s32 @!p0 $0x1  }
0xb4: {  	s26 =	simm.s32 $execute0_lowered;
	[smem:$0x3FD2] =	sst s25  }
0xb5: {  	s5 =	sshll.u32 s26, $0x1;
	_ =	strace $0x80000055;
	[dreg:$0x1] =	wrdreg $0xFFFFFFFF  }
0xb6: {  	s28 =	simm.s32 $_size_execute0_lowered;
	s3 =	sadd.s32 s3, s5;
	[dreg:$0x0] =	wrdreg $0x0  }
0xb7: {  	s5 =	sshll.u32 s28, $0x1;
	[dreg:$0x2] =	wrdreg s3  }
0xb8: {  	[dreg:$0x3] =	wrdreg s5  }
0xb9: {  	[dreg:$0x4] =	wrdreg $0xC0  }
0xba: {  	_ =	task [dreg:s22], $0x5FFFF  }
0xbb: {  	[dreg:$0x1] =	wrdreg $0xFFFFFFFF  }
0xbc: {  	[dreg:$0x0] =	wrdreg $0x60  }
0xbd: {  	[dreg:$0x2] =	wrdreg s24  }
0xbe: {  	[dreg:$0x3] =	wrdreg $0x9  }
0xbf: {  	_ =	task.clear_ibuf [dreg:s22], $0x4FFFF;
	_ =	strace $0x90000055  }
0xc0: {  	s29 =	simm.s32 $0x9;
	_ =	strace $0x80000057  }
0xc1: {  	_ =	swait.ge [sflag:s29], $0x1  }
0xc2: {  	[sflag:s29] =	ssyncadd.s32 $0xFFFFFFFF  }
0xc3: {  	_ =	strace $0x90000057  }
0xc4: {  	_ =	sfence  }
0xc5: {  	s30 =	sld [smem:$0x0];
	_ =	sdelay $0x2  }
0xc6: {  	s31 =	sshll.u32 s1, $0xD;
	s1 =	sshrl.u32 s1, $0x2  }
0xc7: {  	s4 =	sand.u32 $0x4000, s31;
	s1 =	sadd.s32 s1, s30  }
0xc8: {  	s0 =	sor.u32 s4, s0;
	s1 =	sshll.u32 s1, $0x11  }
0xc9: {  	s0 =	sor.u32 s1, s0  }
0xca: {  	s0 =	sadd.s32 $0x8F2B, s0  }
0xcb: {  	[sflag:s0] =	ssyncadd.remote.s32 $0x1  }
0xcc: {  	_ =	sfence.sel $0xFFFF  }
0xcd: {  	[dreg:$0x0] =	wrdreg $0xFFFFFFFF;
	(pc) =	sbr.abs _section_cstart, $3  }
0xce: {  	[dreg:$0x1] =	wrdreg $0xFFFFFFFF  }
0xcf: {  	_ =	task.clear_ibuf [dreg:s22], $0x2FFFF;
	_ =	strace $0x9FFFFFFF  }
0xd0: {  	(tm) =	ssettm $0x7FFFFFFF  }
0xd1: {  	_ =	shalt  }
tec
execute0_lowered:
.L_overlay_start_1:
0x0: {  	(tag) =	ssettag $0x1  }
0x1: {  	s1 =	srdreg.scid;
	s0 =	stileid.u32  }
0x2: {  	s19 =	sand.u32 $0x1, s1;
	s30 =	sshll.u32 s0, $0x1  }
0x3: {  	s1 =	sor.u32 s19, s30  }
0x4: {  	s3 =	smul.u32 $0x1310, s1  }
0x5: {  	s10 =	rddreg [dreg:$0x0];
	s2 =	simm.s32 $0x0;
	s4 =	simm.s32 $0x2  }
0x6: {  	[smem:$0x7FF] =	sst s2;
	s17 =	sadd.s32 $0x92600, s10;
	s20 =	sshrl.u32 s3, $0x3  }
0x7: {  	s1 =	rddreg [dreg:$0x1];
	_ =	strace $0x80000056;
	s3 =	sadd.s32 s17, s20  }
0x8: {  	[tilespmem:s2], [sflag:$0x2] =	stream.linear.gather [hbm4b:s3+s2], $0x3D0, $0x38;
	[tilespmem:$0x44A0] =	vst v63  }
0x9: {  	_ =	swait.ge [sflag:s4], $0x3D0  }
0xa: {  	s18 =	sadd.s32 $0x97400, s10;
	[sflag:s4] =	ssyncset.done $0x0  }
0xb: {  	s6 =	simm.s32 $0x3D0;
	s5 =	sadd.s32 s18, s20;
	[sflag:s4] =	ssyncadd.s32 $0xFFFFFC30  }
0xc: {  	[tilespmem:s6], [sflag:$0x2] =	stream.linear.gather [hbm4b:s5+s2], $0x3D0, $0x38;
	[tilespmem:$0x44A0] =	vst v63  }
0xd: {  	_ =	swait.ge [sflag:s4], $0x3D0  }
0xe: {  	s9 =	simm.s32 $0x7A0;
	[sflag:s4] =	ssyncset.done $0x0  }
0xf: {  	s8 =	simm.s32 $0x1;
	s7 =	sadd.s32 $0x61F600, s10;
	[sflag:s4] =	ssyncadd.s32 $0xFFFFFC30  }
0x10: {  	[tilespmem:s9], [sflag:$0x1] =	stream.indirect.gather [hbm4b:s7+s6], $0x10, s2, s6, $0xb8;
	[tilespmem:$0x44A0] =	vst v63  }
0x11: {  	_ =	swait.ge [sflag:s8], $0x3D00  }
0x12: {  	[sflag:s8] =	ssyncset.done $0x0  }
0x13: {  	s10 =	sadd.s32 $0x9C200, s10;
	[sflag:s8] =	ssyncadd.s32 $0xFFFFC300  }
0x14: {  	[hbm4b:s10+s6] =	stream.indirect.scatter [tilespmem:s9], [sflag:$0x1], $0x10, s6, s6, $0xb8;
	[tilespmem:$0x44A0] =	vst v63  }
0x15: {  	_ =	swait.ge [sflag:s8], $0x3D00  }
0x16: {  	s12 =	sadd.s32 $0x7A, s20;
	[sflag:s8] =	ssyncset.done $0x0  }
0x17: {  	s11 =	sadd.s32 s17, s12;
	[sflag:s8] =	ssyncadd.s32 $0xFFFFC300  }
0x18: {  	[tilespmem:s2], [sflag:$0x2] =	stream.linear.gather [hbm4b:s11+s2], $0x3D0, $0x38;
	[tilespmem:$0x44A0] =	vst v63  }
0x19: {  	_ =	swait.ge [sflag:s4], $0x3D0  }
0x1a: {  	[sflag:s4] =	ssyncset.done $0x0  }
0x1b: {  	s12 =	sadd.s32 s18, s12;
	[sflag:s4] =	ssyncadd.s32 $0xFFFFFC30  }
0x1c: {  	[tilespmem:s6], [sflag:$0x2] =	stream.linear.gather [hbm4b:s12+s2], $0x3D0, $0x38;
	[tilespmem:$0x44A0] =	vst v63  }
0x1d: {  	_ =	swait.ge [sflag:s4], $0x3D0  }
0x1e: {  	[sflag:s4] =	ssyncset.done $0x0  }
0x1f: {  	[sflag:s4] =	ssyncadd.s32 $0xFFFFFC30  }
0x20: {  	[tilespmem:s9], [sflag:$0x1] =	stream.indirect.gather [hbm4b:s7+s6], $0x10, s2, s6, $0xb8;
	[tilespmem:$0x44A0] =	vst v63  }
0x21: {  	_ =	swait.ge [sflag:s8], $0x3D00  }
0x22: {  	[sflag:s8] =	ssyncset.done $0x0  }
0x23: {  	[sflag:s8] =	ssyncadd.s32 $0xFFFFC300  }
0x24: {  	[hbm4b:s10+s6] =	stream.indirect.scatter [tilespmem:s9], [sflag:$0x1], $0x10, s6, s6, $0xb8;
	[tilespmem:$0x44A0] =	vst v63  }
0x25: {  	_ =	swait.ge [sflag:s8], $0x3D00  }
0x26: {  	s14 =	sadd.s32 $0xF4, s20;
	[sflag:s8] =	ssyncset.done $0x0  }
0x27: {  	s13 =	sadd.s32 s17, s14;
	[sflag:s8] =	ssyncadd.s32 $0xFFFFC300  }
0x28: {  	[tilespmem:s2], [sflag:$0x2] =	stream.linear.gather [hbm4b:s13+s2], $0x3D0, $0x38;
	[tilespmem:$0x44A0] =	vst v63  }
0x29: {  	_ =	swait.ge [sflag:s4], $0x3D0  }
0x2a: {  	[sflag:s4] =	ssyncset.done $0x0  }
0x2b: {  	s14 =	sadd.s32 s18, s14;
	[sflag:s4] =	ssyncadd.s32 $0xFFFFFC30  }
0x2c: {  	[tilespmem:s6], [sflag:$0x2] =	stream.linear.gather [hbm4b:s14+s2], $0x3D0, $0x38;
	[tilespmem:$0x44A0] =	vst v63  }
0x2d: {  	_ =	swait.ge [sflag:s4], $0x3D0  }
0x2e: {  	[sflag:s4] =	ssyncset.done $0x0  }
0x2f: {  	[sflag:s4] =	ssyncadd.s32 $0xFFFFFC30  }
0x30: {  	[tilespmem:s9], [sflag:$0x1] =	stream.indirect.gather [hbm4b:s7+s6], $0x10, s2, s6, $0xb8;
	[tilespmem:$0x44A0] =	vst v63  }
0x31: {  	_ =	swait.ge [sflag:s8], $0x3D00  }
0x32: {  	[sflag:s8] =	ssyncset.done $0x0  }
0x33: {  	[sflag:s8] =	ssyncadd.s32 $0xFFFFC300  }
0x34: {  	[hbm4b:s10+s6] =	stream.indirect.scatter [tilespmem:s9], [sflag:$0x1], $0x10, s6, s6, $0xb8;
	[tilespmem:$0x44A0] =	vst v63  }
0x35: {  	_ =	swait.ge [sflag:s8], $0x3D00  }
0x36: {  	s16 =	sadd.s32 $0x16E, s20;
	[sflag:s8] =	ssyncset.done $0x0  }
0x37: {  	s15 =	sadd.s32 s17, s16;
	[sflag:s8] =	ssyncadd.s32 $0xFFFFC300  }
0x38: {  	[tilespmem:s2], [sflag:$0x2] =	stream.linear.gather [hbm4b:s15+s2], $0x3D0, $0x38;
	[tilespmem:$0x44A0] =	vst v63  }
0x39: {  	_ =	swait.ge [sflag:s4], $0x3D0  }
0x3a: {  	[sflag:s4] =	ssyncset.done $0x0  }
0x3b: {  	s16 =	sadd.s32 s18, s16;
	[sflag:s4] =	ssyncadd.s32 $0xFFFFFC30  }
0x3c: {  	[tilespmem:s6], [sflag:$0x2] =	stream.linear.gather [hbm4b:s16+s2], $0x3D0, $0x38;
	[tilespmem:$0x44A0] =	vst v63  }
0x3d: {  	_ =	swait.ge [sflag:s4], $0x3D0  }
0x3e: {  	[sflag:s4] =	ssyncset.done $0x0  }
0x3f: {  	[sflag:s4] =	ssyncadd.s32 $0xFFFFFC30  }
0x40: {  	[tilespmem:s9], [sflag:$0x1] =	stream.indirect.gather [hbm4b:s7+s6], $0x10, s2, s6, $0xb8;
	[tilespmem:$0x44A0] =	vst v63  }
0x41: {  	_ =	swait.ge [sflag:s8], $0x3D00  }
0x42: {  	[sflag:s8] =	ssyncset.done $0x0  }
0x43: {  	[sflag:s8] =	ssyncadd.s32 $0xFFFFC300  }
0x44: {  	[hbm4b:s10+s6] =	stream.indirect.scatter [tilespmem:s9], [sflag:$0x1], $0x10, s6, s6, $0xb8;
	[tilespmem:$0x44A0] =	vst v63  }
0x45: {  	_ =	swait.ge [sflag:s8], $0x3D00  }
0x46: {  	s20 =	sadd.s32 $0x1E8, s20;
	[sflag:s8] =	ssyncset.done $0x0  }
0x47: {  	s17 =	sadd.s32 s17, s20;
	[sflag:s8] =	ssyncadd.s32 $0xFFFFC300  }
0x48: {  	[tilespmem:s2], [sflag:$0x2] =	stream.linear.gather [hbm4b:s17+s2], $0x3D0, $0x38;
	[tilespmem:$0x44A0] =	vst v63  }
0x49: {  	_ =	swait.ge [sflag:s4], $0x3D0  }
0x4a: {  	[sflag:s4] =	ssyncset.done $0x0  }
0x4b: {  	s19 =	ssub.s32 $0x2, s19;
	s18 =	sadd.s32 s18, s20;
	[sflag:s4] =	ssyncadd.s32 $0xFFFFFC30  }
0x4c: {  	[tilespmem:s6], [sflag:$0x2] =	stream.linear.gather [hbm4b:s18+s2], $0x3D0, $0x38;
	[tilespmem:$0x44A0] =	vst v63  }
0x4d: {  	s31 =	sshrl.u32 s19, $0x1;
	_ =	swait.ge [sflag:s4], $0x3D0  }
0x4e: {  	s19 =	ssub.s32 s19, s31;
	[sflag:s4] =	ssyncset.done $0x0  }
0x4f: {  	s19 =	smax.u32 s19, $0x1;
	[sflag:s4] =	ssyncadd.s32 $0xFFFFFC30  }
0x50: {  	[tilespmem:s9], [sflag:$0x1] =	stream.indirect.gather [hbm4b:s7+s6], $0x10, s2, s6, $0xb8;
	[tilespmem:$0x44A0] =	vst v63  }
0x51: {  	p0 =	sne.s32 s19, $0x1;
	_ =	swait.ge [sflag:s8], $0x3D00  }
.Ltmp0:
0x52: {  	[sflag:s8] =	ssyncset.done $0x0;
	(pc) =	sbr.rel @!p0 .LBB2_2-.Ltmp0, $4  }
0x53: {  	[sflag:s8] =	ssyncadd.s32 $0xFFFFC300  }
0x54: {  	[hbm4b:s10+s6] =	stream.indirect.scatter [tilespmem:s9], [sflag:$0x1], $0x10, s6, s6, $0xb8;
	[tilespmem:$0x44A0] =	vst v63  }
0x55: {  	_ =	swait.ge [sflag:s8], $0x3D00  }
0x56: {  	s19 =	sadd.s32 $0xFFFFFFFF, s19;
	[sflag:s8] =	ssyncset.done $0x0  }
.LBB2_1:
0x57: {  	p0 =	sne.s32 s19, $0x1;
	s19 =	sadd.s32 $0xFFFFFFFF, s19;
	[sflag:s8] =	ssyncadd.s32 $0xFFFFC300  }
0x58: {  	[tilespmem:s2], [sflag:$0x2] =	stream.linear.gather [hbm4b:s3+s2], $0x3D0, $0x38;
	[tilespmem:$0x44A0] =	vst v63  }
0x59: {  	_ =	swait.ge [sflag:s4], $0x3D0  }
0x5a: {  	[sflag:s4] =	ssyncset.done $0x0  }
0x5b: {  	[sflag:s4] =	ssyncadd.s32 $0xFFFFFC30  }
0x5c: {  	[tilespmem:s6], [sflag:$0x2] =	stream.linear.gather [hbm4b:s5+s2], $0x3D0, $0x38;
	[tilespmem:$0x44A0] =	vst v63  }
0x5d: {  	_ =	swait.ge [sflag:s4], $0x3D0  }
0x5e: {  	[sflag:s4] =	ssyncset.done $0x0  }
0x5f: {  	[sflag:s4] =	ssyncadd.s32 $0xFFFFFC30  }
0x60: {  	[tilespmem:s9], [sflag:$0x1] =	stream.indirect.gather [hbm4b:s7+s6], $0x10, s2, s6, $0xb8;
	[tilespmem:$0x44A0] =	vst v63  }
0x61: {  	_ =	swait.ge [sflag:s8], $0x3D00  }
0x62: {  	[sflag:s8] =	ssyncset.done $0x0  }
0x63: {  	[sflag:s8] =	ssyncadd.s32 $0xFFFFC300  }
0x64: {  	[hbm4b:s10+s6] =	stream.indirect.scatter [tilespmem:s9], [sflag:$0x1], $0x10, s6, s6, $0xb8;
	[tilespmem:$0x44A0] =	vst v63  }
0x65: {  	_ =	swait.ge [sflag:s8], $0x3D00  }
0x66: {  	[sflag:s8] =	ssyncset.done $0x0  }
0x67: {  	[sflag:s8] =	ssyncadd.s32 $0xFFFFC300  }
0x68: {  	[tilespmem:s2], [sflag:$0x2] =	stream.linear.gather [hbm4b:s11+s2], $0x3D0, $0x38;
	[tilespmem:$0x44A0] =	vst v63  }
0x69: {  	_ =	swait.ge [sflag:s4], $0x3D0  }
0x6a: {  	[sflag:s4] =	ssyncset.done $0x0  }
0x6b: {  	[sflag:s4] =	ssyncadd.s32 $0xFFFFFC30  }
0x6c: {  	[tilespmem:s6], [sflag:$0x2] =	stream.linear.gather [hbm4b:s12+s2], $0x3D0, $0x38;
	[tilespmem:$0x44A0] =	vst v63  }
0x6d: {  	_ =	swait.ge [sflag:s4], $0x3D0  }
0x6e: {  	[sflag:s4] =	ssyncset.done $0x0  }
0x6f: {  	[sflag:s4] =	ssyncadd.s32 $0xFFFFFC30  }
0x70: {  	[tilespmem:s9], [sflag:$0x1] =	stream.indirect.gather [hbm4b:s7+s6], $0x10, s2, s6, $0xb8;
	[tilespmem:$0x44A0] =	vst v63  }
0x71: {  	_ =	swait.ge [sflag:s8], $0x3D00  }
0x72: {  	[sflag:s8] =	ssyncset.done $0x0  }
0x73: {  	[sflag:s8] =	ssyncadd.s32 $0xFFFFC300  }
0x74: {  	[hbm4b:s10+s6] =	stream.indirect.scatter [tilespmem:s9], [sflag:$0x1], $0x10, s6, s6, $0xb8;
	[tilespmem:$0x44A0] =	vst v63  }
0x75: {  	_ =	swait.ge [sflag:s8], $0x3D00  }
0x76: {  	[sflag:s8] =	ssyncset.done $0x0  }
0x77: {  	[sflag:s8] =	ssyncadd.s32 $0xFFFFC300  }
0x78: {  	[tilespmem:s2], [sflag:$0x2] =	stream.linear.gather [hbm4b:s13+s2], $0x3D0, $0x38;
	[tilespmem:$0x44A0] =	vst v63  }
0x79: {  	_ =	swait.ge [sflag:s4], $0x3D0  }
0x7a: {  	[sflag:s4] =	ssyncset.done $0x0  }
0x7b: {  	[sflag:s4] =	ssyncadd.s32 $0xFFFFFC30  }
0x7c: {  	[tilespmem:s6], [sflag:$0x2] =	stream.linear.gather [hbm4b:s14+s2], $0x3D0, $0x38;
	[tilespmem:$0x44A0] =	vst v63  }
0x7d: {  	_ =	swait.ge [sflag:s4], $0x3D0  }
0x7e: {  	[sflag:s4] =	ssyncset.done $0x0  }
0x7f: {  	[sflag:s4] =	ssyncadd.s32 $0xFFFFFC30  }
0x80: {  	[tilespmem:s9], [sflag:$0x1] =	stream.indirect.gather [hbm4b:s7+s6], $0x10, s2, s6, $0xb8;
	[tilespmem:$0x44A0] =	vst v63  }
0x81: {  	_ =	swait.ge [sflag:s8], $0x3D00  }
0x82: {  	[sflag:s8] =	ssyncset.done $0x0  }
0x83: {  	[sflag:s8] =	ssyncadd.s32 $0xFFFFC300  }
0x84: {  	[hbm4b:s10+s6] =	stream.indirect.scatter [tilespmem:s9], [sflag:$0x1], $0x10, s6, s6, $0xb8;
	[tilespmem:$0x44A0] =	vst v63  }
0x85: {  	_ =	swait.ge [sflag:s8], $0x3D00  }
0x86: {  	[sflag:s8] =	ssyncset.done $0x0  }
0x87: {  	[sflag:s8] =	ssyncadd.s32 $0xFFFFC300  }
0x88: {  	[tilespmem:s2], [sflag:$0x2] =	stream.linear.gather [hbm4b:s15+s2], $0x3D0, $0x38;
	[tilespmem:$0x44A0] =	vst v63  }
0x89: {  	_ =	swait.ge [sflag:s4], $0x3D0  }
0x8a: {  	[sflag:s4] =	ssyncset.done $0x0  }
0x8b: {  	[sflag:s4] =	ssyncadd.s32 $0xFFFFFC30  }
0x8c: {  	[tilespmem:s6], [sflag:$0x2] =	stream.linear.gather [hbm4b:s16+s2], $0x3D0, $0x38;
	[tilespmem:$0x44A0] =	vst v63  }
0x8d: {  	_ =	swait.ge [sflag:s4], $0x3D0  }
0x8e: {  	[sflag:s4] =	ssyncset.done $0x0  }
0x8f: {  	[sflag:s4] =	ssyncadd.s32 $0xFFFFFC30  }
0x90: {  	[tilespmem:s9], [sflag:$0x1] =	stream.indirect.gather [hbm4b:s7+s6], $0x10, s2, s6, $0xb8;
	[tilespmem:$0x44A0] =	vst v63  }
0x91: {  	_ =	swait.ge [sflag:s8], $0x3D00  }
0x92: {  	[sflag:s8] =	ssyncset.done $0x0  }
0x93: {  	[sflag:s8] =	ssyncadd.s32 $0xFFFFC300  }
0x94: {  	[hbm4b:s10+s6] =	stream.indirect.scatter [tilespmem:s9], [sflag:$0x1], $0x10, s6, s6, $0xb8;
	[tilespmem:$0x44A0] =	vst v63  }
0x95: {  	_ =	swait.ge [sflag:s8], $0x3D00  }
0x96: {  	[sflag:s8] =	ssyncset.done $0x0  }
0x97: {  	[sflag:s8] =	ssyncadd.s32 $0xFFFFC300  }
0x98: {  	[tilespmem:s2], [sflag:$0x2] =	stream.linear.gather [hbm4b:s17+s2], $0x3D0, $0x38;
	[tilespmem:$0x44A0] =	vst v63  }
0x99: {  	_ =	swait.ge [sflag:s4], $0x3D0  }
0x9a: {  	[sflag:s4] =	ssyncset.done $0x0  }
0x9b: {  	[sflag:s4] =	ssyncadd.s32 $0xFFFFFC30  }
0x9c: {  	[tilespmem:s6], [sflag:$0x2] =	stream.linear.gather [hbm4b:s18+s2], $0x3D0, $0x38;
	[tilespmem:$0x44A0] =	vst v63  }
0x9d: {  	_ =	swait.ge [sflag:s4], $0x3D0  }
0x9e: {  	[sflag:s4] =	ssyncset.done $0x0  }
0x9f: {  	[sflag:s4] =	ssyncadd.s32 $0xFFFFFC30  }
0xa0: {  	[tilespmem:s9], [sflag:$0x1] =	stream.indirect.gather [hbm4b:s7+s6], $0x10, s2, s6, $0xb8;
	[tilespmem:$0x44A0] =	vst v63  }
0xa1: {  	_ =	swait.ge [sflag:s8], $0x3D00  }
.Ltmp1:
0xa2: {  	[sflag:s8] =	ssyncset.done $0x0;
	(pc) =	sbr.rel @p0 .LBB2_1-.Ltmp1, $4  }
0xa3: {  	[sflag:s8] =	ssyncadd.s32 $0xFFFFC300  }
0xa4: {  	[hbm4b:s10+s6] =	stream.indirect.scatter [tilespmem:s9], [sflag:$0x1], $0x10, s6, s6, $0xb8;
	[tilespmem:$0x44A0] =	vst v63  }
0xa5: {  	_ =	swait.ge [sflag:s8], $0x3D00  }
0xa6: {  	[sflag:s8] =	ssyncset.done $0x0  }
.LBB2_2:
0xa7: {  	[sflag:s8] =	ssyncadd.s32 $0xFFFFC300  }
0xa8: {  	_ =	sfence.sel $0x180000  }
0xa9: {  	[bflag:$0x0] =	sbarrier.arrive $0xFFFF  }
0xaa: {  	p0 =	sne.s32 s0, $0x0;
	_ =	strace $0x90000056  }
0xab: {  	s0 =	sadd.s32 @!p0 $0x100000, s1;
	[bflag:$0x2] =	sbarrier.arrive $0xFFFF  }
0xac: {  	[sflag:s0] =	ssyncadd.tile.s32 @!p0 $0x1;
	_ =	shalt  }
.Lfunc_end2:
_tile_overlayer_lowered:
.L_overlay_start_2:
0xad: {  	(tag) =	ssettag $0x2  }
0xae: {  	s0 =	rddreg [dreg:$0x0];
	s2 =	stileid.u32  }
0xaf: {  	s1 =	rddreg [dreg:$0x1];
	p0 =	sne.s32 s2, $0x0  }
0xb0: {  	s3 =	rddreg [dreg:$0x2];
	[bflag:$0x3] =	sbarrier.arrive $0xFFFF;
	s2 =	simm.s32 @!p0 $0x1C02  }
0xb1: {  	[timem:s3], [sflag:s2] =	dma.local @!p0 [hbm:s0], s1  }
0xb2: {  	s0 =	simm.s32 @!p0 $0x2  }
0xb3: {  	_ =	swait.ge @!p0 [sflag:s0], s1  }
0xb4: {  	s1 =	ssub.s32 @!p0 $0x0, s1;
	[sflag:s0] =	ssyncset.done @!p0 $0x0  }
0xb5: {  	[sflag:s0] =	ssyncadd.s32 @!p0 s1  }
0xb6: {  	[bflag:$0x3] =	sbarrier.arrive $0xFFFF  }
0xb7: {  	_ =	shalt  }

// kernel: kernel.34.cloned.1.call-start
scs
__scs_entry_jumppad:
0x0: {  	(pc) =	sbr.rel $0x88, $3  }
0x1: {  	(tag) =	ssettag $0x0;
	lr =	simm.s32 $0x1  }
0x2: {  	[smem:$0x3F92] =	sst lr;
	_ =	strace $0xD0000000  }
0x3: {  	_ = 	snop  }
0x4: {  	_ = 	snop  }
0x5: {  	_ = 	snop  }
0x6: {  	_ = 	snop  }
0x7: {  	_ = 	snop  }
__scs_overlays_trampoline_lowered:
0x8: {  	[smem:$0x3FA1] =	sst s0  }
0x9: {  	[smem:$0x3FA2] =	sst s1  }
0xa: {  	[smem:$0x3FA3] =	sst s2  }
0xb: {  	[smem:$0x3FA4] =	sst s3  }
0xc: {  	[smem:$0x3FA5] =	sst s4  }
0xd: {  	[smem:$0x3FA6] =	sst s5  }
0xe: {  	[smem:$0x3FA7] =	sst s6  }
0xf: {  	[smem:$0x3FA8] =	sst s7  }
0x10: {  	[smem:$0x3FA9] =	sst s8  }
0x11: {  	[smem:$0x3FAA] =	sst s9;
	s0 =	simm.s32 @!p0 $0x0  }
0x12: {  	s1 =	sld [smem:$0x3F90];
	s0 =	simm.s32 @p0 $0x1  }
0x13: {  	[smem:$0x3FAB] =	sst s0;
	s0 =	simm.s32 @!p1 $0x0  }
0x14: {  	s2 =	sld [smem:$0x3F8F];
	s0 =	simm.s32 @p1 $0x1  }
0x15: {  	[smem:$0x3FAC] =	sst s0;
	s0 =	simm.s32 @!p2 $0x0  }
0x16: {  	s3 =	sld [smem:$0x3FDB];
	s0 =	simm.s32 @p2 $0x1  }
0x17: {  	s4 =	simm.s32 $0x1BF5;
	[smem:$0x3FAE] =	sst s0  }
0x18: {  	s0 =	sld [smem:$0x3F91];
	_ =	swait.ge [sflag:s4], $0x0  }
0x19: {  	s7 =	sld [smem:$0x3F92]  }
0x1a: {  	s8 =	sadd.s32 $0xFFFFE003, lr  }
0x1b: {  	s9 =	sadd.s32 $0xFFFFFEF7, lr;
	s5 =	simm.s32 $0xFFFFFFFF;
	p2 =	slt.u32 s8, $0xFFFFF086  }
0x1c: {  	p1 =	slt.u32 s9, $0xF7A;
	s5 =	simm.s32 @!p2 $0x0  }
0x1d: {  	s5 =	simm.s32 @p1 $0x1;
	p0 =	seq.s32 s7, s2  }
0x1e: {  	s7 =	smul.u32 @!p0 $0xF7A, s2;
	p2 =	seq.s32 @!p0 s5, $0x0  }
0x1f: {  	s9 =	smul.u32 $0xF7A, s1;
	s8 =	simm.s32 @!p0 $0x1BF5;
	p2 =	por !p2, p0  }
0x20: {  	[sflag:s8] =	ssyncset.s32 @!p0 $0xFFFFF086;
	s6 =	sadd.s32 @!p0 s3, s7;
	s7 =	simm.s32 @!p0 $0x108  }
0x21: {  	s3 =	sadd.s32 s3, s9;
	s6 =	sadd.s32 @!p0 $0x88, s6;
	s7 =	simm.s32 @p2 $0x1082  }
0x22: {  	[simem:s7], [sflag:s8] =	dma.local @!p0 [hbm:s6], $0xF7A  }
0x23: {  	s9 =	sor.u32 $0xD0000000, s2;
	s6 =	simm.s32 $0x108;
	_ =	swait.ge @!p0 [sflag:s8], $0x0  }
0x24: {  	s3 =	sadd.s32 $0x88, s3;
	s6 =	simm.s32 @!p1 $0x1082;
	[sflag:s4] =	ssyncset.s32 $0xFFFFF086  }
0x25: {  	[simem:s6], [sflag:s4] =	dma.local [hbm:s3], $0xF7A  }
0x26: {  	[smem:$0x3F92] =	sst s1;
	(tag) =	ssettag s2;
	_ =	strace s9  }
0x27: {  	s1 =	sld [smem:$0x3FA2]  }
0x28: {  	s2 =	sld [smem:$0x3FA3]  }
0x29: {  	s4 =	sld [smem:$0x3FA5]  }
0x2a: {  	p0 =	seq.s32 s5, $0x0;
	s5 =	sld [smem:$0x3FA6]  }
0x2b: {  	s6 =	sld [smem:$0x3FA7]  }
0x2c: {  	s7 =	sld [smem:$0x3FA8]  }
0x2d: {  	s3 =	simm.s32 $0x108;
	s8 =	sld [smem:$0x3FA9]  }
0x2e: {  	s3 =	simm.s32 @!p0 $0x1082;
	s9 =	sld [smem:$0x3FAA]  }
0x2f: {  	lr =	sadd.s32 s0, s3;
	s0 =	sld [smem:$0x3FA1]  }
0x30: {  	s3 =	sld [smem:$0x3FA4]  }
0x31: {  	[smem:$0x3FAD] =	sst s10  }
0x32: {  	s10 =	sld [smem:$0x3FAB];
	_ =	sdelay $0x3  }
0x33: {  	p0 =	seq.s32 s10, $0x1;
	s10 =	sld [smem:$0x3FAD];
	_ =	sdelay $0x3  }
0x34: {  	[smem:$0x3FAD] =	sst s10  }
0x35: {  	s10 =	sld [smem:$0x3FAC];
	_ =	sdelay $0x3  }
0x36: {  	p1 =	seq.s32 s10, $0x1;
	s10 =	sld [smem:$0x3FAD];
	_ =	sdelay $0x3  }
0x37: {  	[smem:$0x3FAD] =	sst s10  }
0x38: {  	s10 =	sld [smem:$0x3FAE]  }
0x39: {  	_ = 	snop;
	(pc) =	sbr.ind lr, $3  }
0x3a: {  	_ = 	snop  }
0x3b: {  	_ = 	snop  }
0x3c: {  	p2 =	seq.s32 s10, $0x1;
	s10 =	sld [smem:$0x3FAD]  }
0x3d: {  	_ =	shalt  }
0x3e: {  	_ =	shalt  }
0x3f: {  	_ =	shalt  }
0x40: {  	_ =	shalt  }
0x41: {  	_ =	shalt  }
0x42: {  	_ =	shalt  }
0x43: {  	_ =	shalt  }
0x44: {  	_ =	shalt  }
0x45: {  	_ =	shalt  }
0x46: {  	_ =	shalt  }
0x47: {  	_ =	shalt  }
0x48: {  	_ =	shalt  }
0x49: {  	_ =	shalt  }
0x4a: {  	_ =	shalt  }
0x4b: {  	_ =	shalt  }
0x4c: {  	_ =	shalt  }
0x4d: {  	_ =	shalt  }
0x4e: {  	_ =	shalt  }
0x4f: {  	_ =	shalt  }
0x50: {  	_ =	shalt  }
0x51: {  	_ =	shalt  }
0x52: {  	_ =	shalt  }
0x53: {  	_ =	shalt  }
0x54: {  	_ =	shalt  }
0x55: {  	_ =	shalt  }
0x56: {  	_ =	shalt  }
0x57: {  	_ =	shalt  }
0x58: {  	_ =	shalt  }
0x59: {  	_ =	shalt  }
0x5a: {  	_ =	shalt  }
0x5b: {  	_ =	shalt  }
0x5c: {  	_ =	shalt  }
0x5d: {  	_ =	shalt  }
0x5e: {  	_ =	shalt  }
0x5f: {  	_ =	shalt  }
0x60: {  	_ =	shalt  }
0x61: {  	_ =	shalt  }
0x62: {  	_ =	shalt  }
0x63: {  	_ =	shalt  }
0x64: {  	_ =	shalt  }
0x65: {  	_ =	shalt  }
0x66: {  	_ =	shalt  }
0x67: {  	_ =	shalt  }
0x68: {  	_ =	shalt  }
0x69: {  	_ =	shalt  }
0x6a: {  	_ =	shalt  }
0x6b: {  	_ =	shalt  }
0x6c: {  	_ =	shalt  }
0x6d: {  	_ =	shalt  }
0x6e: {  	_ =	shalt  }
0x6f: {  	_ =	shalt  }
0x70: {  	_ =	shalt  }
0x71: {  	_ =	shalt  }
0x72: {  	_ =	shalt  }
0x73: {  	_ =	shalt  }
0x74: {  	_ =	shalt  }
0x75: {  	_ =	shalt  }
0x76: {  	_ =	shalt  }
0x77: {  	_ =	shalt  }
0x78: {  	_ =	shalt  }
0x79: {  	_ =	shalt  }
0x7a: {  	_ =	shalt  }
0x7b: {  	_ =	shalt  }
0x7c: {  	_ =	shalt  }
0x7d: {  	_ =	shalt  }
0x7e: {  	_ =	shalt  }
0x7f: {  	_ =	shalt  }
0x80: {  	_ =	shalt  }
0x81: {  	_ =	shalt  }
0x82: {  	_ =	shalt  }
0x83: {  	_ =	shalt  }
0x84: {  	_ =	shalt  }
0x85: {  	_ =	shalt  }
0x86: {  	_ =	shalt  }
0x87: {  	_ =	shalt  }
.Lfunc_end0:
.L_simem_size_0:
called_computation.6_lowered:
.L_overlay_start_0:
0x88: {  	s2 =	sld [smem:$0x3FD9]  }
0x89: {  	s3 =	sld [smem:$0x3FFE];
	_ =	sdelay $0x1  }
0x8a: {  	s1 =	srdreg.scid  }
0x8b: {  	s0 =	sand.u32 $0x1, s1  }
0x8c: {  	s17 =	sshll.u32 s0, $0xA;
	s2 =	sadd.s32 s3, s2  }
0x8d: {  	s2 =	sadd.s32 s2, s17  }
0x8e: {  	[smem:$0x3FB9] =	sst s2  }
0x8f: {  	_ = 	snop  }
0x90: {  	(tm) =	ssettm $0x1  }
0x91: {  	s18 =	sld [smem:$0x3FFB];
	_ =	sdelay $0x3  }
0x92: {  	_ =	strace s18  }
0x93: {  	s2 =	sld [smem:$0x3FFC];
	_ =	sdelay $0x3  }
0x94: {  	_ =	strace s2  }
0x95: {  	s2 =	sld [smem:$0x3FFD];
	_ =	sdelay $0x3  }
0x96: {  	_ =	strace s2  }
0x97: {  	_ =	strace $0x8FFFFFFF  }
0x98: {  	s19 =	sld [smem:$0x3FDB];
	_ =	sdelay $0x1  }
0x99: {  	s20 =	simm.s32 $_scs_section_size  }
0x9a: {  	s4 =	simm.s32 $_size__tile_overlayer_lowered;
	s5 =	simm.s32 $_tile_overlayer_lowered  }
0x9b: {  	s6 =	simm.s32 $0x1BFF;
	s21 =	sshll.u32 s5, $0x1;
	s3 =	sadd.s32 s20, s19  }
0x9c: {  	s22 =	simm.s32 $0x0;
	s4 =	sshll.u32 s4, $0x1;
	s5 =	sadd.s32 s21, s3  }
0x9d: {  	[timem:s22], [sflag:s6] =	dma.local [hbm:s5], s4  }
0x9e: {  	_ =	swait.ge [sflag:s6], s4  }
0x9f: {  	s4 =	ssub.s32 $0x0, s4;
	[sflag:s6] =	ssyncset.done $0x0  }
0xa0: {  	[sflag:s6] =	ssyncadd.s32 s4;
	_ =	sdelay $0x1  }
0xa1: {  	s23 =	simm.s32 $0x1B8B  }
0xa2: {  	_ =	swait.ge [sflag:s23], $0x1  }
0xa3: {  	[sflag:s23] =	ssyncset.done $0x0  }
0xa4: {  	[sflag:s23] =	ssyncadd.s32 $0xFFFFFFFF  }
0xa5: {  	s4 =	sld [smem:$0x0]  }
0xa6: {  	s5 =	sand.u32 $0xFFFFFFFE, s1  }
0xa7: {  	p0 =	sne.s32 s1, s5  }
0xa8: {  	s5 =	sshll.u32 @p0 s5, $0xE  }
0xa9: {  	s5 =	sadd.s32 @p0 $0x11B8D, s5;
	s6 =	sshll.u32 @p0 s4, $0x11  }
0xaa: {  	s5 =	sor.u32 @p0 s6, s5  }
0xab: {  	[sflag:s5] =	ssyncadd.remote.s32 @p0 $0x1;
	_ =	sdelay $0x1  }
0xac: {  	s5 =	simm.s32 @p0 $0x1B8D  }
0xad: {  	_ =	swait.eq @p0 [sflag:s5], $0x1  }
0xae: {  	[sflag:s5] =	ssyncadd.s32 @p0 $0xFFFFFFFF  }
0xaf: {  	s6 =	sshll.u32 @!p0 s1, $0xE  }
0xb0: {  	s6 =	sor.u32 @!p0 $0x4000, s6;
	s5 =	simm.s32 @!p0 $0x1B8D  }
0xb1: {  	s4 =	sshll.u32 @!p0 s4, $0x11;
	s6 =	sadd.s32 @!p0 $0x11B8D, s6;
	_ =	swait.eq @!p0 [sflag:s5], $0x1  }
0xb2: {  	s4 =	sor.u32 @!p0 s4, s6;
	[sflag:s5] =	ssyncadd.s32 @!p0 $0xFFFFFFFF  }
0xb3: {  	s25 =	simm.s32 $0x1B8E;
	s24 =	sld [smem:$0x3FFE];
	[sflag:s4] =	ssyncadd.remote.s32 @!p0 $0x1  }
0xb4: {  	s26 =	simm.s32 $execute0_lowered;
	[smem:$0x3FD2] =	sst s25  }
0xb5: {  	s5 =	sshll.u32 s26, $0x1;
	_ =	strace $0x80000058;
	[dreg:$0x1] =	wrdreg $0xFFFFFFFF  }
0xb6: {  	s28 =	simm.s32 $_size_execute0_lowered;
	s3 =	sadd.s32 s3, s5;
	[dreg:$0x0] =	wrdreg $0x0  }
0xb7: {  	s5 =	sshll.u32 s28, $0x1;
	[dreg:$0x2] =	wrdreg s3  }
0xb8: {  	[dreg:$0x3] =	wrdreg s5  }
0xb9: {  	[dreg:$0x4] =	wrdreg $0xC0  }
0xba: {  	_ =	task [dreg:s22], $0x5FFFF  }
0xbb: {  	[dreg:$0x1] =	wrdreg $0xFFFFFFFF  }
0xbc: {  	[dreg:$0x0] =	wrdreg $0x60  }
0xbd: {  	[dreg:$0x2] =	wrdreg s24  }
0xbe: {  	[dreg:$0x3] =	wrdreg $0x5A000  }
0xbf: {  	[dreg:$0x4] =	wrdreg $0xA  }
0xc0: {  	_ =	task.clear_ibuf [dreg:s22], $0x5FFFF;
	_ =	strace $0x90000058  }
0xc1: {  	s29 =	simm.s32 $0xA;
	_ =	strace $0x8000005A  }
0xc2: {  	_ =	swait.ge [sflag:s29], $0x1  }
0xc3: {  	[sflag:s29] =	ssyncadd.s32 $0xFFFFFFFF  }
0xc4: {  	_ =	strace $0x9000005A  }
0xc5: {  	_ =	sfence  }
0xc6: {  	s30 =	sld [smem:$0x0];
	_ =	sdelay $0x2  }
0xc7: {  	s31 =	sshll.u32 s1, $0xD;
	s1 =	sshrl.u32 s1, $0x2  }
0xc8: {  	s4 =	sand.u32 $0x4000, s31;
	s1 =	sadd.s32 s1, s30  }
0xc9: {  	s0 =	sor.u32 s4, s0;
	s1 =	sshll.u32 s1, $0x11  }
0xca: {  	s0 =	sor.u32 s1, s0  }
0xcb: {  	s0 =	sadd.s32 $0x8F2B, s0  }
0xcc: {  	[sflag:s0] =	ssyncadd.remote.s32 $0x1  }
0xcd: {  	_ =	sfence.sel $0xFFFF  }
0xce: {  	[dreg:$0x0] =	wrdreg $0xFFFFFFFF;
	(pc) =	sbr.abs _section_cstart, $3  }
0xcf: {  	[dreg:$0x1] =	wrdreg $0xFFFFFFFF  }
0xd0: {  	_ =	task.clear_ibuf [dreg:s22], $0x2FFFF;
	_ =	strace $0x9FFFFFFF  }
0xd1: {  	(tm) =	ssettm $0x7FFFFFFF  }
tec
execute0_lowered:
.L_overlay_start_1:
0x0: {  	(tag) =	ssettag $0x1  }
0x1: {  	s5 =	rddreg [dreg:$0x0]  }
0x2: {  	s1 =	rddreg [dreg:$0x1]  }
0x3: {  	s0 =	rddreg [dreg:$0x2];
	s2 =	simm.s32 $0x0;
	s3 =	srdreg.scid  }
0x4: {  	p1 =	por $0x0, $0x0;
	[smem:$0x7FF] =	sst s2;
	s6 =	sand.u32 $0x1, s3  }
0x5: {  	s3 =	stileid.u32;
	s4 =	sadd.s32 $0x42600, s5;
	s10 =	sadd.s32 $0x38600, s5  }
0x6: {  	s11 =	sadd.s32 $0x3D600, s5;
	s17 =	sadd.s32 $0x61A600, s5;
	s7 =	smul.u32 $0x27100, s6  }
0x7: {  	_ =	strace $0x80000059;
	s8 =	smul.u32 $0x2710, s3;
	s9 =	sshll.u32 s3, $0x1  }
0x8: {  	p0 =	sne.s32 s3, $0x0;
	s9 =	sor.u32 s6, s9;
	s6 =	ssub.s32 $0x2, s6  }
0x9: {  	s20 =	sshrl.u32 @!p0 s1, $0x3;
	s7 =	sadd.s32 s8, s7;
	s12 =	sshrl.u32 s6, $0x1  }
0xa: {  	s9 =	smul.u32 $0x1400, s9;
	s21 =	sadd.s32 s8, s1;
	s6 =	ssub.s32 s6, s12  }
0xb: {  	s8 =	simm.s32 $0x500;
	s7 =	sshrl.u32 s7, $0x3;
	s28 =	smax.u32 s6, $0x1  }
0xc: {  	s5 =	sadd.s32 s7, s5;
	s26 =	sshrl.u32 s9, $0x3;
	s23 =	sadd.s32 $0xFFFFFFFF, s28  }
0xd: {  	s6 =	simm.s32 $0x2;
	s9 =	simm.s32 $0xA00;
	p2 =	sne.s32 s23, $0x0  }
.Ltmp0:
0xe: {  	s7 =	sshrl.u32 s21, $0x3;
	s5 =	sadd.s32 $0x7400, s5;
	(pc) =	sbr.rel @!p2 .LBB2_3-.Ltmp0, $4  }
0xf: {  	s19 =	sadd.s32 s10, s26;
	s18 =	sadd.s32 s11, s26;
	s29 =	sadd.s32 $0xA0, s26  }
0x10: {  	s30 =	sadd.s32 $0x140, s26;
	s31 =	sadd.s32 $0x1E0, s26;
	s16 =	sadd.s32 s10, s29  }
0x11: {  	s15 =	sadd.s32 s11, s29;
	s14 =	sadd.s32 s10, s30;
	s13 =	sadd.s32 s11, s30  }
0x12: {  	s12 =	sadd.s32 s10, s31;
	s10 =	sadd.s32 s11, s31;
	s11 =	simm.s32 $0x1  }
0x13: {  	s21 =	simm.s32 @!p0 $0x1C02;
	s22 =	simm.s32 @!p0 $0x2  }
0x14: {  	[spmem:s20], [sflag:s21] =	dma.local @!p0 [hbm:s17], $0x4E20  }
0x15: {  	_ =	swait.ge @!p0 [sflag:s22], $0x4E20  }
0x16: {  	[sflag:s22] =	ssyncset.done @!p0 $0x0  }
0x17: {  	[sflag:s22] =	ssyncadd.s32 @!p0 $0xFFFFB1E0  }
0x18: {  	[bflag:$0x0] =	sbarrier.arrive $0xFFFF  }
0x19: {  	[tilespmem:s2], [sflag:$0x2] =	stream.linear.gather [hbm4b:s19+s2], $0x500, $0x38;
	[tilespmem:$0x8110] =	vst v63  }
0x1a: {  	_ =	swait.ge [sflag:s6], $0x500  }
0x1b: {  	[sflag:s6] =	ssyncset.done $0x0  }
0x1c: {  	[sflag:s6] =	ssyncadd.s32 $0xFFFFFB00  }
0x1d: {  	[tilespmem:s8], [sflag:$0x2] =	stream.linear.gather [hbm4b:s18+s2], $0x500, $0x38;
	[tilespmem:$0x8110] =	vst v63  }
0x1e: {  	_ =	swait.ge [sflag:s6], $0x500  }
0x1f: {  	[sflag:s6] =	ssyncset.done $0x0  }
0x20: {  	[sflag:s6] =	ssyncadd.s32 $0xFFFFFB00  }
0x21: {  	[tilespmem:s9], [sflag:$0x1] =	stream.indirect.gather [hbm4b:s4+s8], $0x10, s8, s8, $0xb8;
	[tilespmem:$0x8110] =	vst v63  }
0x22: {  	_ =	swait.ge [sflag:s11], $0x5000  }
0x23: {  	[sflag:s11] =	ssyncset.done $0x0  }
0x24: {  	[sflag:s11] =	ssyncadd.s32 $0xFFFFB000  }
0x25: {  	[spmem:s1] =	stream.indirect.scatter.add.f32 [tilespmem:s9], [sflag:$0x2], $0x10, s2, s8, $0xb8;
	[tilespmem:$0x8110] =	vst v63  }
0x26: {  	_ =	swait.ge [sflag:s6], $0x5000  }
0x27: {  	[sflag:s6] =	ssyncset.done $0x0  }
0x28: {  	[sflag:s6] =	ssyncadd.s32 $0xFFFFB000  }
0x29: {  	[tilespmem:s2], [sflag:$0x2] =	stream.linear.gather [hbm4b:s16+s2], $0x500, $0x38;
	[tilespmem:$0x8110] =	vst v63  }
0x2a: {  	_ =	swait.ge [sflag:s6], $0x500  }
0x2b: {  	[sflag:s6] =	ssyncset.done $0x0  }
0x2c: {  	[sflag:s6] =	ssyncadd.s32 $0xFFFFFB00  }
0x2d: {  	[tilespmem:s8], [sflag:$0x2] =	stream.linear.gather [hbm4b:s15+s2], $0x500, $0x38;
	[tilespmem:$0x8110] =	vst v63  }
0x2e: {  	_ =	swait.ge [sflag:s6], $0x500  }
0x2f: {  	[sflag:s6] =	ssyncset.done $0x0  }
0x30: {  	[sflag:s6] =	ssyncadd.s32 $0xFFFFFB00  }
0x31: {  	[tilespmem:s9], [sflag:$0x1] =	stream.indirect.gather [hbm4b:s4+s8], $0x10, s8, s8, $0xb8;
	[tilespmem:$0x8110] =	vst v63  }
0x32: {  	_ =	swait.ge [sflag:s11], $0x5000  }
0x33: {  	[sflag:s11] =	ssyncset.done $0x0  }
0x34: {  	[sflag:s11] =	ssyncadd.s32 $0xFFFFB000  }
0x35: {  	[spmem:s1] =	stream.indirect.scatter.add.f32 [tilespmem:s9], [sflag:$0x2], $0x10, s2, s8, $0xb8;
	[tilespmem:$0x8110] =	vst v63  }
0x36: {  	_ =	swait.ge [sflag:s6], $0x5000  }
0x37: {  	[sflag:s6] =	ssyncset.done $0x0  }
0x38: {  	[sflag:s6] =	ssyncadd.s32 $0xFFFFB000  }
0x39: {  	[tilespmem:s2], [sflag:$0x2] =	stream.linear.gather [hbm4b:s14+s2], $0x500, $0x38;
	[tilespmem:$0x8110] =	vst v63  }
0x3a: {  	_ =	swait.ge [sflag:s6], $0x500  }
0x3b: {  	[sflag:s6] =	ssyncset.done $0x0  }
0x3c: {  	[sflag:s6] =	ssyncadd.s32 $0xFFFFFB00  }
0x3d: {  	[tilespmem:s8], [sflag:$0x2] =	stream.linear.gather [hbm4b:s13+s2], $0x500, $0x38;
	[tilespmem:$0x8110] =	vst v63  }
0x3e: {  	_ =	swait.ge [sflag:s6], $0x500  }
0x3f: {  	[sflag:s6] =	ssyncset.done $0x0  }
0x40: {  	[sflag:s6] =	ssyncadd.s32 $0xFFFFFB00  }
0x41: {  	[tilespmem:s9], [sflag:$0x1] =	stream.indirect.gather [hbm4b:s4+s8], $0x10, s8, s8, $0xb8;
	[tilespmem:$0x8110] =	vst v63  }
0x42: {  	_ =	swait.ge [sflag:s11], $0x5000  }
0x43: {  	[sflag:s11] =	ssyncset.done $0x0  }
0x44: {  	[sflag:s11] =	ssyncadd.s32 $0xFFFFB000  }
0x45: {  	[spmem:s1] =	stream.indirect.scatter.add.f32 [tilespmem:s9], [sflag:$0x2], $0x10, s2, s8, $0xb8;
	[tilespmem:$0x8110] =	vst v63  }
0x46: {  	_ =	swait.ge [sflag:s6], $0x5000  }
0x47: {  	[sflag:s6] =	ssyncset.done $0x0  }
0x48: {  	[sflag:s6] =	ssyncadd.s32 $0xFFFFB000  }
0x49: {  	[tilespmem:s2], [sflag:$0x2] =	stream.linear.gather [hbm4b:s12+s2], $0x500, $0x38;
	[tilespmem:$0x8110] =	vst v63  }
0x4a: {  	_ =	swait.ge [sflag:s6], $0x500  }
0x4b: {  	[sflag:s6] =	ssyncset.done $0x0  }
0x4c: {  	[sflag:s6] =	ssyncadd.s32 $0xFFFFFB00  }
0x4d: {  	[tilespmem:s8], [sflag:$0x2] =	stream.linear.gather [hbm4b:s10+s2], $0x500, $0x38;
	[tilespmem:$0x8110] =	vst v63  }
0x4e: {  	_ =	swait.ge [sflag:s6], $0x500  }
0x4f: {  	[sflag:s6] =	ssyncset.done $0x0  }
0x50: {  	[sflag:s6] =	ssyncadd.s32 $0xFFFFFB00  }
0x51: {  	[tilespmem:s9], [sflag:$0x1] =	stream.indirect.gather [hbm4b:s4+s8], $0x10, s8, s8, $0xb8;
	[tilespmem:$0x8110] =	vst v63  }
0x52: {  	_ =	swait.ge [sflag:s11], $0x5000  }
0x53: {  	[sflag:s11] =	ssyncset.done $0x0  }
0x54: {  	[sflag:s11] =	ssyncadd.s32 $0xFFFFB000  }
0x55: {  	[spmem:s1] =	stream.indirect.scatter.add.f32 [tilespmem:s9], [sflag:$0x2], $0x10, s2, s8, $0xb8;
	[tilespmem:$0x8110] =	vst v63  }
0x56: {  	s23 =	sadd.s32 $0xFFFFFFFF, s23;
	_ =	swait.ge [sflag:s6], $0x5000  }
0x57: {  	p2 =	sne.s32 s23, $0x0;
	[sflag:s6] =	ssyncset.done $0x0  }
.Ltmp1:
0x58: {  	s24 =	sshll.u32 s3, $0x6;
	[sflag:s6] =	ssyncadd.s32 $0xFFFFB000;
	(pc) =	sbr.rel @!p2 .LBB2_3-.Ltmp1, $4  }
0x59: {  	s24 =	sor.u32 $0x1C02, s24;
	[bflag:$0x0] =	sbarrier.arrive $0xFFFF  }
0x5a: {  	[hbm:s5], [sflag:s24] =	dma.local [spmem:s7], $0x4E2  }
0x5b: {  	_ =	swait.ge [sflag:s6], $0x4E2  }
0x5c: {  	p1 =	por $0x1, $0x1;
	[sflag:s6] =	ssyncset.done $0x0  }
.LBB2_2:
0x5d: {  	[sflag:s6] =	ssyncadd.s32 $0xFFFFFB1E  }
0x5e: {  	[spmem:s20], [sflag:s21] =	dma.local @!p0 [hbm:s17], $0x4E20  }
0x5f: {  	s23 =	sadd.s32 $0xFFFFFFFF, s23;
	_ =	swait.ge @!p0 [sflag:s22], $0x4E20  }
0x60: {  	p2 =	sne.s32 s23, $0x0;
	[sflag:s22] =	ssyncset.done @!p0 $0x0  }
0x61: {  	[sflag:s22] =	ssyncadd.s32 @!p0 $0xFFFFB1E0  }
0x62: {  	[bflag:$0x0] =	sbarrier.arrive $0xFFFF  }
0x63: {  	[tilespmem:s2], [sflag:$0x2] =	stream.linear.gather [hbm4b:s19+s2], $0x500, $0x38;
	[tilespmem:$0x8110] =	vst v63  }
0x64: {  	_ =	swait.ge [sflag:s6], $0x500  }
0x65: {  	[sflag:s6] =	ssyncset.done $0x0  }
0x66: {  	[sflag:s6] =	ssyncadd.s32 $0xFFFFFB00  }
0x67: {  	[tilespmem:s8], [sflag:$0x2] =	stream.linear.gather [hbm4b:s18+s2], $0x500, $0x38;
	[tilespmem:$0x8110] =	vst v63  }
0x68: {  	_ =	swait.ge [sflag:s6], $0x500  }
0x69: {  	[sflag:s6] =	ssyncset.done $0x0  }
0x6a: {  	[sflag:s6] =	ssyncadd.s32 $0xFFFFFB00  }
0x6b: {  	[tilespmem:s9], [sflag:$0x1] =	stream.indirect.gather [hbm4b:s4+s8], $0x10, s8, s8, $0xb8;
	[tilespmem:$0x8110] =	vst v63  }
0x6c: {  	_ =	swait.ge [sflag:s11], $0x5000  }
0x6d: {  	[sflag:s11] =	ssyncset.done $0x0  }
0x6e: {  	[sflag:s11] =	ssyncadd.s32 $0xFFFFB000  }
0x6f: {  	[spmem:s1] =	stream.indirect.scatter.add.f32 [tilespmem:s9], [sflag:$0x2], $0x10, s2, s8, $0xb8;
	[tilespmem:$0x8110] =	vst v63  }
0x70: {  	_ =	swait.ge [sflag:s6], $0x5000  }
0x71: {  	[sflag:s6] =	ssyncset.done $0x0  }
0x72: {  	[sflag:s6] =	ssyncadd.s32 $0xFFFFB000  }
0x73: {  	[tilespmem:s2], [sflag:$0x2] =	stream.linear.gather [hbm4b:s16+s2], $0x500, $0x38;
	[tilespmem:$0x8110] =	vst v63  }
0x74: {  	_ =	swait.ge [sflag:s6], $0x500  }
0x75: {  	[sflag:s6] =	ssyncset.done $0x0  }
0x76: {  	[sflag:s6] =	ssyncadd.s32 $0xFFFFFB00  }
0x77: {  	[tilespmem:s8], [sflag:$0x2] =	stream.linear.gather [hbm4b:s15+s2], $0x500, $0x38;
	[tilespmem:$0x8110] =	vst v63  }
0x78: {  	_ =	swait.ge [sflag:s6], $0x500  }
0x79: {  	[sflag:s6] =	ssyncset.done $0x0  }
0x7a: {  	[sflag:s6] =	ssyncadd.s32 $0xFFFFFB00  }
0x7b: {  	[tilespmem:s9], [sflag:$0x1] =	stream.indirect.gather [hbm4b:s4+s8], $0x10, s8, s8, $0xb8;
	[tilespmem:$0x8110] =	vst v63  }
0x7c: {  	_ =	swait.ge [sflag:s11], $0x5000  }
0x7d: {  	[sflag:s11] =	ssyncset.done $0x0  }
0x7e: {  	[sflag:s11] =	ssyncadd.s32 $0xFFFFB000  }
0x7f: {  	[spmem:s1] =	stream.indirect.scatter.add.f32 [tilespmem:s9], [sflag:$0x2], $0x10, s2, s8, $0xb8;
	[tilespmem:$0x8110] =	vst v63  }
0x80: {  	_ =	swait.ge [sflag:s6], $0x5000  }
0x81: {  	[sflag:s6] =	ssyncset.done $0x0  }
0x82: {  	[sflag:s6] =	ssyncadd.s32 $0xFFFFB000  }
0x83: {  	[tilespmem:s2], [sflag:$0x2] =	stream.linear.gather [hbm4b:s14+s2], $0x500, $0x38;
	[tilespmem:$0x8110] =	vst v63  }
0x84: {  	_ =	swait.ge [sflag:s6], $0x500  }
0x85: {  	[sflag:s6] =	ssyncset.done $0x0  }
0x86: {  	[sflag:s6] =	ssyncadd.s32 $0xFFFFFB00  }
0x87: {  	[tilespmem:s8], [sflag:$0x2] =	stream.linear.gather [hbm4b:s13+s2], $0x500, $0x38;
	[tilespmem:$0x8110] =	vst v63  }
0x88: {  	_ =	swait.ge [sflag:s6], $0x500  }
0x89: {  	[sflag:s6] =	ssyncset.done $0x0  }
0x8a: {  	[sflag:s6] =	ssyncadd.s32 $0xFFFFFB00  }
0x8b: {  	[tilespmem:s9], [sflag:$0x1] =	stream.indirect.gather [hbm4b:s4+s8], $0x10, s8, s8, $0xb8;
	[tilespmem:$0x8110] =	vst v63  }
0x8c: {  	_ =	swait.ge [sflag:s11], $0x5000  }
0x8d: {  	[sflag:s11] =	ssyncset.done $0x0  }
0x8e: {  	[sflag:s11] =	ssyncadd.s32 $0xFFFFB000  }
0x8f: {  	[spmem:s1] =	stream.indirect.scatter.add.f32 [tilespmem:s9], [sflag:$0x2], $0x10, s2, s8, $0xb8;
	[tilespmem:$0x8110] =	vst v63  }
0x90: {  	_ =	swait.ge [sflag:s6], $0x5000  }
0x91: {  	[sflag:s6] =	ssyncset.done $0x0  }
0x92: {  	[sflag:s6] =	ssyncadd.s32 $0xFFFFB000  }
0x93: {  	[tilespmem:s2], [sflag:$0x2] =	stream.linear.gather [hbm4b:s12+s2], $0x500, $0x38;
	[tilespmem:$0x8110] =	vst v63  }
0x94: {  	_ =	swait.ge [sflag:s6], $0x500  }
0x95: {  	[sflag:s6] =	ssyncset.done $0x0  }
0x96: {  	[sflag:s6] =	ssyncadd.s32 $0xFFFFFB00  }
0x97: {  	[tilespmem:s8], [sflag:$0x2] =	stream.linear.gather [hbm4b:s10+s2], $0x500, $0x38;
	[tilespmem:$0x8110] =	vst v63  }
0x98: {  	_ =	swait.ge [sflag:s6], $0x500  }
0x99: {  	[sflag:s6] =	ssyncset.done $0x0  }
0x9a: {  	[sflag:s6] =	ssyncadd.s32 $0xFFFFFB00  }
0x9b: {  	[tilespmem:s9], [sflag:$0x1] =	stream.indirect.gather [hbm4b:s4+s8], $0x10, s8, s8, $0xb8;
	[tilespmem:$0x8110] =	vst v63  }
0x9c: {  	_ =	swait.ge [sflag:s11], $0x5000  }
0x9d: {  	[sflag:s11] =	ssyncset.done $0x0  }
0x9e: {  	[sflag:s11] =	ssyncadd.s32 $0xFFFFB000  }
0x9f: {  	[spmem:s1] =	stream.indirect.scatter.add.f32 [tilespmem:s9], [sflag:$0x2], $0x10, s2, s8, $0xb8;
	[tilespmem:$0x8110] =	vst v63  }
0xa0: {  	_ =	swait.ge [sflag:s6], $0x5000  }
0xa1: {  	[sflag:s6] =	ssyncset.done $0x0  }
.Ltmp2:
0xa2: {  	[sflag:s6] =	ssyncadd.s32 $0xFFFFB000;
	(pc) =	sbr.rel @p2 .LBB2_2-.Ltmp2, $4  }
0xa3: {  	[bflag:$0x0] =	sbarrier.arrive $0xFFFF  }
0xa4: {  	[hbm:s5], [sflag:s24] =	dma.local [spmem:s7], $0x4E2  }
0xa5: {  	_ =	swait.ge [sflag:s6], $0x4E2  }
0xa6: {  	[sflag:s6] =	ssyncset.done $0x0  }
.LBB2_3:
0xa7: {  	s21 =	simm.s32 @!p0 $0x1C02;
	s22 =	simm.s32 @!p0 $0x2;
	[sflag:s6] =	ssyncadd.s32 @p1 $0xFFFFFB1E  }
0xa8: {  	[spmem:s20], [sflag:s21] =	dma.local @!p0 [hbm:s17], $0x4E20  }
0xa9: {  	_ =	swait.ge @!p0 [sflag:s22], $0x4E20  }
0xaa: {  	[sflag:s22] =	ssyncset.done @!p0 $0x0  }
0xab: {  	[sflag:s22] =	ssyncadd.s32 @!p0 $0xFFFFB1E0  }
0xac: {  	[bflag:$0x0] =	sbarrier.arrive $0xFFFF  }
0xad: {  	[tilespmem:s2], [sflag:$0x2] =	stream.linear.gather [hbm4b:s19+s2], $0x500, $0x38;
	[tilespmem:$0x8110] =	vst v63  }
0xae: {  	_ =	swait.ge [sflag:s6], $0x500  }
0xaf: {  	[sflag:s6] =	ssyncset.done $0x0  }
0xb0: {  	[sflag:s6] =	ssyncadd.s32 $0xFFFFFB00  }
0xb1: {  	[tilespmem:s8], [sflag:$0x2] =	stream.linear.gather [hbm4b:s18+s2], $0x500, $0x38;
	[tilespmem:$0x8110] =	vst v63  }
0xb2: {  	_ =	swait.ge [sflag:s6], $0x500  }
0xb3: {  	[sflag:s6] =	ssyncset.done $0x0  }
0xb4: {  	[sflag:s6] =	ssyncadd.s32 $0xFFFFFB00  }
0xb5: {  	[tilespmem:s9], [sflag:$0x1] =	stream.indirect.gather [hbm4b:s4+s8], $0x10, s8, s8, $0xb8;
	[tilespmem:$0x8110] =	vst v63  }
0xb6: {  	_ =	swait.ge [sflag:s11], $0x5000  }
0xb7: {  	[sflag:s11] =	ssyncset.done $0x0  }
0xb8: {  	[sflag:s11] =	ssyncadd.s32 $0xFFFFB000  }
0xb9: {  	[spmem:s1] =	stream.indirect.scatter.add.f32 [tilespmem:s9], [sflag:$0x2], $0x10, s2, s8, $0xb8;
	[tilespmem:$0x8110] =	vst v63  }
0xba: {  	_ =	swait.ge [sflag:s6], $0x5000  }
0xbb: {  	[sflag:s6] =	ssyncset.done $0x0  }
0xbc: {  	[sflag:s6] =	ssyncadd.s32 $0xFFFFB000  }
0xbd: {  	[tilespmem:s2], [sflag:$0x2] =	stream.linear.gather [hbm4b:s16+s2], $0x500, $0x38;
	[tilespmem:$0x8110] =	vst v63  }
0xbe: {  	_ =	swait.ge [sflag:s6], $0x500  }
0xbf: {  	[sflag:s6] =	ssyncset.done $0x0  }
0xc0: {  	[sflag:s6] =	ssyncadd.s32 $0xFFFFFB00  }
0xc1: {  	[tilespmem:s8], [sflag:$0x2] =	stream.linear.gather [hbm4b:s15+s2], $0x500, $0x38;
	[tilespmem:$0x8110] =	vst v63  }
0xc2: {  	_ =	swait.ge [sflag:s6], $0x500  }
0xc3: {  	[sflag:s6] =	ssyncset.done $0x0  }
0xc4: {  	[sflag:s6] =	ssyncadd.s32 $0xFFFFFB00  }
0xc5: {  	[tilespmem:s9], [sflag:$0x1] =	stream.indirect.gather [hbm4b:s4+s8], $0x10, s8, s8, $0xb8;
	[tilespmem:$0x8110] =	vst v63  }
0xc6: {  	_ =	swait.ge [sflag:s11], $0x5000  }
0xc7: {  	[sflag:s11] =	ssyncset.done $0x0  }
0xc8: {  	[sflag:s11] =	ssyncadd.s32 $0xFFFFB000  }
0xc9: {  	[spmem:s1] =	stream.indirect.scatter.add.f32 [tilespmem:s9], [sflag:$0x2], $0x10, s2, s8, $0xb8;
	[tilespmem:$0x8110] =	vst v63  }
0xca: {  	_ =	swait.ge [sflag:s6], $0x5000  }
0xcb: {  	[sflag:s6] =	ssyncset.done $0x0  }
0xcc: {  	[sflag:s6] =	ssyncadd.s32 $0xFFFFB000  }
0xcd: {  	[tilespmem:s2], [sflag:$0x2] =	stream.linear.gather [hbm4b:s14+s2], $0x500, $0x38;
	[tilespmem:$0x8110] =	vst v63  }
0xce: {  	_ =	swait.ge [sflag:s6], $0x500  }
0xcf: {  	[sflag:s6] =	ssyncset.done $0x0  }
0xd0: {  	[sflag:s6] =	ssyncadd.s32 $0xFFFFFB00  }
0xd1: {  	[tilespmem:s8], [sflag:$0x2] =	stream.linear.gather [hbm4b:s13+s2], $0x500, $0x38;
	[tilespmem:$0x8110] =	vst v63  }
0xd2: {  	_ =	swait.ge [sflag:s6], $0x500  }
0xd3: {  	[sflag:s6] =	ssyncset.done $0x0  }
0xd4: {  	[sflag:s6] =	ssyncadd.s32 $0xFFFFFB00  }
0xd5: {  	[tilespmem:s9], [sflag:$0x1] =	stream.indirect.gather [hbm4b:s4+s8], $0x10, s8, s8, $0xb8;
	[tilespmem:$0x8110] =	vst v63  }
0xd6: {  	_ =	swait.ge [sflag:s11], $0x5000  }
0xd7: {  	[sflag:s11] =	ssyncset.done $0x0  }
0xd8: {  	[sflag:s11] =	ssyncadd.s32 $0xFFFFB000  }
0xd9: {  	[spmem:s1] =	stream.indirect.scatter.add.f32 [tilespmem:s9], [sflag:$0x2], $0x10, s2, s8, $0xb8;
	[tilespmem:$0x8110] =	vst v63  }
0xda: {  	_ =	swait.ge [sflag:s6], $0x5000  }
0xdb: {  	[sflag:s6] =	ssyncset.done $0x0  }
0xdc: {  	[sflag:s6] =	ssyncadd.s32 $0xFFFFB000  }
0xdd: {  	[tilespmem:s2], [sflag:$0x2] =	stream.linear.gather [hbm4b:s12+s2], $0x500, $0x38;
	[tilespmem:$0x8110] =	vst v63  }
0xde: {  	_ =	swait.ge [sflag:s6], $0x500  }
0xdf: {  	[sflag:s6] =	ssyncset.done $0x0  }
0xe0: {  	[sflag:s6] =	ssyncadd.s32 $0xFFFFFB00  }
0xe1: {  	[tilespmem:s8], [sflag:$0x2] =	stream.linear.gather [hbm4b:s10+s2], $0x500, $0x38;
	[tilespmem:$0x8110] =	vst v63  }
0xe2: {  	_ =	swait.ge [sflag:s6], $0x500  }
0xe3: {  	[sflag:s6] =	ssyncset.done $0x0  }
0xe4: {  	[sflag:s6] =	ssyncadd.s32 $0xFFFFFB00  }
0xe5: {  	[tilespmem:s9], [sflag:$0x1] =	stream.indirect.gather [hbm4b:s4+s8], $0x10, s8, s8, $0xb8;
	[tilespmem:$0x8110] =	vst v63  }
0xe6: {  	_ =	swait.ge [sflag:s11], $0x5000  }
0xe7: {  	[sflag:s11] =	ssyncset.done $0x0  }
0xe8: {  	[sflag:s11] =	ssyncadd.s32 $0xFFFFB000  }
0xe9: {  	[spmem:s1] =	stream.indirect.scatter.add.f32 [tilespmem:s9], [sflag:$0x2], $0x10, s2, s8, $0xb8;
	[tilespmem:$0x8110] =	vst v63  }
0xea: {  	_ =	swait.ge [sflag:s6], $0x5000  }
0xeb: {  	[sflag:s6] =	ssyncset.done $0x0  }
0xec: {  	s31 =	sshll.u32 s3, $0x6;
	[sflag:s6] =	ssyncadd.s32 $0xFFFFB000  }
0xed: {  	s1 =	sor.u32 $0x1C02, s31;
	[bflag:$0x0] =	sbarrier.arrive $0xFFFF  }
0xee: {  	[hbm:s5], [sflag:s1] =	dma.local [spmem:s7], $0x4E2  }
0xef: {  	_ =	swait.ge [sflag:s6], $0x4E2  }
0xf0: {  	[sflag:s6] =	ssyncset.done $0x0  }
0xf1: {  	[sflag:s6] =	ssyncadd.s32 $0xFFFFFB1E  }
0xf2: {  	_ =	sfence.sel $0x180000  }
0xf3: {  	[bflag:$0x0] =	sbarrier.arrive $0xFFFF  }
0xf4: {  	_ =	strace $0x90000059  }
0xf5: {  	s0 =	sadd.s32 @!p0 $0x100000, s0;
	[bflag:$0x2] =	sbarrier.arrive $0xFFFF  }
0xf6: {  	[sflag:s0] =	ssyncadd.tile.s32 @!p0 $0x1;
	_ =	shalt  }
.Lfunc_end2:
_tile_overlayer_lowered:
.L_overlay_start_2:
0xf7: {  	(tag) =	ssettag $0x2  }
0xf8: {  	s0 =	rddreg [dreg:$0x0];
	s2 =	stileid.u32  }
0xf9: {  	s1 =	rddreg [dreg:$0x1];
	p0 =	sne.s32 s2, $0x0  }
0xfa: {  	s3 =	rddreg [dreg:$0x2];
	[bflag:$0x3] =	sbarrier.arrive $0xFFFF;
	s2 =	simm.s32 @!p0 $0x1C02  }
0xfb: {  	[timem:s3], [sflag:s2] =	dma.local @!p0 [hbm:s0], s1  }
0xfc: {  	s0 =	simm.s32 @!p0 $0x2  }
0xfd: {  	_ =	swait.ge @!p0 [sflag:s0], s1  }
0xfe: {  	s1 =	ssub.s32 @!p0 $0x0, s1;
	[sflag:s0] =	ssyncset.done @!p0 $0x0  }
0xff: {  	[sflag:s0] =	ssyncadd.s32 @!p0 s1  }
0x100: {  	[bflag:$0x3] =	sbarrier.arrive $0xFFFF  }
0x101: {  	_ =	shalt  }

// kernel: kernel.37.cloned.1.call-start
scs
__scs_entry_jumppad:
0x0: {  	(pc) =	sbr.rel $0x88, $3  }
0x1: {  	(tag) =	ssettag $0x0;
	lr =	simm.s32 $0x1  }
0x2: {  	[smem:$0x3F92] =	sst lr;
	_ =	strace $0xD0000000  }
0x3: {  	_ = 	snop  }
0x4: {  	_ = 	snop  }
0x5: {  	_ = 	snop  }
0x6: {  	_ = 	snop  }
0x7: {  	_ = 	snop  }
__scs_overlays_trampoline_lowered:
0x8: {  	[smem:$0x3FA1] =	sst s0  }
0x9: {  	[smem:$0x3FA2] =	sst s1  }
0xa: {  	[smem:$0x3FA3] =	sst s2  }
0xb: {  	[smem:$0x3FA4] =	sst s3  }
0xc: {  	[smem:$0x3FA5] =	sst s4  }
0xd: {  	[smem:$0x3FA6] =	sst s5  }
0xe: {  	[smem:$0x3FA7] =	sst s6  }
0xf: {  	[smem:$0x3FA8] =	sst s7  }
0x10: {  	[smem:$0x3FA9] =	sst s8  }
0x11: {  	[smem:$0x3FAA] =	sst s9;
	s0 =	simm.s32 @!p0 $0x0  }
0x12: {  	s1 =	sld [smem:$0x3F90];
	s0 =	simm.s32 @p0 $0x1  }
0x13: {  	[smem:$0x3FAB] =	sst s0;
	s0 =	simm.s32 @!p1 $0x0  }
0x14: {  	s2 =	sld [smem:$0x3F8F];
	s0 =	simm.s32 @p1 $0x1  }
0x15: {  	[smem:$0x3FAC] =	sst s0;
	s0 =	simm.s32 @!p2 $0x0  }
0x16: {  	s3 =	sld [smem:$0x3FDB];
	s0 =	simm.s32 @p2 $0x1  }
0x17: {  	s4 =	simm.s32 $0x1BF5;
	[smem:$0x3FAE] =	sst s0  }
0x18: {  	s0 =	sld [smem:$0x3F91];
	_ =	swait.ge [sflag:s4], $0x0  }
0x19: {  	s7 =	sld [smem:$0x3F92]  }
0x1a: {  	s8 =	sadd.s32 $0xFFFFE003, lr  }
0x1b: {  	s9 =	sadd.s32 $0xFFFFFEF7, lr;
	s5 =	simm.s32 $0xFFFFFFFF;
	p2 =	slt.u32 s8, $0xFFFFF086  }
0x1c: {  	p1 =	slt.u32 s9, $0xF7A;
	s5 =	simm.s32 @!p2 $0x0  }
0x1d: {  	s5 =	simm.s32 @p1 $0x1;
	p0 =	seq.s32 s7, s2  }
0x1e: {  	s7 =	smul.u32 @!p0 $0xF7A, s2;
	p2 =	seq.s32 @!p0 s5, $0x0  }
0x1f: {  	s9 =	smul.u32 $0xF7A, s1;
	s8 =	simm.s32 @!p0 $0x1BF5;
	p2 =	por !p2, p0  }
0x20: {  	[sflag:s8] =	ssyncset.s32 @!p0 $0xFFFFF086;
	s6 =	sadd.s32 @!p0 s3, s7;
	s7 =	simm.s32 @!p0 $0x108  }
0x21: {  	s3 =	sadd.s32 s3, s9;
	s6 =	sadd.s32 @!p0 $0x88, s6;
	s7 =	simm.s32 @p2 $0x1082  }
0x22: {  	[simem:s7], [sflag:s8] =	dma.local @!p0 [hbm:s6], $0xF7A  }
0x23: {  	s9 =	sor.u32 $0xD0000000, s2;
	s6 =	simm.s32 $0x108;
	_ =	swait.ge @!p0 [sflag:s8], $0x0  }
0x24: {  	s3 =	sadd.s32 $0x88, s3;
	s6 =	simm.s32 @!p1 $0x1082;
	[sflag:s4] =	ssyncset.s32 $0xFFFFF086  }
0x25: {  	[simem:s6], [sflag:s4] =	dma.local [hbm:s3], $0xF7A  }
0x26: {  	[smem:$0x3F92] =	sst s1;
	(tag) =	ssettag s2;
	_ =	strace s9  }
0x27: {  	s1 =	sld [smem:$0x3FA2]  }
0x28: {  	s2 =	sld [smem:$0x3FA3]  }
0x29: {  	s4 =	sld [smem:$0x3FA5]  }
0x2a: {  	p0 =	seq.s32 s5, $0x0;
	s5 =	sld [smem:$0x3FA6]  }
0x2b: {  	s6 =	sld [smem:$0x3FA7]  }
0x2c: {  	s7 =	sld [smem:$0x3FA8]  }
0x2d: {  	s3 =	simm.s32 $0x108;
	s8 =	sld [smem:$0x3FA9]  }
0x2e: {  	s3 =	simm.s32 @!p0 $0x1082;
	s9 =	sld [smem:$0x3FAA]  }
0x2f: {  	lr =	sadd.s32 s0, s3;
	s0 =	sld [smem:$0x3FA1]  }
0x30: {  	s3 =	sld [smem:$0x3FA4]  }
0x31: {  	[smem:$0x3FAD] =	sst s10  }
0x32: {  	s10 =	sld [smem:$0x3FAB];
	_ =	sdelay $0x3  }
0x33: {  	p0 =	seq.s32 s10, $0x1;
	s10 =	sld [smem:$0x3FAD];
	_ =	sdelay $0x3  }
0x34: {  	[smem:$0x3FAD] =	sst s10  }
0x35: {  	s10 =	sld [smem:$0x3FAC];
	_ =	sdelay $0x3  }
0x36: {  	p1 =	seq.s32 s10, $0x1;
	s10 =	sld [smem:$0x3FAD];
	_ =	sdelay $0x3  }
0x37: {  	[smem:$0x3FAD] =	sst s10  }
0x38: {  	s10 =	sld [smem:$0x3FAE]  }
0x39: {  	_ = 	snop;
	(pc) =	sbr.ind lr, $3  }
0x3a: {  	_ = 	snop  }
0x3b: {  	_ = 	snop  }
0x3c: {  	p2 =	seq.s32 s10, $0x1;
	s10 =	sld [smem:$0x3FAD]  }
0x3d: {  	_ =	shalt  }
0x3e: {  	_ =	shalt  }
0x3f: {  	_ =	shalt  }
0x40: {  	_ =	shalt  }
0x41: {  	_ =	shalt  }
0x42: {  	_ =	shalt  }
0x43: {  	_ =	shalt  }
0x44: {  	_ =	shalt  }
0x45: {  	_ =	shalt  }
0x46: {  	_ =	shalt  }
0x47: {  	_ =	shalt  }
0x48: {  	_ =	shalt  }
0x49: {  	_ =	shalt  }
0x4a: {  	_ =	shalt  }
0x4b: {  	_ =	shalt  }
0x4c: {  	_ =	shalt  }
0x4d: {  	_ =	shalt  }
0x4e: {  	_ =	shalt  }
0x4f: {  	_ =	shalt  }
0x50: {  	_ =	shalt  }
0x51: {  	_ =	shalt  }
0x52: {  	_ =	shalt  }
0x53: {  	_ =	shalt  }
0x54: {  	_ =	shalt  }
0x55: {  	_ =	shalt  }
0x56: {  	_ =	shalt  }
0x57: {  	_ =	shalt  }
0x58: {  	_ =	shalt  }
0x59: {  	_ =	shalt  }
0x5a: {  	_ =	shalt  }
0x5b: {  	_ =	shalt  }
0x5c: {  	_ =	shalt  }
0x5d: {  	_ =	shalt  }
0x5e: {  	_ =	shalt  }
0x5f: {  	_ =	shalt  }
0x60: {  	_ =	shalt  }
0x61: {  	_ =	shalt  }
0x62: {  	_ =	shalt  }
0x63: {  	_ =	shalt  }
0x64: {  	_ =	shalt  }
0x65: {  	_ =	shalt  }
0x66: {  	_ =	shalt  }
0x67: {  	_ =	shalt  }
0x68: {  	_ =	shalt  }
0x69: {  	_ =	shalt  }
0x6a: {  	_ =	shalt  }
0x6b: {  	_ =	shalt  }
0x6c: {  	_ =	shalt  }
0x6d: {  	_ =	shalt  }
0x6e: {  	_ =	shalt  }
0x6f: {  	_ =	shalt  }
0x70: {  	_ =	shalt  }
0x71: {  	_ =	shalt  }
0x72: {  	_ =	shalt  }
0x73: {  	_ =	shalt  }
0x74: {  	_ =	shalt  }
0x75: {  	_ =	shalt  }
0x76: {  	_ =	shalt  }
0x77: {  	_ =	shalt  }
0x78: {  	_ =	shalt  }
0x79: {  	_ =	shalt  }
0x7a: {  	_ =	shalt  }
0x7b: {  	_ =	shalt  }
0x7c: {  	_ =	shalt  }
0x7d: {  	_ =	shalt  }
0x7e: {  	_ =	shalt  }
0x7f: {  	_ =	shalt  }
0x80: {  	_ =	shalt  }
0x81: {  	_ =	shalt  }
0x82: {  	_ =	shalt  }
0x83: {  	_ =	shalt  }
0x84: {  	_ =	shalt  }
0x85: {  	_ =	shalt  }
0x86: {  	_ =	shalt  }
0x87: {  	_ =	shalt  }
.Lfunc_end0:
.L_simem_size_0:
called_computation.7_lowered:
.L_overlay_start_0:
0x88: {  	s2 =	sld [smem:$0x3FD9]  }
0x89: {  	s3 =	sld [smem:$0x3FFE];
	_ =	sdelay $0x1  }
0x8a: {  	s1 =	srdreg.scid  }
0x8b: {  	s0 =	sand.u32 $0x1, s1  }
0x8c: {  	s17 =	sshll.u32 s0, $0xA;
	s2 =	sadd.s32 s3, s2  }
0x8d: {  	s2 =	sadd.s32 s2, s17  }
0x8e: {  	[smem:$0x3FB9] =	sst s2  }
0x8f: {  	_ = 	snop  }
0x90: {  	(tm) =	ssettm $0x1  }
0x91: {  	s18 =	sld [smem:$0x3FFB];
	_ =	sdelay $0x3  }
0x92: {  	_ =	strace s18  }
0x93: {  	s2 =	sld [smem:$0x3FFC];
	_ =	sdelay $0x3  }
0x94: {  	_ =	strace s2  }
0x95: {  	s2 =	sld [smem:$0x3FFD];
	_ =	sdelay $0x3  }
0x96: {  	_ =	strace s2  }
0x97: {  	_ =	strace $0x8FFFFFFF  }
0x98: {  	s19 =	sld [smem:$0x3FDB];
	_ =	sdelay $0x1  }
0x99: {  	s20 =	simm.s32 $_scs_section_size  }
0x9a: {  	s4 =	simm.s32 $_size__tile_overlayer_lowered;
	s5 =	simm.s32 $_tile_overlayer_lowered  }
0x9b: {  	s6 =	simm.s32 $0x1BFF;
	s21 =	sshll.u32 s5, $0x1;
	s3 =	sadd.s32 s20, s19  }
0x9c: {  	s22 =	simm.s32 $0x0;
	s4 =	sshll.u32 s4, $0x1;
	s5 =	sadd.s32 s21, s3  }
0x9d: {  	[timem:s22], [sflag:s6] =	dma.local [hbm:s5], s4  }
0x9e: {  	_ =	swait.ge [sflag:s6], s4  }
0x9f: {  	s4 =	ssub.s32 $0x0, s4;
	[sflag:s6] =	ssyncset.done $0x0  }
0xa0: {  	[sflag:s6] =	ssyncadd.s32 s4;
	_ =	sdelay $0x1  }
0xa1: {  	s23 =	simm.s32 $0x1B8B  }
0xa2: {  	_ =	swait.ge [sflag:s23], $0x1  }
0xa3: {  	[sflag:s23] =	ssyncset.done $0x0  }
0xa4: {  	[sflag:s23] =	ssyncadd.s32 $0xFFFFFFFF  }
0xa5: {  	s4 =	sld [smem:$0x0]  }
0xa6: {  	s5 =	sand.u32 $0xFFFFFFFE, s1  }
0xa7: {  	p0 =	sne.s32 s1, s5  }
0xa8: {  	s5 =	sshll.u32 @p0 s5, $0xE  }
0xa9: {  	s5 =	sadd.s32 @p0 $0x11B8D, s5;
	s6 =	sshll.u32 @p0 s4, $0x11  }
0xaa: {  	s5 =	sor.u32 @p0 s6, s5  }
0xab: {  	[sflag:s5] =	ssyncadd.remote.s32 @p0 $0x1;
	_ =	sdelay $0x1  }
0xac: {  	s5 =	simm.s32 @p0 $0x1B8D  }
0xad: {  	_ =	swait.eq @p0 [sflag:s5], $0x1  }
0xae: {  	[sflag:s5] =	ssyncadd.s32 @p0 $0xFFFFFFFF  }
0xaf: {  	s6 =	sshll.u32 @!p0 s1, $0xE  }
0xb0: {  	s6 =	sor.u32 @!p0 $0x4000, s6;
	s5 =	simm.s32 @!p0 $0x1B8D  }
0xb1: {  	s4 =	sshll.u32 @!p0 s4, $0x11;
	s6 =	sadd.s32 @!p0 $0x11B8D, s6;
	_ =	swait.eq @!p0 [sflag:s5], $0x1  }
0xb2: {  	s4 =	sor.u32 @!p0 s4, s6;
	[sflag:s5] =	ssyncadd.s32 @!p0 $0xFFFFFFFF  }
0xb3: {  	s25 =	simm.s32 $0x1B8E;
	s24 =	sld [smem:$0x3FFE];
	[sflag:s4] =	ssyncadd.remote.s32 @!p0 $0x1  }
0xb4: {  	s26 =	simm.s32 $execute0_lowered;
	[smem:$0x3FD2] =	sst s25  }
0xb5: {  	s5 =	sshll.u32 s26, $0x1;
	_ =	strace $0x8000005B;
	[dreg:$0x1] =	wrdreg $0xFFFFFFFF  }
0xb6: {  	s28 =	simm.s32 $_size_execute0_lowered;
	s3 =	sadd.s32 s3, s5;
	[dreg:$0x0] =	wrdreg $0x0  }
0xb7: {  	s5 =	sshll.u32 s28, $0x1;
	[dreg:$0x2] =	wrdreg s3  }
0xb8: {  	[dreg:$0x3] =	wrdreg s5  }
0xb9: {  	[dreg:$0x4] =	wrdreg $0xC0  }
0xba: {  	_ =	task [dreg:s22], $0x5FFFF  }
0xbb: {  	[dreg:$0x1] =	wrdreg $0xFFFFFFFF  }
0xbc: {  	[dreg:$0x0] =	wrdreg $0x60  }
0xbd: {  	[dreg:$0x2] =	wrdreg s24  }
0xbe: {  	[dreg:$0x3] =	wrdreg $0x44A00  }
0xbf: {  	[dreg:$0x4] =	wrdreg $0x9  }
0xc0: {  	_ =	task.clear_ibuf [dreg:s22], $0x5FFFF;
	_ =	strace $0x9000005B  }
0xc1: {  	s29 =	simm.s32 $0x9;
	_ =	strace $0x8000005D  }
0xc2: {  	_ =	swait.ge [sflag:s29], $0x1  }
0xc3: {  	[sflag:s29] =	ssyncadd.s32 $0xFFFFFFFF  }
0xc4: {  	_ =	strace $0x9000005D  }
0xc5: {  	_ =	sfence  }
0xc6: {  	s30 =	sld [smem:$0x0];
	_ =	sdelay $0x2  }
0xc7: {  	s31 =	sshll.u32 s1, $0xD;
	s1 =	sshrl.u32 s1, $0x2  }
0xc8: {  	s4 =	sand.u32 $0x4000, s31;
	s1 =	sadd.s32 s1, s30  }
0xc9: {  	s0 =	sor.u32 s4, s0;
	s1 =	sshll.u32 s1, $0x11  }
0xca: {  	s0 =	sor.u32 s1, s0  }
0xcb: {  	s0 =	sadd.s32 $0x8F2B, s0  }
0xcc: {  	[sflag:s0] =	ssyncadd.remote.s32 $0x1  }
0xcd: {  	_ =	sfence.sel $0xFFFF  }
0xce: {  	[dreg:$0x0] =	wrdreg $0xFFFFFFFF;
	(pc) =	sbr.abs _section_cstart, $3  }
0xcf: {  	[dreg:$0x1] =	wrdreg $0xFFFFFFFF  }
0xd0: {  	_ =	task.clear_ibuf [dreg:s22], $0x2FFFF;
	_ =	strace $0x9FFFFFFF  }
0xd1: {  	(tm) =	ssettm $0x7FFFFFFF  }
tec
execute0_lowered:
.L_overlay_start_1:
0x0: {  	(tag) =	ssettag $0x1  }
0x1: {  	s5 =	rddreg [dreg:$0x0]  }
0x2: {  	s1 =	rddreg [dreg:$0x1]  }
0x3: {  	s0 =	rddreg [dreg:$0x2];
	s2 =	simm.s32 $0x0;
	s3 =	srdreg.scid  }
0x4: {  	p1 =	por $0x0, $0x0;
	[smem:$0x7FF] =	sst s2;
	s6 =	sand.u32 $0x1, s3  }
0x5: {  	s3 =	stileid.u32;
	s4 =	sadd.s32 $0x9C200, s5;
	s10 =	sadd.s32 $0x629400, s5  }
0x6: {  	s11 =	sadd.s32 $0x97400, s5;
	s7 =	smul.u32 $0x27100, s6;
	s9 =	sshll.u32 s3, $0x1  }
0x7: {  	s19 =	sadd.s32 $0x61A600, s5;
	s8 =	smul.u32 $0x2710, s3;
	s9 =	sor.u32 s6, s9  }
0x8: {  	p0 =	sne.s32 s3, $0x0;
	s6 =	ssub.s32 $0x2, s6;
	s9 =	smul.u32 $0x1310, s9  }
0x9: {  	_ =	strace $0x8000005C;
	s22 =	sshrl.u32 @!p0 s1, $0x3;
	s12 =	sshrl.u32 s6, $0x1  }
0xa: {  	s7 =	sadd.s32 s8, s7;
	s6 =	ssub.s32 s6, s12;
	s25 =	sshrl.u32 s9, $0x3  }
0xb: {  	s23 =	sadd.s32 s8, s1;
	s26 =	smax.u32 s6, $0x1;
	s21 =	sadd.s32 s10, s25  }
0xc: {  	s20 =	sadd.s32 s11, s25;
	s28 =	sadd.s32 $0x7A, s25;
	s29 =	sadd.s32 $0xF4, s25  }
0xd: {  	s30 =	sadd.s32 $0x16E, s25;
	s31 =	sadd.s32 $0x1E8, s25;
	s25 =	sadd.s32 $0xFFFFFFFF, s26  }
0xe: {  	s8 =	simm.s32 $0x3D0;
	s7 =	sshrl.u32 s7, $0x3;
	p2 =	sne.s32 s25, $0x0  }
.Ltmp0:
0xf: {  	s5 =	sadd.s32 s7, s5;
	s6 =	simm.s32 $0x2;
	(pc) =	sbr.rel @!p2 .LBB2_3-.Ltmp0, $4  }
0x10: {  	s9 =	simm.s32 $0x7A0;
	s7 =	sshrl.u32 s23, $0x3;
	s5 =	sadd.s32 $0x61F600, s5  }
0x11: {  	s18 =	sadd.s32 s10, s28;
	s17 =	sadd.s32 s11, s28;
	s16 =	sadd.s32 s10, s29  }
0x12: {  	s15 =	sadd.s32 s11, s29;
	s14 =	sadd.s32 s10, s30;
	s13 =	sadd.s32 s11, s30  }
0x13: {  	s12 =	sadd.s32 s10, s31;
	s10 =	sadd.s32 s11, s31;
	s11 =	simm.s32 $0x1  }
0x14: {  	s23 =	simm.s32 @!p0 $0x1C02;
	s24 =	simm.s32 @!p0 $0x2  }
0x15: {  	[spmem:s22], [sflag:s23] =	dma.local @!p0 [hbm:s19], $0x4E20  }
0x16: {  	_ =	swait.ge @!p0 [sflag:s24], $0x4E20  }
0x17: {  	[sflag:s24] =	ssyncset.done @!p0 $0x0  }
0x18: {  	[sflag:s24] =	ssyncadd.s32 @!p0 $0xFFFFB1E0  }
0x19: {  	[bflag:$0x0] =	sbarrier.arrive $0xFFFF  }
0x1a: {  	[tilespmem:s2], [sflag:$0x2] =	stream.linear.gather [hbm4b:s21+s2], $0x3D0, $0x38;
	[tilespmem:$0x6BB0] =	vst v63  }
0x1b: {  	_ =	swait.ge [sflag:s6], $0x3D0  }
0x1c: {  	[sflag:s6] =	ssyncset.done $0x0  }
0x1d: {  	[sflag:s6] =	ssyncadd.s32 $0xFFFFFC30  }
0x1e: {  	[tilespmem:s8], [sflag:$0x2] =	stream.linear.gather [hbm4b:s20+s2], $0x3D0, $0x38;
	[tilespmem:$0x6BB0] =	vst v63  }
0x1f: {  	_ =	swait.ge [sflag:s6], $0x3D0  }
0x20: {  	[sflag:s6] =	ssyncset.done $0x0  }
0x21: {  	[sflag:s6] =	ssyncadd.s32 $0xFFFFFC30  }
0x22: {  	[tilespmem:s9], [sflag:$0x1] =	stream.indirect.gather [hbm4b:s4+s8], $0x10, s8, s8, $0xb8;
	[tilespmem:$0x6BB0] =	vst v63  }
0x23: {  	_ =	swait.ge [sflag:s11], $0x3D00  }
0x24: {  	[sflag:s11] =	ssyncset.done $0x0  }
0x25: {  	[sflag:s11] =	ssyncadd.s32 $0xFFFFC300  }
0x26: {  	[spmem:s1] =	stream.indirect.scatter.add.f32 [tilespmem:s9], [sflag:$0x2], $0x10, s2, s8, $0xb8;
	[tilespmem:$0x6BB0] =	vst v63  }
0x27: {  	_ =	swait.ge [sflag:s6], $0x3D00  }
0x28: {  	[sflag:s6] =	ssyncset.done $0x0  }
0x29: {  	[sflag:s6] =	ssyncadd.s32 $0xFFFFC300  }
0x2a: {  	[tilespmem:s2], [sflag:$0x2] =	stream.linear.gather [hbm4b:s18+s2], $0x3D0, $0x38;
	[tilespmem:$0x6BB0] =	vst v63  }
0x2b: {  	_ =	swait.ge [sflag:s6], $0x3D0  }
0x2c: {  	[sflag:s6] =	ssyncset.done $0x0  }
0x2d: {  	[sflag:s6] =	ssyncadd.s32 $0xFFFFFC30  }
0x2e: {  	[tilespmem:s8], [sflag:$0x2] =	stream.linear.gather [hbm4b:s17+s2], $0x3D0, $0x38;
	[tilespmem:$0x6BB0] =	vst v63  }
0x2f: {  	_ =	swait.ge [sflag:s6], $0x3D0  }
0x30: {  	[sflag:s6] =	ssyncset.done $0x0  }
0x31: {  	[sflag:s6] =	ssyncadd.s32 $0xFFFFFC30  }
0x32: {  	[tilespmem:s9], [sflag:$0x1] =	stream.indirect.gather [hbm4b:s4+s8], $0x10, s8, s8, $0xb8;
	[tilespmem:$0x6BB0] =	vst v63  }
0x33: {  	_ =	swait.ge [sflag:s11], $0x3D00  }
0x34: {  	[sflag:s11] =	ssyncset.done $0x0  }
0x35: {  	[sflag:s11] =	ssyncadd.s32 $0xFFFFC300  }
0x36: {  	[spmem:s1] =	stream.indirect.scatter.add.f32 [tilespmem:s9], [sflag:$0x2], $0x10, s2, s8, $0xb8;
	[tilespmem:$0x6BB0] =	vst v63  }
0x37: {  	_ =	swait.ge [sflag:s6], $0x3D00  }
0x38: {  	[sflag:s6] =	ssyncset.done $0x0  }
0x39: {  	[sflag:s6] =	ssyncadd.s32 $0xFFFFC300  }
0x3a: {  	[tilespmem:s2], [sflag:$0x2] =	stream.linear.gather [hbm4b:s16+s2], $0x3D0, $0x38;
	[tilespmem:$0x6BB0] =	vst v63  }
0x3b: {  	_ =	swait.ge [sflag:s6], $0x3D0  }
0x3c: {  	[sflag:s6] =	ssyncset.done $0x0  }
0x3d: {  	[sflag:s6] =	ssyncadd.s32 $0xFFFFFC30  }
0x3e: {  	[tilespmem:s8], [sflag:$0x2] =	stream.linear.gather [hbm4b:s15+s2], $0x3D0, $0x38;
	[tilespmem:$0x6BB0] =	vst v63  }
0x3f: {  	_ =	swait.ge [sflag:s6], $0x3D0  }
0x40: {  	[sflag:s6] =	ssyncset.done $0x0  }
0x41: {  	[sflag:s6] =	ssyncadd.s32 $0xFFFFFC30  }
0x42: {  	[tilespmem:s9], [sflag:$0x1] =	stream.indirect.gather [hbm4b:s4+s8], $0x10, s8, s8, $0xb8;
	[tilespmem:$0x6BB0] =	vst v63  }
0x43: {  	_ =	swait.ge [sflag:s11], $0x3D00  }
0x44: {  	[sflag:s11] =	ssyncset.done $0x0  }
0x45: {  	[sflag:s11] =	ssyncadd.s32 $0xFFFFC300  }
0x46: {  	[spmem:s1] =	stream.indirect.scatter.add.f32 [tilespmem:s9], [sflag:$0x2], $0x10, s2, s8, $0xb8;
	[tilespmem:$0x6BB0] =	vst v63  }
0x47: {  	_ =	swait.ge [sflag:s6], $0x3D00  }
0x48: {  	[sflag:s6] =	ssyncset.done $0x0  }
0x49: {  	[sflag:s6] =	ssyncadd.s32 $0xFFFFC300  }
0x4a: {  	[tilespmem:s2], [sflag:$0x2] =	stream.linear.gather [hbm4b:s14+s2], $0x3D0, $0x38;
	[tilespmem:$0x6BB0] =	vst v63  }
0x4b: {  	_ =	swait.ge [sflag:s6], $0x3D0  }
0x4c: {  	[sflag:s6] =	ssyncset.done $0x0  }
0x4d: {  	[sflag:s6] =	ssyncadd.s32 $0xFFFFFC30  }
0x4e: {  	[tilespmem:s8], [sflag:$0x2] =	stream.linear.gather [hbm4b:s13+s2], $0x3D0, $0x38;
	[tilespmem:$0x6BB0] =	vst v63  }
0x4f: {  	_ =	swait.ge [sflag:s6], $0x3D0  }
0x50: {  	[sflag:s6] =	ssyncset.done $0x0  }
0x51: {  	[sflag:s6] =	ssyncadd.s32 $0xFFFFFC30  }
0x52: {  	[tilespmem:s9], [sflag:$0x1] =	stream.indirect.gather [hbm4b:s4+s8], $0x10, s8, s8, $0xb8;
	[tilespmem:$0x6BB0] =	vst v63  }
0x53: {  	_ =	swait.ge [sflag:s11], $0x3D00  }
0x54: {  	[sflag:s11] =	ssyncset.done $0x0  }
0x55: {  	[sflag:s11] =	ssyncadd.s32 $0xFFFFC300  }
0x56: {  	[spmem:s1] =	stream.indirect.scatter.add.f32 [tilespmem:s9], [sflag:$0x2], $0x10, s2, s8, $0xb8;
	[tilespmem:$0x6BB0] =	vst v63  }
0x57: {  	_ =	swait.ge [sflag:s6], $0x3D00  }
0x58: {  	[sflag:s6] =	ssyncset.done $0x0  }
0x59: {  	[sflag:s6] =	ssyncadd.s32 $0xFFFFC300  }
0x5a: {  	[tilespmem:s2], [sflag:$0x2] =	stream.linear.gather [hbm4b:s12+s2], $0x3D0, $0x38;
	[tilespmem:$0x6BB0] =	vst v63  }
0x5b: {  	_ =	swait.ge [sflag:s6], $0x3D0  }
0x5c: {  	[sflag:s6] =	ssyncset.done $0x0  }
0x5d: {  	[sflag:s6] =	ssyncadd.s32 $0xFFFFFC30  }
0x5e: {  	[tilespmem:s8], [sflag:$0x2] =	stream.linear.gather [hbm4b:s10+s2], $0x3D0, $0x38;
	[tilespmem:$0x6BB0] =	vst v63  }
0x5f: {  	_ =	swait.ge [sflag:s6], $0x3D0  }
0x60: {  	[sflag:s6] =	ssyncset.done $0x0  }
0x61: {  	[sflag:s6] =	ssyncadd.s32 $0xFFFFFC30  }
0x62: {  	[tilespmem:s9], [sflag:$0x1] =	stream.indirect.gather [hbm4b:s4+s8], $0x10, s8, s8, $0xb8;
	[tilespmem:$0x6BB0] =	vst v63  }
0x63: {  	_ =	swait.ge [sflag:s11], $0x3D00  }
0x64: {  	[sflag:s11] =	ssyncset.done $0x0  }
0x65: {  	[sflag:s11] =	ssyncadd.s32 $0xFFFFC300  }
0x66: {  	[spmem:s1] =	stream.indirect.scatter.add.f32 [tilespmem:s9], [sflag:$0x2], $0x10, s2, s8, $0xb8;
	[tilespmem:$0x6BB0] =	vst v63  }
0x67: {  	s25 =	sadd.s32 $0xFFFFFFFF, s25;
	_ =	swait.ge [sflag:s6], $0x3D00  }
0x68: {  	p2 =	sne.s32 s25, $0x0;
	[sflag:s6] =	ssyncset.done $0x0  }
.Ltmp1:
0x69: {  	s26 =	sshll.u32 s3, $0x6;
	[sflag:s6] =	ssyncadd.s32 $0xFFFFC300;
	(pc) =	sbr.rel @!p2 .LBB2_3-.Ltmp1, $4  }
0x6a: {  	s26 =	sor.u32 $0x1C02, s26;
	[bflag:$0x0] =	sbarrier.arrive $0xFFFF  }
0x6b: {  	[hbm:s5], [sflag:s26] =	dma.local [spmem:s7], $0x4E2  }
0x6c: {  	_ =	swait.ge [sflag:s6], $0x4E2  }
0x6d: {  	p1 =	por $0x1, $0x1;
	[sflag:s6] =	ssyncset.done $0x0  }
.LBB2_2:
0x6e: {  	[sflag:s6] =	ssyncadd.s32 $0xFFFFFB1E  }
0x6f: {  	[spmem:s22], [sflag:s23] =	dma.local @!p0 [hbm:s19], $0x4E20  }
0x70: {  	s25 =	sadd.s32 $0xFFFFFFFF, s25;
	_ =	swait.ge @!p0 [sflag:s24], $0x4E20  }
0x71: {  	p2 =	sne.s32 s25, $0x0;
	[sflag:s24] =	ssyncset.done @!p0 $0x0  }
0x72: {  	[sflag:s24] =	ssyncadd.s32 @!p0 $0xFFFFB1E0  }
0x73: {  	[bflag:$0x0] =	sbarrier.arrive $0xFFFF  }
0x74: {  	[tilespmem:s2], [sflag:$0x2] =	stream.linear.gather [hbm4b:s21+s2], $0x3D0, $0x38;
	[tilespmem:$0x6BB0] =	vst v63  }
0x75: {  	_ =	swait.ge [sflag:s6], $0x3D0  }
0x76: {  	[sflag:s6] =	ssyncset.done $0x0  }
0x77: {  	[sflag:s6] =	ssyncadd.s32 $0xFFFFFC30  }
0x78: {  	[tilespmem:s8], [sflag:$0x2] =	stream.linear.gather [hbm4b:s20+s2], $0x3D0, $0x38;
	[tilespmem:$0x6BB0] =	vst v63  }
0x79: {  	_ =	swait.ge [sflag:s6], $0x3D0  }
0x7a: {  	[sflag:s6] =	ssyncset.done $0x0  }
0x7b: {  	[sflag:s6] =	ssyncadd.s32 $0xFFFFFC30  }
0x7c: {  	[tilespmem:s9], [sflag:$0x1] =	stream.indirect.gather [hbm4b:s4+s8], $0x10, s8, s8, $0xb8;
	[tilespmem:$0x6BB0] =	vst v63  }
0x7d: {  	_ =	swait.ge [sflag:s11], $0x3D00  }
0x7e: {  	[sflag:s11] =	ssyncset.done $0x0  }
0x7f: {  	[sflag:s11] =	ssyncadd.s32 $0xFFFFC300  }
0x80: {  	[spmem:s1] =	stream.indirect.scatter.add.f32 [tilespmem:s9], [sflag:$0x2], $0x10, s2, s8, $0xb8;
	[tilespmem:$0x6BB0] =	vst v63  }
0x81: {  	_ =	swait.ge [sflag:s6], $0x3D00  }
0x82: {  	[sflag:s6] =	ssyncset.done $0x0  }
0x83: {  	[sflag:s6] =	ssyncadd.s32 $0xFFFFC300  }
0x84: {  	[tilespmem:s2], [sflag:$0x2] =	stream.linear.gather [hbm4b:s18+s2], $0x3D0, $0x38;
	[tilespmem:$0x6BB0] =	vst v63  }
0x85: {  	_ =	swait.ge [sflag:s6], $0x3D0  }
0x86: {  	[sflag:s6] =	ssyncset.done $0x0  }
0x87: {  	[sflag:s6] =	ssyncadd.s32 $0xFFFFFC30  }
0x88: {  	[tilespmem:s8], [sflag:$0x2] =	stream.linear.gather [hbm4b:s17+s2], $0x3D0, $0x38;
	[tilespmem:$0x6BB0] =	vst v63  }
0x89: {  	_ =	swait.ge [sflag:s6], $0x3D0  }
0x8a: {  	[sflag:s6] =	ssyncset.done $0x0  }
0x8b: {  	[sflag:s6] =	ssyncadd.s32 $0xFFFFFC30  }
0x8c: {  	[tilespmem:s9], [sflag:$0x1] =	stream.indirect.gather [hbm4b:s4+s8], $0x10, s8, s8, $0xb8;
	[tilespmem:$0x6BB0] =	vst v63  }
0x8d: {  	_ =	swait.ge [sflag:s11], $0x3D00  }
0x8e: {  	[sflag:s11] =	ssyncset.done $0x0  }
0x8f: {  	[sflag:s11] =	ssyncadd.s32 $0xFFFFC300  }
0x90: {  	[spmem:s1] =	stream.indirect.scatter.add.f32 [tilespmem:s9], [sflag:$0x2], $0x10, s2, s8, $0xb8;
	[tilespmem:$0x6BB0] =	vst v63  }
0x91: {  	_ =	swait.ge [sflag:s6], $0x3D00  }
0x92: {  	[sflag:s6] =	ssyncset.done $0x0  }
0x93: {  	[sflag:s6] =	ssyncadd.s32 $0xFFFFC300  }
0x94: {  	[tilespmem:s2], [sflag:$0x2] =	stream.linear.gather [hbm4b:s16+s2], $0x3D0, $0x38;
	[tilespmem:$0x6BB0] =	vst v63  }
0x95: {  	_ =	swait.ge [sflag:s6], $0x3D0  }
0x96: {  	[sflag:s6] =	ssyncset.done $0x0  }
0x97: {  	[sflag:s6] =	ssyncadd.s32 $0xFFFFFC30  }
0x98: {  	[tilespmem:s8], [sflag:$0x2] =	stream.linear.gather [hbm4b:s15+s2], $0x3D0, $0x38;
	[tilespmem:$0x6BB0] =	vst v63  }
0x99: {  	_ =	swait.ge [sflag:s6], $0x3D0  }
0x9a: {  	[sflag:s6] =	ssyncset.done $0x0  }
0x9b: {  	[sflag:s6] =	ssyncadd.s32 $0xFFFFFC30  }
0x9c: {  	[tilespmem:s9], [sflag:$0x1] =	stream.indirect.gather [hbm4b:s4+s8], $0x10, s8, s8, $0xb8;
	[tilespmem:$0x6BB0] =	vst v63  }
0x9d: {  	_ =	swait.ge [sflag:s11], $0x3D00  }
0x9e: {  	[sflag:s11] =	ssyncset.done $0x0  }
0x9f: {  	[sflag:s11] =	ssyncadd.s32 $0xFFFFC300  }
0xa0: {  	[spmem:s1] =	stream.indirect.scatter.add.f32 [tilespmem:s9], [sflag:$0x2], $0x10, s2, s8, $0xb8;
	[tilespmem:$0x6BB0] =	vst v63  }
0xa1: {  	_ =	swait.ge [sflag:s6], $0x3D00  }
0xa2: {  	[sflag:s6] =	ssyncset.done $0x0  }
0xa3: {  	[sflag:s6] =	ssyncadd.s32 $0xFFFFC300  }
0xa4: {  	[tilespmem:s2], [sflag:$0x2] =	stream.linear.gather [hbm4b:s14+s2], $0x3D0, $0x38;
	[tilespmem:$0x6BB0] =	vst v63  }
0xa5: {  	_ =	swait.ge [sflag:s6], $0x3D0  }
0xa6: {  	[sflag:s6] =	ssyncset.done $0x0  }
0xa7: {  	[sflag:s6] =	ssyncadd.s32 $0xFFFFFC30  }
0xa8: {  	[tilespmem:s8], [sflag:$0x2] =	stream.linear.gather [hbm4b:s13+s2], $0x3D0, $0x38;
	[tilespmem:$0x6BB0] =	vst v63  }
0xa9: {  	_ =	swait.ge [sflag:s6], $0x3D0  }
0xaa: {  	[sflag:s6] =	ssyncset.done $0x0  }
0xab: {  	[sflag:s6] =	ssyncadd.s32 $0xFFFFFC30  }
0xac: {  	[tilespmem:s9], [sflag:$0x1] =	stream.indirect.gather [hbm4b:s4+s8], $0x10, s8, s8, $0xb8;
	[tilespmem:$0x6BB0] =	vst v63  }
0xad: {  	_ =	swait.ge [sflag:s11], $0x3D00  }
0xae: {  	[sflag:s11] =	ssyncset.done $0x0  }
0xaf: {  	[sflag:s11] =	ssyncadd.s32 $0xFFFFC300  }
0xb0: {  	[spmem:s1] =	stream.indirect.scatter.add.f32 [tilespmem:s9], [sflag:$0x2], $0x10, s2, s8, $0xb8;
	[tilespmem:$0x6BB0] =	vst v63  }
0xb1: {  	_ =	swait.ge [sflag:s6], $0x3D00  }
0xb2: {  	[sflag:s6] =	ssyncset.done $0x0  }
0xb3: {  	[sflag:s6] =	ssyncadd.s32 $0xFFFFC300  }
0xb4: {  	[tilespmem:s2], [sflag:$0x2] =	stream.linear.gather [hbm4b:s12+s2], $0x3D0, $0x38;
	[tilespmem:$0x6BB0] =	vst v63  }
0xb5: {  	_ =	swait.ge [sflag:s6], $0x3D0  }
0xb6: {  	[sflag:s6] =	ssyncset.done $0x0  }
0xb7: {  	[sflag:s6] =	ssyncadd.s32 $0xFFFFFC30  }
0xb8: {  	[tilespmem:s8], [sflag:$0x2] =	stream.linear.gather [hbm4b:s10+s2], $0x3D0, $0x38;
	[tilespmem:$0x6BB0] =	vst v63  }
0xb9: {  	_ =	swait.ge [sflag:s6], $0x3D0  }
0xba: {  	[sflag:s6] =	ssyncset.done $0x0  }
0xbb: {  	[sflag:s6] =	ssyncadd.s32 $0xFFFFFC30  }
0xbc: {  	[tilespmem:s9], [sflag:$0x1] =	stream.indirect.gather [hbm4b:s4+s8], $0x10, s8, s8, $0xb8;
	[tilespmem:$0x6BB0] =	vst v63  }
0xbd: {  	_ =	swait.ge [sflag:s11], $0x3D00  }
0xbe: {  	[sflag:s11] =	ssyncset.done $0x0  }
0xbf: {  	[sflag:s11] =	ssyncadd.s32 $0xFFFFC300  }
0xc0: {  	[spmem:s1] =	stream.indirect.scatter.add.f32 [tilespmem:s9], [sflag:$0x2], $0x10, s2, s8, $0xb8;
	[tilespmem:$0x6BB0] =	vst v63  }
0xc1: {  	_ =	swait.ge [sflag:s6], $0x3D00  }
0xc2: {  	[sflag:s6] =	ssyncset.done $0x0  }
.Ltmp2:
0xc3: {  	[sflag:s6] =	ssyncadd.s32 $0xFFFFC300;
	(pc) =	sbr.rel @p2 .LBB2_2-.Ltmp2, $4  }
0xc4: {  	[bflag:$0x0] =	sbarrier.arrive $0xFFFF  }
0xc5: {  	[hbm:s5], [sflag:s26] =	dma.local [spmem:s7], $0x4E2  }
0xc6: {  	_ =	swait.ge [sflag:s6], $0x4E2  }
0xc7: {  	[sflag:s6] =	ssyncset.done $0x0  }
.LBB2_3:
0xc8: {  	s23 =	simm.s32 @!p0 $0x1C02;
	s24 =	simm.s32 @!p0 $0x2;
	[sflag:s6] =	ssyncadd.s32 @p1 $0xFFFFFB1E  }
0xc9: {  	[spmem:s22], [sflag:s23] =	dma.local @!p0 [hbm:s19], $0x4E20  }
0xca: {  	_ =	swait.ge @!p0 [sflag:s24], $0x4E20  }
0xcb: {  	[sflag:s24] =	ssyncset.done @!p0 $0x0  }
0xcc: {  	[sflag:s24] =	ssyncadd.s32 @!p0 $0xFFFFB1E0  }
0xcd: {  	[bflag:$0x0] =	sbarrier.arrive $0xFFFF  }
0xce: {  	[tilespmem:s2], [sflag:$0x2] =	stream.linear.gather [hbm4b:s21+s2], $0x3D0, $0x38;
	[tilespmem:$0x6BB0] =	vst v63  }
0xcf: {  	_ =	swait.ge [sflag:s6], $0x3D0  }
0xd0: {  	[sflag:s6] =	ssyncset.done $0x0  }
0xd1: {  	[sflag:s6] =	ssyncadd.s32 $0xFFFFFC30  }
0xd2: {  	[tilespmem:s8], [sflag:$0x2] =	stream.linear.gather [hbm4b:s20+s2], $0x3D0, $0x38;
	[tilespmem:$0x6BB0] =	vst v63  }
0xd3: {  	_ =	swait.ge [sflag:s6], $0x3D0  }
0xd4: {  	[sflag:s6] =	ssyncset.done $0x0  }
0xd5: {  	[sflag:s6] =	ssyncadd.s32 $0xFFFFFC30  }
0xd6: {  	[tilespmem:s9], [sflag:$0x1] =	stream.indirect.gather [hbm4b:s4+s8], $0x10, s8, s8, $0xb8;
	[tilespmem:$0x6BB0] =	vst v63  }
0xd7: {  	_ =	swait.ge [sflag:s11], $0x3D00  }
0xd8: {  	[sflag:s11] =	ssyncset.done $0x0  }
0xd9: {  	[sflag:s11] =	ssyncadd.s32 $0xFFFFC300  }
0xda: {  	[spmem:s1] =	stream.indirect.scatter.add.f32 [tilespmem:s9], [sflag:$0x2], $0x10, s2, s8, $0xb8;
	[tilespmem:$0x6BB0] =	vst v63  }
0xdb: {  	_ =	swait.ge [sflag:s6], $0x3D00  }
0xdc: {  	[sflag:s6] =	ssyncset.done $0x0  }
0xdd: {  	[sflag:s6] =	ssyncadd.s32 $0xFFFFC300  }
0xde: {  	[tilespmem:s2], [sflag:$0x2] =	stream.linear.gather [hbm4b:s18+s2], $0x3D0, $0x38;
	[tilespmem:$0x6BB0] =	vst v63  }
0xdf: {  	_ =	swait.ge [sflag:s6], $0x3D0  }
0xe0: {  	[sflag:s6] =	ssyncset.done $0x0  }
0xe1: {  	[sflag:s6] =	ssyncadd.s32 $0xFFFFFC30  }
0xe2: {  	[tilespmem:s8], [sflag:$0x2] =	stream.linear.gather [hbm4b:s17+s2], $0x3D0, $0x38;
	[tilespmem:$0x6BB0] =	vst v63  }
0xe3: {  	_ =	swait.ge [sflag:s6], $0x3D0  }
0xe4: {  	[sflag:s6] =	ssyncset.done $0x0  }
0xe5: {  	[sflag:s6] =	ssyncadd.s32 $0xFFFFFC30  }
0xe6: {  	[tilespmem:s9], [sflag:$0x1] =	stream.indirect.gather [hbm4b:s4+s8], $0x10, s8, s8, $0xb8;
	[tilespmem:$0x6BB0] =	vst v63  }
0xe7: {  	_ =	swait.ge [sflag:s11], $0x3D00  }
0xe8: {  	[sflag:s11] =	ssyncset.done $0x0  }
0xe9: {  	[sflag:s11] =	ssyncadd.s32 $0xFFFFC300  }
0xea: {  	[spmem:s1] =	stream.indirect.scatter.add.f32 [tilespmem:s9], [sflag:$0x2], $0x10, s2, s8, $0xb8;
	[tilespmem:$0x6BB0] =	vst v63  }
0xeb: {  	_ =	swait.ge [sflag:s6], $0x3D00  }
0xec: {  	[sflag:s6] =	ssyncset.done $0x0  }
0xed: {  	[sflag:s6] =	ssyncadd.s32 $0xFFFFC300  }
0xee: {  	[tilespmem:s2], [sflag:$0x2] =	stream.linear.gather [hbm4b:s16+s2], $0x3D0, $0x38;
	[tilespmem:$0x6BB0] =	vst v63  }
0xef: {  	_ =	swait.ge [sflag:s6], $0x3D0  }
0xf0: {  	[sflag:s6] =	ssyncset.done $0x0  }
0xf1: {  	[sflag:s6] =	ssyncadd.s32 $0xFFFFFC30  }
0xf2: {  	[tilespmem:s8], [sflag:$0x2] =	stream.linear.gather [hbm4b:s15+s2], $0x3D0, $0x38;
	[tilespmem:$0x6BB0] =	vst v63  }
0xf3: {  	_ =	swait.ge [sflag:s6], $0x3D0  }
0xf4: {  	[sflag:s6] =	ssyncset.done $0x0  }
0xf5: {  	[sflag:s6] =	ssyncadd.s32 $0xFFFFFC30  }
0xf6: {  	[tilespmem:s9], [sflag:$0x1] =	stream.indirect.gather [hbm4b:s4+s8], $0x10, s8, s8, $0xb8;
	[tilespmem:$0x6BB0] =	vst v63  }
0xf7: {  	_ =	swait.ge [sflag:s11], $0x3D00  }
0xf8: {  	[sflag:s11] =	ssyncset.done $0x0  }
0xf9: {  	[sflag:s11] =	ssyncadd.s32 $0xFFFFC300  }
0xfa: {  	[spmem:s1] =	stream.indirect.scatter.add.f32 [tilespmem:s9], [sflag:$0x2], $0x10, s2, s8, $0xb8;
	[tilespmem:$0x6BB0] =	vst v63  }
0xfb: {  	_ =	swait.ge [sflag:s6], $0x3D00  }
0xfc: {  	[sflag:s6] =	ssyncset.done $0x0  }
0xfd: {  	[sflag:s6] =	ssyncadd.s32 $0xFFFFC300  }
0xfe: {  	[tilespmem:s2], [sflag:$0x2] =	stream.linear.gather [hbm4b:s14+s2], $0x3D0, $0x38;
	[tilespmem:$0x6BB0] =	vst v63  }
0xff: {  	_ =	swait.ge [sflag:s6], $0x3D0  }
0x100: {  	[sflag:s6] =	ssyncset.done $0x0  }
0x101: {  	[sflag:s6] =	ssyncadd.s32 $0xFFFFFC30  }
0x102: {  	[tilespmem:s8], [sflag:$0x2] =	stream.linear.gather [hbm4b:s13+s2], $0x3D0, $0x38;
	[tilespmem:$0x6BB0] =	vst v63  }
0x103: {  	_ =	swait.ge [sflag:s6], $0x3D0  }
0x104: {  	[sflag:s6] =	ssyncset.done $0x0  }
0x105: {  	[sflag:s6] =	ssyncadd.s32 $0xFFFFFC30  }
0x106: {  	[tilespmem:s9], [sflag:$0x1] =	stream.indirect.gather [hbm4b:s4+s8], $0x10, s8, s8, $0xb8;
	[tilespmem:$0x6BB0] =	vst v63  }
0x107: {  	_ =	swait.ge [sflag:s11], $0x3D00  }
0x108: {  	[sflag:s11] =	ssyncset.done $0x0  }
0x109: {  	[sflag:s11] =	ssyncadd.s32 $0xFFFFC300  }
0x10a: {  	[spmem:s1] =	stream.indirect.scatter.add.f32 [tilespmem:s9], [sflag:$0x2], $0x10, s2, s8, $0xb8;
	[tilespmem:$0x6BB0] =	vst v63  }
0x10b: {  	_ =	swait.ge [sflag:s6], $0x3D00  }
0x10c: {  	[sflag:s6] =	ssyncset.done $0x0  }
0x10d: {  	[sflag:s6] =	ssyncadd.s32 $0xFFFFC300  }
0x10e: {  	[tilespmem:s2], [sflag:$0x2] =	stream.linear.gather [hbm4b:s12+s2], $0x3D0, $0x38;
	[tilespmem:$0x6BB0] =	vst v63  }
0x10f: {  	_ =	swait.ge [sflag:s6], $0x3D0  }
0x110: {  	[sflag:s6] =	ssyncset.done $0x0  }
0x111: {  	[sflag:s6] =	ssyncadd.s32 $0xFFFFFC30  }
0x112: {  	[tilespmem:s8], [sflag:$0x2] =	stream.linear.gather [hbm4b:s10+s2], $0x3D0, $0x38;
	[tilespmem:$0x6BB0] =	vst v63  }
0x113: {  	_ =	swait.ge [sflag:s6], $0x3D0  }
0x114: {  	[sflag:s6] =	ssyncset.done $0x0  }
0x115: {  	[sflag:s6] =	ssyncadd.s32 $0xFFFFFC30  }
0x116: {  	[tilespmem:s9], [sflag:$0x1] =	stream.indirect.gather [hbm4b:s4+s8], $0x10, s8, s8, $0xb8;
	[tilespmem:$0x6BB0] =	vst v63  }
0x117: {  	_ =	swait.ge [sflag:s11], $0x3D00  }
0x118: {  	[sflag:s11] =	ssyncset.done $0x0  }
0x119: {  	[sflag:s11] =	ssyncadd.s32 $0xFFFFC300  }
0x11a: {  	[spmem:s1] =	stream.indirect.scatter.add.f32 [tilespmem:s9], [sflag:$0x2], $0x10, s2, s8, $0xb8;
	[tilespmem:$0x6BB0] =	vst v63  }
0x11b: {  	_ =	swait.ge [sflag:s6], $0x3D00  }
0x11c: {  	[sflag:s6] =	ssyncset.done $0x0  }
0x11d: {  	s31 =	sshll.u32 s3, $0x6;
	[sflag:s6] =	ssyncadd.s32 $0xFFFFC300  }
0x11e: {  	s1 =	sor.u32 $0x1C02, s31;
	[bflag:$0x0] =	sbarrier.arrive $0xFFFF  }
0x11f: {  	[hbm:s5], [sflag:s1] =	dma.local [spmem:s7], $0x4E2  }
0x120: {  	_ =	swait.ge [sflag:s6], $0x4E2  }
0x121: {  	[sflag:s6] =	ssyncset.done $0x0  }
0x122: {  	[sflag:s6] =	ssyncadd.s32 $0xFFFFFB1E  }
0x123: {  	_ =	sfence.sel $0x180000  }
0x124: {  	[bflag:$0x0] =	sbarrier.arrive $0xFFFF  }
0x125: {  	_ =	strace $0x9000005C  }
0x126: {  	s0 =	sadd.s32 @!p0 $0x100000, s0;
	[bflag:$0x2] =	sbarrier.arrive $0xFFFF  }
0x127: {  	[sflag:s0] =	ssyncadd.tile.s32 @!p0 $0x1;
	_ =	shalt  }
.Lfunc_end2:
_tile_overlayer_lowered:
.L_overlay_start_2:
0x128: {  	(tag) =	ssettag $0x2  }
0x129: {  	s0 =	rddreg [dreg:$0x0];
	s2 =	stileid.u32  }
0x12a: {  	s1 =	rddreg [dreg:$0x1];
	p0 =	sne.s32 s2, $0x0  }
0x12b: {  	s3 =	rddreg [dreg:$0x2];
	[bflag:$0x3] =	sbarrier.arrive $0xFFFF;
	s2 =	simm.s32 @!p0 $0x1C02  }
0x12c: {  	[timem:s3], [sflag:s2] =	dma.local @!p0 [hbm:s0], s1  }
0x12d: {  	s0 =	simm.s32 @!p0 $0x2  }
0x12e: {  	_ =	swait.ge @!p0 [sflag:s0], s1  }
0x12f: {  	s1 =	ssub.s32 @!p0 $0x0, s1;
	[sflag:s0] =	ssyncset.done @!p0 $0x0  }
0x130: {  	[sflag:s0] =	ssyncadd.s32 @!p0 s1  }
0x131: {  	[bflag:$0x3] =	sbarrier.arrive $0xFFFF  }
0x132: {  	_ =	shalt  }

</sc_bundles>
